<compile_context>
chip_gen: v7x
topology: tpu7x:2x2x1
jax: 0.10.2.dev20260603
libtpu: 0.0.44.dev20260713+nightly
codegen_flags: <defaults>
</compile_context>

<pallas_src>
import functools

import jax
import jax.numpy as jnp
import numpy as np
from jax import lax
from jax.experimental import pallas as pl
from jax.experimental.pallas import tpu as pltpu
from jax.experimental.pallas import tpu_sc as plsc

NUM_BINS = 30
EPS_CLIP = 1e-7
_F16_EPS = float(np.finfo(np.float16).eps)
_SCALE = NUM_BINS - _F16_EPS
_PAD = 32

_NC, _NS, _L = 2, 16, 16
_NW = _NC * _NS
_CH = 16384
_REG = 33
_TBL = 544
_UNR = 8
_HSZ = _TBL * _UNR


def _sc_hist_body(p_hbm, t_hbm, out_hbm, pbuf, tbuf, hist, stage,
                  sp0, sp1, st0, st1):
    wid = lax.axis_index("c") * _NS + lax.axis_index("s")
    n = p_hbm.shape[0]
    per_w = n // _NW
    nchunk = per_w // _CH
    base = wid * per_w

    zero16 = jnp.zeros((_L,), jnp.float32)
    for k in range(_HSZ // _L):
        hist[pl.ds(k * _L, _L)] = zero16

    lane_offs = [
        lax.iota(jnp.int32, _L) * _REG + u * _TBL for u in range(_UNR)
    ]
    ones = jnp.ones((_L,), jnp.float32)

    def issue(c, slot, semp, semt):
        off = base + c * _CH
        pltpu.async_copy(p_hbm.at[pl.ds(off, _CH)], pbuf.at[slot], semp)
        pltpu.async_copy(t_hbm.at[pl.ds(off, _CH)], tbuf.at[slot], semt)

    def wait(slot, semp, semt):
        pltpu.make_async_copy(
            p_hbm.at[pl.ds(0, _CH)], pbuf.at[slot], semp).wait()
        pltpu.make_async_copy(
            t_hbm.at[pl.ds(0, _CH)], tbuf.at[slot], semt).wait()

    def compute(slot):
        def body(g, _):
            b0 = g * (_UNR * _L)
            for u in range(_UNR):
                pv = pbuf[slot, pl.ds(b0 + u * _L, _L)]
                tv = tbuf[slot, pl.ds(b0 + u * _L, _L)]
                idx = (jnp.abs(pv - tv) * _SCALE).astype(jnp.int32)
                plsc.addupdate_scatter(hist, [idx + lane_offs[u]], ones)
            return 0

        lax.fori_loop(0, _CH // (_UNR * _L), body, 0)

    issue(0, 0, sp0, st0)

    def chunk_pair(gp, _):
        c0 = gp * 2
        issue(c0 + 1, 1, sp1, st1)
        wait(0, sp0, st0)
        compute(0)
        issue(jnp.minimum(c0 + 2, nchunk - 1), 0, sp0, st0)
        wait(1, sp1, st1)
        compute(1)
        return 0

    lax.fori_loop(0, nchunk // 2, chunk_pair, 0)
    wait(0, sp0, st0)

    acc_a = zero16
    acc_b = zero16
    for u in range(_UNR):
        for l in range(_L):
            acc_a = acc_a + hist[pl.ds(u * _TBL + l * _REG, _L)]
            acc_b = acc_b + hist[pl.ds(u * _TBL + l * _REG + _L, _L)]
    stage[pl.ds(0, _L)] = acc_a
    stage[pl.ds(_L, _L)] = acc_b
    pltpu.sync_copy(stage, out_hbm.at[wid])


_sc_hist = functools.partial(
    pl.kernel,
    out_type=jax.ShapeDtypeStruct((_NW, _PAD), jnp.float32),
    mesh=plsc.VectorSubcoreMesh(core_axis_name="c", subcore_axis_name="s"),
    compiler_params=pltpu.CompilerParams(
        use_tc_tiling_on_sc=False, needs_layout_passes=False
    ),
    scratch_types=[
        pltpu.VMEM((2, _CH), jnp.float32),
        pltpu.VMEM((2, _CH), jnp.float32),
        pltpu.VMEM((_HSZ,), jnp.float32),
        pltpu.VMEM((_PAD,), jnp.float32),
        pltpu.SemaphoreType.DMA,
        pltpu.SemaphoreType.DMA,
        pltpu.SemaphoreType.DMA,
        pltpu.SemaphoreType.DMA,
    ],
)(_sc_hist_body)


def _loss_body(num_calc, hist_ref, p_ref, t_ref, out_ref):
    counts = jnp.sum(hist_ref[...], axis=0, keepdims=True)
    nvalid = jnp.sum((counts > 0).astype(jnp.float32))
    scale = num_calc * nvalid
    recip = jnp.where(counts > 0, scale / jnp.maximum(counts, 1.0), 0.0)

    p = p_ref[...]
    t = t_ref[...]
    bm, bn = p.shape
    x = jnp.abs(p - t) * _SCALE
    idx = x.astype(jnp.int32)
    table = jnp.concatenate(
        [recip, jnp.zeros((1, 128 - _PAD), jnp.float32)], axis=1
    )
    table = jnp.broadcast_to(table, (bm, 128))
    cols = []
    for k in range(bn // 128):
        idxk = idx[:, k * 128 : (k + 1) * 128]
        cols.append(
            jnp.take_along_axis(table, idxk, axis=1, mode="promise_in_bounds")
        )
    w = jnp.concatenate(cols, axis=1)

    pc = jnp.clip(p, EPS_CLIP, 1.0 - EPS_CLIP)
    bce = -(t * jnp.log(pc) + (1.0 - t) * jnp.log(1.0 - pc))
    out_ref[...] = bce * w


def kernel(pconf, gconf):
    m, n = pconf.shape
    hist = _sc_hist(pconf.reshape(-1), gconf.reshape(-1))

    bm = 256
    grid = (m // bm,)
    blk = pl.BlockSpec((bm, n), lambda i: (i, 0))
    num_calc = np.float32(m * n)
    loss = pl.pallas_call(
        functools.partial(_loss_body, num_calc),
        grid=grid,
        in_specs=[pl.BlockSpec((_NW, _PAD), lambda i: (0, 0)), blk, blk],
        out_specs=blk,
        out_shape=jax.ShapeDtypeStruct((m, n), jnp.float32),
    )(hist, pconf, gconf)
    return loss

# --- scband reference (transcript-rebuilt; emitter-appended) ---
"""Pipeline reference for scband-ghm-loss-base-38878043963709 (READ-ONLY COPY).

The authoritative reference and input builder live on the scoring server;
editing this copy changes nothing except your own understanding.
"""

import jax, jax.numpy as jnp
import numpy as np

NUM_BINS = 30
MOMENTUM = 0.75
EPS_CLIP = 1e-7


def setup_inputs(seed: int = 0) -> dict:
    key = jax.random.key(seed)
    k1, k2 = jax.random.split(key)
    pconf = jax.random.uniform(k1, (8192, 4096), dtype=jnp.float32)
    gconf = jax.random.uniform(k2, (8192, 4096), dtype=jnp.float32)
    return {"pconf": pconf, "gconf": gconf}


def reference(pconf, gconf):
    # GHM loss, first-call path (nums_bins_last is None so no momentum blend).
    # Abstract methods instantiated as GHM-C: gradient length |p - g|, weighted BCE.
    float_eps = float(np.finfo(np.float16).eps)
    mask_calc = jnp.ones_like(pconf, dtype=bool)
    num_calc = mask_calc.sum().astype(jnp.float32)
    # i_calc_gradient_length
    g = jnp.abs(pconf - gconf)
    inds_bins = jnp.floor(g * (NUM_BINS - float_eps)).astype(jnp.int32)
    # histogram of gradient lengths over bins (mask is all-true here)
    flat_inds = jnp.where(mask_calc.reshape(-1), inds_bins.reshape(-1), NUM_BINS)
    nums_bins = jnp.bincount(flat_inds, length=NUM_BINS + 1)[:NUM_BINS].astype(jnp.float32)
    num_bins_valid = (nums_bins > 0).sum().astype(jnp.float32)
    nums_bins = nums_bins / num_bins_valid
    # GHM density-based weights: weight per bin = num_calc / normalized bin count
    weight_bins = jnp.where(nums_bins > 0, num_calc / jnp.maximum(nums_bins, 1e-12), 0.0)
    weight = weight_bins[inds_bins]
    # i_loss_fun: elementwise weighted binary cross entropy, reduction='none'
    p = jnp.clip(pconf, EPS_CLIP, 1.0 - EPS_CLIP)
    bce = -(gconf * jnp.log(p) + (1.0 - gconf) * jnp.log(1.0 - p))
    loss = bce * weight
    return loss

if __name__ == "__main__":
    import jax
    _d = setup_inputs()
    print(jax.jit(kernel)(*tuple(_d.values())))

</pallas_src>

<mosaic_0001>
#map = affine_map<(d0, d1) -> (0)>
#map1 = affine_map<(d0, d1) -> (0, 0)>
module attributes {stable_mosaic.version = 14 : i64} {
  func.func @_sc_hist_body(%arg0: i32, %arg1: i32, %arg2: memref<33554432xf32, #tpu.memory_space<hbm>>, %arg3: memref<33554432xf32, #tpu.memory_space<hbm>>, %arg4: memref<32x32xf32, #tpu.memory_space<hbm>>, %arg5: memref<2x16384xf32, #tpu.memory_space<vmem>>, %arg6: memref<2x16384xf32, #tpu.memory_space<vmem>>, %arg7: memref<4352xf32, #tpu.memory_space<vmem>>, %arg8: memref<32xf32, #tpu.memory_space<vmem>>, %arg9: memref<!tpu.dma_semaphore, #tpu.memory_space<semaphore_mem>>, %arg10: memref<!tpu.dma_semaphore, #tpu.memory_space<semaphore_mem>>, %arg11: memref<!tpu.dma_semaphore, #tpu.memory_space<semaphore_mem>>, %arg12: memref<!tpu.dma_semaphore, #tpu.memory_space<semaphore_mem>>) attributes {dimension_semantics = [#tpu.dimension_semantics<core_parallel>, #tpu.dimension_semantics<subcore_parallel>], iteration_bounds = array<i64: 2, 16>, scalar_prefetch = 0 : i64, scratch_operands = 8 : i64, tpu.core_type = #tpu.core_type<sc_vector_subcore>, window_params = [{transform_indices = #map}, {transform_indices = #map}, {transform_indices = #map1}]} {
    %mul3A = arith.constant 16 : i32
    %mul3A_0 = arith.muli %arg0, %mul3A : i32
    %add3A = arith.addi %mul3A_0, %arg1 : i32
    %mul3A_1 = arith.constant 1048576 : i32
    %mul3A_2 = arith.muli %add3A, %mul3A_1 : i32
    %broadcast_in_dim3A = arith.constant 0.000000e+00 : f32
    %broadcast_in_dim3A_3 = vector.broadcast %broadcast_in_dim3A : f32 to vector<16xf32>
    %swap3A = arith.constant 0 : index
    %swap3A_4 = tpu.vector_load %arg7[%swap3A] {strides = array<i32>} : memref<4352xf32, #tpu.memory_space<vmem>>, vector<16xf32>,
    tpu.vector_store %arg7[%swap3A], %broadcast_in_dim3A_3 {strides = array<i32>} : memref<4352xf32, #tpu.memory_space<vmem>>, vector<16xf32>,
    %swap3A_5 = arith.constant 16 : index
    %swap3A_6 = tpu.vector_load %arg7[%swap3A_5] {strides = array<i32>} : memref<4352xf32, #tpu.memory_space<vmem>>, vector<16xf32>,
    tpu.vector_store %arg7[%swap3A_5], %broadcast_in_dim3A_3 {strides = array<i32>} : memref<4352xf32, #tpu.memory_space<vmem>>, vector<16xf32>,
    %swap3A_7 = arith.constant 32 : index
    %swap3A_8 = tpu.vector_load %arg7[%swap3A_7] {strides = array<i32>} : memref<4352xf32, #tpu.memory_space<vmem>>, vector<16xf32>,
    tpu.vector_store %arg7[%swap3A_7], %broadcast_in_dim3A_3 {strides = array<i32>} : memref<4352xf32, #tpu.memory_space<vmem>>, vector<16xf32>,
    %swap3A_9 = arith.constant 48 : index
    %swap3A_10 = tpu.vector_load %arg7[%swap3A_9] {strides = array<i32>} : memref<4352xf32, #tpu.memory_space<vmem>>, vector<16xf32>,
    tpu.vector_store %arg7[%swap3A_9], %broadcast_in_dim3A_3 {strides = array<i32>} : memref<4352xf32, #tpu.memory_space<vmem>>, vector<16xf32>,
    %swap3A_11 = arith.constant 64 : index
    %swap3A_12 = tpu.vector_load %arg7[%swap3A_11] {strides = array<i32>} : memref<4352xf32, #tpu.memory_space<vmem>>, vector<16xf32>,
    tpu.vector_store %arg7[%swap3A_11], %broadcast_in_dim3A_3 {strides = array<i32>} : memref<4352xf32, #tpu.memory_space<vmem>>, vector<16xf32>,
    %swap3A_13 = arith.constant 80 : index
    %swap3A_14 = tpu.vector_load %arg7[%swap3A_13] {strides = array<i32>} : memref<4352xf32, #tpu.memory_space<vmem>>, vector<16xf32>,
    tpu.vector_store %arg7[%swap3A_13], %broadcast_in_dim3A_3 {strides = array<i32>} : memref<4352xf32, #tpu.memory_space<vmem>>, vector<16xf32>,
    %swap3A_15 = arith.constant 96 : index
    %swap3A_16 = tpu.vector_load %arg7[%swap3A_15] {strides = array<i32>} : memref<4352xf32, #tpu.memory_space<vmem>>, vector<16xf32>,
    tpu.vector_store %arg7[%swap3A_15], %broadcast_in_dim3A_3 {strides = array<i32>} : memref<4352xf32, #tpu.memory_space<vmem>>, vector<16xf32>,
    %swap3A_17 = arith.constant 112 : index
    %swap3A_18 = tpu.vector_load %arg7[%swap3A_17] {strides = array<i32>} : memref<4352xf32, #tpu.memory_space<vmem>>, vector<16xf32>,
    tpu.vector_store %arg7[%swap3A_17], %broadcast_in_dim3A_3 {strides = array<i32>} : memref<4352xf32, #tpu.memory_space<vmem>>, vector<16xf32>,
    %swap3A_19 = arith.constant 128 : index
    %swap3A_20 = tpu.vector_load %arg7[%swap3A_19] {strides = array<i32>} : memref<4352xf32, #tpu.memory_space<vmem>>, vector<16xf32>,
    tpu.vector_store %arg7[%swap3A_19], %broadcast_in_dim3A_3 {strides = array<i32>} : memref<4352xf32, #tpu.memory_space<vmem>>, vector<16xf32>,
    %swap3A_21 = arith.constant 144 : index
    %swap3A_22 = tpu.vector_load %arg7[%swap3A_21] {strides = array<i32>} : memref<4352xf32, #tpu.memory_space<vmem>>, vector<16xf32>,
    tpu.vector_store %arg7[%swap3A_21], %broadcast_in_dim3A_3 {strides = array<i32>} : memref<4352xf32, #tpu.memory_space<vmem>>, vector<16xf32>,
    %swap3A_23 = arith.constant 160 : index
    %swap3A_24 = tpu.vector_load %arg7[%swap3A_23] {strides = array<i32>} : memref<4352xf32, #tpu.memory_space<vmem>>, vector<16xf32>,
    tpu.vector_store %arg7[%swap3A_23], %broadcast_in_dim3A_3 {strides = array<i32>} : memref<4352xf32, #tpu.memory_space<vmem>>, vector<16xf32>,
    %swap3A_25 = arith.constant 176 : index
    %swap3A_26 = tpu.vector_load %arg7[%swap3A_25] {strides = array<i32>} : memref<4352xf32, #tpu.memory_space<vmem>>, vector<16xf32>,
    tpu.vector_store %arg7[%swap3A_25], %broadcast_in_dim3A_3 {strides = array<i32>} : memref<4352xf32, #tpu.memory_space<vmem>>, vector<16xf32>,
    %swap3A_27 = arith.constant 192 : index
    %swap3A_28 = tpu.vector_load %arg7[%swap3A_27] {strides = array<i32>} : memref<4352xf32, #tpu.memory_space<vmem>>, vector<16xf32>,
    tpu.vector_store %arg7[%swap3A_27], %broadcast_in_dim3A_3 {strides = array<i32>} : memref<4352xf32, #tpu.memory_space<vmem>>, vector<16xf32>,
    %swap3A_29 = arith.constant 208 : index
    %swap3A_30 = tpu.vector_load %arg7[%swap3A_29] {strides = array<i32>} : memref<4352xf32, #tpu.memory_space<vmem>>, vector<16xf32>,
    tpu.vector_store %arg7[%swap3A_29], %broadcast_in_dim3A_3 {strides = array<i32>} : memref<4352xf32, #tpu.memory_space<vmem>>, vector<16xf32>,
    %swap3A_31 = arith.constant 224 : index
    %swap3A_32 = tpu.vector_load %arg7[%swap3A_31] {strides = array<i32>} : memref<4352xf32, #tpu.memory_space<vmem>>, vector<16xf32>,
    tpu.vector_store %arg7[%swap3A_31], %broadcast_in_dim3A_3 {strides = array<i32>} : memref<4352xf32, #tpu.memory_space<vmem>>, vector<16xf32>,
    %swap3A_33 = arith.constant 240 : index
    %swap3A_34 = tpu.vector_load %arg7[%swap3A_33] {strides = array<i32>} : memref<4352xf32, #tpu.memory_space<vmem>>, vector<16xf32>,
    tpu.vector_store %arg7[%swap3A_33], %broadcast_in_dim3A_3 {strides = array<i32>} : memref<4352xf32, #tpu.memory_space<vmem>>, vector<16xf32>,
    %swap3A_35 = arith.constant 256 : index
    %swap3A_36 = tpu.vector_load %arg7[%swap3A_35] {strides = array<i32>} : memref<4352xf32, #tpu.memory_space<vmem>>, vector<16xf32>,
    tpu.vector_store %arg7[%swap3A_35], %broadcast_in_dim3A_3 {strides = array<i32>} : memref<4352xf32, #tpu.memory_space<vmem>>, vector<16xf32>,
    %swap3A_37 = arith.constant 272 : index
    %swap3A_38 = tpu.vector_load %arg7[%swap3A_37] {strides = array<i32>} : memref<4352xf32, #tpu.memory_space<vmem>>, vector<16xf32>,
    tpu.vector_store %arg7[%swap3A_37], %broadcast_in_dim3A_3 {strides = array<i32>} : memref<4352xf32, #tpu.memory_space<vmem>>, vector<16xf32>,
    %swap3A_39 = arith.constant 288 : index
    %swap3A_40 = tpu.vector_load %arg7[%swap3A_39] {strides = array<i32>} : memref<4352xf32, #tpu.memory_space<vmem>>, vector<16xf32>,
    tpu.vector_store %arg7[%swap3A_39], %broadcast_in_dim3A_3 {strides = array<i32>} : memref<4352xf32, #tpu.memory_space<vmem>>, vector<16xf32>,
    %swap3A_41 = arith.constant 304 : index
    %swap3A_42 = tpu.vector_load %arg7[%swap3A_41] {strides = array<i32>} : memref<4352xf32, #tpu.memory_space<vmem>>, vector<16xf32>,
    tpu.vector_store %arg7[%swap3A_41], %broadcast_in_dim3A_3 {strides = array<i32>} : memref<4352xf32, #tpu.memory_space<vmem>>, vector<16xf32>,
    %swap3A_43 = arith.constant 320 : index
    %swap3A_44 = tpu.vector_load %arg7[%swap3A_43] {strides = array<i32>} : memref<4352xf32, #tpu.memory_space<vmem>>, vector<16xf32>,
    tpu.vector_store %arg7[%swap3A_43], %broadcast_in_dim3A_3 {strides = array<i32>} : memref<4352xf32, #tpu.memory_space<vmem>>, vector<16xf32>,
    %swap3A_45 = arith.constant 336 : index
    %swap3A_46 = tpu.vector_load %arg7[%swap3A_45] {strides = array<i32>} : memref<4352xf32, #tpu.memory_space<vmem>>, vector<16xf32>,
    tpu.vector_store %arg7[%swap3A_45], %broadcast_in_dim3A_3 {strides = array<i32>} : memref<4352xf32, #tpu.memory_space<vmem>>, vector<16xf32>,
    %swap3A_47 = arith.constant 352 : index
    %swap3A_48 = tpu.vector_load %arg7[%swap3A_47] {strides = array<i32>} : memref<4352xf32, #tpu.memory_space<vmem>>, vector<16xf32>,
    tpu.vector_store %arg7[%swap3A_47], %broadcast_in_dim3A_3 {strides = array<i32>} : memref<4352xf32, #tpu.memory_space<vmem>>, vector<16xf32>,
    %swap3A_49 = arith.constant 368 : index
    %swap3A_50 = tpu.vector_load %arg7[%swap3A_49] {strides = array<i32>} : memref<4352xf32, #tpu.memory_space<vmem>>, vector<16xf32>,
    tpu.vector_store %arg7[%swap3A_49], %broadcast_in_dim3A_3 {strides = array<i32>} : memref<4352xf32, #tpu.memory_space<vmem>>, vector<16xf32>,
    %swap3A_51 = arith.constant 384 : index
    %swap3A_52 = tpu.vector_load %arg7[%swap3A_51] {strides = array<i32>} : memref<4352xf32, #tpu.memory_space<vmem>>, vector<16xf32>,
    tpu.vector_store %arg7[%swap3A_51], %broadcast_in_dim3A_3 {strides = array<i32>} : memref<4352xf32, #tpu.memory_space<vmem>>, vector<16xf32>,
    %swap3A_53 = arith.constant 400 : index
    %swap3A_54 = tpu.vector_load %arg7[%swap3A_53] {strides = array<i32>} : memref<4352xf32, #tpu.memory_space<vmem>>, vector<16xf32>,
    tpu.vector_store %arg7[%swap3A_53], %broadcast_in_dim3A_3 {strides = array<i32>} : memref<4352xf32, #tpu.memory_space<vmem>>, vector<16xf32>,
    %swap3A_55 = arith.constant 416 : index
    %swap3A_56 = tpu.vector_load %arg7[%swap3A_55] {strides = array<i32>} : memref<4352xf32, #tpu.memory_space<vmem>>, vector<16xf32>,
    tpu.vector_store %arg7[%swap3A_55], %broadcast_in_dim3A_3 {strides = array<i32>} : memref<4352xf32, #tpu.memory_space<vmem>>, vector<16xf32>,
    %swap3A_57 = arith.constant 432 : index
    %swap3A_58 = tpu.vector_load %arg7[%swap3A_57] {strides = array<i32>} : memref<4352xf32, #tpu.memory_space<vmem>>, vector<16xf32>,
    tpu.vector_store %arg7[%swap3A_57], %broadcast_in_dim3A_3 {strides = array<i32>} : memref<4352xf32, #tpu.memory_space<vmem>>, vector<16xf32>,
    %swap3A_59 = arith.constant 448 : index
    %swap3A_60 = tpu.vector_load %arg7[%swap3A_59] {strides = array<i32>} : memref<4352xf32, #tpu.memory_space<vmem>>, vector<16xf32>,
    tpu.vector_store %arg7[%swap3A_59], %broadcast_in_dim3A_3 {strides = array<i32>} : memref<4352xf32, #tpu.memory_space<vmem>>, vector<16xf32>,
    %swap3A_61 = arith.constant 464 : index
    %swap3A_62 = tpu.vector_load %arg7[%swap3A_61] {strides = array<i32>} : memref<4352xf32, #tpu.memory_space<vmem>>, vector<16xf32>,
    tpu.vector_store %arg7[%swap3A_61], %broadcast_in_dim3A_3 {strides = array<i32>} : memref<4352xf32, #tpu.memory_space<vmem>>, vector<16xf32>,
    %swap3A_63 = arith.constant 480 : index
    %swap3A_64 = tpu.vector_load %arg7[%swap3A_63] {strides = array<i32>} : memref<4352xf32, #tpu.memory_space<vmem>>, vector<16xf32>,
    tpu.vector_store %arg7[%swap3A_63], %broadcast_in_dim3A_3 {strides = array<i32>} : memref<4352xf32, #tpu.memory_space<vmem>>, vector<16xf32>,
    %swap3A_65 = arith.constant 496 : index
    %swap3A_66 = tpu.vector_load %arg7[%swap3A_65] {strides = array<i32>} : memref<4352xf32, #tpu.memory_space<vmem>>, vector<16xf32>,
    tpu.vector_store %arg7[%swap3A_65], %broadcast_in_dim3A_3 {strides = array<i32>} : memref<4352xf32, #tpu.memory_space<vmem>>, vector<16xf32>,
    %swap3A_67 = arith.constant 512 : index
    %swap3A_68 = tpu.vector_load %arg7[%swap3A_67] {strides = array<i32>} : memref<4352xf32, #tpu.memory_space<vmem>>, vector<16xf32>,
    tpu.vector_store %arg7[%swap3A_67], %broadcast_in_dim3A_3 {strides = array<i32>} : memref<4352xf32, #tpu.memory_space<vmem>>, vector<16xf32>,
    %swap3A_69 = arith.constant 528 : index
    %swap3A_70 = tpu.vector_load %arg7[%swap3A_69] {strides = array<i32>} : memref<4352xf32, #tpu.memory_space<vmem>>, vector<16xf32>,
    tpu.vector_store %arg7[%swap3A_69], %broadcast_in_dim3A_3 {strides = array<i32>} : memref<4352xf32, #tpu.memory_space<vmem>>, vector<16xf32>,
    %swap3A_71 = arith.constant 544 : index
    %swap3A_72 = tpu.vector_load %arg7[%swap3A_71] {strides = array<i32>} : memref<4352xf32, #tpu.memory_space<vmem>>, vector<16xf32>,
    tpu.vector_store %arg7[%swap3A_71], %broadcast_in_dim3A_3 {strides = array<i32>} : memref<4352xf32, #tpu.memory_space<vmem>>, vector<16xf32>,
    %swap3A_73 = arith.constant 560 : index
    %swap3A_74 = tpu.vector_load %arg7[%swap3A_73] {strides = array<i32>} : memref<4352xf32, #tpu.memory_space<vmem>>, vector<16xf32>,
    tpu.vector_store %arg7[%swap3A_73], %broadcast_in_dim3A_3 {strides = array<i32>} : memref<4352xf32, #tpu.memory_space<vmem>>, vector<16xf32>,
    %swap3A_75 = arith.constant 576 : index
    %swap3A_76 = tpu.vector_load %arg7[%swap3A_75] {strides = array<i32>} : memref<4352xf32, #tpu.memory_space<vmem>>, vector<16xf32>,
    tpu.vector_store %arg7[%swap3A_75], %broadcast_in_dim3A_3 {strides = array<i32>} : memref<4352xf32, #tpu.memory_space<vmem>>, vector<16xf32>,
    %swap3A_77 = arith.constant 592 : index
    %swap3A_78 = tpu.vector_load %arg7[%swap3A_77] {strides = array<i32>} : memref<4352xf32, #tpu.memory_space<vmem>>, vector<16xf32>,
    tpu.vector_store %arg7[%swap3A_77], %broadcast_in_dim3A_3 {strides = array<i32>} : memref<4352xf32, #tpu.memory_space<vmem>>, vector<16xf32>,
    %swap3A_79 = arith.constant 608 : index
    %swap3A_80 = tpu.vector_load %arg7[%swap3A_79] {strides = array<i32>} : memref<4352xf32, #tpu.memory_space<vmem>>, vector<16xf32>,
    tpu.vector_store %arg7[%swap3A_79], %broadcast_in_dim3A_3 {strides = array<i32>} : memref<4352xf32, #tpu.memory_space<vmem>>, vector<16xf32>,
    %swap3A_81 = arith.constant 624 : index
    %swap3A_82 = tpu.vector_load %arg7[%swap3A_81] {strides = array<i32>} : memref<4352xf32, #tpu.memory_space<vmem>>, vector<16xf32>,
    tpu.vector_store %arg7[%swap3A_81], %broadcast_in_dim3A_3 {strides = array<i32>} : memref<4352xf32, #tpu.memory_space<vmem>>, vector<16xf32>,
    %swap3A_83 = arith.constant 640 : index
    %swap3A_84 = tpu.vector_load %arg7[%swap3A_83] {strides = array<i32>} : memref<4352xf32, #tpu.memory_space<vmem>>, vector<16xf32>,
    tpu.vector_store %arg7[%swap3A_83], %broadcast_in_dim3A_3 {strides = array<i32>} : memref<4352xf32, #tpu.memory_space<vmem>>, vector<16xf32>,
    %swap3A_85 = arith.constant 656 : index
    %swap3A_86 = tpu.vector_load %arg7[%swap3A_85] {strides = array<i32>} : memref<4352xf32, #tpu.memory_space<vmem>>, vector<16xf32>,
    tpu.vector_store %arg7[%swap3A_85], %broadcast_in_dim3A_3 {strides = array<i32>} : memref<4352xf32, #tpu.memory_space<vmem>>, vector<16xf32>,
    %swap3A_87 = arith.constant 672 : index
    %swap3A_88 = tpu.vector_load %arg7[%swap3A_87] {strides = array<i32>} : memref<4352xf32, #tpu.memory_space<vmem>>, vector<16xf32>,
    tpu.vector_store %arg7[%swap3A_87], %broadcast_in_dim3A_3 {strides = array<i32>} : memref<4352xf32, #tpu.memory_space<vmem>>, vector<16xf32>,
    %swap3A_89 = arith.constant 688 : index
    %swap3A_90 = tpu.vector_load %arg7[%swap3A_89] {strides = array<i32>} : memref<4352xf32, #tpu.memory_space<vmem>>, vector<16xf32>,
    tpu.vector_store %arg7[%swap3A_89], %broadcast_in_dim3A_3 {strides = array<i32>} : memref<4352xf32, #tpu.memory_space<vmem>>, vector<16xf32>,
    %swap3A_91 = arith.constant 704 : index
    %swap3A_92 = tpu.vector_load %arg7[%swap3A_91] {strides = array<i32>} : memref<4352xf32, #tpu.memory_space<vmem>>, vector<16xf32>,
    tpu.vector_store %arg7[%swap3A_91], %broadcast_in_dim3A_3 {strides = array<i32>} : memref<4352xf32, #tpu.memory_space<vmem>>, vector<16xf32>,
    %swap3A_93 = arith.constant 720 : index
    %swap3A_94 = tpu.vector_load %arg7[%swap3A_93] {strides = array<i32>} : memref<4352xf32, #tpu.memory_space<vmem>>, vector<16xf32>,
    tpu.vector_store %arg7[%swap3A_93], %broadcast_in_dim3A_3 {strides = array<i32>} : memref<4352xf32, #tpu.memory_space<vmem>>, vector<16xf32>,
    %swap3A_95 = arith.constant 736 : index
    %swap3A_96 = tpu.vector_load %arg7[%swap3A_95] {strides = array<i32>} : memref<4352xf32, #tpu.memory_space<vmem>>, vector<16xf32>,
    tpu.vector_store %arg7[%swap3A_95], %broadcast_in_dim3A_3 {strides = array<i32>} : memref<4352xf32, #tpu.memory_space<vmem>>, vector<16xf32>,
    %swap3A_97 = arith.constant 752 : index
    %swap3A_98 = tpu.vector_load %arg7[%swap3A_97] {strides = array<i32>} : memref<4352xf32, #tpu.memory_space<vmem>>, vector<16xf32>,
    tpu.vector_store %arg7[%swap3A_97], %broadcast_in_dim3A_3 {strides = array<i32>} : memref<4352xf32, #tpu.memory_space<vmem>>, vector<16xf32>,
    %swap3A_99 = arith.constant 768 : index
    %swap3A_100 = tpu.vector_load %arg7[%swap3A_99] {strides = array<i32>} : memref<4352xf32, #tpu.memory_space<vmem>>, vector<16xf32>,
    tpu.vector_store %arg7[%swap3A_99], %broadcast_in_dim3A_3 {strides = array<i32>} : memref<4352xf32, #tpu.memory_space<vmem>>, vector<16xf32>,
    %swap3A_101 = arith.constant 784 : index
    %swap3A_102 = tpu.vector_load %arg7[%swap3A_101] {strides = array<i32>} : memref<4352xf32, #tpu.memory_space<vmem>>, vector<16xf32>,
    tpu.vector_store %arg7[%swap3A_101], %broadcast_in_dim3A_3 {strides = array<i32>} : memref<4352xf32, #tpu.memory_space<vmem>>, vector<16xf32>,
    %swap3A_103 = arith.constant 800 : index
    %swap3A_104 = tpu.vector_load %arg7[%swap3A_103] {strides = array<i32>} : memref<4352xf32, #tpu.memory_space<vmem>>, vector<16xf32>,
    tpu.vector_store %arg7[%swap3A_103], %broadcast_in_dim3A_3 {strides = array<i32>} : memref<4352xf32, #tpu.memory_space<vmem>>, vector<16xf32>,
    %swap3A_105 = arith.constant 816 : index
    %swap3A_106 = tpu.vector_load %arg7[%swap3A_105] {strides = array<i32>} : memref<4352xf32, #tpu.memory_space<vmem>>, vector<16xf32>,
    tpu.vector_store %arg7[%swap3A_105], %broadcast_in_dim3A_3 {strides = array<i32>} : memref<4352xf32, #tpu.memory_space<vmem>>, vector<16xf32>,
    %swap3A_107 = arith.constant 832 : index
    %swap3A_108 = tpu.vector_load %arg7[%swap3A_107] {strides = array<i32>} : memref<4352xf32, #tpu.memory_space<vmem>>, vector<16xf32>,
    tpu.vector_store %arg7[%swap3A_107], %broadcast_in_dim3A_3 {strides = array<i32>} : memref<4352xf32, #tpu.memory_space<vmem>>, vector<16xf32>,
    %swap3A_109 = arith.constant 848 : index
    %swap3A_110 = tpu.vector_load %arg7[%swap3A_109] {strides = array<i32>} : memref<4352xf32, #tpu.memory_space<vmem>>, vector<16xf32>,
    tpu.vector_store %arg7[%swap3A_109], %broadcast_in_dim3A_3 {strides = array<i32>} : memref<4352xf32, #tpu.memory_space<vmem>>, vector<16xf32>,
    %swap3A_111 = arith.constant 864 : index
    %swap3A_112 = tpu.vector_load %arg7[%swap3A_111] {strides = array<i32>} : memref<4352xf32, #tpu.memory_space<vmem>>, vector<16xf32>,
    tpu.vector_store %arg7[%swap3A_111], %broadcast_in_dim3A_3 {strides = array<i32>} : memref<4352xf32, #tpu.memory_space<vmem>>, vector<16xf32>,
    %swap3A_113 = arith.constant 880 : index
    %swap3A_114 = tpu.vector_load %arg7[%swap3A_113] {strides = array<i32>} : memref<4352xf32, #tpu.memory_space<vmem>>, vector<16xf32>,
    tpu.vector_store %arg7[%swap3A_113], %broadcast_in_dim3A_3 {strides = array<i32>} : memref<4352xf32, #tpu.memory_space<vmem>>, vector<16xf32>,
    %swap3A_115 = arith.constant 896 : index
    %swap3A_116 = tpu.vector_load %arg7[%swap3A_115] {strides = array<i32>} : memref<4352xf32, #tpu.memory_space<vmem>>, vector<16xf32>,
    tpu.vector_store %arg7[%swap3A_115], %broadcast_in_dim3A_3 {strides = array<i32>} : memref<4352xf32, #tpu.memory_space<vmem>>, vector<16xf32>,
    %swap3A_117 = arith.constant 912 : index
    %swap3A_118 = tpu.vector_load %arg7[%swap3A_117] {strides = array<i32>} : memref<4352xf32, #tpu.memory_space<vmem>>, vector<16xf32>,
    tpu.vector_store %arg7[%swap3A_117], %broadcast_in_dim3A_3 {strides = array<i32>} : memref<4352xf32, #tpu.memory_space<vmem>>, vector<16xf32>,
    %swap3A_119 = arith.constant 928 : index
    %swap3A_120 = tpu.vector_load %arg7[%swap3A_119] {strides = array<i32>} : memref<4352xf32, #tpu.memory_space<vmem>>, vector<16xf32>,
    tpu.vector_store %arg7[%swap3A_119], %broadcast_in_dim3A_3 {strides = array<i32>} : memref<4352xf32, #tpu.memory_space<vmem>>, vector<16xf32>,
    %swap3A_121 = arith.constant 944 : index
    %swap3A_122 = tpu.vector_load %arg7[%swap3A_121] {strides = array<i32>} : memref<4352xf32, #tpu.memory_space<vmem>>, vector<16xf32>,
    tpu.vector_store %arg7[%swap3A_121], %broadcast_in_dim3A_3 {strides = array<i32>} : memref<4352xf32, #tpu.memory_space<vmem>>, vector<16xf32>,
    %swap3A_123 = arith.constant 960 : index
    %swap3A_124 = tpu.vector_load %arg7[%swap3A_123] {strides = array<i32>} : memref<4352xf32, #tpu.memory_space<vmem>>, vector<16xf32>,
    tpu.vector_store %arg7[%swap3A_123], %broadcast_in_dim3A_3 {strides = array<i32>} : memref<4352xf32, #tpu.memory_space<vmem>>, vector<16xf32>,
    %swap3A_125 = arith.constant 976 : index
    %swap3A_126 = tpu.vector_load %arg7[%swap3A_125] {strides = array<i32>} : memref<4352xf32, #tpu.memory_space<vmem>>, vector<16xf32>,
    tpu.vector_store %arg7[%swap3A_125], %broadcast_in_dim3A_3 {strides = array<i32>} : memref<4352xf32, #tpu.memory_space<vmem>>, vector<16xf32>,
    %swap3A_127 = arith.constant 992 : index
    %swap3A_128 = tpu.vector_load %arg7[%swap3A_127] {strides = array<i32>} : memref<4352xf32, #tpu.memory_space<vmem>>, vector<16xf32>,
    tpu.vector_store %arg7[%swap3A_127], %broadcast_in_dim3A_3 {strides = array<i32>} : memref<4352xf32, #tpu.memory_space<vmem>>, vector<16xf32>,
    %swap3A_129 = arith.constant 1008 : index
    %swap3A_130 = tpu.vector_load %arg7[%swap3A_129] {strides = array<i32>} : memref<4352xf32, #tpu.memory_space<vmem>>, vector<16xf32>,
    tpu.vector_store %arg7[%swap3A_129], %broadcast_in_dim3A_3 {strides = array<i32>} : memref<4352xf32, #tpu.memory_space<vmem>>, vector<16xf32>,
    %swap3A_131 = arith.constant 1024 : index
    %swap3A_132 = tpu.vector_load %arg7[%swap3A_131] {strides = array<i32>} : memref<4352xf32, #tpu.memory_space<vmem>>, vector<16xf32>,
    tpu.vector_store %arg7[%swap3A_131], %broadcast_in_dim3A_3 {strides = array<i32>} : memref<4352xf32, #tpu.memory_space<vmem>>, vector<16xf32>,
    %swap3A_133 = arith.constant 1040 : index
    %swap3A_134 = tpu.vector_load %arg7[%swap3A_133] {strides = array<i32>} : memref<4352xf32, #tpu.memory_space<vmem>>, vector<16xf32>,
    tpu.vector_store %arg7[%swap3A_133], %broadcast_in_dim3A_3 {strides = array<i32>} : memref<4352xf32, #tpu.memory_space<vmem>>, vector<16xf32>,
    %swap3A_135 = arith.constant 1056 : index
    %swap3A_136 = tpu.vector_load %arg7[%swap3A_135] {strides = array<i32>} : memref<4352xf32, #tpu.memory_space<vmem>>, vector<16xf32>,
    tpu.vector_store %arg7[%swap3A_135], %broadcast_in_dim3A_3 {strides = array<i32>} : memref<4352xf32, #tpu.memory_space<vmem>>, vector<16xf32>,
    %swap3A_137 = arith.constant 1072 : index
    %swap3A_138 = tpu.vector_load %arg7[%swap3A_137] {strides = array<i32>} : memref<4352xf32, #tpu.memory_space<vmem>>, vector<16xf32>,
    tpu.vector_store %arg7[%swap3A_137], %broadcast_in_dim3A_3 {strides = array<i32>} : memref<4352xf32, #tpu.memory_space<vmem>>, vector<16xf32>,
    %swap3A_139 = arith.constant 1088 : index
    %swap3A_140 = tpu.vector_load %arg7[%swap3A_139] {strides = array<i32>} : memref<4352xf32, #tpu.memory_space<vmem>>, vector<16xf32>,
    tpu.vector_store %arg7[%swap3A_139], %broadcast_in_dim3A_3 {strides = array<i32>} : memref<4352xf32, #tpu.memory_space<vmem>>, vector<16xf32>,
    %swap3A_141 = arith.constant 1104 : index
    %swap3A_142 = tpu.vector_load %arg7[%swap3A_141] {strides = array<i32>} : memref<4352xf32, #tpu.memory_space<vmem>>, vector<16xf32>,
    tpu.vector_store %arg7[%swap3A_141], %broadcast_in_dim3A_3 {strides = array<i32>} : memref<4352xf32, #tpu.memory_space<vmem>>, vector<16xf32>,
    %swap3A_143 = arith.constant 1120 : index
    %swap3A_144 = tpu.vector_load %arg7[%swap3A_143] {strides = array<i32>} : memref<4352xf32, #tpu.memory_space<vmem>>, vector<16xf32>,
    tpu.vector_store %arg7[%swap3A_143], %broadcast_in_dim3A_3 {strides = array<i32>} : memref<4352xf32, #tpu.memory_space<vmem>>, vector<16xf32>,
    %swap3A_145 = arith.constant 1136 : index
    %swap3A_146 = tpu.vector_load %arg7[%swap3A_145] {strides = array<i32>} : memref<4352xf32, #tpu.memory_space<vmem>>, vector<16xf32>,
    tpu.vector_store %arg7[%swap3A_145], %broadcast_in_dim3A_3 {strides = array<i32>} : memref<4352xf32, #tpu.memory_space<vmem>>, vector<16xf32>,
    %swap3A_147 = arith.constant 1152 : index
    %swap3A_148 = tpu.vector_load %arg7[%swap3A_147] {strides = array<i32>} : memref<4352xf32, #tpu.memory_space<vmem>>, vector<16xf32>,
    tpu.vector_store %arg7[%swap3A_147], %broadcast_in_dim3A_3 {strides = array<i32>} : memref<4352xf32, #tpu.memory_space<vmem>>, vector<16xf32>,
    %swap3A_149 = arith.constant 1168 : index
    %swap3A_150 = tpu.vector_load %arg7[%swap3A_149] {strides = array<i32>} : memref<4352xf32, #tpu.memory_space<vmem>>, vector<16xf32>,
    tpu.vector_store %arg7[%swap3A_149], %broadcast_in_dim3A_3 {strides = array<i32>} : memref<4352xf32, #tpu.memory_space<vmem>>, vector<16xf32>,
    %swap3A_151 = arith.constant 1184 : index
    %swap3A_152 = tpu.vector_load %arg7[%swap3A_151] {strides = array<i32>} : memref<4352xf32, #tpu.memory_space<vmem>>, vector<16xf32>,
    tpu.vector_store %arg7[%swap3A_151], %broadcast_in_dim3A_3 {strides = array<i32>} : memref<4352xf32, #tpu.memory_space<vmem>>, vector<16xf32>,
    %swap3A_153 = arith.constant 1200 : index
    %swap3A_154 = tpu.vector_load %arg7[%swap3A_153] {strides = array<i32>} : memref<4352xf32, #tpu.memory_space<vmem>>, vector<16xf32>,
    tpu.vector_store %arg7[%swap3A_153], %broadcast_in_dim3A_3 {strides = array<i32>} : memref<4352xf32, #tpu.memory_space<vmem>>, vector<16xf32>,
    %swap3A_155 = arith.constant 1216 : index
    %swap3A_156 = tpu.vector_load %arg7[%swap3A_155] {strides = array<i32>} : memref<4352xf32, #tpu.memory_space<vmem>>, vector<16xf32>,
    tpu.vector_store %arg7[%swap3A_155], %broadcast_in_dim3A_3 {strides = array<i32>} : memref<4352xf32, #tpu.memory_space<vmem>>, vector<16xf32>,
    %swap3A_157 = arith.constant 1232 : index
    %swap3A_158 = tpu.vector_load %arg7[%swap3A_157] {strides = array<i32>} : memref<4352xf32, #tpu.memory_space<vmem>>, vector<16xf32>,
    tpu.vector_store %arg7[%swap3A_157], %broadcast_in_dim3A_3 {strides = array<i32>} : memref<4352xf32, #tpu.memory_space<vmem>>, vector<16xf32>,
    %swap3A_159 = arith.constant 1248 : index
    %swap3A_160 = tpu.vector_load %arg7[%swap3A_159] {strides = array<i32>} : memref<4352xf32, #tpu.memory_space<vmem>>, vector<16xf32>,
    tpu.vector_store %arg7[%swap3A_159], %broadcast_in_dim3A_3 {strides = array<i32>} : memref<4352xf32, #tpu.memory_space<vmem>>, vector<16xf32>,
    %swap3A_161 = arith.constant 1264 : index
    %swap3A_162 = tpu.vector_load %arg7[%swap3A_161] {strides = array<i32>} : memref<4352xf32, #tpu.memory_space<vmem>>, vector<16xf32>,
    tpu.vector_store %arg7[%swap3A_161], %broadcast_in_dim3A_3 {strides = array<i32>} : memref<4352xf32, #tpu.memory_space<vmem>>, vector<16xf32>,
    %swap3A_163 = arith.constant 1280 : index
    %swap3A_164 = tpu.vector_load %arg7[%swap3A_163] {strides = array<i32>} : memref<4352xf32, #tpu.memory_space<vmem>>, vector<16xf32>,
    tpu.vector_store %arg7[%swap3A_163], %broadcast_in_dim3A_3 {strides = array<i32>} : memref<4352xf32, #tpu.memory_space<vmem>>, vector<16xf32>,
    %swap3A_165 = arith.constant 1296 : index
    %swap3A_166 = tpu.vector_load %arg7[%swap3A_165] {strides = array<i32>} : memref<4352xf32, #tpu.memory_space<vmem>>, vector<16xf32>,
    tpu.vector_store %arg7[%swap3A_165], %broadcast_in_dim3A_3 {strides = array<i32>} : memref<4352xf32, #tpu.memory_space<vmem>>, vector<16xf32>,
    %swap3A_167 = arith.constant 1312 : index
    %swap3A_168 = tpu.vector_load %arg7[%swap3A_167] {strides = array<i32>} : memref<4352xf32, #tpu.memory_space<vmem>>, vector<16xf32>,
    tpu.vector_store %arg7[%swap3A_167], %broadcast_in_dim3A_3 {strides = array<i32>} : memref<4352xf32, #tpu.memory_space<vmem>>, vector<16xf32>,
    %swap3A_169 = arith.constant 1328 : index
    %swap3A_170 = tpu.vector_load %arg7[%swap3A_169] {strides = array<i32>} : memref<4352xf32, #tpu.memory_space<vmem>>, vector<16xf32>,
    tpu.vector_store %arg7[%swap3A_169], %broadcast_in_dim3A_3 {strides = array<i32>} : memref<4352xf32, #tpu.memory_space<vmem>>, vector<16xf32>,
    %swap3A_171 = arith.constant 1344 : index
    %swap3A_172 = tpu.vector_load %arg7[%swap3A_171] {strides = array<i32>} : memref<4352xf32, #tpu.memory_space<vmem>>, vector<16xf32>,
    tpu.vector_store %arg7[%swap3A_171], %broadcast_in_dim3A_3 {strides = array<i32>} : memref<4352xf32, #tpu.memory_space<vmem>>, vector<16xf32>,
    %swap3A_173 = arith.constant 1360 : index
    %swap3A_174 = tpu.vector_load %arg7[%swap3A_173] {strides = array<i32>} : memref<4352xf32, #tpu.memory_space<vmem>>, vector<16xf32>,
    tpu.vector_store %arg7[%swap3A_173], %broadcast_in_dim3A_3 {strides = array<i32>} : memref<4352xf32, #tpu.memory_space<vmem>>, vector<16xf32>,
    %swap3A_175 = arith.constant 1376 : index
    %swap3A_176 = tpu.vector_load %arg7[%swap3A_175] {strides = array<i32>} : memref<4352xf32, #tpu.memory_space<vmem>>, vector<16xf32>,
    tpu.vector_store %arg7[%swap3A_175], %broadcast_in_dim3A_3 {strides = array<i32>} : memref<4352xf32, #tpu.memory_space<vmem>>, vector<16xf32>,
    %swap3A_177 = arith.constant 1392 : index
    %swap3A_178 = tpu.vector_load %arg7[%swap3A_177] {strides = array<i32>} : memref<4352xf32, #tpu.memory_space<vmem>>, vector<16xf32>,
    tpu.vector_store %arg7[%swap3A_177], %broadcast_in_dim3A_3 {strides = array<i32>} : memref<4352xf32, #tpu.memory_space<vmem>>, vector<16xf32>,
    %swap3A_179 = arith.constant 1408 : index
    %swap3A_180 = tpu.vector_load %arg7[%swap3A_179] {strides = array<i32>} : memref<4352xf32, #tpu.memory_space<vmem>>, vector<16xf32>,
    tpu.vector_store %arg7[%swap3A_179], %broadcast_in_dim3A_3 {strides = array<i32>} : memref<4352xf32, #tpu.memory_space<vmem>>, vector<16xf32>,
    %swap3A_181 = arith.constant 1424 : index
    %swap3A_182 = tpu.vector_load %arg7[%swap3A_181] {strides = array<i32>} : memref<4352xf32, #tpu.memory_space<vmem>>, vector<16xf32>,
    tpu.vector_store %arg7[%swap3A_181], %broadcast_in_dim3A_3 {strides = array<i32>} : memref<4352xf32, #tpu.memory_space<vmem>>, vector<16xf32>,
    %swap3A_183 = arith.constant 1440 : index
    %swap3A_184 = tpu.vector_load %arg7[%swap3A_183] {strides = array<i32>} : memref<4352xf32, #tpu.memory_space<vmem>>, vector<16xf32>,
    tpu.vector_store %arg7[%swap3A_183], %broadcast_in_dim3A_3 {strides = array<i32>} : memref<4352xf32, #tpu.memory_space<vmem>>, vector<16xf32>,
    %swap3A_185 = arith.constant 1456 : index
    %swap3A_186 = tpu.vector_load %arg7[%swap3A_185] {strides = array<i32>} : memref<4352xf32, #tpu.memory_space<vmem>>, vector<16xf32>,
    tpu.vector_store %arg7[%swap3A_185], %broadcast_in_dim3A_3 {strides = array<i32>} : memref<4352xf32, #tpu.memory_space<vmem>>, vector<16xf32>,
    %swap3A_187 = arith.constant 1472 : index
    %swap3A_188 = tpu.vector_load %arg7[%swap3A_187] {strides = array<i32>} : memref<4352xf32, #tpu.memory_space<vmem>>, vector<16xf32>,
    tpu.vector_store %arg7[%swap3A_187], %broadcast_in_dim3A_3 {strides = array<i32>} : memref<4352xf32, #tpu.memory_space<vmem>>, vector<16xf32>,
    %swap3A_189 = arith.constant 1488 : index
    %swap3A_190 = tpu.vector_load %arg7[%swap3A_189] {strides = array<i32>} : memref<4352xf32, #tpu.memory_space<vmem>>, vector<16xf32>,
    tpu.vector_store %arg7[%swap3A_189], %broadcast_in_dim3A_3 {strides = array<i32>} : memref<4352xf32, #tpu.memory_space<vmem>>, vector<16xf32>,
    %swap3A_191 = arith.constant 1504 : index
    %swap3A_192 = tpu.vector_load %arg7[%swap3A_191] {strides = array<i32>} : memref<4352xf32, #tpu.memory_space<vmem>>, vector<16xf32>,
    tpu.vector_store %arg7[%swap3A_191], %broadcast_in_dim3A_3 {strides = array<i32>} : memref<4352xf32, #tpu.memory_space<vmem>>, vector<16xf32>,
    %swap3A_193 = arith.constant 1520 : index
    %swap3A_194 = tpu.vector_load %arg7[%swap3A_193] {strides = array<i32>} : memref<4352xf32, #tpu.memory_space<vmem>>, vector<16xf32>,
    tpu.vector_store %arg7[%swap3A_193], %broadcast_in_dim3A_3 {strides = array<i32>} : memref<4352xf32, #tpu.memory_space<vmem>>, vector<16xf32>,
    %swap3A_195 = arith.constant 1536 : index
    %swap3A_196 = tpu.vector_load %arg7[%swap3A_195] {strides = array<i32>} : memref<4352xf32, #tpu.memory_space<vmem>>, vector<16xf32>,
    tpu.vector_store %arg7[%swap3A_195], %broadcast_in_dim3A_3 {strides = array<i32>} : memref<4352xf32, #tpu.memory_space<vmem>>, vector<16xf32>,
    %swap3A_197 = arith.constant 1552 : index
    %swap3A_198 = tpu.vector_load %arg7[%swap3A_197] {strides = array<i32>} : memref<4352xf32, #tpu.memory_space<vmem>>, vector<16xf32>,
    tpu.vector_store %arg7[%swap3A_197], %broadcast_in_dim3A_3 {strides = array<i32>} : memref<4352xf32, #tpu.memory_space<vmem>>, vector<16xf32>,
    %swap3A_199 = arith.constant 1568 : index
    %swap3A_200 = tpu.vector_load %arg7[%swap3A_199] {strides = array<i32>} : memref<4352xf32, #tpu.memory_space<vmem>>, vector<16xf32>,
    tpu.vector_store %arg7[%swap3A_199], %broadcast_in_dim3A_3 {strides = array<i32>} : memref<4352xf32, #tpu.memory_space<vmem>>, vector<16xf32>,
    %swap3A_201 = arith.constant 1584 : index
    %swap3A_202 = tpu.vector_load %arg7[%swap3A_201] {strides = array<i32>} : memref<4352xf32, #tpu.memory_space<vmem>>, vector<16xf32>,
    tpu.vector_store %arg7[%swap3A_201], %broadcast_in_dim3A_3 {strides = array<i32>} : memref<4352xf32, #tpu.memory_space<vmem>>, vector<16xf32>,
    %swap3A_203 = arith.constant 1600 : index
    %swap3A_204 = tpu.vector_load %arg7[%swap3A_203] {strides = array<i32>} : memref<4352xf32, #tpu.memory_space<vmem>>, vector<16xf32>,
    tpu.vector_store %arg7[%swap3A_203], %broadcast_in_dim3A_3 {strides = array<i32>} : memref<4352xf32, #tpu.memory_space<vmem>>, vector<16xf32>,
    %swap3A_205 = arith.constant 1616 : index
    %swap3A_206 = tpu.vector_load %arg7[%swap3A_205] {strides = array<i32>} : memref<4352xf32, #tpu.memory_space<vmem>>, vector<16xf32>,
    tpu.vector_store %arg7[%swap3A_205], %broadcast_in_dim3A_3 {strides = array<i32>} : memref<4352xf32, #tpu.memory_space<vmem>>, vector<16xf32>,
    %swap3A_207 = arith.constant 1632 : index
    %swap3A_208 = tpu.vector_load %arg7[%swap3A_207] {strides = array<i32>} : memref<4352xf32, #tpu.memory_space<vmem>>, vector<16xf32>,
    tpu.vector_store %arg7[%swap3A_207], %broadcast_in_dim3A_3 {strides = array<i32>} : memref<4352xf32, #tpu.memory_space<vmem>>, vector<16xf32>,
    %swap3A_209 = arith.constant 1648 : index
    %swap3A_210 = tpu.vector_load %arg7[%swap3A_209] {strides = array<i32>} : memref<4352xf32, #tpu.memory_space<vmem>>, vector<16xf32>,
    tpu.vector_store %arg7[%swap3A_209], %broadcast_in_dim3A_3 {strides = array<i32>} : memref<4352xf32, #tpu.memory_space<vmem>>, vector<16xf32>,
    %swap3A_211 = arith.constant 1664 : index
    %swap3A_212 = tpu.vector_load %arg7[%swap3A_211] {strides = array<i32>} : memref<4352xf32, #tpu.memory_space<vmem>>, vector<16xf32>,
    tpu.vector_store %arg7[%swap3A_211], %broadcast_in_dim3A_3 {strides = array<i32>} : memref<4352xf32, #tpu.memory_space<vmem>>, vector<16xf32>,
    %swap3A_213 = arith.constant 1680 : index
    %swap3A_214 = tpu.vector_load %arg7[%swap3A_213] {strides = array<i32>} : memref<4352xf32, #tpu.memory_space<vmem>>, vector<16xf32>,
    tpu.vector_store %arg7[%swap3A_213], %broadcast_in_dim3A_3 {strides = array<i32>} : memref<4352xf32, #tpu.memory_space<vmem>>, vector<16xf32>,
    %swap3A_215 = arith.constant 1696 : index
    %swap3A_216 = tpu.vector_load %arg7[%swap3A_215] {strides = array<i32>} : memref<4352xf32, #tpu.memory_space<vmem>>, vector<16xf32>,
    tpu.vector_store %arg7[%swap3A_215], %broadcast_in_dim3A_3 {strides = array<i32>} : memref<4352xf32, #tpu.memory_space<vmem>>, vector<16xf32>,
    %swap3A_217 = arith.constant 1712 : index
    %swap3A_218 = tpu.vector_load %arg7[%swap3A_217] {strides = array<i32>} : memref<4352xf32, #tpu.memory_space<vmem>>, vector<16xf32>,
    tpu.vector_store %arg7[%swap3A_217], %broadcast_in_dim3A_3 {strides = array<i32>} : memref<4352xf32, #tpu.memory_space<vmem>>, vector<16xf32>,
    %swap3A_219 = arith.constant 1728 : index
    %swap3A_220 = tpu.vector_load %arg7[%swap3A_219] {strides = array<i32>} : memref<4352xf32, #tpu.memory_space<vmem>>, vector<16xf32>,
    tpu.vector_store %arg7[%swap3A_219], %broadcast_in_dim3A_3 {strides = array<i32>} : memref<4352xf32, #tpu.memory_space<vmem>>, vector<16xf32>,
    %swap3A_221 = arith.constant 1744 : index
    %swap3A_222 = tpu.vector_load %arg7[%swap3A_221] {strides = array<i32>} : memref<4352xf32, #tpu.memory_space<vmem>>, vector<16xf32>,
    tpu.vector_store %arg7[%swap3A_221], %broadcast_in_dim3A_3 {strides = array<i32>} : memref<4352xf32, #tpu.memory_space<vmem>>, vector<16xf32>,
    %swap3A_223 = arith.constant 1760 : index
    %swap3A_224 = tpu.vector_load %arg7[%swap3A_223] {strides = array<i32>} : memref<4352xf32, #tpu.memory_space<vmem>>, vector<16xf32>,
    tpu.vector_store %arg7[%swap3A_223], %broadcast_in_dim3A_3 {strides = array<i32>} : memref<4352xf32, #tpu.memory_space<vmem>>, vector<16xf32>,
    %swap3A_225 = arith.constant 1776 : index
    %swap3A_226 = tpu.vector_load %arg7[%swap3A_225] {strides = array<i32>} : memref<4352xf32, #tpu.memory_space<vmem>>, vector<16xf32>,
    tpu.vector_store %arg7[%swap3A_225], %broadcast_in_dim3A_3 {strides = array<i32>} : memref<4352xf32, #tpu.memory_space<vmem>>, vector<16xf32>,
    %swap3A_227 = arith.constant 1792 : index
    %swap3A_228 = tpu.vector_load %arg7[%swap3A_227] {strides = array<i32>} : memref<4352xf32, #tpu.memory_space<vmem>>, vector<16xf32>,
    tpu.vector_store %arg7[%swap3A_227], %broadcast_in_dim3A_3 {strides = array<i32>} : memref<4352xf32, #tpu.memory_space<vmem>>, vector<16xf32>,
    %swap3A_229 = arith.constant 1808 : index
    %swap3A_230 = tpu.vector_load %arg7[%swap3A_229] {strides = array<i32>} : memref<4352xf32, #tpu.memory_space<vmem>>, vector<16xf32>,
    tpu.vector_store %arg7[%swap3A_229], %broadcast_in_dim3A_3 {strides = array<i32>} : memref<4352xf32, #tpu.memory_space<vmem>>, vector<16xf32>,
    %swap3A_231 = arith.constant 1824 : index
    %swap3A_232 = tpu.vector_load %arg7[%swap3A_231] {strides = array<i32>} : memref<4352xf32, #tpu.memory_space<vmem>>, vector<16xf32>,
    tpu.vector_store %arg7[%swap3A_231], %broadcast_in_dim3A_3 {strides = array<i32>} : memref<4352xf32, #tpu.memory_space<vmem>>, vector<16xf32>,
    %swap3A_233 = arith.constant 1840 : index
    %swap3A_234 = tpu.vector_load %arg7[%swap3A_233] {strides = array<i32>} : memref<4352xf32, #tpu.memory_space<vmem>>, vector<16xf32>,
    tpu.vector_store %arg7[%swap3A_233], %broadcast_in_dim3A_3 {strides = array<i32>} : memref<4352xf32, #tpu.memory_space<vmem>>, vector<16xf32>,
    %swap3A_235 = arith.constant 1856 : index
    %swap3A_236 = tpu.vector_load %arg7[%swap3A_235] {strides = array<i32>} : memref<4352xf32, #tpu.memory_space<vmem>>, vector<16xf32>,
    tpu.vector_store %arg7[%swap3A_235], %broadcast_in_dim3A_3 {strides = array<i32>} : memref<4352xf32, #tpu.memory_space<vmem>>, vector<16xf32>,
    %swap3A_237 = arith.constant 1872 : index
    %swap3A_238 = tpu.vector_load %arg7[%swap3A_237] {strides = array<i32>} : memref<4352xf32, #tpu.memory_space<vmem>>, vector<16xf32>,
    tpu.vector_store %arg7[%swap3A_237], %broadcast_in_dim3A_3 {strides = array<i32>} : memref<4352xf32, #tpu.memory_space<vmem>>, vector<16xf32>,
    %swap3A_239 = arith.constant 1888 : index
    %swap3A_240 = tpu.vector_load %arg7[%swap3A_239] {strides = array<i32>} : memref<4352xf32, #tpu.memory_space<vmem>>, vector<16xf32>,
    tpu.vector_store %arg7[%swap3A_239], %broadcast_in_dim3A_3 {strides = array<i32>} : memref<4352xf32, #tpu.memory_space<vmem>>, vector<16xf32>,
    %swap3A_241 = arith.constant 1904 : index
    %swap3A_242 = tpu.vector_load %arg7[%swap3A_241] {strides = array<i32>} : memref<4352xf32, #tpu.memory_space<vmem>>, vector<16xf32>,
    tpu.vector_store %arg7[%swap3A_241], %broadcast_in_dim3A_3 {strides = array<i32>} : memref<4352xf32, #tpu.memory_space<vmem>>, vector<16xf32>,
    %swap3A_243 = arith.constant 1920 : index
    %swap3A_244 = tpu.vector_load %arg7[%swap3A_243] {strides = array<i32>} : memref<4352xf32, #tpu.memory_space<vmem>>, vector<16xf32>,
    tpu.vector_store %arg7[%swap3A_243], %broadcast_in_dim3A_3 {strides = array<i32>} : memref<4352xf32, #tpu.memory_space<vmem>>, vector<16xf32>,
    %swap3A_245 = arith.constant 1936 : index
    %swap3A_246 = tpu.vector_load %arg7[%swap3A_245] {strides = array<i32>} : memref<4352xf32, #tpu.memory_space<vmem>>, vector<16xf32>,
    tpu.vector_store %arg7[%swap3A_245], %broadcast_in_dim3A_3 {strides = array<i32>} : memref<4352xf32, #tpu.memory_space<vmem>>, vector<16xf32>,
    %swap3A_247 = arith.constant 1952 : index
    %swap3A_248 = tpu.vector_load %arg7[%swap3A_247] {strides = array<i32>} : memref<4352xf32, #tpu.memory_space<vmem>>, vector<16xf32>,
    tpu.vector_store %arg7[%swap3A_247], %broadcast_in_dim3A_3 {strides = array<i32>} : memref<4352xf32, #tpu.memory_space<vmem>>, vector<16xf32>,
    %swap3A_249 = arith.constant 1968 : index
    %swap3A_250 = tpu.vector_load %arg7[%swap3A_249] {strides = array<i32>} : memref<4352xf32, #tpu.memory_space<vmem>>, vector<16xf32>,
    tpu.vector_store %arg7[%swap3A_249], %broadcast_in_dim3A_3 {strides = array<i32>} : memref<4352xf32, #tpu.memory_space<vmem>>, vector<16xf32>,
    %swap3A_251 = arith.constant 1984 : index
    %swap3A_252 = tpu.vector_load %arg7[%swap3A_251] {strides = array<i32>} : memref<4352xf32, #tpu.memory_space<vmem>>, vector<16xf32>,
    tpu.vector_store %arg7[%swap3A_251], %broadcast_in_dim3A_3 {strides = array<i32>} : memref<4352xf32, #tpu.memory_space<vmem>>, vector<16xf32>,
    %swap3A_253 = arith.constant 2000 : index
    %swap3A_254 = tpu.vector_load %arg7[%swap3A_253] {strides = array<i32>} : memref<4352xf32, #tpu.memory_space<vmem>>, vector<16xf32>,
    tpu.vector_store %arg7[%swap3A_253], %broadcast_in_dim3A_3 {strides = array<i32>} : memref<4352xf32, #tpu.memory_space<vmem>>, vector<16xf32>,
    %swap3A_255 = arith.constant 2016 : index
    %swap3A_256 = tpu.vector_load %arg7[%swap3A_255] {strides = array<i32>} : memref<4352xf32, #tpu.memory_space<vmem>>, vector<16xf32>,
    tpu.vector_store %arg7[%swap3A_255], %broadcast_in_dim3A_3 {strides = array<i32>} : memref<4352xf32, #tpu.memory_space<vmem>>, vector<16xf32>,
    %swap3A_257 = arith.constant 2032 : index
    %swap3A_258 = tpu.vector_load %arg7[%swap3A_257] {strides = array<i32>} : memref<4352xf32, #tpu.memory_space<vmem>>, vector<16xf32>,
    tpu.vector_store %arg7[%swap3A_257], %broadcast_in_dim3A_3 {strides = array<i32>} : memref<4352xf32, #tpu.memory_space<vmem>>, vector<16xf32>,
    %swap3A_259 = arith.constant 2048 : index
    %swap3A_260 = tpu.vector_load %arg7[%swap3A_259] {strides = array<i32>} : memref<4352xf32, #tpu.memory_space<vmem>>, vector<16xf32>,
    tpu.vector_store %arg7[%swap3A_259], %broadcast_in_dim3A_3 {strides = array<i32>} : memref<4352xf32, #tpu.memory_space<vmem>>, vector<16xf32>,
    %swap3A_261 = arith.constant 2064 : index
    %swap3A_262 = tpu.vector_load %arg7[%swap3A_261] {strides = array<i32>} : memref<4352xf32, #tpu.memory_space<vmem>>, vector<16xf32>,
    tpu.vector_store %arg7[%swap3A_261], %broadcast_in_dim3A_3 {strides = array<i32>} : memref<4352xf32, #tpu.memory_space<vmem>>, vector<16xf32>,
    %swap3A_263 = arith.constant 2080 : index
    %swap3A_264 = tpu.vector_load %arg7[%swap3A_263] {strides = array<i32>} : memref<4352xf32, #tpu.memory_space<vmem>>, vector<16xf32>,
    tpu.vector_store %arg7[%swap3A_263], %broadcast_in_dim3A_3 {strides = array<i32>} : memref<4352xf32, #tpu.memory_space<vmem>>, vector<16xf32>,
    %swap3A_265 = arith.constant 2096 : index
    %swap3A_266 = tpu.vector_load %arg7[%swap3A_265] {strides = array<i32>} : memref<4352xf32, #tpu.memory_space<vmem>>, vector<16xf32>,
    tpu.vector_store %arg7[%swap3A_265], %broadcast_in_dim3A_3 {strides = array<i32>} : memref<4352xf32, #tpu.memory_space<vmem>>, vector<16xf32>,
    %swap3A_267 = arith.constant 2112 : index
    %swap3A_268 = tpu.vector_load %arg7[%swap3A_267] {strides = array<i32>} : memref<4352xf32, #tpu.memory_space<vmem>>, vector<16xf32>,
    tpu.vector_store %arg7[%swap3A_267], %broadcast_in_dim3A_3 {strides = array<i32>} : memref<4352xf32, #tpu.memory_space<vmem>>, vector<16xf32>,
    %swap3A_269 = arith.constant 2128 : index
    %swap3A_270 = tpu.vector_load %arg7[%swap3A_269] {strides = array<i32>} : memref<4352xf32, #tpu.memory_space<vmem>>, vector<16xf32>,
    tpu.vector_store %arg7[%swap3A_269], %broadcast_in_dim3A_3 {strides = array<i32>} : memref<4352xf32, #tpu.memory_space<vmem>>, vector<16xf32>,
    %swap3A_271 = arith.constant 2144 : index
    %swap3A_272 = tpu.vector_load %arg7[%swap3A_271] {strides = array<i32>} : memref<4352xf32, #tpu.memory_space<vmem>>, vector<16xf32>,
    tpu.vector_store %arg7[%swap3A_271], %broadcast_in_dim3A_3 {strides = array<i32>} : memref<4352xf32, #tpu.memory_space<vmem>>, vector<16xf32>,
    %swap3A_273 = arith.constant 2160 : index
    %swap3A_274 = tpu.vector_load %arg7[%swap3A_273] {strides = array<i32>} : memref<4352xf32, #tpu.memory_space<vmem>>, vector<16xf32>,
    tpu.vector_store %arg7[%swap3A_273], %broadcast_in_dim3A_3 {strides = array<i32>} : memref<4352xf32, #tpu.memory_space<vmem>>, vector<16xf32>,
    %swap3A_275 = arith.constant 2176 : index
    %swap3A_276 = tpu.vector_load %arg7[%swap3A_275] {strides = array<i32>} : memref<4352xf32, #tpu.memory_space<vmem>>, vector<16xf32>,
    tpu.vector_store %arg7[%swap3A_275], %broadcast_in_dim3A_3 {strides = array<i32>} : memref<4352xf32, #tpu.memory_space<vmem>>, vector<16xf32>,
    %swap3A_277 = arith.constant 2192 : index
    %swap3A_278 = tpu.vector_load %arg7[%swap3A_277] {strides = array<i32>} : memref<4352xf32, #tpu.memory_space<vmem>>, vector<16xf32>,
    tpu.vector_store %arg7[%swap3A_277], %broadcast_in_dim3A_3 {strides = array<i32>} : memref<4352xf32, #tpu.memory_space<vmem>>, vector<16xf32>,
    %swap3A_279 = arith.constant 2208 : index
    %swap3A_280 = tpu.vector_load %arg7[%swap3A_279] {strides = array<i32>} : memref<4352xf32, #tpu.memory_space<vmem>>, vector<16xf32>,
    tpu.vector_store %arg7[%swap3A_279], %broadcast_in_dim3A_3 {strides = array<i32>} : memref<4352xf32, #tpu.memory_space<vmem>>, vector<16xf32>,
    %swap3A_281 = arith.constant 2224 : index
    %swap3A_282 = tpu.vector_load %arg7[%swap3A_281] {strides = array<i32>} : memref<4352xf32, #tpu.memory_space<vmem>>, vector<16xf32>,
    tpu.vector_store %arg7[%swap3A_281], %broadcast_in_dim3A_3 {strides = array<i32>} : memref<4352xf32, #tpu.memory_space<vmem>>, vector<16xf32>,
    %swap3A_283 = arith.constant 2240 : index
    %swap3A_284 = tpu.vector_load %arg7[%swap3A_283] {strides = array<i32>} : memref<4352xf32, #tpu.memory_space<vmem>>, vector<16xf32>,
    tpu.vector_store %arg7[%swap3A_283], %broadcast_in_dim3A_3 {strides = array<i32>} : memref<4352xf32, #tpu.memory_space<vmem>>, vector<16xf32>,
    %swap3A_285 = arith.constant 2256 : index
    %swap3A_286 = tpu.vector_load %arg7[%swap3A_285] {strides = array<i32>} : memref<4352xf32, #tpu.memory_space<vmem>>, vector<16xf32>,
    tpu.vector_store %arg7[%swap3A_285], %broadcast_in_dim3A_3 {strides = array<i32>} : memref<4352xf32, #tpu.memory_space<vmem>>, vector<16xf32>,
    %swap3A_287 = arith.constant 2272 : index
    %swap3A_288 = tpu.vector_load %arg7[%swap3A_287] {strides = array<i32>} : memref<4352xf32, #tpu.memory_space<vmem>>, vector<16xf32>,
    tpu.vector_store %arg7[%swap3A_287], %broadcast_in_dim3A_3 {strides = array<i32>} : memref<4352xf32, #tpu.memory_space<vmem>>, vector<16xf32>,
    %swap3A_289 = arith.constant 2288 : index
    %swap3A_290 = tpu.vector_load %arg7[%swap3A_289] {strides = array<i32>} : memref<4352xf32, #tpu.memory_space<vmem>>, vector<16xf32>,
    tpu.vector_store %arg7[%swap3A_289], %broadcast_in_dim3A_3 {strides = array<i32>} : memref<4352xf32, #tpu.memory_space<vmem>>, vector<16xf32>,
    %swap3A_291 = arith.constant 2304 : index
    %swap3A_292 = tpu.vector_load %arg7[%swap3A_291] {strides = array<i32>} : memref<4352xf32, #tpu.memory_space<vmem>>, vector<16xf32>,
    tpu.vector_store %arg7[%swap3A_291], %broadcast_in_dim3A_3 {strides = array<i32>} : memref<4352xf32, #tpu.memory_space<vmem>>, vector<16xf32>,
    %swap3A_293 = arith.constant 2320 : index
    %swap3A_294 = tpu.vector_load %arg7[%swap3A_293] {strides = array<i32>} : memref<4352xf32, #tpu.memory_space<vmem>>, vector<16xf32>,
    tpu.vector_store %arg7[%swap3A_293], %broadcast_in_dim3A_3 {strides = array<i32>} : memref<4352xf32, #tpu.memory_space<vmem>>, vector<16xf32>,
    %swap3A_295 = arith.constant 2336 : index
    %swap3A_296 = tpu.vector_load %arg7[%swap3A_295] {strides = array<i32>} : memref<4352xf32, #tpu.memory_space<vmem>>, vector<16xf32>,
    tpu.vector_store %arg7[%swap3A_295], %broadcast_in_dim3A_3 {strides = array<i32>} : memref<4352xf32, #tpu.memory_space<vmem>>, vector<16xf32>,
    %swap3A_297 = arith.constant 2352 : index
    %swap3A_298 = tpu.vector_load %arg7[%swap3A_297] {strides = array<i32>} : memref<4352xf32, #tpu.memory_space<vmem>>, vector<16xf32>,
    tpu.vector_store %arg7[%swap3A_297], %broadcast_in_dim3A_3 {strides = array<i32>} : memref<4352xf32, #tpu.memory_space<vmem>>, vector<16xf32>,
    %swap3A_299 = arith.constant 2368 : index
    %swap3A_300 = tpu.vector_load %arg7[%swap3A_299] {strides = array<i32>} : memref<4352xf32, #tpu.memory_space<vmem>>, vector<16xf32>,
    tpu.vector_store %arg7[%swap3A_299], %broadcast_in_dim3A_3 {strides = array<i32>} : memref<4352xf32, #tpu.memory_space<vmem>>, vector<16xf32>,
    %swap3A_301 = arith.constant 2384 : index
    %swap3A_302 = tpu.vector_load %arg7[%swap3A_301] {strides = array<i32>} : memref<4352xf32, #tpu.memory_space<vmem>>, vector<16xf32>,
    tpu.vector_store %arg7[%swap3A_301], %broadcast_in_dim3A_3 {strides = array<i32>} : memref<4352xf32, #tpu.memory_space<vmem>>, vector<16xf32>,
    %swap3A_303 = arith.constant 2400 : index
    %swap3A_304 = tpu.vector_load %arg7[%swap3A_303] {strides = array<i32>} : memref<4352xf32, #tpu.memory_space<vmem>>, vector<16xf32>,
    tpu.vector_store %arg7[%swap3A_303], %broadcast_in_dim3A_3 {strides = array<i32>} : memref<4352xf32, #tpu.memory_space<vmem>>, vector<16xf32>,
    %swap3A_305 = arith.constant 2416 : index
    %swap3A_306 = tpu.vector_load %arg7[%swap3A_305] {strides = array<i32>} : memref<4352xf32, #tpu.memory_space<vmem>>, vector<16xf32>,
    tpu.vector_store %arg7[%swap3A_305], %broadcast_in_dim3A_3 {strides = array<i32>} : memref<4352xf32, #tpu.memory_space<vmem>>, vector<16xf32>,
    %swap3A_307 = arith.constant 2432 : index
    %swap3A_308 = tpu.vector_load %arg7[%swap3A_307] {strides = array<i32>} : memref<4352xf32, #tpu.memory_space<vmem>>, vector<16xf32>,
    tpu.vector_store %arg7[%swap3A_307], %broadcast_in_dim3A_3 {strides = array<i32>} : memref<4352xf32, #tpu.memory_space<vmem>>, vector<16xf32>,
    %swap3A_309 = arith.constant 2448 : index
    %swap3A_310 = tpu.vector_load %arg7[%swap3A_309] {strides = array<i32>} : memref<4352xf32, #tpu.memory_space<vmem>>, vector<16xf32>,
    tpu.vector_store %arg7[%swap3A_309], %broadcast_in_dim3A_3 {strides = array<i32>} : memref<4352xf32, #tpu.memory_space<vmem>>, vector<16xf32>,
    %swap3A_311 = arith.constant 2464 : index
    %swap3A_312 = tpu.vector_load %arg7[%swap3A_311] {strides = array<i32>} : memref<4352xf32, #tpu.memory_space<vmem>>, vector<16xf32>,
    tpu.vector_store %arg7[%swap3A_311], %broadcast_in_dim3A_3 {strides = array<i32>} : memref<4352xf32, #tpu.memory_space<vmem>>, vector<16xf32>,
    %swap3A_313 = arith.constant 2480 : index
    %swap3A_314 = tpu.vector_load %arg7[%swap3A_313] {strides = array<i32>} : memref<4352xf32, #tpu.memory_space<vmem>>, vector<16xf32>,
    tpu.vector_store %arg7[%swap3A_313], %broadcast_in_dim3A_3 {strides = array<i32>} : memref<4352xf32, #tpu.memory_space<vmem>>, vector<16xf32>,
    %swap3A_315 = arith.constant 2496 : index
    %swap3A_316 = tpu.vector_load %arg7[%swap3A_315] {strides = array<i32>} : memref<4352xf32, #tpu.memory_space<vmem>>, vector<16xf32>,
    tpu.vector_store %arg7[%swap3A_315], %broadcast_in_dim3A_3 {strides = array<i32>} : memref<4352xf32, #tpu.memory_space<vmem>>, vector<16xf32>,
    %swap3A_317 = arith.constant 2512 : index
    %swap3A_318 = tpu.vector_load %arg7[%swap3A_317] {strides = array<i32>} : memref<4352xf32, #tpu.memory_space<vmem>>, vector<16xf32>,
    tpu.vector_store %arg7[%swap3A_317], %broadcast_in_dim3A_3 {strides = array<i32>} : memref<4352xf32, #tpu.memory_space<vmem>>, vector<16xf32>,
    %swap3A_319 = arith.constant 2528 : index
    %swap3A_320 = tpu.vector_load %arg7[%swap3A_319] {strides = array<i32>} : memref<4352xf32, #tpu.memory_space<vmem>>, vector<16xf32>,
    tpu.vector_store %arg7[%swap3A_319], %broadcast_in_dim3A_3 {strides = array<i32>} : memref<4352xf32, #tpu.memory_space<vmem>>, vector<16xf32>,
    %swap3A_321 = arith.constant 2544 : index
    %swap3A_322 = tpu.vector_load %arg7[%swap3A_321] {strides = array<i32>} : memref<4352xf32, #tpu.memory_space<vmem>>, vector<16xf32>,
    tpu.vector_store %arg7[%swap3A_321], %broadcast_in_dim3A_3 {strides = array<i32>} : memref<4352xf32, #tpu.memory_space<vmem>>, vector<16xf32>,
    %swap3A_323 = arith.constant 2560 : index
    %swap3A_324 = tpu.vector_load %arg7[%swap3A_323] {strides = array<i32>} : memref<4352xf32, #tpu.memory_space<vmem>>, vector<16xf32>,
    tpu.vector_store %arg7[%swap3A_323], %broadcast_in_dim3A_3 {strides = array<i32>} : memref<4352xf32, #tpu.memory_space<vmem>>, vector<16xf32>,
    %swap3A_325 = arith.constant 2576 : index
    %swap3A_326 = tpu.vector_load %arg7[%swap3A_325] {strides = array<i32>} : memref<4352xf32, #tpu.memory_space<vmem>>, vector<16xf32>,
    tpu.vector_store %arg7[%swap3A_325], %broadcast_in_dim3A_3 {strides = array<i32>} : memref<4352xf32, #tpu.memory_space<vmem>>, vector<16xf32>,
    %swap3A_327 = arith.constant 2592 : index
    %swap3A_328 = tpu.vector_load %arg7[%swap3A_327] {strides = array<i32>} : memref<4352xf32, #tpu.memory_space<vmem>>, vector<16xf32>,
    tpu.vector_store %arg7[%swap3A_327], %broadcast_in_dim3A_3 {strides = array<i32>} : memref<4352xf32, #tpu.memory_space<vmem>>, vector<16xf32>,
    %swap3A_329 = arith.constant 2608 : index
    %swap3A_330 = tpu.vector_load %arg7[%swap3A_329] {strides = array<i32>} : memref<4352xf32, #tpu.memory_space<vmem>>, vector<16xf32>,
    tpu.vector_store %arg7[%swap3A_329], %broadcast_in_dim3A_3 {strides = array<i32>} : memref<4352xf32, #tpu.memory_space<vmem>>, vector<16xf32>,
    %swap3A_331 = arith.constant 2624 : index
    %swap3A_332 = tpu.vector_load %arg7[%swap3A_331] {strides = array<i32>} : memref<4352xf32, #tpu.memory_space<vmem>>, vector<16xf32>,
    tpu.vector_store %arg7[%swap3A_331], %broadcast_in_dim3A_3 {strides = array<i32>} : memref<4352xf32, #tpu.memory_space<vmem>>, vector<16xf32>,
    %swap3A_333 = arith.constant 2640 : index
    %swap3A_334 = tpu.vector_load %arg7[%swap3A_333] {strides = array<i32>} : memref<4352xf32, #tpu.memory_space<vmem>>, vector<16xf32>,
    tpu.vector_store %arg7[%swap3A_333], %broadcast_in_dim3A_3 {strides = array<i32>} : memref<4352xf32, #tpu.memory_space<vmem>>, vector<16xf32>,
    %swap3A_335 = arith.constant 2656 : index
    %swap3A_336 = tpu.vector_load %arg7[%swap3A_335] {strides = array<i32>} : memref<4352xf32, #tpu.memory_space<vmem>>, vector<16xf32>,
    tpu.vector_store %arg7[%swap3A_335], %broadcast_in_dim3A_3 {strides = array<i32>} : memref<4352xf32, #tpu.memory_space<vmem>>, vector<16xf32>,
    %swap3A_337 = arith.constant 2672 : index
    %swap3A_338 = tpu.vector_load %arg7[%swap3A_337] {strides = array<i32>} : memref<4352xf32, #tpu.memory_space<vmem>>, vector<16xf32>,
    tpu.vector_store %arg7[%swap3A_337], %broadcast_in_dim3A_3 {strides = array<i32>} : memref<4352xf32, #tpu.memory_space<vmem>>, vector<16xf32>,
    %swap3A_339 = arith.constant 2688 : index
    %swap3A_340 = tpu.vector_load %arg7[%swap3A_339] {strides = array<i32>} : memref<4352xf32, #tpu.memory_space<vmem>>, vector<16xf32>,
    tpu.vector_store %arg7[%swap3A_339], %broadcast_in_dim3A_3 {strides = array<i32>} : memref<4352xf32, #tpu.memory_space<vmem>>, vector<16xf32>,
    %swap3A_341 = arith.constant 2704 : index
    %swap3A_342 = tpu.vector_load %arg7[%swap3A_341] {strides = array<i32>} : memref<4352xf32, #tpu.memory_space<vmem>>, vector<16xf32>,
    tpu.vector_store %arg7[%swap3A_341], %broadcast_in_dim3A_3 {strides = array<i32>} : memref<4352xf32, #tpu.memory_space<vmem>>, vector<16xf32>,
    %swap3A_343 = arith.constant 2720 : index
    %swap3A_344 = tpu.vector_load %arg7[%swap3A_343] {strides = array<i32>} : memref<4352xf32, #tpu.memory_space<vmem>>, vector<16xf32>,
    tpu.vector_store %arg7[%swap3A_343], %broadcast_in_dim3A_3 {strides = array<i32>} : memref<4352xf32, #tpu.memory_space<vmem>>, vector<16xf32>,
    %swap3A_345 = arith.constant 2736 : index
    %swap3A_346 = tpu.vector_load %arg7[%swap3A_345] {strides = array<i32>} : memref<4352xf32, #tpu.memory_space<vmem>>, vector<16xf32>,
    tpu.vector_store %arg7[%swap3A_345], %broadcast_in_dim3A_3 {strides = array<i32>} : memref<4352xf32, #tpu.memory_space<vmem>>, vector<16xf32>,
    %swap3A_347 = arith.constant 2752 : index
    %swap3A_348 = tpu.vector_load %arg7[%swap3A_347] {strides = array<i32>} : memref<4352xf32, #tpu.memory_space<vmem>>, vector<16xf32>,
    tpu.vector_store %arg7[%swap3A_347], %broadcast_in_dim3A_3 {strides = array<i32>} : memref<4352xf32, #tpu.memory_space<vmem>>, vector<16xf32>,
    %swap3A_349 = arith.constant 2768 : index
    %swap3A_350 = tpu.vector_load %arg7[%swap3A_349] {strides = array<i32>} : memref<4352xf32, #tpu.memory_space<vmem>>, vector<16xf32>,
    tpu.vector_store %arg7[%swap3A_349], %broadcast_in_dim3A_3 {strides = array<i32>} : memref<4352xf32, #tpu.memory_space<vmem>>, vector<16xf32>,
    %swap3A_351 = arith.constant 2784 : index
    %swap3A_352 = tpu.vector_load %arg7[%swap3A_351] {strides = array<i32>} : memref<4352xf32, #tpu.memory_space<vmem>>, vector<16xf32>,
    tpu.vector_store %arg7[%swap3A_351], %broadcast_in_dim3A_3 {strides = array<i32>} : memref<4352xf32, #tpu.memory_space<vmem>>, vector<16xf32>,
    %swap3A_353 = arith.constant 2800 : index
    %swap3A_354 = tpu.vector_load %arg7[%swap3A_353] {strides = array<i32>} : memref<4352xf32, #tpu.memory_space<vmem>>, vector<16xf32>,
    tpu.vector_store %arg7[%swap3A_353], %broadcast_in_dim3A_3 {strides = array<i32>} : memref<4352xf32, #tpu.memory_space<vmem>>, vector<16xf32>,
    %swap3A_355 = arith.constant 2816 : index
    %swap3A_356 = tpu.vector_load %arg7[%swap3A_355] {strides = array<i32>} : memref<4352xf32, #tpu.memory_space<vmem>>, vector<16xf32>,
    tpu.vector_store %arg7[%swap3A_355], %broadcast_in_dim3A_3 {strides = array<i32>} : memref<4352xf32, #tpu.memory_space<vmem>>, vector<16xf32>,
    %swap3A_357 = arith.constant 2832 : index
    %swap3A_358 = tpu.vector_load %arg7[%swap3A_357] {strides = array<i32>} : memref<4352xf32, #tpu.memory_space<vmem>>, vector<16xf32>,
    tpu.vector_store %arg7[%swap3A_357], %broadcast_in_dim3A_3 {strides = array<i32>} : memref<4352xf32, #tpu.memory_space<vmem>>, vector<16xf32>,
    %swap3A_359 = arith.constant 2848 : index
    %swap3A_360 = tpu.vector_load %arg7[%swap3A_359] {strides = array<i32>} : memref<4352xf32, #tpu.memory_space<vmem>>, vector<16xf32>,
    tpu.vector_store %arg7[%swap3A_359], %broadcast_in_dim3A_3 {strides = array<i32>} : memref<4352xf32, #tpu.memory_space<vmem>>, vector<16xf32>,
    %swap3A_361 = arith.constant 2864 : index
    %swap3A_362 = tpu.vector_load %arg7[%swap3A_361] {strides = array<i32>} : memref<4352xf32, #tpu.memory_space<vmem>>, vector<16xf32>,
    tpu.vector_store %arg7[%swap3A_361], %broadcast_in_dim3A_3 {strides = array<i32>} : memref<4352xf32, #tpu.memory_space<vmem>>, vector<16xf32>,
    %swap3A_363 = arith.constant 2880 : index
    %swap3A_364 = tpu.vector_load %arg7[%swap3A_363] {strides = array<i32>} : memref<4352xf32, #tpu.memory_space<vmem>>, vector<16xf32>,
    tpu.vector_store %arg7[%swap3A_363], %broadcast_in_dim3A_3 {strides = array<i32>} : memref<4352xf32, #tpu.memory_space<vmem>>, vector<16xf32>,
    %swap3A_365 = arith.constant 2896 : index
    %swap3A_366 = tpu.vector_load %arg7[%swap3A_365] {strides = array<i32>} : memref<4352xf32, #tpu.memory_space<vmem>>, vector<16xf32>,
    tpu.vector_store %arg7[%swap3A_365], %broadcast_in_dim3A_3 {strides = array<i32>} : memref<4352xf32, #tpu.memory_space<vmem>>, vector<16xf32>,
    %swap3A_367 = arith.constant 2912 : index
    %swap3A_368 = tpu.vector_load %arg7[%swap3A_367] {strides = array<i32>} : memref<4352xf32, #tpu.memory_space<vmem>>, vector<16xf32>,
    tpu.vector_store %arg7[%swap3A_367], %broadcast_in_dim3A_3 {strides = array<i32>} : memref<4352xf32, #tpu.memory_space<vmem>>, vector<16xf32>,
    %swap3A_369 = arith.constant 2928 : index
    %swap3A_370 = tpu.vector_load %arg7[%swap3A_369] {strides = array<i32>} : memref<4352xf32, #tpu.memory_space<vmem>>, vector<16xf32>,
    tpu.vector_store %arg7[%swap3A_369], %broadcast_in_dim3A_3 {strides = array<i32>} : memref<4352xf32, #tpu.memory_space<vmem>>, vector<16xf32>,
    %swap3A_371 = arith.constant 2944 : index
    %swap3A_372 = tpu.vector_load %arg7[%swap3A_371] {strides = array<i32>} : memref<4352xf32, #tpu.memory_space<vmem>>, vector<16xf32>,
    tpu.vector_store %arg7[%swap3A_371], %broadcast_in_dim3A_3 {strides = array<i32>} : memref<4352xf32, #tpu.memory_space<vmem>>, vector<16xf32>,
    %swap3A_373 = arith.constant 2960 : index
    %swap3A_374 = tpu.vector_load %arg7[%swap3A_373] {strides = array<i32>} : memref<4352xf32, #tpu.memory_space<vmem>>, vector<16xf32>,
    tpu.vector_store %arg7[%swap3A_373], %broadcast_in_dim3A_3 {strides = array<i32>} : memref<4352xf32, #tpu.memory_space<vmem>>, vector<16xf32>,
    %swap3A_375 = arith.constant 2976 : index
    %swap3A_376 = tpu.vector_load %arg7[%swap3A_375] {strides = array<i32>} : memref<4352xf32, #tpu.memory_space<vmem>>, vector<16xf32>,
    tpu.vector_store %arg7[%swap3A_375], %broadcast_in_dim3A_3 {strides = array<i32>} : memref<4352xf32, #tpu.memory_space<vmem>>, vector<16xf32>,
    %swap3A_377 = arith.constant 2992 : index
    %swap3A_378 = tpu.vector_load %arg7[%swap3A_377] {strides = array<i32>} : memref<4352xf32, #tpu.memory_space<vmem>>, vector<16xf32>,
    tpu.vector_store %arg7[%swap3A_377], %broadcast_in_dim3A_3 {strides = array<i32>} : memref<4352xf32, #tpu.memory_space<vmem>>, vector<16xf32>,
    %swap3A_379 = arith.constant 3008 : index
    %swap3A_380 = tpu.vector_load %arg7[%swap3A_379] {strides = array<i32>} : memref<4352xf32, #tpu.memory_space<vmem>>, vector<16xf32>,
    tpu.vector_store %arg7[%swap3A_379], %broadcast_in_dim3A_3 {strides = array<i32>} : memref<4352xf32, #tpu.memory_space<vmem>>, vector<16xf32>,
    %swap3A_381 = arith.constant 3024 : index
    %swap3A_382 = tpu.vector_load %arg7[%swap3A_381] {strides = array<i32>} : memref<4352xf32, #tpu.memory_space<vmem>>, vector<16xf32>,
    tpu.vector_store %arg7[%swap3A_381], %broadcast_in_dim3A_3 {strides = array<i32>} : memref<4352xf32, #tpu.memory_space<vmem>>, vector<16xf32>,
    %swap3A_383 = arith.constant 3040 : index
    %swap3A_384 = tpu.vector_load %arg7[%swap3A_383] {strides = array<i32>} : memref<4352xf32, #tpu.memory_space<vmem>>, vector<16xf32>,
    tpu.vector_store %arg7[%swap3A_383], %broadcast_in_dim3A_3 {strides = array<i32>} : memref<4352xf32, #tpu.memory_space<vmem>>, vector<16xf32>,
    %swap3A_385 = arith.constant 3056 : index
    %swap3A_386 = tpu.vector_load %arg7[%swap3A_385] {strides = array<i32>} : memref<4352xf32, #tpu.memory_space<vmem>>, vector<16xf32>,
    tpu.vector_store %arg7[%swap3A_385], %broadcast_in_dim3A_3 {strides = array<i32>} : memref<4352xf32, #tpu.memory_space<vmem>>, vector<16xf32>,
    %swap3A_387 = arith.constant 3072 : index
    %swap3A_388 = tpu.vector_load %arg7[%swap3A_387] {strides = array<i32>} : memref<4352xf32, #tpu.memory_space<vmem>>, vector<16xf32>,
    tpu.vector_store %arg7[%swap3A_387], %broadcast_in_dim3A_3 {strides = array<i32>} : memref<4352xf32, #tpu.memory_space<vmem>>, vector<16xf32>,
    %swap3A_389 = arith.constant 3088 : index
    %swap3A_390 = tpu.vector_load %arg7[%swap3A_389] {strides = array<i32>} : memref<4352xf32, #tpu.memory_space<vmem>>, vector<16xf32>,
    tpu.vector_store %arg7[%swap3A_389], %broadcast_in_dim3A_3 {strides = array<i32>} : memref<4352xf32, #tpu.memory_space<vmem>>, vector<16xf32>,
    %swap3A_391 = arith.constant 3104 : index
    %swap3A_392 = tpu.vector_load %arg7[%swap3A_391] {strides = array<i32>} : memref<4352xf32, #tpu.memory_space<vmem>>, vector<16xf32>,
    tpu.vector_store %arg7[%swap3A_391], %broadcast_in_dim3A_3 {strides = array<i32>} : memref<4352xf32, #tpu.memory_space<vmem>>, vector<16xf32>,
    %swap3A_393 = arith.constant 3120 : index
    %swap3A_394 = tpu.vector_load %arg7[%swap3A_393] {strides = array<i32>} : memref<4352xf32, #tpu.memory_space<vmem>>, vector<16xf32>,
    tpu.vector_store %arg7[%swap3A_393], %broadcast_in_dim3A_3 {strides = array<i32>} : memref<4352xf32, #tpu.memory_space<vmem>>, vector<16xf32>,
    %swap3A_395 = arith.constant 3136 : index
    %swap3A_396 = tpu.vector_load %arg7[%swap3A_395] {strides = array<i32>} : memref<4352xf32, #tpu.memory_space<vmem>>, vector<16xf32>,
    tpu.vector_store %arg7[%swap3A_395], %broadcast_in_dim3A_3 {strides = array<i32>} : memref<4352xf32, #tpu.memory_space<vmem>>, vector<16xf32>,
    %swap3A_397 = arith.constant 3152 : index
    %swap3A_398 = tpu.vector_load %arg7[%swap3A_397] {strides = array<i32>} : memref<4352xf32, #tpu.memory_space<vmem>>, vector<16xf32>,
    tpu.vector_store %arg7[%swap3A_397], %broadcast_in_dim3A_3 {strides = array<i32>} : memref<4352xf32, #tpu.memory_space<vmem>>, vector<16xf32>,
    %swap3A_399 = arith.constant 3168 : index
    %swap3A_400 = tpu.vector_load %arg7[%swap3A_399] {strides = array<i32>} : memref<4352xf32, #tpu.memory_space<vmem>>, vector<16xf32>,
    tpu.vector_store %arg7[%swap3A_399], %broadcast_in_dim3A_3 {strides = array<i32>} : memref<4352xf32, #tpu.memory_space<vmem>>, vector<16xf32>,
    %swap3A_401 = arith.constant 3184 : index
    %swap3A_402 = tpu.vector_load %arg7[%swap3A_401] {strides = array<i32>} : memref<4352xf32, #tpu.memory_space<vmem>>, vector<16xf32>,
    tpu.vector_store %arg7[%swap3A_401], %broadcast_in_dim3A_3 {strides = array<i32>} : memref<4352xf32, #tpu.memory_space<vmem>>, vector<16xf32>,
    %swap3A_403 = arith.constant 3200 : index
    %swap3A_404 = tpu.vector_load %arg7[%swap3A_403] {strides = array<i32>} : memref<4352xf32, #tpu.memory_space<vmem>>, vector<16xf32>,
    tpu.vector_store %arg7[%swap3A_403], %broadcast_in_dim3A_3 {strides = array<i32>} : memref<4352xf32, #tpu.memory_space<vmem>>, vector<16xf32>,
    %swap3A_405 = arith.constant 3216 : index
    %swap3A_406 = tpu.vector_load %arg7[%swap3A_405] {strides = array<i32>} : memref<4352xf32, #tpu.memory_space<vmem>>, vector<16xf32>,
    tpu.vector_store %arg7[%swap3A_405], %broadcast_in_dim3A_3 {strides = array<i32>} : memref<4352xf32, #tpu.memory_space<vmem>>, vector<16xf32>,
    %swap3A_407 = arith.constant 3232 : index
    %swap3A_408 = tpu.vector_load %arg7[%swap3A_407] {strides = array<i32>} : memref<4352xf32, #tpu.memory_space<vmem>>, vector<16xf32>,
    tpu.vector_store %arg7[%swap3A_407], %broadcast_in_dim3A_3 {strides = array<i32>} : memref<4352xf32, #tpu.memory_space<vmem>>, vector<16xf32>,
    %swap3A_409 = arith.constant 3248 : index
    %swap3A_410 = tpu.vector_load %arg7[%swap3A_409] {strides = array<i32>} : memref<4352xf32, #tpu.memory_space<vmem>>, vector<16xf32>,
    tpu.vector_store %arg7[%swap3A_409], %broadcast_in_dim3A_3 {strides = array<i32>} : memref<4352xf32, #tpu.memory_space<vmem>>, vector<16xf32>,
    %swap3A_411 = arith.constant 3264 : index
    %swap3A_412 = tpu.vector_load %arg7[%swap3A_411] {strides = array<i32>} : memref<4352xf32, #tpu.memory_space<vmem>>, vector<16xf32>,
    tpu.vector_store %arg7[%swap3A_411], %broadcast_in_dim3A_3 {strides = array<i32>} : memref<4352xf32, #tpu.memory_space<vmem>>, vector<16xf32>,
    %swap3A_413 = arith.constant 3280 : index
    %swap3A_414 = tpu.vector_load %arg7[%swap3A_413] {strides = array<i32>} : memref<4352xf32, #tpu.memory_space<vmem>>, vector<16xf32>,
    tpu.vector_store %arg7[%swap3A_413], %broadcast_in_dim3A_3 {strides = array<i32>} : memref<4352xf32, #tpu.memory_space<vmem>>, vector<16xf32>,
    %swap3A_415 = arith.constant 3296 : index
    %swap3A_416 = tpu.vector_load %arg7[%swap3A_415] {strides = array<i32>} : memref<4352xf32, #tpu.memory_space<vmem>>, vector<16xf32>,
    tpu.vector_store %arg7[%swap3A_415], %broadcast_in_dim3A_3 {strides = array<i32>} : memref<4352xf32, #tpu.memory_space<vmem>>, vector<16xf32>,
    %swap3A_417 = arith.constant 3312 : index
    %swap3A_418 = tpu.vector_load %arg7[%swap3A_417] {strides = array<i32>} : memref<4352xf32, #tpu.memory_space<vmem>>, vector<16xf32>,
    tpu.vector_store %arg7[%swap3A_417], %broadcast_in_dim3A_3 {strides = array<i32>} : memref<4352xf32, #tpu.memory_space<vmem>>, vector<16xf32>,
    %swap3A_419 = arith.constant 3328 : index
    %swap3A_420 = tpu.vector_load %arg7[%swap3A_419] {strides = array<i32>} : memref<4352xf32, #tpu.memory_space<vmem>>, vector<16xf32>,
    tpu.vector_store %arg7[%swap3A_419], %broadcast_in_dim3A_3 {strides = array<i32>} : memref<4352xf32, #tpu.memory_space<vmem>>, vector<16xf32>,
    %swap3A_421 = arith.constant 3344 : index
    %swap3A_422 = tpu.vector_load %arg7[%swap3A_421] {strides = array<i32>} : memref<4352xf32, #tpu.memory_space<vmem>>, vector<16xf32>,
    tpu.vector_store %arg7[%swap3A_421], %broadcast_in_dim3A_3 {strides = array<i32>} : memref<4352xf32, #tpu.memory_space<vmem>>, vector<16xf32>,
    %swap3A_423 = arith.constant 3360 : index
    %swap3A_424 = tpu.vector_load %arg7[%swap3A_423] {strides = array<i32>} : memref<4352xf32, #tpu.memory_space<vmem>>, vector<16xf32>,
    tpu.vector_store %arg7[%swap3A_423], %broadcast_in_dim3A_3 {strides = array<i32>} : memref<4352xf32, #tpu.memory_space<vmem>>, vector<16xf32>,
    %swap3A_425 = arith.constant 3376 : index
    %swap3A_426 = tpu.vector_load %arg7[%swap3A_425] {strides = array<i32>} : memref<4352xf32, #tpu.memory_space<vmem>>, vector<16xf32>,
    tpu.vector_store %arg7[%swap3A_425], %broadcast_in_dim3A_3 {strides = array<i32>} : memref<4352xf32, #tpu.memory_space<vmem>>, vector<16xf32>,
    %swap3A_427 = arith.constant 3392 : index
    %swap3A_428 = tpu.vector_load %arg7[%swap3A_427] {strides = array<i32>} : memref<4352xf32, #tpu.memory_space<vmem>>, vector<16xf32>,
    tpu.vector_store %arg7[%swap3A_427], %broadcast_in_dim3A_3 {strides = array<i32>} : memref<4352xf32, #tpu.memory_space<vmem>>, vector<16xf32>,
    %swap3A_429 = arith.constant 3408 : index
    %swap3A_430 = tpu.vector_load %arg7[%swap3A_429] {strides = array<i32>} : memref<4352xf32, #tpu.memory_space<vmem>>, vector<16xf32>,
    tpu.vector_store %arg7[%swap3A_429], %broadcast_in_dim3A_3 {strides = array<i32>} : memref<4352xf32, #tpu.memory_space<vmem>>, vector<16xf32>,
    %swap3A_431 = arith.constant 3424 : index
    %swap3A_432 = tpu.vector_load %arg7[%swap3A_431] {strides = array<i32>} : memref<4352xf32, #tpu.memory_space<vmem>>, vector<16xf32>,
    tpu.vector_store %arg7[%swap3A_431], %broadcast_in_dim3A_3 {strides = array<i32>} : memref<4352xf32, #tpu.memory_space<vmem>>, vector<16xf32>,
    %swap3A_433 = arith.constant 3440 : index
    %swap3A_434 = tpu.vector_load %arg7[%swap3A_433] {strides = array<i32>} : memref<4352xf32, #tpu.memory_space<vmem>>, vector<16xf32>,
    tpu.vector_store %arg7[%swap3A_433], %broadcast_in_dim3A_3 {strides = array<i32>} : memref<4352xf32, #tpu.memory_space<vmem>>, vector<16xf32>,
    %swap3A_435 = arith.constant 3456 : index
    %swap3A_436 = tpu.vector_load %arg7[%swap3A_435] {strides = array<i32>} : memref<4352xf32, #tpu.memory_space<vmem>>, vector<16xf32>,
    tpu.vector_store %arg7[%swap3A_435], %broadcast_in_dim3A_3 {strides = array<i32>} : memref<4352xf32, #tpu.memory_space<vmem>>, vector<16xf32>,
    %swap3A_437 = arith.constant 3472 : index
    %swap3A_438 = tpu.vector_load %arg7[%swap3A_437] {strides = array<i32>} : memref<4352xf32, #tpu.memory_space<vmem>>, vector<16xf32>,
    tpu.vector_store %arg7[%swap3A_437], %broadcast_in_dim3A_3 {strides = array<i32>} : memref<4352xf32, #tpu.memory_space<vmem>>, vector<16xf32>,
    %swap3A_439 = arith.constant 3488 : index
    %swap3A_440 = tpu.vector_load %arg7[%swap3A_439] {strides = array<i32>} : memref<4352xf32, #tpu.memory_space<vmem>>, vector<16xf32>,
    tpu.vector_store %arg7[%swap3A_439], %broadcast_in_dim3A_3 {strides = array<i32>} : memref<4352xf32, #tpu.memory_space<vmem>>, vector<16xf32>,
    %swap3A_441 = arith.constant 3504 : index
    %swap3A_442 = tpu.vector_load %arg7[%swap3A_441] {strides = array<i32>} : memref<4352xf32, #tpu.memory_space<vmem>>, vector<16xf32>,
    tpu.vector_store %arg7[%swap3A_441], %broadcast_in_dim3A_3 {strides = array<i32>} : memref<4352xf32, #tpu.memory_space<vmem>>, vector<16xf32>,
    %swap3A_443 = arith.constant 3520 : index
    %swap3A_444 = tpu.vector_load %arg7[%swap3A_443] {strides = array<i32>} : memref<4352xf32, #tpu.memory_space<vmem>>, vector<16xf32>,
    tpu.vector_store %arg7[%swap3A_443], %broadcast_in_dim3A_3 {strides = array<i32>} : memref<4352xf32, #tpu.memory_space<vmem>>, vector<16xf32>,
    %swap3A_445 = arith.constant 3536 : index
    %swap3A_446 = tpu.vector_load %arg7[%swap3A_445] {strides = array<i32>} : memref<4352xf32, #tpu.memory_space<vmem>>, vector<16xf32>,
    tpu.vector_store %arg7[%swap3A_445], %broadcast_in_dim3A_3 {strides = array<i32>} : memref<4352xf32, #tpu.memory_space<vmem>>, vector<16xf32>,
    %swap3A_447 = arith.constant 3552 : index
    %swap3A_448 = tpu.vector_load %arg7[%swap3A_447] {strides = array<i32>} : memref<4352xf32, #tpu.memory_space<vmem>>, vector<16xf32>,
    tpu.vector_store %arg7[%swap3A_447], %broadcast_in_dim3A_3 {strides = array<i32>} : memref<4352xf32, #tpu.memory_space<vmem>>, vector<16xf32>,
    %swap3A_449 = arith.constant 3568 : index
    %swap3A_450 = tpu.vector_load %arg7[%swap3A_449] {strides = array<i32>} : memref<4352xf32, #tpu.memory_space<vmem>>, vector<16xf32>,
    tpu.vector_store %arg7[%swap3A_449], %broadcast_in_dim3A_3 {strides = array<i32>} : memref<4352xf32, #tpu.memory_space<vmem>>, vector<16xf32>,
    %swap3A_451 = arith.constant 3584 : index
    %swap3A_452 = tpu.vector_load %arg7[%swap3A_451] {strides = array<i32>} : memref<4352xf32, #tpu.memory_space<vmem>>, vector<16xf32>,
    tpu.vector_store %arg7[%swap3A_451], %broadcast_in_dim3A_3 {strides = array<i32>} : memref<4352xf32, #tpu.memory_space<vmem>>, vector<16xf32>,
    %swap3A_453 = arith.constant 3600 : index
    %swap3A_454 = tpu.vector_load %arg7[%swap3A_453] {strides = array<i32>} : memref<4352xf32, #tpu.memory_space<vmem>>, vector<16xf32>,
    tpu.vector_store %arg7[%swap3A_453], %broadcast_in_dim3A_3 {strides = array<i32>} : memref<4352xf32, #tpu.memory_space<vmem>>, vector<16xf32>,
    %swap3A_455 = arith.constant 3616 : index
    %swap3A_456 = tpu.vector_load %arg7[%swap3A_455] {strides = array<i32>} : memref<4352xf32, #tpu.memory_space<vmem>>, vector<16xf32>,
    tpu.vector_store %arg7[%swap3A_455], %broadcast_in_dim3A_3 {strides = array<i32>} : memref<4352xf32, #tpu.memory_space<vmem>>, vector<16xf32>,
    %swap3A_457 = arith.constant 3632 : index
    %swap3A_458 = tpu.vector_load %arg7[%swap3A_457] {strides = array<i32>} : memref<4352xf32, #tpu.memory_space<vmem>>, vector<16xf32>,
    tpu.vector_store %arg7[%swap3A_457], %broadcast_in_dim3A_3 {strides = array<i32>} : memref<4352xf32, #tpu.memory_space<vmem>>, vector<16xf32>,
    %swap3A_459 = arith.constant 3648 : index
    %swap3A_460 = tpu.vector_load %arg7[%swap3A_459] {strides = array<i32>} : memref<4352xf32, #tpu.memory_space<vmem>>, vector<16xf32>,
    tpu.vector_store %arg7[%swap3A_459], %broadcast_in_dim3A_3 {strides = array<i32>} : memref<4352xf32, #tpu.memory_space<vmem>>, vector<16xf32>,
    %swap3A_461 = arith.constant 3664 : index
    %swap3A_462 = tpu.vector_load %arg7[%swap3A_461] {strides = array<i32>} : memref<4352xf32, #tpu.memory_space<vmem>>, vector<16xf32>,
    tpu.vector_store %arg7[%swap3A_461], %broadcast_in_dim3A_3 {strides = array<i32>} : memref<4352xf32, #tpu.memory_space<vmem>>, vector<16xf32>,
    %swap3A_463 = arith.constant 3680 : index
    %swap3A_464 = tpu.vector_load %arg7[%swap3A_463] {strides = array<i32>} : memref<4352xf32, #tpu.memory_space<vmem>>, vector<16xf32>,
    tpu.vector_store %arg7[%swap3A_463], %broadcast_in_dim3A_3 {strides = array<i32>} : memref<4352xf32, #tpu.memory_space<vmem>>, vector<16xf32>,
    %swap3A_465 = arith.constant 3696 : index
    %swap3A_466 = tpu.vector_load %arg7[%swap3A_465] {strides = array<i32>} : memref<4352xf32, #tpu.memory_space<vmem>>, vector<16xf32>,
    tpu.vector_store %arg7[%swap3A_465], %broadcast_in_dim3A_3 {strides = array<i32>} : memref<4352xf32, #tpu.memory_space<vmem>>, vector<16xf32>,
    %swap3A_467 = arith.constant 3712 : index
    %swap3A_468 = tpu.vector_load %arg7[%swap3A_467] {strides = array<i32>} : memref<4352xf32, #tpu.memory_space<vmem>>, vector<16xf32>,
    tpu.vector_store %arg7[%swap3A_467], %broadcast_in_dim3A_3 {strides = array<i32>} : memref<4352xf32, #tpu.memory_space<vmem>>, vector<16xf32>,
    %swap3A_469 = arith.constant 3728 : index
    %swap3A_470 = tpu.vector_load %arg7[%swap3A_469] {strides = array<i32>} : memref<4352xf32, #tpu.memory_space<vmem>>, vector<16xf32>,
    tpu.vector_store %arg7[%swap3A_469], %broadcast_in_dim3A_3 {strides = array<i32>} : memref<4352xf32, #tpu.memory_space<vmem>>, vector<16xf32>,
    %swap3A_471 = arith.constant 3744 : index
    %swap3A_472 = tpu.vector_load %arg7[%swap3A_471] {strides = array<i32>} : memref<4352xf32, #tpu.memory_space<vmem>>, vector<16xf32>,
    tpu.vector_store %arg7[%swap3A_471], %broadcast_in_dim3A_3 {strides = array<i32>} : memref<4352xf32, #tpu.memory_space<vmem>>, vector<16xf32>,
    %swap3A_473 = arith.constant 3760 : index
    %swap3A_474 = tpu.vector_load %arg7[%swap3A_473] {strides = array<i32>} : memref<4352xf32, #tpu.memory_space<vmem>>, vector<16xf32>,
    tpu.vector_store %arg7[%swap3A_473], %broadcast_in_dim3A_3 {strides = array<i32>} : memref<4352xf32, #tpu.memory_space<vmem>>, vector<16xf32>,
    %swap3A_475 = arith.constant 3776 : index
    %swap3A_476 = tpu.vector_load %arg7[%swap3A_475] {strides = array<i32>} : memref<4352xf32, #tpu.memory_space<vmem>>, vector<16xf32>,
    tpu.vector_store %arg7[%swap3A_475], %broadcast_in_dim3A_3 {strides = array<i32>} : memref<4352xf32, #tpu.memory_space<vmem>>, vector<16xf32>,
    %swap3A_477 = arith.constant 3792 : index
    %swap3A_478 = tpu.vector_load %arg7[%swap3A_477] {strides = array<i32>} : memref<4352xf32, #tpu.memory_space<vmem>>, vector<16xf32>,
    tpu.vector_store %arg7[%swap3A_477], %broadcast_in_dim3A_3 {strides = array<i32>} : memref<4352xf32, #tpu.memory_space<vmem>>, vector<16xf32>,
    %swap3A_479 = arith.constant 3808 : index
    %swap3A_480 = tpu.vector_load %arg7[%swap3A_479] {strides = array<i32>} : memref<4352xf32, #tpu.memory_space<vmem>>, vector<16xf32>,
    tpu.vector_store %arg7[%swap3A_479], %broadcast_in_dim3A_3 {strides = array<i32>} : memref<4352xf32, #tpu.memory_space<vmem>>, vector<16xf32>,
    %swap3A_481 = arith.constant 3824 : index
    %swap3A_482 = tpu.vector_load %arg7[%swap3A_481] {strides = array<i32>} : memref<4352xf32, #tpu.memory_space<vmem>>, vector<16xf32>,
    tpu.vector_store %arg7[%swap3A_481], %broadcast_in_dim3A_3 {strides = array<i32>} : memref<4352xf32, #tpu.memory_space<vmem>>, vector<16xf32>,
    %swap3A_483 = arith.constant 3840 : index
    %swap3A_484 = tpu.vector_load %arg7[%swap3A_483] {strides = array<i32>} : memref<4352xf32, #tpu.memory_space<vmem>>, vector<16xf32>,
    tpu.vector_store %arg7[%swap3A_483], %broadcast_in_dim3A_3 {strides = array<i32>} : memref<4352xf32, #tpu.memory_space<vmem>>, vector<16xf32>,
    %swap3A_485 = arith.constant 3856 : index
    %swap3A_486 = tpu.vector_load %arg7[%swap3A_485] {strides = array<i32>} : memref<4352xf32, #tpu.memory_space<vmem>>, vector<16xf32>,
    tpu.vector_store %arg7[%swap3A_485], %broadcast_in_dim3A_3 {strides = array<i32>} : memref<4352xf32, #tpu.memory_space<vmem>>, vector<16xf32>,
    %swap3A_487 = arith.constant 3872 : index
    %swap3A_488 = tpu.vector_load %arg7[%swap3A_487] {strides = array<i32>} : memref<4352xf32, #tpu.memory_space<vmem>>, vector<16xf32>,
    tpu.vector_store %arg7[%swap3A_487], %broadcast_in_dim3A_3 {strides = array<i32>} : memref<4352xf32, #tpu.memory_space<vmem>>, vector<16xf32>,
    %swap3A_489 = arith.constant 3888 : index
    %swap3A_490 = tpu.vector_load %arg7[%swap3A_489] {strides = array<i32>} : memref<4352xf32, #tpu.memory_space<vmem>>, vector<16xf32>,
    tpu.vector_store %arg7[%swap3A_489], %broadcast_in_dim3A_3 {strides = array<i32>} : memref<4352xf32, #tpu.memory_space<vmem>>, vector<16xf32>,
    %swap3A_491 = arith.constant 3904 : index
    %swap3A_492 = tpu.vector_load %arg7[%swap3A_491] {strides = array<i32>} : memref<4352xf32, #tpu.memory_space<vmem>>, vector<16xf32>,
    tpu.vector_store %arg7[%swap3A_491], %broadcast_in_dim3A_3 {strides = array<i32>} : memref<4352xf32, #tpu.memory_space<vmem>>, vector<16xf32>,
    %swap3A_493 = arith.constant 3920 : index
    %swap3A_494 = tpu.vector_load %arg7[%swap3A_493] {strides = array<i32>} : memref<4352xf32, #tpu.memory_space<vmem>>, vector<16xf32>,
    tpu.vector_store %arg7[%swap3A_493], %broadcast_in_dim3A_3 {strides = array<i32>} : memref<4352xf32, #tpu.memory_space<vmem>>, vector<16xf32>,
    %swap3A_495 = arith.constant 3936 : index
    %swap3A_496 = tpu.vector_load %arg7[%swap3A_495] {strides = array<i32>} : memref<4352xf32, #tpu.memory_space<vmem>>, vector<16xf32>,
    tpu.vector_store %arg7[%swap3A_495], %broadcast_in_dim3A_3 {strides = array<i32>} : memref<4352xf32, #tpu.memory_space<vmem>>, vector<16xf32>,
    %swap3A_497 = arith.constant 3952 : index
    %swap3A_498 = tpu.vector_load %arg7[%swap3A_497] {strides = array<i32>} : memref<4352xf32, #tpu.memory_space<vmem>>, vector<16xf32>,
    tpu.vector_store %arg7[%swap3A_497], %broadcast_in_dim3A_3 {strides = array<i32>} : memref<4352xf32, #tpu.memory_space<vmem>>, vector<16xf32>,
    %swap3A_499 = arith.constant 3968 : index
    %swap3A_500 = tpu.vector_load %arg7[%swap3A_499] {strides = array<i32>} : memref<4352xf32, #tpu.memory_space<vmem>>, vector<16xf32>,
    tpu.vector_store %arg7[%swap3A_499], %broadcast_in_dim3A_3 {strides = array<i32>} : memref<4352xf32, #tpu.memory_space<vmem>>, vector<16xf32>,
    %swap3A_501 = arith.constant 3984 : index
    %swap3A_502 = tpu.vector_load %arg7[%swap3A_501] {strides = array<i32>} : memref<4352xf32, #tpu.memory_space<vmem>>, vector<16xf32>,
    tpu.vector_store %arg7[%swap3A_501], %broadcast_in_dim3A_3 {strides = array<i32>} : memref<4352xf32, #tpu.memory_space<vmem>>, vector<16xf32>,
    %swap3A_503 = arith.constant 4000 : index
    %swap3A_504 = tpu.vector_load %arg7[%swap3A_503] {strides = array<i32>} : memref<4352xf32, #tpu.memory_space<vmem>>, vector<16xf32>,
    tpu.vector_store %arg7[%swap3A_503], %broadcast_in_dim3A_3 {strides = array<i32>} : memref<4352xf32, #tpu.memory_space<vmem>>, vector<16xf32>,
    %swap3A_505 = arith.constant 4016 : index
    %swap3A_506 = tpu.vector_load %arg7[%swap3A_505] {strides = array<i32>} : memref<4352xf32, #tpu.memory_space<vmem>>, vector<16xf32>,
    tpu.vector_store %arg7[%swap3A_505], %broadcast_in_dim3A_3 {strides = array<i32>} : memref<4352xf32, #tpu.memory_space<vmem>>, vector<16xf32>,
    %swap3A_507 = arith.constant 4032 : index
    %swap3A_508 = tpu.vector_load %arg7[%swap3A_507] {strides = array<i32>} : memref<4352xf32, #tpu.memory_space<vmem>>, vector<16xf32>,
    tpu.vector_store %arg7[%swap3A_507], %broadcast_in_dim3A_3 {strides = array<i32>} : memref<4352xf32, #tpu.memory_space<vmem>>, vector<16xf32>,
    %swap3A_509 = arith.constant 4048 : index
    %swap3A_510 = tpu.vector_load %arg7[%swap3A_509] {strides = array<i32>} : memref<4352xf32, #tpu.memory_space<vmem>>, vector<16xf32>,
    tpu.vector_store %arg7[%swap3A_509], %broadcast_in_dim3A_3 {strides = array<i32>} : memref<4352xf32, #tpu.memory_space<vmem>>, vector<16xf32>,
    %swap3A_511 = arith.constant 4064 : index
    %swap3A_512 = tpu.vector_load %arg7[%swap3A_511] {strides = array<i32>} : memref<4352xf32, #tpu.memory_space<vmem>>, vector<16xf32>,
    tpu.vector_store %arg7[%swap3A_511], %broadcast_in_dim3A_3 {strides = array<i32>} : memref<4352xf32, #tpu.memory_space<vmem>>, vector<16xf32>,
    %swap3A_513 = arith.constant 4080 : index
    %swap3A_514 = tpu.vector_load %arg7[%swap3A_513] {strides = array<i32>} : memref<4352xf32, #tpu.memory_space<vmem>>, vector<16xf32>,
    tpu.vector_store %arg7[%swap3A_513], %broadcast_in_dim3A_3 {strides = array<i32>} : memref<4352xf32, #tpu.memory_space<vmem>>, vector<16xf32>,
    %swap3A_515 = arith.constant 4096 : index
    %swap3A_516 = tpu.vector_load %arg7[%swap3A_515] {strides = array<i32>} : memref<4352xf32, #tpu.memory_space<vmem>>, vector<16xf32>,
    tpu.vector_store %arg7[%swap3A_515], %broadcast_in_dim3A_3 {strides = array<i32>} : memref<4352xf32, #tpu.memory_space<vmem>>, vector<16xf32>,
    %swap3A_517 = arith.constant 4112 : index
    %swap3A_518 = tpu.vector_load %arg7[%swap3A_517] {strides = array<i32>} : memref<4352xf32, #tpu.memory_space<vmem>>, vector<16xf32>,
    tpu.vector_store %arg7[%swap3A_517], %broadcast_in_dim3A_3 {strides = array<i32>} : memref<4352xf32, #tpu.memory_space<vmem>>, vector<16xf32>,
    %swap3A_519 = arith.constant 4128 : index
    %swap3A_520 = tpu.vector_load %arg7[%swap3A_519] {strides = array<i32>} : memref<4352xf32, #tpu.memory_space<vmem>>, vector<16xf32>,
    tpu.vector_store %arg7[%swap3A_519], %broadcast_in_dim3A_3 {strides = array<i32>} : memref<4352xf32, #tpu.memory_space<vmem>>, vector<16xf32>,
    %swap3A_521 = arith.constant 4144 : index
    %swap3A_522 = tpu.vector_load %arg7[%swap3A_521] {strides = array<i32>} : memref<4352xf32, #tpu.memory_space<vmem>>, vector<16xf32>,
    tpu.vector_store %arg7[%swap3A_521], %broadcast_in_dim3A_3 {strides = array<i32>} : memref<4352xf32, #tpu.memory_space<vmem>>, vector<16xf32>,
    %swap3A_523 = arith.constant 4160 : index
    %swap3A_524 = tpu.vector_load %arg7[%swap3A_523] {strides = array<i32>} : memref<4352xf32, #tpu.memory_space<vmem>>, vector<16xf32>,
    tpu.vector_store %arg7[%swap3A_523], %broadcast_in_dim3A_3 {strides = array<i32>} : memref<4352xf32, #tpu.memory_space<vmem>>, vector<16xf32>,
    %swap3A_525 = arith.constant 4176 : index
    %swap3A_526 = tpu.vector_load %arg7[%swap3A_525] {strides = array<i32>} : memref<4352xf32, #tpu.memory_space<vmem>>, vector<16xf32>,
    tpu.vector_store %arg7[%swap3A_525], %broadcast_in_dim3A_3 {strides = array<i32>} : memref<4352xf32, #tpu.memory_space<vmem>>, vector<16xf32>,
    %swap3A_527 = arith.constant 4192 : index
    %swap3A_528 = tpu.vector_load %arg7[%swap3A_527] {strides = array<i32>} : memref<4352xf32, #tpu.memory_space<vmem>>, vector<16xf32>,
    tpu.vector_store %arg7[%swap3A_527], %broadcast_in_dim3A_3 {strides = array<i32>} : memref<4352xf32, #tpu.memory_space<vmem>>, vector<16xf32>,
    %swap3A_529 = arith.constant 4208 : index
    %swap3A_530 = tpu.vector_load %arg7[%swap3A_529] {strides = array<i32>} : memref<4352xf32, #tpu.memory_space<vmem>>, vector<16xf32>,
    tpu.vector_store %arg7[%swap3A_529], %broadcast_in_dim3A_3 {strides = array<i32>} : memref<4352xf32, #tpu.memory_space<vmem>>, vector<16xf32>,
    %swap3A_531 = arith.constant 4224 : index
    %swap3A_532 = tpu.vector_load %arg7[%swap3A_531] {strides = array<i32>} : memref<4352xf32, #tpu.memory_space<vmem>>, vector<16xf32>,
    tpu.vector_store %arg7[%swap3A_531], %broadcast_in_dim3A_3 {strides = array<i32>} : memref<4352xf32, #tpu.memory_space<vmem>>, vector<16xf32>,
    %swap3A_533 = arith.constant 4240 : index
    %swap3A_534 = tpu.vector_load %arg7[%swap3A_533] {strides = array<i32>} : memref<4352xf32, #tpu.memory_space<vmem>>, vector<16xf32>,
    tpu.vector_store %arg7[%swap3A_533], %broadcast_in_dim3A_3 {strides = array<i32>} : memref<4352xf32, #tpu.memory_space<vmem>>, vector<16xf32>,
    %swap3A_535 = arith.constant 4256 : index
    %swap3A_536 = tpu.vector_load %arg7[%swap3A_535] {strides = array<i32>} : memref<4352xf32, #tpu.memory_space<vmem>>, vector<16xf32>,
    tpu.vector_store %arg7[%swap3A_535], %broadcast_in_dim3A_3 {strides = array<i32>} : memref<4352xf32, #tpu.memory_space<vmem>>, vector<16xf32>,
    %swap3A_537 = arith.constant 4272 : index
    %swap3A_538 = tpu.vector_load %arg7[%swap3A_537] {strides = array<i32>} : memref<4352xf32, #tpu.memory_space<vmem>>, vector<16xf32>,
    tpu.vector_store %arg7[%swap3A_537], %broadcast_in_dim3A_3 {strides = array<i32>} : memref<4352xf32, #tpu.memory_space<vmem>>, vector<16xf32>,
    %swap3A_539 = arith.constant 4288 : index
    %swap3A_540 = tpu.vector_load %arg7[%swap3A_539] {strides = array<i32>} : memref<4352xf32, #tpu.memory_space<vmem>>, vector<16xf32>,
    tpu.vector_store %arg7[%swap3A_539], %broadcast_in_dim3A_3 {strides = array<i32>} : memref<4352xf32, #tpu.memory_space<vmem>>, vector<16xf32>,
    %swap3A_541 = arith.constant 4304 : index
    %swap3A_542 = tpu.vector_load %arg7[%swap3A_541] {strides = array<i32>} : memref<4352xf32, #tpu.memory_space<vmem>>, vector<16xf32>,
    tpu.vector_store %arg7[%swap3A_541], %broadcast_in_dim3A_3 {strides = array<i32>} : memref<4352xf32, #tpu.memory_space<vmem>>, vector<16xf32>,
    %swap3A_543 = arith.constant 4320 : index
    %swap3A_544 = tpu.vector_load %arg7[%swap3A_543] {strides = array<i32>} : memref<4352xf32, #tpu.memory_space<vmem>>, vector<16xf32>,
    tpu.vector_store %arg7[%swap3A_543], %broadcast_in_dim3A_3 {strides = array<i32>} : memref<4352xf32, #tpu.memory_space<vmem>>, vector<16xf32>,
    %swap3A_545 = arith.constant 4336 : index
    %swap3A_546 = tpu.vector_load %arg7[%swap3A_545] {strides = array<i32>} : memref<4352xf32, #tpu.memory_space<vmem>>, vector<16xf32>,
    tpu.vector_store %arg7[%swap3A_545], %broadcast_in_dim3A_3 {strides = array<i32>} : memref<4352xf32, #tpu.memory_space<vmem>>, vector<16xf32>,
    %iota3A = tpu.iota {dimensions = array<i32: 0>} : vector<16xi32>
    %mul3A_547 = arith.constant 33 : i32
    %mul3A_548 = vector.broadcast %mul3A_547 : i32 to vector<16xi32>
    %mul3A_549 = arith.muli %iota3A, %mul3A_548 : vector<16xi32>
    %add3A_550 = arith.constant 0 : i32
    %add3A_551 = vector.broadcast %add3A_550 : i32 to vector<16xi32>
    %add3A_552 = arith.addi %mul3A_549, %add3A_551 : vector<16xi32>
    %iota3A_553 = tpu.iota {dimensions = array<i32: 0>} : vector<16xi32>
    %mul3A_554 = arith.constant 33 : i32
    %mul3A_555 = vector.broadcast %mul3A_554 : i32 to vector<16xi32>
    %mul3A_556 = arith.muli %iota3A_553, %mul3A_555 : vector<16xi32>
    %add3A_557 = arith.constant 544 : i32
    %add3A_558 = vector.broadcast %add3A_557 : i32 to vector<16xi32>
    %add3A_559 = arith.addi %mul3A_556, %add3A_558 : vector<16xi32>
    %iota3A_560 = tpu.iota {dimensions = array<i32: 0>} : vector<16xi32>
    %mul3A_561 = arith.constant 33 : i32
    %mul3A_562 = vector.broadcast %mul3A_561 : i32 to vector<16xi32>
    %mul3A_563 = arith.muli %iota3A_560, %mul3A_562 : vector<16xi32>
    %add3A_564 = arith.constant 1088 : i32
    %add3A_565 = vector.broadcast %add3A_564 : i32 to vector<16xi32>
    %add3A_566 = arith.addi %mul3A_563, %add3A_565 : vector<16xi32>
    %iota3A_567 = tpu.iota {dimensions = array<i32: 0>} : vector<16xi32>
    %mul3A_568 = arith.constant 33 : i32
    %mul3A_569 = vector.broadcast %mul3A_568 : i32 to vector<16xi32>
    %mul3A_570 = arith.muli %iota3A_567, %mul3A_569 : vector<16xi32>
    %add3A_571 = arith.constant 1632 : i32
    %add3A_572 = vector.broadcast %add3A_571 : i32 to vector<16xi32>
    %add3A_573 = arith.addi %mul3A_570, %add3A_572 : vector<16xi32>
    %iota3A_574 = tpu.iota {dimensions = array<i32: 0>} : vector<16xi32>
    %mul3A_575 = arith.constant 33 : i32
    %mul3A_576 = vector.broadcast %mul3A_575 : i32 to vector<16xi32>
    %mul3A_577 = arith.muli %iota3A_574, %mul3A_576 : vector<16xi32>
    %add3A_578 = arith.constant 2176 : i32
    %add3A_579 = vector.broadcast %add3A_578 : i32 to vector<16xi32>
    %add3A_580 = arith.addi %mul3A_577, %add3A_579 : vector<16xi32>
    %iota3A_581 = tpu.iota {dimensions = array<i32: 0>} : vector<16xi32>
    %mul3A_582 = arith.constant 33 : i32
    %mul3A_583 = vector.broadcast %mul3A_582 : i32 to vector<16xi32>
    %mul3A_584 = arith.muli %iota3A_581, %mul3A_583 : vector<16xi32>
    %add3A_585 = arith.constant 2720 : i32
    %add3A_586 = vector.broadcast %add3A_585 : i32 to vector<16xi32>
    %add3A_587 = arith.addi %mul3A_584, %add3A_586 : vector<16xi32>
    %iota3A_588 = tpu.iota {dimensions = array<i32: 0>} : vector<16xi32>
    %mul3A_589 = arith.constant 33 : i32
    %mul3A_590 = vector.broadcast %mul3A_589 : i32 to vector<16xi32>
    %mul3A_591 = arith.muli %iota3A_588, %mul3A_590 : vector<16xi32>
    %add3A_592 = arith.constant 3264 : i32
    %add3A_593 = vector.broadcast %add3A_592 : i32 to vector<16xi32>
    %add3A_594 = arith.addi %mul3A_591, %add3A_593 : vector<16xi32>
    %iota3A_595 = tpu.iota {dimensions = array<i32: 0>} : vector<16xi32>
    %mul3A_596 = arith.constant 33 : i32
    %mul3A_597 = vector.broadcast %mul3A_596 : i32 to vector<16xi32>
    %mul3A_598 = arith.muli %iota3A_595, %mul3A_597 : vector<16xi32>
    %add3A_599 = arith.constant 3808 : i32
    %add3A_600 = vector.broadcast %add3A_599 : i32 to vector<16xi32>
    %add3A_601 = arith.addi %mul3A_598, %add3A_600 : vector<16xi32>
    %broadcast_in_dim3A_602 = arith.constant 1.000000e+00 : f32
    %broadcast_in_dim3A_603 = vector.broadcast %broadcast_in_dim3A_602 : f32 to vector<16xf32>
    %add3A_604 = arith.constant 0 : i32
    %add3A_605 = arith.addi %mul3A_2, %add3A_604 : i32
    %dma_start3A = arith.constant 0 : i32
    %dma_start3A_606 = arith.constant 0 : i32
    %dma_start3A_607 = tpu.memref_slice %arg5[%dma_start3A, %dma_start3A_606] : memref<2x16384xf32, #tpu.memory_space<vmem>> -> memref<1x16384xf32, #tpu.memory_space<vmem>>
    %dma_start3A_608 = tpu.memref_squeeze %dma_start3A_607 : memref<1x16384xf32, #tpu.memory_space<vmem>> -> memref<16384xf32, #tpu.memory_space<vmem>>
    %dma_start3A_609 = tpu.memref_slice %arg2[%add3A_605] : memref<33554432xf32, #tpu.memory_space<hbm>> -> memref<16384xf32, #tpu.memory_space<hbm>>
    %dma_start3A_610 = arith.constant 0 : i32
    %dma_start3A_611 = tpu.memref_slice %arg5[%dma_start3A, %dma_start3A_610] : memref<2x16384xf32, #tpu.memory_space<vmem>> -> memref<1x16384xf32, #tpu.memory_space<vmem>>
    %dma_start3A_612 = tpu.memref_squeeze %dma_start3A_611 : memref<1x16384xf32, #tpu.memory_space<vmem>> -> memref<16384xf32, #tpu.memory_space<vmem>>
    %dma_start3A_613 = tpu.memref_slice %arg2[%add3A_605] : memref<33554432xf32, #tpu.memory_space<hbm>> -> memref<16384xf32, #tpu.memory_space<hbm>>
    tpu.enqueue_dma source(%dma_start3A_613 : memref<16384xf32, #tpu.memory_space<hbm>>) target(%dma_start3A_612 : memref<16384xf32, #tpu.memory_space<vmem>>) target_semaphore(%arg9 : memref<!tpu.dma_semaphore, #tpu.memory_space<semaphore_mem>>)
    %dma_start3A_614 = arith.constant 0 : i32
    %dma_start3A_615 = arith.constant 0 : i32
    %dma_start3A_616 = tpu.memref_slice %arg6[%dma_start3A_614, %dma_start3A_615] : memref<2x16384xf32, #tpu.memory_space<vmem>> -> memref<1x16384xf32, #tpu.memory_space<vmem>>
    %dma_start3A_617 = tpu.memref_squeeze %dma_start3A_616 : memref<1x16384xf32, #tpu.memory_space<vmem>> -> memref<16384xf32, #tpu.memory_space<vmem>>
    %dma_start3A_618 = tpu.memref_slice %arg3[%add3A_605] : memref<33554432xf32, #tpu.memory_space<hbm>> -> memref<16384xf32, #tpu.memory_space<hbm>>
    %dma_start3A_619 = arith.constant 0 : i32
    %dma_start3A_620 = tpu.memref_slice %arg6[%dma_start3A_614, %dma_start3A_619] : memref<2x16384xf32, #tpu.memory_space<vmem>> -> memref<1x16384xf32, #tpu.memory_space<vmem>>
    %dma_start3A_621 = tpu.memref_squeeze %dma_start3A_620 : memref<1x16384xf32, #tpu.memory_space<vmem>> -> memref<16384xf32, #tpu.memory_space<vmem>>
    %dma_start3A_622 = tpu.memref_slice %arg3[%add3A_605] : memref<33554432xf32, #tpu.memory_space<hbm>> -> memref<16384xf32, #tpu.memory_space<hbm>>
    tpu.enqueue_dma source(%dma_start3A_622 : memref<16384xf32, #tpu.memory_space<hbm>>) target(%dma_start3A_621 : memref<16384xf32, #tpu.memory_space<vmem>>) target_semaphore(%arg11 : memref<!tpu.dma_semaphore, #tpu.memory_space<semaphore_mem>>)
    %scan3A = arith.constant 0 : i32
    %scan3A_623 = arith.constant 0 : i32
    %scan3A_624 = arith.constant 32 : i32
    %scan3A_625 = arith.addi %scan3A_623, %scan3A_624 : i32
    %scan3A_626 = arith.constant 1 : i32
    %scan3A_627 = scf.for %scan3A_1421 = %scan3A_623 to %scan3A_625 step %scan3A_626 iter_args(%scan3A_1422 = %scan3A) -> (i32)  : i32 {
      %mul3A_1423 = arith.constant 2 : i32
      %mul3A_1424 = arith.muli %scan3A_1421, %mul3A_1423 : i32
      %add3A_1425 = arith.constant 1 : i32
      %add3A_1426 = arith.addi %mul3A_1424, %add3A_1425 : i32
      %mul3A_1427 = arith.constant 16384 : i32
      %mul3A_1428 = arith.muli %add3A_1426, %mul3A_1427 : i32
      %add3A_1429 = arith.addi %mul3A_2, %mul3A_1428 : i32
      %dma_start3A_1430 = arith.constant 1 : i32
      %dma_start3A_1431 = arith.constant 0 : i32
      %dma_start3A_1432 = tpu.memref_slice %arg5[%dma_start3A_1430, %dma_start3A_1431] : memref<2x16384xf32, #tpu.memory_space<vmem>> -> memref<1x16384xf32, #tpu.memory_space<vmem>>
      %dma_start3A_1433 = tpu.memref_squeeze %dma_start3A_1432 : memref<1x16384xf32, #tpu.memory_space<vmem>> -> memref<16384xf32, #tpu.memory_space<vmem>>
      %dma_start3A_1434 = tpu.memref_slice %arg2[%add3A_1429] : memref<33554432xf32, #tpu.memory_space<hbm>> -> memref<16384xf32, #tpu.memory_space<hbm>>
      %dma_start3A_1435 = arith.constant 0 : i32
      %dma_start3A_1436 = tpu.memref_slice %arg5[%dma_start3A_1430, %dma_start3A_1435] : memref<2x16384xf32, #tpu.memory_space<vmem>> -> memref<1x16384xf32, #tpu.memory_space<vmem>>
      %dma_start3A_1437 = tpu.memref_squeeze %dma_start3A_1436 : memref<1x16384xf32, #tpu.memory_space<vmem>> -> memref<16384xf32, #tpu.memory_space<vmem>>
      %dma_start3A_1438 = tpu.memref_slice %arg2[%add3A_1429] : memref<33554432xf32, #tpu.memory_space<hbm>> -> memref<16384xf32, #tpu.memory_space<hbm>>
      tpu.enqueue_dma source(%dma_start3A_1438 : memref<16384xf32, #tpu.memory_space<hbm>>) target(%dma_start3A_1437 : memref<16384xf32, #tpu.memory_space<vmem>>) target_semaphore(%arg10 : memref<!tpu.dma_semaphore, #tpu.memory_space<semaphore_mem>>)
      %dma_start3A_1439 = arith.constant 1 : i32
      %dma_start3A_1440 = arith.constant 0 : i32
      %dma_start3A_1441 = tpu.memref_slice %arg6[%dma_start3A_1439, %dma_start3A_1440] : memref<2x16384xf32, #tpu.memory_space<vmem>> -> memref<1x16384xf32, #tpu.memory_space<vmem>>
      %dma_start3A_1442 = tpu.memref_squeeze %dma_start3A_1441 : memref<1x16384xf32, #tpu.memory_space<vmem>> -> memref<16384xf32, #tpu.memory_space<vmem>>
      %dma_start3A_1443 = tpu.memref_slice %arg3[%add3A_1429] : memref<33554432xf32, #tpu.memory_space<hbm>> -> memref<16384xf32, #tpu.memory_space<hbm>>
      %dma_start3A_1444 = arith.constant 0 : i32
      %dma_start3A_1445 = tpu.memref_slice %arg6[%dma_start3A_1439, %dma_start3A_1444] : memref<2x16384xf32, #tpu.memory_space<vmem>> -> memref<1x16384xf32, #tpu.memory_space<vmem>>
      %dma_start3A_1446 = tpu.memref_squeeze %dma_start3A_1445 : memref<1x16384xf32, #tpu.memory_space<vmem>> -> memref<16384xf32, #tpu.memory_space<vmem>>
      %dma_start3A_1447 = tpu.memref_slice %arg3[%add3A_1429] : memref<33554432xf32, #tpu.memory_space<hbm>> -> memref<16384xf32, #tpu.memory_space<hbm>>
      tpu.enqueue_dma source(%dma_start3A_1447 : memref<16384xf32, #tpu.memory_space<hbm>>) target(%dma_start3A_1446 : memref<16384xf32, #tpu.memory_space<vmem>>) target_semaphore(%arg12 : memref<!tpu.dma_semaphore, #tpu.memory_space<semaphore_mem>>)
      %dma_wait3A_1448 = arith.constant 0 : i32
      %dma_wait3A_1449 = arith.constant 0 : i32
      %dma_wait3A_1450 = tpu.memref_slice %arg5[%dma_wait3A_1448, %dma_wait3A_1449] : memref<2x16384xf32, #tpu.memory_space<vmem>> -> memref<1x16384xf32, #tpu.memory_space<vmem>>
      %dma_wait3A_1451 = tpu.memref_squeeze %dma_wait3A_1450 : memref<1x16384xf32, #tpu.memory_space<vmem>> -> memref<16384xf32, #tpu.memory_space<vmem>>
      %dma_wait3A_1452 = arith.constant 0 : i32
      %dma_wait3A_1453 = tpu.memref_slice %arg2[%dma_wait3A_1452] : memref<33554432xf32, #tpu.memory_space<hbm>> -> memref<16384xf32, #tpu.memory_space<hbm>>
      %dma_wait3A_1454 = arith.constant 0 : i32
      %dma_wait3A_1455 = tpu.memref_slice %arg5[%dma_wait3A_1448, %dma_wait3A_1454] : memref<2x16384xf32, #tpu.memory_space<vmem>> -> memref<1x16384xf32, #tpu.memory_space<vmem>>
      %dma_wait3A_1456 = tpu.memref_squeeze %dma_wait3A_1455 : memref<1x16384xf32, #tpu.memory_space<vmem>> -> memref<16384xf32, #tpu.memory_space<vmem>>
      %dma_wait3A_1457 = arith.constant 0 : i32
      %dma_wait3A_1458 = tpu.memref_slice %arg2[%dma_wait3A_1457] : memref<33554432xf32, #tpu.memory_space<hbm>> -> memref<16384xf32, #tpu.memory_space<hbm>>
      tpu.wait_dma2 semaphore(%arg9 : memref<!tpu.dma_semaphore, #tpu.memory_space<semaphore_mem>>) src(%dma_wait3A_1458 : memref<16384xf32, #tpu.memory_space<hbm>>) dst(%dma_wait3A_1456 : memref<16384xf32, #tpu.memory_space<vmem>>)
      %dma_wait3A_1459 = arith.constant 0 : i32
      %dma_wait3A_1460 = arith.constant 0 : i32
      %dma_wait3A_1461 = tpu.memref_slice %arg6[%dma_wait3A_1459, %dma_wait3A_1460] : memref<2x16384xf32, #tpu.memory_space<vmem>> -> memref<1x16384xf32, #tpu.memory_space<vmem>>
      %dma_wait3A_1462 = tpu.memref_squeeze %dma_wait3A_1461 : memref<1x16384xf32, #tpu.memory_space<vmem>> -> memref<16384xf32, #tpu.memory_space<vmem>>
      %dma_wait3A_1463 = arith.constant 0 : i32
      %dma_wait3A_1464 = tpu.memref_slice %arg3[%dma_wait3A_1463] : memref<33554432xf32, #tpu.memory_space<hbm>> -> memref<16384xf32, #tpu.memory_space<hbm>>
      %dma_wait3A_1465 = arith.constant 0 : i32
      %dma_wait3A_1466 = tpu.memref_slice %arg6[%dma_wait3A_1459, %dma_wait3A_1465] : memref<2x16384xf32, #tpu.memory_space<vmem>> -> memref<1x16384xf32, #tpu.memory_space<vmem>>
      %dma_wait3A_1467 = tpu.memref_squeeze %dma_wait3A_1466 : memref<1x16384xf32, #tpu.memory_space<vmem>> -> memref<16384xf32, #tpu.memory_space<vmem>>
      %dma_wait3A_1468 = arith.constant 0 : i32
      %dma_wait3A_1469 = tpu.memref_slice %arg3[%dma_wait3A_1468] : memref<33554432xf32, #tpu.memory_space<hbm>> -> memref<16384xf32, #tpu.memory_space<hbm>>
      tpu.wait_dma2 semaphore(%arg11 : memref<!tpu.dma_semaphore, #tpu.memory_space<semaphore_mem>>) src(%dma_wait3A_1469 : memref<16384xf32, #tpu.memory_space<hbm>>) dst(%dma_wait3A_1467 : memref<16384xf32, #tpu.memory_space<vmem>>)
      %scan3A_1470 = arith.constant 0 : i32
      %scan3A_1471 = arith.constant 0 : i32
      %scan3A_1472 = arith.constant 128 : i32
      %scan3A_1473 = arith.addi %scan3A_1471, %scan3A_1472 : i32
      %scan3A_1474 = arith.constant 1 : i32
      %scan3A_1475 = scf.for %scan3A_1531 = %scan3A_1471 to %scan3A_1473 step %scan3A_1474 iter_args(%scan3A_1532 = %scan3A_1470) -> (i32)  : i32 {
        %mul3A_1533 = arith.constant 128 : i32
        %mul3A_1534 = arith.muli %scan3A_1531, %mul3A_1533 : i32
        %add3A_1535 = arith.constant 0 : i32
        %add3A_1536 = arith.addi %mul3A_1534, %add3A_1535 : i32
        %get3A_1537 = arith.constant 0 : i32
        %get3A_1538 = arith.index_cast %get3A_1537 : i32 to index
        %get3A_1539 = arith.index_cast %add3A_1536 : i32 to index
        %get3A_1540 = tpu.vector_load %arg5[%get3A_1538, %get3A_1539] {strides = array<i32>} : memref<2x16384xf32, #tpu.memory_space<vmem>>, vector<16xf32>,
        %add3A_1541 = arith.constant 0 : i32
        %add3A_1542 = arith.addi %mul3A_1534, %add3A_1541 : i32
        %get3A_1543 = arith.constant 0 : i32
        %get3A_1544 = arith.index_cast %get3A_1543 : i32 to index
        %get3A_1545 = arith.index_cast %add3A_1542 : i32 to index
        %get3A_1546 = tpu.vector_load %arg6[%get3A_1544, %get3A_1545] {strides = array<i32>} : memref<2x16384xf32, #tpu.memory_space<vmem>>, vector<16xf32>,
        %sub3A = arith.subf %get3A_1540, %get3A_1546 : vector<16xf32>
        %abs3A = math.absf %sub3A : vector<16xf32>
        %mul3A_1547 = arith.constant 29.9990234 : f32
        %mul3A_1548 = vector.broadcast %mul3A_1547 : f32 to vector<16xf32>
        %mul3A_1549 = arith.mulf %abs3A, %mul3A_1548 : vector<16xf32>
        %convert_element_type3A = arith.fptosi %mul3A_1549 : vector<16xf32> to vector<16xi32>
        %add3A_1550 = arith.addi %convert_element_type3A, %add3A_552 : vector<16xi32>
        tpu.vector_store_idx %arg7[%add3A_1550], %broadcast_in_dim3A_603 {add = true} : memref<4352xf32, #tpu.memory_space<vmem>>[vector<16xi32>], vector<16xf32>,
        %add3A_1551 = arith.constant 16 : i32
        %add3A_1552 = arith.addi %mul3A_1534, %add3A_1551 : i32
        %get3A_1553 = arith.constant 0 : i32
        %get3A_1554 = arith.index_cast %get3A_1553 : i32 to index
        %get3A_1555 = arith.index_cast %add3A_1552 : i32 to index
        %get3A_1556 = tpu.vector_load %arg5[%get3A_1554, %get3A_1555] {strides = array<i32>} : memref<2x16384xf32, #tpu.memory_space<vmem>>, vector<16xf32>,
        %add3A_1557 = arith.constant 16 : i32
        %add3A_1558 = arith.addi %mul3A_1534, %add3A_1557 : i32
        %get3A_1559 = arith.constant 0 : i32
        %get3A_1560 = arith.index_cast %get3A_1559 : i32 to index
        %get3A_1561 = arith.index_cast %add3A_1558 : i32 to index
        %get3A_1562 = tpu.vector_load %arg6[%get3A_1560, %get3A_1561] {strides = array<i32>} : memref<2x16384xf32, #tpu.memory_space<vmem>>, vector<16xf32>,
        %sub3A_1563 = arith.subf %get3A_1556, %get3A_1562 : vector<16xf32>
        %abs3A_1564 = math.absf %sub3A_1563 : vector<16xf32>
        %mul3A_1565 = arith.constant 29.9990234 : f32
        %mul3A_1566 = vector.broadcast %mul3A_1565 : f32 to vector<16xf32>
        %mul3A_1567 = arith.mulf %abs3A_1564, %mul3A_1566 : vector<16xf32>
        %convert_element_type3A_1568 = arith.fptosi %mul3A_1567 : vector<16xf32> to vector<16xi32>
        %add3A_1569 = arith.addi %convert_element_type3A_1568, %add3A_559 : vector<16xi32>
        tpu.vector_store_idx %arg7[%add3A_1569], %broadcast_in_dim3A_603 {add = true} : memref<4352xf32, #tpu.memory_space<vmem>>[vector<16xi32>], vector<16xf32>,
        %add3A_1570 = arith.constant 32 : i32
        %add3A_1571 = arith.addi %mul3A_1534, %add3A_1570 : i32
        %get3A_1572 = arith.constant 0 : i32
        %get3A_1573 = arith.index_cast %get3A_1572 : i32 to index
        %get3A_1574 = arith.index_cast %add3A_1571 : i32 to index
        %get3A_1575 = tpu.vector_load %arg5[%get3A_1573, %get3A_1574] {strides = array<i32>} : memref<2x16384xf32, #tpu.memory_space<vmem>>, vector<16xf32>,
        %add3A_1576 = arith.constant 32 : i32
        %add3A_1577 = arith.addi %mul3A_1534, %add3A_1576 : i32
        %get3A_1578 = arith.constant 0 : i32
        %get3A_1579 = arith.index_cast %get3A_1578 : i32 to index
        %get3A_1580 = arith.index_cast %add3A_1577 : i32 to index
        %get3A_1581 = tpu.vector_load %arg6[%get3A_1579, %get3A_1580] {strides = array<i32>} : memref<2x16384xf32, #tpu.memory_space<vmem>>, vector<16xf32>,
        %sub3A_1582 = arith.subf %get3A_1575, %get3A_1581 : vector<16xf32>
        %abs3A_1583 = math.absf %sub3A_1582 : vector<16xf32>
        %mul3A_1584 = arith.constant 29.9990234 : f32
        %mul3A_1585 = vector.broadcast %mul3A_1584 : f32 to vector<16xf32>
        %mul3A_1586 = arith.mulf %abs3A_1583, %mul3A_1585 : vector<16xf32>
        %convert_element_type3A_1587 = arith.fptosi %mul3A_1586 : vector<16xf32> to vector<16xi32>
        %add3A_1588 = arith.addi %convert_element_type3A_1587, %add3A_566 : vector<16xi32>
        tpu.vector_store_idx %arg7[%add3A_1588], %broadcast_in_dim3A_603 {add = true} : memref<4352xf32, #tpu.memory_space<vmem>>[vector<16xi32>], vector<16xf32>,
        %add3A_1589 = arith.constant 48 : i32
        %add3A_1590 = arith.addi %mul3A_1534, %add3A_1589 : i32
        %get3A_1591 = arith.constant 0 : i32
        %get3A_1592 = arith.index_cast %get3A_1591 : i32 to index
        %get3A_1593 = arith.index_cast %add3A_1590 : i32 to index
        %get3A_1594 = tpu.vector_load %arg5[%get3A_1592, %get3A_1593] {strides = array<i32>} : memref<2x16384xf32, #tpu.memory_space<vmem>>, vector<16xf32>,
        %add3A_1595 = arith.constant 48 : i32
        %add3A_1596 = arith.addi %mul3A_1534, %add3A_1595 : i32
        %get3A_1597 = arith.constant 0 : i32
        %get3A_1598 = arith.index_cast %get3A_1597 : i32 to index
        %get3A_1599 = arith.index_cast %add3A_1596 : i32 to index
        %get3A_1600 = tpu.vector_load %arg6[%get3A_1598, %get3A_1599] {strides = array<i32>} : memref<2x16384xf32, #tpu.memory_space<vmem>>, vector<16xf32>,
        %sub3A_1601 = arith.subf %get3A_1594, %get3A_1600 : vector<16xf32>
        %abs3A_1602 = math.absf %sub3A_1601 : vector<16xf32>
        %mul3A_1603 = arith.constant 29.9990234 : f32
        %mul3A_1604 = vector.broadcast %mul3A_1603 : f32 to vector<16xf32>
        %mul3A_1605 = arith.mulf %abs3A_1602, %mul3A_1604 : vector<16xf32>
        %convert_element_type3A_1606 = arith.fptosi %mul3A_1605 : vector<16xf32> to vector<16xi32>
        %add3A_1607 = arith.addi %convert_element_type3A_1606, %add3A_573 : vector<16xi32>
        tpu.vector_store_idx %arg7[%add3A_1607], %broadcast_in_dim3A_603 {add = true} : memref<4352xf32, #tpu.memory_space<vmem>>[vector<16xi32>], vector<16xf32>,
        %add3A_1608 = arith.constant 64 : i32
        %add3A_1609 = arith.addi %mul3A_1534, %add3A_1608 : i32
        %get3A_1610 = arith.constant 0 : i32
        %get3A_1611 = arith.index_cast %get3A_1610 : i32 to index
        %get3A_1612 = arith.index_cast %add3A_1609 : i32 to index
        %get3A_1613 = tpu.vector_load %arg5[%get3A_1611, %get3A_1612] {strides = array<i32>} : memref<2x16384xf32, #tpu.memory_space<vmem>>, vector<16xf32>,
        %add3A_1614 = arith.constant 64 : i32
        %add3A_1615 = arith.addi %mul3A_1534, %add3A_1614 : i32
        %get3A_1616 = arith.constant 0 : i32
        %get3A_1617 = arith.index_cast %get3A_1616 : i32 to index
        %get3A_1618 = arith.index_cast %add3A_1615 : i32 to index
        %get3A_1619 = tpu.vector_load %arg6[%get3A_1617, %get3A_1618] {strides = array<i32>} : memref<2x16384xf32, #tpu.memory_space<vmem>>, vector<16xf32>,
        %sub3A_1620 = arith.subf %get3A_1613, %get3A_1619 : vector<16xf32>
        %abs3A_1621 = math.absf %sub3A_1620 : vector<16xf32>
        %mul3A_1622 = arith.constant 29.9990234 : f32
        %mul3A_1623 = vector.broadcast %mul3A_1622 : f32 to vector<16xf32>
        %mul3A_1624 = arith.mulf %abs3A_1621, %mul3A_1623 : vector<16xf32>
        %convert_element_type3A_1625 = arith.fptosi %mul3A_1624 : vector<16xf32> to vector<16xi32>
        %add3A_1626 = arith.addi %convert_element_type3A_1625, %add3A_580 : vector<16xi32>
        tpu.vector_store_idx %arg7[%add3A_1626], %broadcast_in_dim3A_603 {add = true} : memref<4352xf32, #tpu.memory_space<vmem>>[vector<16xi32>], vector<16xf32>,
        %add3A_1627 = arith.constant 80 : i32
        %add3A_1628 = arith.addi %mul3A_1534, %add3A_1627 : i32
        %get3A_1629 = arith.constant 0 : i32
        %get3A_1630 = arith.index_cast %get3A_1629 : i32 to index
        %get3A_1631 = arith.index_cast %add3A_1628 : i32 to index
        %get3A_1632 = tpu.vector_load %arg5[%get3A_1630, %get3A_1631] {strides = array<i32>} : memref<2x16384xf32, #tpu.memory_space<vmem>>, vector<16xf32>,
        %add3A_1633 = arith.constant 80 : i32
        %add3A_1634 = arith.addi %mul3A_1534, %add3A_1633 : i32
        %get3A_1635 = arith.constant 0 : i32
        %get3A_1636 = arith.index_cast %get3A_1635 : i32 to index
        %get3A_1637 = arith.index_cast %add3A_1634 : i32 to index
        %get3A_1638 = tpu.vector_load %arg6[%get3A_1636, %get3A_1637] {strides = array<i32>} : memref<2x16384xf32, #tpu.memory_space<vmem>>, vector<16xf32>,
        %sub3A_1639 = arith.subf %get3A_1632, %get3A_1638 : vector<16xf32>
        %abs3A_1640 = math.absf %sub3A_1639 : vector<16xf32>
        %mul3A_1641 = arith.constant 29.9990234 : f32
        %mul3A_1642 = vector.broadcast %mul3A_1641 : f32 to vector<16xf32>
        %mul3A_1643 = arith.mulf %abs3A_1640, %mul3A_1642 : vector<16xf32>
        %convert_element_type3A_1644 = arith.fptosi %mul3A_1643 : vector<16xf32> to vector<16xi32>
        %add3A_1645 = arith.addi %convert_element_type3A_1644, %add3A_587 : vector<16xi32>
        tpu.vector_store_idx %arg7[%add3A_1645], %broadcast_in_dim3A_603 {add = true} : memref<4352xf32, #tpu.memory_space<vmem>>[vector<16xi32>], vector<16xf32>,
        %add3A_1646 = arith.constant 96 : i32
        %add3A_1647 = arith.addi %mul3A_1534, %add3A_1646 : i32
        %get3A_1648 = arith.constant 0 : i32
        %get3A_1649 = arith.index_cast %get3A_1648 : i32 to index
        %get3A_1650 = arith.index_cast %add3A_1647 : i32 to index
        %get3A_1651 = tpu.vector_load %arg5[%get3A_1649, %get3A_1650] {strides = array<i32>} : memref<2x16384xf32, #tpu.memory_space<vmem>>, vector<16xf32>,
        %add3A_1652 = arith.constant 96 : i32
        %add3A_1653 = arith.addi %mul3A_1534, %add3A_1652 : i32
        %get3A_1654 = arith.constant 0 : i32
        %get3A_1655 = arith.index_cast %get3A_1654 : i32 to index
        %get3A_1656 = arith.index_cast %add3A_1653 : i32 to index
        %get3A_1657 = tpu.vector_load %arg6[%get3A_1655, %get3A_1656] {strides = array<i32>} : memref<2x16384xf32, #tpu.memory_space<vmem>>, vector<16xf32>,
        %sub3A_1658 = arith.subf %get3A_1651, %get3A_1657 : vector<16xf32>
        %abs3A_1659 = math.absf %sub3A_1658 : vector<16xf32>
        %mul3A_1660 = arith.constant 29.9990234 : f32
        %mul3A_1661 = vector.broadcast %mul3A_1660 : f32 to vector<16xf32>
        %mul3A_1662 = arith.mulf %abs3A_1659, %mul3A_1661 : vector<16xf32>
        %convert_element_type3A_1663 = arith.fptosi %mul3A_1662 : vector<16xf32> to vector<16xi32>
        %add3A_1664 = arith.addi %convert_element_type3A_1663, %add3A_594 : vector<16xi32>
        tpu.vector_store_idx %arg7[%add3A_1664], %broadcast_in_dim3A_603 {add = true} : memref<4352xf32, #tpu.memory_space<vmem>>[vector<16xi32>], vector<16xf32>,
        %add3A_1665 = arith.constant 112 : i32
        %add3A_1666 = arith.addi %mul3A_1534, %add3A_1665 : i32
        %get3A_1667 = arith.constant 0 : i32
        %get3A_1668 = arith.index_cast %get3A_1667 : i32 to index
        %get3A_1669 = arith.index_cast %add3A_1666 : i32 to index
        %get3A_1670 = tpu.vector_load %arg5[%get3A_1668, %get3A_1669] {strides = array<i32>} : memref<2x16384xf32, #tpu.memory_space<vmem>>, vector<16xf32>,
        %add3A_1671 = arith.constant 112 : i32
        %add3A_1672 = arith.addi %mul3A_1534, %add3A_1671 : i32
        %get3A_1673 = arith.constant 0 : i32
        %get3A_1674 = arith.index_cast %get3A_1673 : i32 to index
        %get3A_1675 = arith.index_cast %add3A_1672 : i32 to index
        %get3A_1676 = tpu.vector_load %arg6[%get3A_1674, %get3A_1675] {strides = array<i32>} : memref<2x16384xf32, #tpu.memory_space<vmem>>, vector<16xf32>,
        %sub3A_1677 = arith.subf %get3A_1670, %get3A_1676 : vector<16xf32>
        %abs3A_1678 = math.absf %sub3A_1677 : vector<16xf32>
        %mul3A_1679 = arith.constant 29.9990234 : f32
        %mul3A_1680 = vector.broadcast %mul3A_1679 : f32 to vector<16xf32>
        %mul3A_1681 = arith.mulf %abs3A_1678, %mul3A_1680 : vector<16xf32>
        %convert_element_type3A_1682 = arith.fptosi %mul3A_1681 : vector<16xf32> to vector<16xi32>
        %add3A_1683 = arith.addi %convert_element_type3A_1682, %add3A_601 : vector<16xi32>
        tpu.vector_store_idx %arg7[%add3A_1683], %broadcast_in_dim3A_603 {add = true} : memref<4352xf32, #tpu.memory_space<vmem>>[vector<16xi32>], vector<16xf32>,
        %scan3A_1684 = arith.constant 0 : i32
        scf.yield %scan3A_1684 : i32
      }
      %scan3A_1476 = arith.constant 128 : i32
      %add3A_1477 = arith.constant 2 : i32
      %add3A_1478 = arith.addi %mul3A_1424, %add3A_1477 : i32
      %min3A = arith.constant 63 : i32
      %min3A_1479 = arith.minsi %add3A_1478, %min3A : i32
      %mul3A_1480 = arith.constant 16384 : i32
      %mul3A_1481 = arith.muli %min3A_1479, %mul3A_1480 : i32
      %add3A_1482 = arith.addi %mul3A_2, %mul3A_1481 : i32
      %dma_start3A_1483 = arith.constant 0 : i32
      %dma_start3A_1484 = arith.constant 0 : i32
      %dma_start3A_1485 = tpu.memref_slice %arg5[%dma_start3A_1483, %dma_start3A_1484] : memref<2x16384xf32, #tpu.memory_space<vmem>> -> memref<1x16384xf32, #tpu.memory_space<vmem>>
      %dma_start3A_1486 = tpu.memref_squeeze %dma_start3A_1485 : memref<1x16384xf32, #tpu.memory_space<vmem>> -> memref<16384xf32, #tpu.memory_space<vmem>>
      %dma_start3A_1487 = tpu.memref_slice %arg2[%add3A_1482] : memref<33554432xf32, #tpu.memory_space<hbm>> -> memref<16384xf32, #tpu.memory_space<hbm>>
      %dma_start3A_1488 = arith.constant 0 : i32
      %dma_start3A_1489 = tpu.memref_slice %arg5[%dma_start3A_1483, %dma_start3A_1488] : memref<2x16384xf32, #tpu.memory_space<vmem>> -> memref<1x16384xf32, #tpu.memory_space<vmem>>
      %dma_start3A_1490 = tpu.memref_squeeze %dma_start3A_1489 : memref<1x16384xf32, #tpu.memory_space<vmem>> -> memref<16384xf32, #tpu.memory_space<vmem>>
      %dma_start3A_1491 = tpu.memref_slice %arg2[%add3A_1482] : memref<33554432xf32, #tpu.memory_space<hbm>> -> memref<16384xf32, #tpu.memory_space<hbm>>
      tpu.enqueue_dma source(%dma_start3A_1491 : memref<16384xf32, #tpu.memory_space<hbm>>) target(%dma_start3A_1490 : memref<16384xf32, #tpu.memory_space<vmem>>) target_semaphore(%arg9 : memref<!tpu.dma_semaphore, #tpu.memory_space<semaphore_mem>>)
      %dma_start3A_1492 = arith.constant 0 : i32
      %dma_start3A_1493 = arith.constant 0 : i32
      %dma_start3A_1494 = tpu.memref_slice %arg6[%dma_start3A_1492, %dma_start3A_1493] : memref<2x16384xf32, #tpu.memory_space<vmem>> -> memref<1x16384xf32, #tpu.memory_space<vmem>>
      %dma_start3A_1495 = tpu.memref_squeeze %dma_start3A_1494 : memref<1x16384xf32, #tpu.memory_space<vmem>> -> memref<16384xf32, #tpu.memory_space<vmem>>
      %dma_start3A_1496 = tpu.memref_slice %arg3[%add3A_1482] : memref<33554432xf32, #tpu.memory_space<hbm>> -> memref<16384xf32, #tpu.memory_space<hbm>>
      %dma_start3A_1497 = arith.constant 0 : i32
      %dma_start3A_1498 = tpu.memref_slice %arg6[%dma_start3A_1492, %dma_start3A_1497] : memref<2x16384xf32, #tpu.memory_space<vmem>> -> memref<1x16384xf32, #tpu.memory_space<vmem>>
      %dma_start3A_1499 = tpu.memref_squeeze %dma_start3A_1498 : memref<1x16384xf32, #tpu.memory_space<vmem>> -> memref<16384xf32, #tpu.memory_space<vmem>>
      %dma_start3A_1500 = tpu.memref_slice %arg3[%add3A_1482] : memref<33554432xf32, #tpu.memory_space<hbm>> -> memref<16384xf32, #tpu.memory_space<hbm>>
      tpu.enqueue_dma source(%dma_start3A_1500 : memref<16384xf32, #tpu.memory_space<hbm>>) target(%dma_start3A_1499 : memref<16384xf32, #tpu.memory_space<vmem>>) target_semaphore(%arg11 : memref<!tpu.dma_semaphore, #tpu.memory_space<semaphore_mem>>)
      %dma_wait3A_1501 = arith.constant 1 : i32
      %dma_wait3A_1502 = arith.constant 0 : i32
      %dma_wait3A_1503 = tpu.memref_slice %arg5[%dma_wait3A_1501, %dma_wait3A_1502] : memref<2x16384xf32, #tpu.memory_space<vmem>> -> memref<1x16384xf32, #tpu.memory_space<vmem>>
      %dma_wait3A_1504 = tpu.memref_squeeze %dma_wait3A_1503 : memref<1x16384xf32, #tpu.memory_space<vmem>> -> memref<16384xf32, #tpu.memory_space<vmem>>
      %dma_wait3A_1505 = arith.constant 0 : i32
      %dma_wait3A_1506 = tpu.memref_slice %arg2[%dma_wait3A_1505] : memref<33554432xf32, #tpu.memory_space<hbm>> -> memref<16384xf32, #tpu.memory_space<hbm>>
      %dma_wait3A_1507 = arith.constant 0 : i32
      %dma_wait3A_1508 = tpu.memref_slice %arg5[%dma_wait3A_1501, %dma_wait3A_1507] : memref<2x16384xf32, #tpu.memory_space<vmem>> -> memref<1x16384xf32, #tpu.memory_space<vmem>>
      %dma_wait3A_1509 = tpu.memref_squeeze %dma_wait3A_1508 : memref<1x16384xf32, #tpu.memory_space<vmem>> -> memref<16384xf32, #tpu.memory_space<vmem>>
      %dma_wait3A_1510 = arith.constant 0 : i32
      %dma_wait3A_1511 = tpu.memref_slice %arg2[%dma_wait3A_1510] : memref<33554432xf32, #tpu.memory_space<hbm>> -> memref<16384xf32, #tpu.memory_space<hbm>>
      tpu.wait_dma2 semaphore(%arg10 : memref<!tpu.dma_semaphore, #tpu.memory_space<semaphore_mem>>) src(%dma_wait3A_1511 : memref<16384xf32, #tpu.memory_space<hbm>>) dst(%dma_wait3A_1509 : memref<16384xf32, #tpu.memory_space<vmem>>)
      %dma_wait3A_1512 = arith.constant 1 : i32
      %dma_wait3A_1513 = arith.constant 0 : i32
      %dma_wait3A_1514 = tpu.memref_slice %arg6[%dma_wait3A_1512, %dma_wait3A_1513] : memref<2x16384xf32, #tpu.memory_space<vmem>> -> memref<1x16384xf32, #tpu.memory_space<vmem>>
      %dma_wait3A_1515 = tpu.memref_squeeze %dma_wait3A_1514 : memref<1x16384xf32, #tpu.memory_space<vmem>> -> memref<16384xf32, #tpu.memory_space<vmem>>
      %dma_wait3A_1516 = arith.constant 0 : i32
      %dma_wait3A_1517 = tpu.memref_slice %arg3[%dma_wait3A_1516] : memref<33554432xf32, #tpu.memory_space<hbm>> -> memref<16384xf32, #tpu.memory_space<hbm>>
      %dma_wait3A_1518 = arith.constant 0 : i32
      %dma_wait3A_1519 = tpu.memref_slice %arg6[%dma_wait3A_1512, %dma_wait3A_1518] : memref<2x16384xf32, #tpu.memory_space<vmem>> -> memref<1x16384xf32, #tpu.memory_space<vmem>>
      %dma_wait3A_1520 = tpu.memref_squeeze %dma_wait3A_1519 : memref<1x16384xf32, #tpu.memory_space<vmem>> -> memref<16384xf32, #tpu.memory_space<vmem>>
      %dma_wait3A_1521 = arith.constant 0 : i32
      %dma_wait3A_1522 = tpu.memref_slice %arg3[%dma_wait3A_1521] : memref<33554432xf32, #tpu.memory_space<hbm>> -> memref<16384xf32, #tpu.memory_space<hbm>>
      tpu.wait_dma2 semaphore(%arg12 : memref<!tpu.dma_semaphore, #tpu.memory_space<semaphore_mem>>) src(%dma_wait3A_1522 : memref<16384xf32, #tpu.memory_space<hbm>>) dst(%dma_wait3A_1520 : memref<16384xf32, #tpu.memory_space<vmem>>)
      %scan3A_1523 = arith.constant 0 : i32
      %scan3A_1524 = arith.constant 0 : i32
      %scan3A_1525 = arith.constant 128 : i32
      %scan3A_1526 = arith.addi %scan3A_1524, %scan3A_1525 : i32
      %scan3A_1527 = arith.constant 1 : i32
      %scan3A_1528 = scf.for %scan3A_1531 = %scan3A_1524 to %scan3A_1526 step %scan3A_1527 iter_args(%scan3A_1532 = %scan3A_1523) -> (i32)  : i32 {
        %mul3A_1533 = arith.constant 128 : i32
        %mul3A_1534 = arith.muli %scan3A_1531, %mul3A_1533 : i32
        %add3A_1535 = arith.constant 0 : i32
        %add3A_1536 = arith.addi %mul3A_1534, %add3A_1535 : i32
        %get3A_1537 = arith.constant 1 : i32
        %get3A_1538 = arith.index_cast %get3A_1537 : i32 to index
        %get3A_1539 = arith.index_cast %add3A_1536 : i32 to index
        %get3A_1540 = tpu.vector_load %arg5[%get3A_1538, %get3A_1539] {strides = array<i32>} : memref<2x16384xf32, #tpu.memory_space<vmem>>, vector<16xf32>,
        %add3A_1541 = arith.constant 0 : i32
        %add3A_1542 = arith.addi %mul3A_1534, %add3A_1541 : i32
        %get3A_1543 = arith.constant 1 : i32
        %get3A_1544 = arith.index_cast %get3A_1543 : i32 to index
        %get3A_1545 = arith.index_cast %add3A_1542 : i32 to index
        %get3A_1546 = tpu.vector_load %arg6[%get3A_1544, %get3A_1545] {strides = array<i32>} : memref<2x16384xf32, #tpu.memory_space<vmem>>, vector<16xf32>,
        %sub3A = arith.subf %get3A_1540, %get3A_1546 : vector<16xf32>
        %abs3A = math.absf %sub3A : vector<16xf32>
        %mul3A_1547 = arith.constant 29.9990234 : f32
        %mul3A_1548 = vector.broadcast %mul3A_1547 : f32 to vector<16xf32>
        %mul3A_1549 = arith.mulf %abs3A, %mul3A_1548 : vector<16xf32>
        %convert_element_type3A = arith.fptosi %mul3A_1549 : vector<16xf32> to vector<16xi32>
        %add3A_1550 = arith.addi %convert_element_type3A, %add3A_552 : vector<16xi32>
        tpu.vector_store_idx %arg7[%add3A_1550], %broadcast_in_dim3A_603 {add = true} : memref<4352xf32, #tpu.memory_space<vmem>>[vector<16xi32>], vector<16xf32>,
        %add3A_1551 = arith.constant 16 : i32
        %add3A_1552 = arith.addi %mul3A_1534, %add3A_1551 : i32
        %get3A_1553 = arith.constant 1 : i32
        %get3A_1554 = arith.index_cast %get3A_1553 : i32 to index
        %get3A_1555 = arith.index_cast %add3A_1552 : i32 to index
        %get3A_1556 = tpu.vector_load %arg5[%get3A_1554, %get3A_1555] {strides = array<i32>} : memref<2x16384xf32, #tpu.memory_space<vmem>>, vector<16xf32>,
        %add3A_1557 = arith.constant 16 : i32
        %add3A_1558 = arith.addi %mul3A_1534, %add3A_1557 : i32
        %get3A_1559 = arith.constant 1 : i32
        %get3A_1560 = arith.index_cast %get3A_1559 : i32 to index
        %get3A_1561 = arith.index_cast %add3A_1558 : i32 to index
        %get3A_1562 = tpu.vector_load %arg6[%get3A_1560, %get3A_1561] {strides = array<i32>} : memref<2x16384xf32, #tpu.memory_space<vmem>>, vector<16xf32>,
        %sub3A_1563 = arith.subf %get3A_1556, %get3A_1562 : vector<16xf32>
        %abs3A_1564 = math.absf %sub3A_1563 : vector<16xf32>
        %mul3A_1565 = arith.constant 29.9990234 : f32
        %mul3A_1566 = vector.broadcast %mul3A_1565 : f32 to vector<16xf32>
        %mul3A_1567 = arith.mulf %abs3A_1564, %mul3A_1566 : vector<16xf32>
        %convert_element_type3A_1568 = arith.fptosi %mul3A_1567 : vector<16xf32> to vector<16xi32>
        %add3A_1569 = arith.addi %convert_element_type3A_1568, %add3A_559 : vector<16xi32>
        tpu.vector_store_idx %arg7[%add3A_1569], %broadcast_in_dim3A_603 {add = true} : memref<4352xf32, #tpu.memory_space<vmem>>[vector<16xi32>], vector<16xf32>,
        %add3A_1570 = arith.constant 32 : i32
        %add3A_1571 = arith.addi %mul3A_1534, %add3A_1570 : i32
        %get3A_1572 = arith.constant 1 : i32
        %get3A_1573 = arith.index_cast %get3A_1572 : i32 to index
        %get3A_1574 = arith.index_cast %add3A_1571 : i32 to index
        %get3A_1575 = tpu.vector_load %arg5[%get3A_1573, %get3A_1574] {strides = array<i32>} : memref<2x16384xf32, #tpu.memory_space<vmem>>, vector<16xf32>,
        %add3A_1576 = arith.constant 32 : i32
        %add3A_1577 = arith.addi %mul3A_1534, %add3A_1576 : i32
        %get3A_1578 = arith.constant 1 : i32
        %get3A_1579 = arith.index_cast %get3A_1578 : i32 to index
        %get3A_1580 = arith.index_cast %add3A_1577 : i32 to index
        %get3A_1581 = tpu.vector_load %arg6[%get3A_1579, %get3A_1580] {strides = array<i32>} : memref<2x16384xf32, #tpu.memory_space<vmem>>, vector<16xf32>,
        %sub3A_1582 = arith.subf %get3A_1575, %get3A_1581 : vector<16xf32>
        %abs3A_1583 = math.absf %sub3A_1582 : vector<16xf32>
        %mul3A_1584 = arith.constant 29.9990234 : f32
        %mul3A_1585 = vector.broadcast %mul3A_1584 : f32 to vector<16xf32>
        %mul3A_1586 = arith.mulf %abs3A_1583, %mul3A_1585 : vector<16xf32>
        %convert_element_type3A_1587 = arith.fptosi %mul3A_1586 : vector<16xf32> to vector<16xi32>
        %add3A_1588 = arith.addi %convert_element_type3A_1587, %add3A_566 : vector<16xi32>
        tpu.vector_store_idx %arg7[%add3A_1588], %broadcast_in_dim3A_603 {add = true} : memref<4352xf32, #tpu.memory_space<vmem>>[vector<16xi32>], vector<16xf32>,
        %add3A_1589 = arith.constant 48 : i32
        %add3A_1590 = arith.addi %mul3A_1534, %add3A_1589 : i32
        %get3A_1591 = arith.constant 1 : i32
        %get3A_1592 = arith.index_cast %get3A_1591 : i32 to index
        %get3A_1593 = arith.index_cast %add3A_1590 : i32 to index
        %get3A_1594 = tpu.vector_load %arg5[%get3A_1592, %get3A_1593] {strides = array<i32>} : memref<2x16384xf32, #tpu.memory_space<vmem>>, vector<16xf32>,
        %add3A_1595 = arith.constant 48 : i32
        %add3A_1596 = arith.addi %mul3A_1534, %add3A_1595 : i32
        %get3A_1597 = arith.constant 1 : i32
        %get3A_1598 = arith.index_cast %get3A_1597 : i32 to index
        %get3A_1599 = arith.index_cast %add3A_1596 : i32 to index
        %get3A_1600 = tpu.vector_load %arg6[%get3A_1598, %get3A_1599] {strides = array<i32>} : memref<2x16384xf32, #tpu.memory_space<vmem>>, vector<16xf32>,
        %sub3A_1601 = arith.subf %get3A_1594, %get3A_1600 : vector<16xf32>
        %abs3A_1602 = math.absf %sub3A_1601 : vector<16xf32>
        %mul3A_1603 = arith.constant 29.9990234 : f32
        %mul3A_1604 = vector.broadcast %mul3A_1603 : f32 to vector<16xf32>
        %mul3A_1605 = arith.mulf %abs3A_1602, %mul3A_1604 : vector<16xf32>
        %convert_element_type3A_1606 = arith.fptosi %mul3A_1605 : vector<16xf32> to vector<16xi32>
        %add3A_1607 = arith.addi %convert_element_type3A_1606, %add3A_573 : vector<16xi32>
        tpu.vector_store_idx %arg7[%add3A_1607], %broadcast_in_dim3A_603 {add = true} : memref<4352xf32, #tpu.memory_space<vmem>>[vector<16xi32>], vector<16xf32>,
        %add3A_1608 = arith.constant 64 : i32
        %add3A_1609 = arith.addi %mul3A_1534, %add3A_1608 : i32
        %get3A_1610 = arith.constant 1 : i32
        %get3A_1611 = arith.index_cast %get3A_1610 : i32 to index
        %get3A_1612 = arith.index_cast %add3A_1609 : i32 to index
        %get3A_1613 = tpu.vector_load %arg5[%get3A_1611, %get3A_1612] {strides = array<i32>} : memref<2x16384xf32, #tpu.memory_space<vmem>>, vector<16xf32>,
        %add3A_1614 = arith.constant 64 : i32
        %add3A_1615 = arith.addi %mul3A_1534, %add3A_1614 : i32
        %get3A_1616 = arith.constant 1 : i32
        %get3A_1617 = arith.index_cast %get3A_1616 : i32 to index
        %get3A_1618 = arith.index_cast %add3A_1615 : i32 to index
        %get3A_1619 = tpu.vector_load %arg6[%get3A_1617, %get3A_1618] {strides = array<i32>} : memref<2x16384xf32, #tpu.memory_space<vmem>>, vector<16xf32>,
        %sub3A_1620 = arith.subf %get3A_1613, %get3A_1619 : vector<16xf32>
        %abs3A_1621 = math.absf %sub3A_1620 : vector<16xf32>
        %mul3A_1622 = arith.constant 29.9990234 : f32
        %mul3A_1623 = vector.broadcast %mul3A_1622 : f32 to vector<16xf32>
        %mul3A_1624 = arith.mulf %abs3A_1621, %mul3A_1623 : vector<16xf32>
        %convert_element_type3A_1625 = arith.fptosi %mul3A_1624 : vector<16xf32> to vector<16xi32>
        %add3A_1626 = arith.addi %convert_element_type3A_1625, %add3A_580 : vector<16xi32>
        tpu.vector_store_idx %arg7[%add3A_1626], %broadcast_in_dim3A_603 {add = true} : memref<4352xf32, #tpu.memory_space<vmem>>[vector<16xi32>], vector<16xf32>,
        %add3A_1627 = arith.constant 80 : i32
        %add3A_1628 = arith.addi %mul3A_1534, %add3A_1627 : i32
        %get3A_1629 = arith.constant 1 : i32
        %get3A_1630 = arith.index_cast %get3A_1629 : i32 to index
        %get3A_1631 = arith.index_cast %add3A_1628 : i32 to index
        %get3A_1632 = tpu.vector_load %arg5[%get3A_1630, %get3A_1631] {strides = array<i32>} : memref<2x16384xf32, #tpu.memory_space<vmem>>, vector<16xf32>,
        %add3A_1633 = arith.constant 80 : i32
        %add3A_1634 = arith.addi %mul3A_1534, %add3A_1633 : i32
        %get3A_1635 = arith.constant 1 : i32
        %get3A_1636 = arith.index_cast %get3A_1635 : i32 to index
        %get3A_1637 = arith.index_cast %add3A_1634 : i32 to index
        %get3A_1638 = tpu.vector_load %arg6[%get3A_1636, %get3A_1637] {strides = array<i32>} : memref<2x16384xf32, #tpu.memory_space<vmem>>, vector<16xf32>,
        %sub3A_1639 = arith.subf %get3A_1632, %get3A_1638 : vector<16xf32>
        %abs3A_1640 = math.absf %sub3A_1639 : vector<16xf32>
        %mul3A_1641 = arith.constant 29.9990234 : f32
        %mul3A_1642 = vector.broadcast %mul3A_1641 : f32 to vector<16xf32>
        %mul3A_1643 = arith.mulf %abs3A_1640, %mul3A_1642 : vector<16xf32>
        %convert_element_type3A_1644 = arith.fptosi %mul3A_1643 : vector<16xf32> to vector<16xi32>
        %add3A_1645 = arith.addi %convert_element_type3A_1644, %add3A_587 : vector<16xi32>
        tpu.vector_store_idx %arg7[%add3A_1645], %broadcast_in_dim3A_603 {add = true} : memref<4352xf32, #tpu.memory_space<vmem>>[vector<16xi32>], vector<16xf32>,
        %add3A_1646 = arith.constant 96 : i32
        %add3A_1647 = arith.addi %mul3A_1534, %add3A_1646 : i32
        %get3A_1648 = arith.constant 1 : i32
        %get3A_1649 = arith.index_cast %get3A_1648 : i32 to index
        %get3A_1650 = arith.index_cast %add3A_1647 : i32 to index
        %get3A_1651 = tpu.vector_load %arg5[%get3A_1649, %get3A_1650] {strides = array<i32>} : memref<2x16384xf32, #tpu.memory_space<vmem>>, vector<16xf32>,
        %add3A_1652 = arith.constant 96 : i32
        %add3A_1653 = arith.addi %mul3A_1534, %add3A_1652 : i32
        %get3A_1654 = arith.constant 1 : i32
        %get3A_1655 = arith.index_cast %get3A_1654 : i32 to index
        %get3A_1656 = arith.index_cast %add3A_1653 : i32 to index
        %get3A_1657 = tpu.vector_load %arg6[%get3A_1655, %get3A_1656] {strides = array<i32>} : memref<2x16384xf32, #tpu.memory_space<vmem>>, vector<16xf32>,
        %sub3A_1658 = arith.subf %get3A_1651, %get3A_1657 : vector<16xf32>
        %abs3A_1659 = math.absf %sub3A_1658 : vector<16xf32>
        %mul3A_1660 = arith.constant 29.9990234 : f32
        %mul3A_1661 = vector.broadcast %mul3A_1660 : f32 to vector<16xf32>
        %mul3A_1662 = arith.mulf %abs3A_1659, %mul3A_1661 : vector<16xf32>
        %convert_element_type3A_1663 = arith.fptosi %mul3A_1662 : vector<16xf32> to vector<16xi32>
        %add3A_1664 = arith.addi %convert_element_type3A_1663, %add3A_594 : vector<16xi32>
        tpu.vector_store_idx %arg7[%add3A_1664], %broadcast_in_dim3A_603 {add = true} : memref<4352xf32, #tpu.memory_space<vmem>>[vector<16xi32>], vector<16xf32>,
        %add3A_1665 = arith.constant 112 : i32
        %add3A_1666 = arith.addi %mul3A_1534, %add3A_1665 : i32
        %get3A_1667 = arith.constant 1 : i32
        %get3A_1668 = arith.index_cast %get3A_1667 : i32 to index
        %get3A_1669 = arith.index_cast %add3A_1666 : i32 to index
        %get3A_1670 = tpu.vector_load %arg5[%get3A_1668, %get3A_1669] {strides = array<i32>} : memref<2x16384xf32, #tpu.memory_space<vmem>>, vector<16xf32>,
        %add3A_1671 = arith.constant 112 : i32
        %add3A_1672 = arith.addi %mul3A_1534, %add3A_1671 : i32
        %get3A_1673 = arith.constant 1 : i32
        %get3A_1674 = arith.index_cast %get3A_1673 : i32 to index
        %get3A_1675 = arith.index_cast %add3A_1672 : i32 to index
        %get3A_1676 = tpu.vector_load %arg6[%get3A_1674, %get3A_1675] {strides = array<i32>} : memref<2x16384xf32, #tpu.memory_space<vmem>>, vector<16xf32>,
        %sub3A_1677 = arith.subf %get3A_1670, %get3A_1676 : vector<16xf32>
        %abs3A_1678 = math.absf %sub3A_1677 : vector<16xf32>
        %mul3A_1679 = arith.constant 29.9990234 : f32
        %mul3A_1680 = vector.broadcast %mul3A_1679 : f32 to vector<16xf32>
        %mul3A_1681 = arith.mulf %abs3A_1678, %mul3A_1680 : vector<16xf32>
        %convert_element_type3A_1682 = arith.fptosi %mul3A_1681 : vector<16xf32> to vector<16xi32>
        %add3A_1683 = arith.addi %convert_element_type3A_1682, %add3A_601 : vector<16xi32>
        tpu.vector_store_idx %arg7[%add3A_1683], %broadcast_in_dim3A_603 {add = true} : memref<4352xf32, #tpu.memory_space<vmem>>[vector<16xi32>], vector<16xf32>,
        %scan3A_1684 = arith.constant 0 : i32
        scf.yield %scan3A_1684 : i32
      }
      %scan3A_1529 = arith.constant 128 : i32
      %scan3A_1530 = arith.constant 0 : i32
      scf.yield %scan3A_1530 : i32
    }
    %scan3A_628 = arith.constant 32 : i32
    %dma_wait3A = arith.constant 0 : i32
    %dma_wait3A_629 = arith.constant 0 : i32
    %dma_wait3A_630 = tpu.memref_slice %arg5[%dma_wait3A, %dma_wait3A_629] : memref<2x16384xf32, #tpu.memory_space<vmem>> -> memref<1x16384xf32, #tpu.memory_space<vmem>>
    %dma_wait3A_631 = tpu.memref_squeeze %dma_wait3A_630 : memref<1x16384xf32, #tpu.memory_space<vmem>> -> memref<16384xf32, #tpu.memory_space<vmem>>
    %dma_wait3A_632 = arith.constant 0 : i32
    %dma_wait3A_633 = tpu.memref_slice %arg2[%dma_wait3A_632] : memref<33554432xf32, #tpu.memory_space<hbm>> -> memref<16384xf32, #tpu.memory_space<hbm>>
    %dma_wait3A_634 = arith.constant 0 : i32
    %dma_wait3A_635 = tpu.memref_slice %arg5[%dma_wait3A, %dma_wait3A_634] : memref<2x16384xf32, #tpu.memory_space<vmem>> -> memref<1x16384xf32, #tpu.memory_space<vmem>>
    %dma_wait3A_636 = tpu.memref_squeeze %dma_wait3A_635 : memref<1x16384xf32, #tpu.memory_space<vmem>> -> memref<16384xf32, #tpu.memory_space<vmem>>
    %dma_wait3A_637 = arith.constant 0 : i32
    %dma_wait3A_638 = tpu.memref_slice %arg2[%dma_wait3A_637] : memref<33554432xf32, #tpu.memory_space<hbm>> -> memref<16384xf32, #tpu.memory_space<hbm>>
    tpu.wait_dma2 semaphore(%arg9 : memref<!tpu.dma_semaphore, #tpu.memory_space<semaphore_mem>>) src(%dma_wait3A_638 : memref<16384xf32, #tpu.memory_space<hbm>>) dst(%dma_wait3A_636 : memref<16384xf32, #tpu.memory_space<vmem>>)
    %dma_wait3A_639 = arith.constant 0 : i32
    %dma_wait3A_640 = arith.constant 0 : i32
    %dma_wait3A_641 = tpu.memref_slice %arg6[%dma_wait3A_639, %dma_wait3A_640] : memref<2x16384xf32, #tpu.memory_space<vmem>> -> memref<1x16384xf32, #tpu.memory_space<vmem>>
    %dma_wait3A_642 = tpu.memref_squeeze %dma_wait3A_641 : memref<1x16384xf32, #tpu.memory_space<vmem>> -> memref<16384xf32, #tpu.memory_space<vmem>>
    %dma_wait3A_643 = arith.constant 0 : i32
    %dma_wait3A_644 = tpu.memref_slice %arg3[%dma_wait3A_643] : memref<33554432xf32, #tpu.memory_space<hbm>> -> memref<16384xf32, #tpu.memory_space<hbm>>
    %dma_wait3A_645 = arith.constant 0 : i32
    %dma_wait3A_646 = tpu.memref_slice %arg6[%dma_wait3A_639, %dma_wait3A_645] : memref<2x16384xf32, #tpu.memory_space<vmem>> -> memref<1x16384xf32, #tpu.memory_space<vmem>>
    %dma_wait3A_647 = tpu.memref_squeeze %dma_wait3A_646 : memref<1x16384xf32, #tpu.memory_space<vmem>> -> memref<16384xf32, #tpu.memory_space<vmem>>
    %dma_wait3A_648 = arith.constant 0 : i32
    %dma_wait3A_649 = tpu.memref_slice %arg3[%dma_wait3A_648] : memref<33554432xf32, #tpu.memory_space<hbm>> -> memref<16384xf32, #tpu.memory_space<hbm>>
    tpu.wait_dma2 semaphore(%arg11 : memref<!tpu.dma_semaphore, #tpu.memory_space<semaphore_mem>>) src(%dma_wait3A_649 : memref<16384xf32, #tpu.memory_space<hbm>>) dst(%dma_wait3A_647 : memref<16384xf32, #tpu.memory_space<vmem>>)
    %get3A = arith.constant 0 : index
    %get3A_650 = tpu.vector_load %arg7[%get3A] {strides = array<i32>} : memref<4352xf32, #tpu.memory_space<vmem>>, vector<16xf32>,
    %add3A_651 = arith.addf %broadcast_in_dim3A_3, %get3A_650 : vector<16xf32>
    %get3A_652 = arith.constant 16 : index
    %get3A_653 = tpu.vector_load %arg7[%get3A_652] {strides = array<i32>} : memref<4352xf32, #tpu.memory_space<vmem>>, vector<16xf32>,
    %add3A_654 = arith.addf %broadcast_in_dim3A_3, %get3A_653 : vector<16xf32>
    %get3A_655 = arith.constant 33 : index
    %get3A_656 = tpu.vector_load %arg7[%get3A_655] {strides = array<i32>} : memref<4352xf32, #tpu.memory_space<vmem>>, vector<16xf32>,
    %add3A_657 = arith.addf %add3A_651, %get3A_656 : vector<16xf32>
    %get3A_658 = arith.constant 49 : index
    %get3A_659 = tpu.vector_load %arg7[%get3A_658] {strides = array<i32>} : memref<4352xf32, #tpu.memory_space<vmem>>, vector<16xf32>,
    %add3A_660 = arith.addf %add3A_654, %get3A_659 : vector<16xf32>
    %get3A_661 = arith.constant 66 : index
    %get3A_662 = tpu.vector_load %arg7[%get3A_661] {strides = array<i32>} : memref<4352xf32, #tpu.memory_space<vmem>>, vector<16xf32>,
    %add3A_663 = arith.addf %add3A_657, %get3A_662 : vector<16xf32>
    %get3A_664 = arith.constant 82 : index
    %get3A_665 = tpu.vector_load %arg7[%get3A_664] {strides = array<i32>} : memref<4352xf32, #tpu.memory_space<vmem>>, vector<16xf32>,
    %add3A_666 = arith.addf %add3A_660, %get3A_665 : vector<16xf32>
    %get3A_667 = arith.constant 99 : index
    %get3A_668 = tpu.vector_load %arg7[%get3A_667] {strides = array<i32>} : memref<4352xf32, #tpu.memory_space<vmem>>, vector<16xf32>,
    %add3A_669 = arith.addf %add3A_663, %get3A_668 : vector<16xf32>
    %get3A_670 = arith.constant 115 : index
    %get3A_671 = tpu.vector_load %arg7[%get3A_670] {strides = array<i32>} : memref<4352xf32, #tpu.memory_space<vmem>>, vector<16xf32>,
    %add3A_672 = arith.addf %add3A_666, %get3A_671 : vector<16xf32>
    %get3A_673 = arith.constant 132 : index
    %get3A_674 = tpu.vector_load %arg7[%get3A_673] {strides = array<i32>} : memref<4352xf32, #tpu.memory_space<vmem>>, vector<16xf32>,
    %add3A_675 = arith.addf %add3A_669, %get3A_674 : vector<16xf32>
    %get3A_676 = arith.constant 148 : index
    %get3A_677 = tpu.vector_load %arg7[%get3A_676] {strides = array<i32>} : memref<4352xf32, #tpu.memory_space<vmem>>, vector<16xf32>,
    %add3A_678 = arith.addf %add3A_672, %get3A_677 : vector<16xf32>
    %get3A_679 = arith.constant 165 : index
    %get3A_680 = tpu.vector_load %arg7[%get3A_679] {strides = array<i32>} : memref<4352xf32, #tpu.memory_space<vmem>>, vector<16xf32>,
    %add3A_681 = arith.addf %add3A_675, %get3A_680 : vector<16xf32>
    %get3A_682 = arith.constant 181 : index
    %get3A_683 = tpu.vector_load %arg7[%get3A_682] {strides = array<i32>} : memref<4352xf32, #tpu.memory_space<vmem>>, vector<16xf32>,
    %add3A_684 = arith.addf %add3A_678, %get3A_683 : vector<16xf32>
    %get3A_685 = arith.constant 198 : index
    %get3A_686 = tpu.vector_load %arg7[%get3A_685] {strides = array<i32>} : memref<4352xf32, #tpu.memory_space<vmem>>, vector<16xf32>,
    %add3A_687 = arith.addf %add3A_681, %get3A_686 : vector<16xf32>
    %get3A_688 = arith.constant 214 : index
    %get3A_689 = tpu.vector_load %arg7[%get3A_688] {strides = array<i32>} : memref<4352xf32, #tpu.memory_space<vmem>>, vector<16xf32>,
    %add3A_690 = arith.addf %add3A_684, %get3A_689 : vector<16xf32>
    %get3A_691 = arith.constant 231 : index
    %get3A_692 = tpu.vector_load %arg7[%get3A_691] {strides = array<i32>} : memref<4352xf32, #tpu.memory_space<vmem>>, vector<16xf32>,
    %add3A_693 = arith.addf %add3A_687, %get3A_692 : vector<16xf32>
    %get3A_694 = arith.constant 247 : index
    %get3A_695 = tpu.vector_load %arg7[%get3A_694] {strides = array<i32>} : memref<4352xf32, #tpu.memory_space<vmem>>, vector<16xf32>,
    %add3A_696 = arith.addf %add3A_690, %get3A_695 : vector<16xf32>
    %get3A_697 = arith.constant 264 : index
    %get3A_698 = tpu.vector_load %arg7[%get3A_697] {strides = array<i32>} : memref<4352xf32, #tpu.memory_space<vmem>>, vector<16xf32>,
    %add3A_699 = arith.addf %add3A_693, %get3A_698 : vector<16xf32>
    %get3A_700 = arith.constant 280 : index
    %get3A_701 = tpu.vector_load %arg7[%get3A_700] {strides = array<i32>} : memref<4352xf32, #tpu.memory_space<vmem>>, vector<16xf32>,
    %add3A_702 = arith.addf %add3A_696, %get3A_701 : vector<16xf32>
    %get3A_703 = arith.constant 297 : index
    %get3A_704 = tpu.vector_load %arg7[%get3A_703] {strides = array<i32>} : memref<4352xf32, #tpu.memory_space<vmem>>, vector<16xf32>,
    %add3A_705 = arith.addf %add3A_699, %get3A_704 : vector<16xf32>
    %get3A_706 = arith.constant 313 : index
    %get3A_707 = tpu.vector_load %arg7[%get3A_706] {strides = array<i32>} : memref<4352xf32, #tpu.memory_space<vmem>>, vector<16xf32>,
    %add3A_708 = arith.addf %add3A_702, %get3A_707 : vector<16xf32>
    %get3A_709 = arith.constant 330 : index
    %get3A_710 = tpu.vector_load %arg7[%get3A_709] {strides = array<i32>} : memref<4352xf32, #tpu.memory_space<vmem>>, vector<16xf32>,
    %add3A_711 = arith.addf %add3A_705, %get3A_710 : vector<16xf32>
    %get3A_712 = arith.constant 346 : index
    %get3A_713 = tpu.vector_load %arg7[%get3A_712] {strides = array<i32>} : memref<4352xf32, #tpu.memory_space<vmem>>, vector<16xf32>,
    %add3A_714 = arith.addf %add3A_708, %get3A_713 : vector<16xf32>
    %get3A_715 = arith.constant 363 : index
    %get3A_716 = tpu.vector_load %arg7[%get3A_715] {strides = array<i32>} : memref<4352xf32, #tpu.memory_space<vmem>>, vector<16xf32>,
    %add3A_717 = arith.addf %add3A_711, %get3A_716 : vector<16xf32>
    %get3A_718 = arith.constant 379 : index
    %get3A_719 = tpu.vector_load %arg7[%get3A_718] {strides = array<i32>} : memref<4352xf32, #tpu.memory_space<vmem>>, vector<16xf32>,
    %add3A_720 = arith.addf %add3A_714, %get3A_719 : vector<16xf32>
    %get3A_721 = arith.constant 396 : index
    %get3A_722 = tpu.vector_load %arg7[%get3A_721] {strides = array<i32>} : memref<4352xf32, #tpu.memory_space<vmem>>, vector<16xf32>,
    %add3A_723 = arith.addf %add3A_717, %get3A_722 : vector<16xf32>
    %get3A_724 = arith.constant 412 : index
    %get3A_725 = tpu.vector_load %arg7[%get3A_724] {strides = array<i32>} : memref<4352xf32, #tpu.memory_space<vmem>>, vector<16xf32>,
    %add3A_726 = arith.addf %add3A_720, %get3A_725 : vector<16xf32>
    %get3A_727 = arith.constant 429 : index
    %get3A_728 = tpu.vector_load %arg7[%get3A_727] {strides = array<i32>} : memref<4352xf32, #tpu.memory_space<vmem>>, vector<16xf32>,
    %add3A_729 = arith.addf %add3A_723, %get3A_728 : vector<16xf32>
    %get3A_730 = arith.constant 445 : index
    %get3A_731 = tpu.vector_load %arg7[%get3A_730] {strides = array<i32>} : memref<4352xf32, #tpu.memory_space<vmem>>, vector<16xf32>,
    %add3A_732 = arith.addf %add3A_726, %get3A_731 : vector<16xf32>
    %get3A_733 = arith.constant 462 : index
    %get3A_734 = tpu.vector_load %arg7[%get3A_733] {strides = array<i32>} : memref<4352xf32, #tpu.memory_space<vmem>>, vector<16xf32>,
    %add3A_735 = arith.addf %add3A_729, %get3A_734 : vector<16xf32>
    %get3A_736 = arith.constant 478 : index
    %get3A_737 = tpu.vector_load %arg7[%get3A_736] {strides = array<i32>} : memref<4352xf32, #tpu.memory_space<vmem>>, vector<16xf32>,
    %add3A_738 = arith.addf %add3A_732, %get3A_737 : vector<16xf32>
    %get3A_739 = arith.constant 495 : index
    %get3A_740 = tpu.vector_load %arg7[%get3A_739] {strides = array<i32>} : memref<4352xf32, #tpu.memory_space<vmem>>, vector<16xf32>,
    %add3A_741 = arith.addf %add3A_735, %get3A_740 : vector<16xf32>
    %get3A_742 = arith.constant 511 : index
    %get3A_743 = tpu.vector_load %arg7[%get3A_742] {strides = array<i32>} : memref<4352xf32, #tpu.memory_space<vmem>>, vector<16xf32>,
    %add3A_744 = arith.addf %add3A_738, %get3A_743 : vector<16xf32>
    %get3A_745 = arith.constant 544 : index
    %get3A_746 = tpu.vector_load %arg7[%get3A_745] {strides = array<i32>} : memref<4352xf32, #tpu.memory_space<vmem>>, vector<16xf32>,
    %add3A_747 = arith.addf %add3A_741, %get3A_746 : vector<16xf32>
    %get3A_748 = arith.constant 560 : index
    %get3A_749 = tpu.vector_load %arg7[%get3A_748] {strides = array<i32>} : memref<4352xf32, #tpu.memory_space<vmem>>, vector<16xf32>,
    %add3A_750 = arith.addf %add3A_744, %get3A_749 : vector<16xf32>
    %get3A_751 = arith.constant 577 : index
    %get3A_752 = tpu.vector_load %arg7[%get3A_751] {strides = array<i32>} : memref<4352xf32, #tpu.memory_space<vmem>>, vector<16xf32>,
    %add3A_753 = arith.addf %add3A_747, %get3A_752 : vector<16xf32>
    %get3A_754 = arith.constant 593 : index
    %get3A_755 = tpu.vector_load %arg7[%get3A_754] {strides = array<i32>} : memref<4352xf32, #tpu.memory_space<vmem>>, vector<16xf32>,
    %add3A_756 = arith.addf %add3A_750, %get3A_755 : vector<16xf32>
    %get3A_757 = arith.constant 610 : index
    %get3A_758 = tpu.vector_load %arg7[%get3A_757] {strides = array<i32>} : memref<4352xf32, #tpu.memory_space<vmem>>, vector<16xf32>,
    %add3A_759 = arith.addf %add3A_753, %get3A_758 : vector<16xf32>
    %get3A_760 = arith.constant 626 : index
    %get3A_761 = tpu.vector_load %arg7[%get3A_760] {strides = array<i32>} : memref<4352xf32, #tpu.memory_space<vmem>>, vector<16xf32>,
    %add3A_762 = arith.addf %add3A_756, %get3A_761 : vector<16xf32>
    %get3A_763 = arith.constant 643 : index
    %get3A_764 = tpu.vector_load %arg7[%get3A_763] {strides = array<i32>} : memref<4352xf32, #tpu.memory_space<vmem>>, vector<16xf32>,
    %add3A_765 = arith.addf %add3A_759, %get3A_764 : vector<16xf32>
    %get3A_766 = arith.constant 659 : index
    %get3A_767 = tpu.vector_load %arg7[%get3A_766] {strides = array<i32>} : memref<4352xf32, #tpu.memory_space<vmem>>, vector<16xf32>,
    %add3A_768 = arith.addf %add3A_762, %get3A_767 : vector<16xf32>
    %get3A_769 = arith.constant 676 : index
    %get3A_770 = tpu.vector_load %arg7[%get3A_769] {strides = array<i32>} : memref<4352xf32, #tpu.memory_space<vmem>>, vector<16xf32>,
    %add3A_771 = arith.addf %add3A_765, %get3A_770 : vector<16xf32>
    %get3A_772 = arith.constant 692 : index
    %get3A_773 = tpu.vector_load %arg7[%get3A_772] {strides = array<i32>} : memref<4352xf32, #tpu.memory_space<vmem>>, vector<16xf32>,
    %add3A_774 = arith.addf %add3A_768, %get3A_773 : vector<16xf32>
    %get3A_775 = arith.constant 709 : index
    %get3A_776 = tpu.vector_load %arg7[%get3A_775] {strides = array<i32>} : memref<4352xf32, #tpu.memory_space<vmem>>, vector<16xf32>,
    %add3A_777 = arith.addf %add3A_771, %get3A_776 : vector<16xf32>
    %get3A_778 = arith.constant 725 : index
    %get3A_779 = tpu.vector_load %arg7[%get3A_778] {strides = array<i32>} : memref<4352xf32, #tpu.memory_space<vmem>>, vector<16xf32>,
    %add3A_780 = arith.addf %add3A_774, %get3A_779 : vector<16xf32>
    %get3A_781 = arith.constant 742 : index
    %get3A_782 = tpu.vector_load %arg7[%get3A_781] {strides = array<i32>} : memref<4352xf32, #tpu.memory_space<vmem>>, vector<16xf32>,
    %add3A_783 = arith.addf %add3A_777, %get3A_782 : vector<16xf32>
    %get3A_784 = arith.constant 758 : index
    %get3A_785 = tpu.vector_load %arg7[%get3A_784] {strides = array<i32>} : memref<4352xf32, #tpu.memory_space<vmem>>, vector<16xf32>,
    %add3A_786 = arith.addf %add3A_780, %get3A_785 : vector<16xf32>
    %get3A_787 = arith.constant 775 : index
    %get3A_788 = tpu.vector_load %arg7[%get3A_787] {strides = array<i32>} : memref<4352xf32, #tpu.memory_space<vmem>>, vector<16xf32>,
    %add3A_789 = arith.addf %add3A_783, %get3A_788 : vector<16xf32>
    %get3A_790 = arith.constant 791 : index
    %get3A_791 = tpu.vector_load %arg7[%get3A_790] {strides = array<i32>} : memref<4352xf32, #tpu.memory_space<vmem>>, vector<16xf32>,
    %add3A_792 = arith.addf %add3A_786, %get3A_791 : vector<16xf32>
    %get3A_793 = arith.constant 808 : index
    %get3A_794 = tpu.vector_load %arg7[%get3A_793] {strides = array<i32>} : memref<4352xf32, #tpu.memory_space<vmem>>, vector<16xf32>,
    %add3A_795 = arith.addf %add3A_789, %get3A_794 : vector<16xf32>
    %get3A_796 = arith.constant 824 : index
    %get3A_797 = tpu.vector_load %arg7[%get3A_796] {strides = array<i32>} : memref<4352xf32, #tpu.memory_space<vmem>>, vector<16xf32>,
    %add3A_798 = arith.addf %add3A_792, %get3A_797 : vector<16xf32>
    %get3A_799 = arith.constant 841 : index
    %get3A_800 = tpu.vector_load %arg7[%get3A_799] {strides = array<i32>} : memref<4352xf32, #tpu.memory_space<vmem>>, vector<16xf32>,
    %add3A_801 = arith.addf %add3A_795, %get3A_800 : vector<16xf32>
    %get3A_802 = arith.constant 857 : index
    %get3A_803 = tpu.vector_load %arg7[%get3A_802] {strides = array<i32>} : memref<4352xf32, #tpu.memory_space<vmem>>, vector<16xf32>,
    %add3A_804 = arith.addf %add3A_798, %get3A_803 : vector<16xf32>
    %get3A_805 = arith.constant 874 : index
    %get3A_806 = tpu.vector_load %arg7[%get3A_805] {strides = array<i32>} : memref<4352xf32, #tpu.memory_space<vmem>>, vector<16xf32>,
    %add3A_807 = arith.addf %add3A_801, %get3A_806 : vector<16xf32>
    %get3A_808 = arith.constant 890 : index
    %get3A_809 = tpu.vector_load %arg7[%get3A_808] {strides = array<i32>} : memref<4352xf32, #tpu.memory_space<vmem>>, vector<16xf32>,
    %add3A_810 = arith.addf %add3A_804, %get3A_809 : vector<16xf32>
    %get3A_811 = arith.constant 907 : index
    %get3A_812 = tpu.vector_load %arg7[%get3A_811] {strides = array<i32>} : memref<4352xf32, #tpu.memory_space<vmem>>, vector<16xf32>,
    %add3A_813 = arith.addf %add3A_807, %get3A_812 : vector<16xf32>
    %get3A_814 = arith.constant 923 : index
    %get3A_815 = tpu.vector_load %arg7[%get3A_814] {strides = array<i32>} : memref<4352xf32, #tpu.memory_space<vmem>>, vector<16xf32>,
    %add3A_816 = arith.addf %add3A_810, %get3A_815 : vector<16xf32>
    %get3A_817 = arith.constant 940 : index
    %get3A_818 = tpu.vector_load %arg7[%get3A_817] {strides = array<i32>} : memref<4352xf32, #tpu.memory_space<vmem>>, vector<16xf32>,
    %add3A_819 = arith.addf %add3A_813, %get3A_818 : vector<16xf32>
    %get3A_820 = arith.constant 956 : index
    %get3A_821 = tpu.vector_load %arg7[%get3A_820] {strides = array<i32>} : memref<4352xf32, #tpu.memory_space<vmem>>, vector<16xf32>,
    %add3A_822 = arith.addf %add3A_816, %get3A_821 : vector<16xf32>
    %get3A_823 = arith.constant 973 : index
    %get3A_824 = tpu.vector_load %arg7[%get3A_823] {strides = array<i32>} : memref<4352xf32, #tpu.memory_space<vmem>>, vector<16xf32>,
    %add3A_825 = arith.addf %add3A_819, %get3A_824 : vector<16xf32>
    %get3A_826 = arith.constant 989 : index
    %get3A_827 = tpu.vector_load %arg7[%get3A_826] {strides = array<i32>} : memref<4352xf32, #tpu.memory_space<vmem>>, vector<16xf32>,
    %add3A_828 = arith.addf %add3A_822, %get3A_827 : vector<16xf32>
    %get3A_829 = arith.constant 1006 : index
    %get3A_830 = tpu.vector_load %arg7[%get3A_829] {strides = array<i32>} : memref<4352xf32, #tpu.memory_space<vmem>>, vector<16xf32>,
    %add3A_831 = arith.addf %add3A_825, %get3A_830 : vector<16xf32>
    %get3A_832 = arith.constant 1022 : index
    %get3A_833 = tpu.vector_load %arg7[%get3A_832] {strides = array<i32>} : memref<4352xf32, #tpu.memory_space<vmem>>, vector<16xf32>,
    %add3A_834 = arith.addf %add3A_828, %get3A_833 : vector<16xf32>
    %get3A_835 = arith.constant 1039 : index
    %get3A_836 = tpu.vector_load %arg7[%get3A_835] {strides = array<i32>} : memref<4352xf32, #tpu.memory_space<vmem>>, vector<16xf32>,
    %add3A_837 = arith.addf %add3A_831, %get3A_836 : vector<16xf32>
    %get3A_838 = arith.constant 1055 : index
    %get3A_839 = tpu.vector_load %arg7[%get3A_838] {strides = array<i32>} : memref<4352xf32, #tpu.memory_space<vmem>>, vector<16xf32>,
    %add3A_840 = arith.addf %add3A_834, %get3A_839 : vector<16xf32>
    %get3A_841 = arith.constant 1088 : index
    %get3A_842 = tpu.vector_load %arg7[%get3A_841] {strides = array<i32>} : memref<4352xf32, #tpu.memory_space<vmem>>, vector<16xf32>,
    %add3A_843 = arith.addf %add3A_837, %get3A_842 : vector<16xf32>
    %get3A_844 = arith.constant 1104 : index
    %get3A_845 = tpu.vector_load %arg7[%get3A_844] {strides = array<i32>} : memref<4352xf32, #tpu.memory_space<vmem>>, vector<16xf32>,
    %add3A_846 = arith.addf %add3A_840, %get3A_845 : vector<16xf32>
    %get3A_847 = arith.constant 1121 : index
    %get3A_848 = tpu.vector_load %arg7[%get3A_847] {strides = array<i32>} : memref<4352xf32, #tpu.memory_space<vmem>>, vector<16xf32>,
    %add3A_849 = arith.addf %add3A_843, %get3A_848 : vector<16xf32>
    %get3A_850 = arith.constant 1137 : index
    %get3A_851 = tpu.vector_load %arg7[%get3A_850] {strides = array<i32>} : memref<4352xf32, #tpu.memory_space<vmem>>, vector<16xf32>,
    %add3A_852 = arith.addf %add3A_846, %get3A_851 : vector<16xf32>
    %get3A_853 = arith.constant 1154 : index
    %get3A_854 = tpu.vector_load %arg7[%get3A_853] {strides = array<i32>} : memref<4352xf32, #tpu.memory_space<vmem>>, vector<16xf32>,
    %add3A_855 = arith.addf %add3A_849, %get3A_854 : vector<16xf32>
    %get3A_856 = arith.constant 1170 : index
    %get3A_857 = tpu.vector_load %arg7[%get3A_856] {strides = array<i32>} : memref<4352xf32, #tpu.memory_space<vmem>>, vector<16xf32>,
    %add3A_858 = arith.addf %add3A_852, %get3A_857 : vector<16xf32>
    %get3A_859 = arith.constant 1187 : index
    %get3A_860 = tpu.vector_load %arg7[%get3A_859] {strides = array<i32>} : memref<4352xf32, #tpu.memory_space<vmem>>, vector<16xf32>,
    %add3A_861 = arith.addf %add3A_855, %get3A_860 : vector<16xf32>
    %get3A_862 = arith.constant 1203 : index
    %get3A_863 = tpu.vector_load %arg7[%get3A_862] {strides = array<i32>} : memref<4352xf32, #tpu.memory_space<vmem>>, vector<16xf32>,
    %add3A_864 = arith.addf %add3A_858, %get3A_863 : vector<16xf32>
    %get3A_865 = arith.constant 1220 : index
    %get3A_866 = tpu.vector_load %arg7[%get3A_865] {strides = array<i32>} : memref<4352xf32, #tpu.memory_space<vmem>>, vector<16xf32>,
    %add3A_867 = arith.addf %add3A_861, %get3A_866 : vector<16xf32>
    %get3A_868 = arith.constant 1236 : index
    %get3A_869 = tpu.vector_load %arg7[%get3A_868] {strides = array<i32>} : memref<4352xf32, #tpu.memory_space<vmem>>, vector<16xf32>,
    %add3A_870 = arith.addf %add3A_864, %get3A_869 : vector<16xf32>
    %get3A_871 = arith.constant 1253 : index
    %get3A_872 = tpu.vector_load %arg7[%get3A_871] {strides = array<i32>} : memref<4352xf32, #tpu.memory_space<vmem>>, vector<16xf32>,
    %add3A_873 = arith.addf %add3A_867, %get3A_872 : vector<16xf32>
    %get3A_874 = arith.constant 1269 : index
    %get3A_875 = tpu.vector_load %arg7[%get3A_874] {strides = array<i32>} : memref<4352xf32, #tpu.memory_space<vmem>>, vector<16xf32>,
    %add3A_876 = arith.addf %add3A_870, %get3A_875 : vector<16xf32>
    %get3A_877 = arith.constant 1286 : index
    %get3A_878 = tpu.vector_load %arg7[%get3A_877] {strides = array<i32>} : memref<4352xf32, #tpu.memory_space<vmem>>, vector<16xf32>,
    %add3A_879 = arith.addf %add3A_873, %get3A_878 : vector<16xf32>
    %get3A_880 = arith.constant 1302 : index
    %get3A_881 = tpu.vector_load %arg7[%get3A_880] {strides = array<i32>} : memref<4352xf32, #tpu.memory_space<vmem>>, vector<16xf32>,
    %add3A_882 = arith.addf %add3A_876, %get3A_881 : vector<16xf32>
    %get3A_883 = arith.constant 1319 : index
    %get3A_884 = tpu.vector_load %arg7[%get3A_883] {strides = array<i32>} : memref<4352xf32, #tpu.memory_space<vmem>>, vector<16xf32>,
    %add3A_885 = arith.addf %add3A_879, %get3A_884 : vector<16xf32>
    %get3A_886 = arith.constant 1335 : index
    %get3A_887 = tpu.vector_load %arg7[%get3A_886] {strides = array<i32>} : memref<4352xf32, #tpu.memory_space<vmem>>, vector<16xf32>,
    %add3A_888 = arith.addf %add3A_882, %get3A_887 : vector<16xf32>
    %get3A_889 = arith.constant 1352 : index
    %get3A_890 = tpu.vector_load %arg7[%get3A_889] {strides = array<i32>} : memref<4352xf32, #tpu.memory_space<vmem>>, vector<16xf32>,
    %add3A_891 = arith.addf %add3A_885, %get3A_890 : vector<16xf32>
    %get3A_892 = arith.constant 1368 : index
    %get3A_893 = tpu.vector_load %arg7[%get3A_892] {strides = array<i32>} : memref<4352xf32, #tpu.memory_space<vmem>>, vector<16xf32>,
    %add3A_894 = arith.addf %add3A_888, %get3A_893 : vector<16xf32>
    %get3A_895 = arith.constant 1385 : index
    %get3A_896 = tpu.vector_load %arg7[%get3A_895] {strides = array<i32>} : memref<4352xf32, #tpu.memory_space<vmem>>, vector<16xf32>,
    %add3A_897 = arith.addf %add3A_891, %get3A_896 : vector<16xf32>
    %get3A_898 = arith.constant 1401 : index
    %get3A_899 = tpu.vector_load %arg7[%get3A_898] {strides = array<i32>} : memref<4352xf32, #tpu.memory_space<vmem>>, vector<16xf32>,
    %add3A_900 = arith.addf %add3A_894, %get3A_899 : vector<16xf32>
    %get3A_901 = arith.constant 1418 : index
    %get3A_902 = tpu.vector_load %arg7[%get3A_901] {strides = array<i32>} : memref<4352xf32, #tpu.memory_space<vmem>>, vector<16xf32>,
    %add3A_903 = arith.addf %add3A_897, %get3A_902 : vector<16xf32>
    %get3A_904 = arith.constant 1434 : index
    %get3A_905 = tpu.vector_load %arg7[%get3A_904] {strides = array<i32>} : memref<4352xf32, #tpu.memory_space<vmem>>, vector<16xf32>,
    %add3A_906 = arith.addf %add3A_900, %get3A_905 : vector<16xf32>
    %get3A_907 = arith.constant 1451 : index
    %get3A_908 = tpu.vector_load %arg7[%get3A_907] {strides = array<i32>} : memref<4352xf32, #tpu.memory_space<vmem>>, vector<16xf32>,
    %add3A_909 = arith.addf %add3A_903, %get3A_908 : vector<16xf32>
    %get3A_910 = arith.constant 1467 : index
    %get3A_911 = tpu.vector_load %arg7[%get3A_910] {strides = array<i32>} : memref<4352xf32, #tpu.memory_space<vmem>>, vector<16xf32>,
    %add3A_912 = arith.addf %add3A_906, %get3A_911 : vector<16xf32>
    %get3A_913 = arith.constant 1484 : index
    %get3A_914 = tpu.vector_load %arg7[%get3A_913] {strides = array<i32>} : memref<4352xf32, #tpu.memory_space<vmem>>, vector<16xf32>,
    %add3A_915 = arith.addf %add3A_909, %get3A_914 : vector<16xf32>
    %get3A_916 = arith.constant 1500 : index
    %get3A_917 = tpu.vector_load %arg7[%get3A_916] {strides = array<i32>} : memref<4352xf32, #tpu.memory_space<vmem>>, vector<16xf32>,
    %add3A_918 = arith.addf %add3A_912, %get3A_917 : vector<16xf32>
    %get3A_919 = arith.constant 1517 : index
    %get3A_920 = tpu.vector_load %arg7[%get3A_919] {strides = array<i32>} : memref<4352xf32, #tpu.memory_space<vmem>>, vector<16xf32>,
    %add3A_921 = arith.addf %add3A_915, %get3A_920 : vector<16xf32>
    %get3A_922 = arith.constant 1533 : index
    %get3A_923 = tpu.vector_load %arg7[%get3A_922] {strides = array<i32>} : memref<4352xf32, #tpu.memory_space<vmem>>, vector<16xf32>,
    %add3A_924 = arith.addf %add3A_918, %get3A_923 : vector<16xf32>
    %get3A_925 = arith.constant 1550 : index
    %get3A_926 = tpu.vector_load %arg7[%get3A_925] {strides = array<i32>} : memref<4352xf32, #tpu.memory_space<vmem>>, vector<16xf32>,
    %add3A_927 = arith.addf %add3A_921, %get3A_926 : vector<16xf32>
    %get3A_928 = arith.constant 1566 : index
    %get3A_929 = tpu.vector_load %arg7[%get3A_928] {strides = array<i32>} : memref<4352xf32, #tpu.memory_space<vmem>>, vector<16xf32>,
    %add3A_930 = arith.addf %add3A_924, %get3A_929 : vector<16xf32>
    %get3A_931 = arith.constant 1583 : index
    %get3A_932 = tpu.vector_load %arg7[%get3A_931] {strides = array<i32>} : memref<4352xf32, #tpu.memory_space<vmem>>, vector<16xf32>,
    %add3A_933 = arith.addf %add3A_927, %get3A_932 : vector<16xf32>
    %get3A_934 = arith.constant 1599 : index
    %get3A_935 = tpu.vector_load %arg7[%get3A_934] {strides = array<i32>} : memref<4352xf32, #tpu.memory_space<vmem>>, vector<16xf32>,
    %add3A_936 = arith.addf %add3A_930, %get3A_935 : vector<16xf32>
    %get3A_937 = arith.constant 1632 : index
    %get3A_938 = tpu.vector_load %arg7[%get3A_937] {strides = array<i32>} : memref<4352xf32, #tpu.memory_space<vmem>>, vector<16xf32>,
    %add3A_939 = arith.addf %add3A_933, %get3A_938 : vector<16xf32>
    %get3A_940 = arith.constant 1648 : index
    %get3A_941 = tpu.vector_load %arg7[%get3A_940] {strides = array<i32>} : memref<4352xf32, #tpu.memory_space<vmem>>, vector<16xf32>,
    %add3A_942 = arith.addf %add3A_936, %get3A_941 : vector<16xf32>
    %get3A_943 = arith.constant 1665 : index
    %get3A_944 = tpu.vector_load %arg7[%get3A_943] {strides = array<i32>} : memref<4352xf32, #tpu.memory_space<vmem>>, vector<16xf32>,
    %add3A_945 = arith.addf %add3A_939, %get3A_944 : vector<16xf32>
    %get3A_946 = arith.constant 1681 : index
    %get3A_947 = tpu.vector_load %arg7[%get3A_946] {strides = array<i32>} : memref<4352xf32, #tpu.memory_space<vmem>>, vector<16xf32>,
    %add3A_948 = arith.addf %add3A_942, %get3A_947 : vector<16xf32>
    %get3A_949 = arith.constant 1698 : index
    %get3A_950 = tpu.vector_load %arg7[%get3A_949] {strides = array<i32>} : memref<4352xf32, #tpu.memory_space<vmem>>, vector<16xf32>,
    %add3A_951 = arith.addf %add3A_945, %get3A_950 : vector<16xf32>
    %get3A_952 = arith.constant 1714 : index
    %get3A_953 = tpu.vector_load %arg7[%get3A_952] {strides = array<i32>} : memref<4352xf32, #tpu.memory_space<vmem>>, vector<16xf32>,
    %add3A_954 = arith.addf %add3A_948, %get3A_953 : vector<16xf32>
    %get3A_955 = arith.constant 1731 : index
    %get3A_956 = tpu.vector_load %arg7[%get3A_955] {strides = array<i32>} : memref<4352xf32, #tpu.memory_space<vmem>>, vector<16xf32>,
    %add3A_957 = arith.addf %add3A_951, %get3A_956 : vector<16xf32>
    %get3A_958 = arith.constant 1747 : index
    %get3A_959 = tpu.vector_load %arg7[%get3A_958] {strides = array<i32>} : memref<4352xf32, #tpu.memory_space<vmem>>, vector<16xf32>,
    %add3A_960 = arith.addf %add3A_954, %get3A_959 : vector<16xf32>
    %get3A_961 = arith.constant 1764 : index
    %get3A_962 = tpu.vector_load %arg7[%get3A_961] {strides = array<i32>} : memref<4352xf32, #tpu.memory_space<vmem>>, vector<16xf32>,
    %add3A_963 = arith.addf %add3A_957, %get3A_962 : vector<16xf32>
    %get3A_964 = arith.constant 1780 : index
    %get3A_965 = tpu.vector_load %arg7[%get3A_964] {strides = array<i32>} : memref<4352xf32, #tpu.memory_space<vmem>>, vector<16xf32>,
    %add3A_966 = arith.addf %add3A_960, %get3A_965 : vector<16xf32>
    %get3A_967 = arith.constant 1797 : index
    %get3A_968 = tpu.vector_load %arg7[%get3A_967] {strides = array<i32>} : memref<4352xf32, #tpu.memory_space<vmem>>, vector<16xf32>,
    %add3A_969 = arith.addf %add3A_963, %get3A_968 : vector<16xf32>
    %get3A_970 = arith.constant 1813 : index
    %get3A_971 = tpu.vector_load %arg7[%get3A_970] {strides = array<i32>} : memref<4352xf32, #tpu.memory_space<vmem>>, vector<16xf32>,
    %add3A_972 = arith.addf %add3A_966, %get3A_971 : vector<16xf32>
    %get3A_973 = arith.constant 1830 : index
    %get3A_974 = tpu.vector_load %arg7[%get3A_973] {strides = array<i32>} : memref<4352xf32, #tpu.memory_space<vmem>>, vector<16xf32>,
    %add3A_975 = arith.addf %add3A_969, %get3A_974 : vector<16xf32>
    %get3A_976 = arith.constant 1846 : index
    %get3A_977 = tpu.vector_load %arg7[%get3A_976] {strides = array<i32>} : memref<4352xf32, #tpu.memory_space<vmem>>, vector<16xf32>,
    %add3A_978 = arith.addf %add3A_972, %get3A_977 : vector<16xf32>
    %get3A_979 = arith.constant 1863 : index
    %get3A_980 = tpu.vector_load %arg7[%get3A_979] {strides = array<i32>} : memref<4352xf32, #tpu.memory_space<vmem>>, vector<16xf32>,
    %add3A_981 = arith.addf %add3A_975, %get3A_980 : vector<16xf32>
    %get3A_982 = arith.constant 1879 : index
    %get3A_983 = tpu.vector_load %arg7[%get3A_982] {strides = array<i32>} : memref<4352xf32, #tpu.memory_space<vmem>>, vector<16xf32>,
    %add3A_984 = arith.addf %add3A_978, %get3A_983 : vector<16xf32>
    %get3A_985 = arith.constant 1896 : index
    %get3A_986 = tpu.vector_load %arg7[%get3A_985] {strides = array<i32>} : memref<4352xf32, #tpu.memory_space<vmem>>, vector<16xf32>,
    %add3A_987 = arith.addf %add3A_981, %get3A_986 : vector<16xf32>
    %get3A_988 = arith.constant 1912 : index
    %get3A_989 = tpu.vector_load %arg7[%get3A_988] {strides = array<i32>} : memref<4352xf32, #tpu.memory_space<vmem>>, vector<16xf32>,
    %add3A_990 = arith.addf %add3A_984, %get3A_989 : vector<16xf32>
    %get3A_991 = arith.constant 1929 : index
    %get3A_992 = tpu.vector_load %arg7[%get3A_991] {strides = array<i32>} : memref<4352xf32, #tpu.memory_space<vmem>>, vector<16xf32>,
    %add3A_993 = arith.addf %add3A_987, %get3A_992 : vector<16xf32>
    %get3A_994 = arith.constant 1945 : index
    %get3A_995 = tpu.vector_load %arg7[%get3A_994] {strides = array<i32>} : memref<4352xf32, #tpu.memory_space<vmem>>, vector<16xf32>,
    %add3A_996 = arith.addf %add3A_990, %get3A_995 : vector<16xf32>
    %get3A_997 = arith.constant 1962 : index
    %get3A_998 = tpu.vector_load %arg7[%get3A_997] {strides = array<i32>} : memref<4352xf32, #tpu.memory_space<vmem>>, vector<16xf32>,
    %add3A_999 = arith.addf %add3A_993, %get3A_998 : vector<16xf32>
    %get3A_1000 = arith.constant 1978 : index
    %get3A_1001 = tpu.vector_load %arg7[%get3A_1000] {strides = array<i32>} : memref<4352xf32, #tpu.memory_space<vmem>>, vector<16xf32>,
    %add3A_1002 = arith.addf %add3A_996, %get3A_1001 : vector<16xf32>
    %get3A_1003 = arith.constant 1995 : index
    %get3A_1004 = tpu.vector_load %arg7[%get3A_1003] {strides = array<i32>} : memref<4352xf32, #tpu.memory_space<vmem>>, vector<16xf32>,
    %add3A_1005 = arith.addf %add3A_999, %get3A_1004 : vector<16xf32>
    %get3A_1006 = arith.constant 2011 : index
    %get3A_1007 = tpu.vector_load %arg7[%get3A_1006] {strides = array<i32>} : memref<4352xf32, #tpu.memory_space<vmem>>, vector<16xf32>,
    %add3A_1008 = arith.addf %add3A_1002, %get3A_1007 : vector<16xf32>
    %get3A_1009 = arith.constant 2028 : index
    %get3A_1010 = tpu.vector_load %arg7[%get3A_1009] {strides = array<i32>} : memref<4352xf32, #tpu.memory_space<vmem>>, vector<16xf32>,
    %add3A_1011 = arith.addf %add3A_1005, %get3A_1010 : vector<16xf32>
    %get3A_1012 = arith.constant 2044 : index
    %get3A_1013 = tpu.vector_load %arg7[%get3A_1012] {strides = array<i32>} : memref<4352xf32, #tpu.memory_space<vmem>>, vector<16xf32>,
    %add3A_1014 = arith.addf %add3A_1008, %get3A_1013 : vector<16xf32>
    %get3A_1015 = arith.constant 2061 : index
    %get3A_1016 = tpu.vector_load %arg7[%get3A_1015] {strides = array<i32>} : memref<4352xf32, #tpu.memory_space<vmem>>, vector<16xf32>,
    %add3A_1017 = arith.addf %add3A_1011, %get3A_1016 : vector<16xf32>
    %get3A_1018 = arith.constant 2077 : index
    %get3A_1019 = tpu.vector_load %arg7[%get3A_1018] {strides = array<i32>} : memref<4352xf32, #tpu.memory_space<vmem>>, vector<16xf32>,
    %add3A_1020 = arith.addf %add3A_1014, %get3A_1019 : vector<16xf32>
    %get3A_1021 = arith.constant 2094 : index
    %get3A_1022 = tpu.vector_load %arg7[%get3A_1021] {strides = array<i32>} : memref<4352xf32, #tpu.memory_space<vmem>>, vector<16xf32>,
    %add3A_1023 = arith.addf %add3A_1017, %get3A_1022 : vector<16xf32>
    %get3A_1024 = arith.constant 2110 : index
    %get3A_1025 = tpu.vector_load %arg7[%get3A_1024] {strides = array<i32>} : memref<4352xf32, #tpu.memory_space<vmem>>, vector<16xf32>,
    %add3A_1026 = arith.addf %add3A_1020, %get3A_1025 : vector<16xf32>
    %get3A_1027 = arith.constant 2127 : index
    %get3A_1028 = tpu.vector_load %arg7[%get3A_1027] {strides = array<i32>} : memref<4352xf32, #tpu.memory_space<vmem>>, vector<16xf32>,
    %add3A_1029 = arith.addf %add3A_1023, %get3A_1028 : vector<16xf32>
    %get3A_1030 = arith.constant 2143 : index
    %get3A_1031 = tpu.vector_load %arg7[%get3A_1030] {strides = array<i32>} : memref<4352xf32, #tpu.memory_space<vmem>>, vector<16xf32>,
    %add3A_1032 = arith.addf %add3A_1026, %get3A_1031 : vector<16xf32>
    %get3A_1033 = arith.constant 2176 : index
    %get3A_1034 = tpu.vector_load %arg7[%get3A_1033] {strides = array<i32>} : memref<4352xf32, #tpu.memory_space<vmem>>, vector<16xf32>,
    %add3A_1035 = arith.addf %add3A_1029, %get3A_1034 : vector<16xf32>
    %get3A_1036 = arith.constant 2192 : index
    %get3A_1037 = tpu.vector_load %arg7[%get3A_1036] {strides = array<i32>} : memref<4352xf32, #tpu.memory_space<vmem>>, vector<16xf32>,
    %add3A_1038 = arith.addf %add3A_1032, %get3A_1037 : vector<16xf32>
    %get3A_1039 = arith.constant 2209 : index
    %get3A_1040 = tpu.vector_load %arg7[%get3A_1039] {strides = array<i32>} : memref<4352xf32, #tpu.memory_space<vmem>>, vector<16xf32>,
    %add3A_1041 = arith.addf %add3A_1035, %get3A_1040 : vector<16xf32>
    %get3A_1042 = arith.constant 2225 : index
    %get3A_1043 = tpu.vector_load %arg7[%get3A_1042] {strides = array<i32>} : memref<4352xf32, #tpu.memory_space<vmem>>, vector<16xf32>,
    %add3A_1044 = arith.addf %add3A_1038, %get3A_1043 : vector<16xf32>
    %get3A_1045 = arith.constant 2242 : index
    %get3A_1046 = tpu.vector_load %arg7[%get3A_1045] {strides = array<i32>} : memref<4352xf32, #tpu.memory_space<vmem>>, vector<16xf32>,
    %add3A_1047 = arith.addf %add3A_1041, %get3A_1046 : vector<16xf32>
    %get3A_1048 = arith.constant 2258 : index
    %get3A_1049 = tpu.vector_load %arg7[%get3A_1048] {strides = array<i32>} : memref<4352xf32, #tpu.memory_space<vmem>>, vector<16xf32>,
    %add3A_1050 = arith.addf %add3A_1044, %get3A_1049 : vector<16xf32>
    %get3A_1051 = arith.constant 2275 : index
    %get3A_1052 = tpu.vector_load %arg7[%get3A_1051] {strides = array<i32>} : memref<4352xf32, #tpu.memory_space<vmem>>, vector<16xf32>,
    %add3A_1053 = arith.addf %add3A_1047, %get3A_1052 : vector<16xf32>
    %get3A_1054 = arith.constant 2291 : index
    %get3A_1055 = tpu.vector_load %arg7[%get3A_1054] {strides = array<i32>} : memref<4352xf32, #tpu.memory_space<vmem>>, vector<16xf32>,
    %add3A_1056 = arith.addf %add3A_1050, %get3A_1055 : vector<16xf32>
    %get3A_1057 = arith.constant 2308 : index
    %get3A_1058 = tpu.vector_load %arg7[%get3A_1057] {strides = array<i32>} : memref<4352xf32, #tpu.memory_space<vmem>>, vector<16xf32>,
    %add3A_1059 = arith.addf %add3A_1053, %get3A_1058 : vector<16xf32>
    %get3A_1060 = arith.constant 2324 : index
    %get3A_1061 = tpu.vector_load %arg7[%get3A_1060] {strides = array<i32>} : memref<4352xf32, #tpu.memory_space<vmem>>, vector<16xf32>,
    %add3A_1062 = arith.addf %add3A_1056, %get3A_1061 : vector<16xf32>
    %get3A_1063 = arith.constant 2341 : index
    %get3A_1064 = tpu.vector_load %arg7[%get3A_1063] {strides = array<i32>} : memref<4352xf32, #tpu.memory_space<vmem>>, vector<16xf32>,
    %add3A_1065 = arith.addf %add3A_1059, %get3A_1064 : vector<16xf32>
    %get3A_1066 = arith.constant 2357 : index
    %get3A_1067 = tpu.vector_load %arg7[%get3A_1066] {strides = array<i32>} : memref<4352xf32, #tpu.memory_space<vmem>>, vector<16xf32>,
    %add3A_1068 = arith.addf %add3A_1062, %get3A_1067 : vector<16xf32>
    %get3A_1069 = arith.constant 2374 : index
    %get3A_1070 = tpu.vector_load %arg7[%get3A_1069] {strides = array<i32>} : memref<4352xf32, #tpu.memory_space<vmem>>, vector<16xf32>,
    %add3A_1071 = arith.addf %add3A_1065, %get3A_1070 : vector<16xf32>
    %get3A_1072 = arith.constant 2390 : index
    %get3A_1073 = tpu.vector_load %arg7[%get3A_1072] {strides = array<i32>} : memref<4352xf32, #tpu.memory_space<vmem>>, vector<16xf32>,
    %add3A_1074 = arith.addf %add3A_1068, %get3A_1073 : vector<16xf32>
    %get3A_1075 = arith.constant 2407 : index
    %get3A_1076 = tpu.vector_load %arg7[%get3A_1075] {strides = array<i32>} : memref<4352xf32, #tpu.memory_space<vmem>>, vector<16xf32>,
    %add3A_1077 = arith.addf %add3A_1071, %get3A_1076 : vector<16xf32>
    %get3A_1078 = arith.constant 2423 : index
    %get3A_1079 = tpu.vector_load %arg7[%get3A_1078] {strides = array<i32>} : memref<4352xf32, #tpu.memory_space<vmem>>, vector<16xf32>,
    %add3A_1080 = arith.addf %add3A_1074, %get3A_1079 : vector<16xf32>
    %get3A_1081 = arith.constant 2440 : index
    %get3A_1082 = tpu.vector_load %arg7[%get3A_1081] {strides = array<i32>} : memref<4352xf32, #tpu.memory_space<vmem>>, vector<16xf32>,
    %add3A_1083 = arith.addf %add3A_1077, %get3A_1082 : vector<16xf32>
    %get3A_1084 = arith.constant 2456 : index
    %get3A_1085 = tpu.vector_load %arg7[%get3A_1084] {strides = array<i32>} : memref<4352xf32, #tpu.memory_space<vmem>>, vector<16xf32>,
    %add3A_1086 = arith.addf %add3A_1080, %get3A_1085 : vector<16xf32>
    %get3A_1087 = arith.constant 2473 : index
    %get3A_1088 = tpu.vector_load %arg7[%get3A_1087] {strides = array<i32>} : memref<4352xf32, #tpu.memory_space<vmem>>, vector<16xf32>,
    %add3A_1089 = arith.addf %add3A_1083, %get3A_1088 : vector<16xf32>
    %get3A_1090 = arith.constant 2489 : index
    %get3A_1091 = tpu.vector_load %arg7[%get3A_1090] {strides = array<i32>} : memref<4352xf32, #tpu.memory_space<vmem>>, vector<16xf32>,
    %add3A_1092 = arith.addf %add3A_1086, %get3A_1091 : vector<16xf32>
    %get3A_1093 = arith.constant 2506 : index
    %get3A_1094 = tpu.vector_load %arg7[%get3A_1093] {strides = array<i32>} : memref<4352xf32, #tpu.memory_space<vmem>>, vector<16xf32>,
    %add3A_1095 = arith.addf %add3A_1089, %get3A_1094 : vector<16xf32>
    %get3A_1096 = arith.constant 2522 : index
    %get3A_1097 = tpu.vector_load %arg7[%get3A_1096] {strides = array<i32>} : memref<4352xf32, #tpu.memory_space<vmem>>, vector<16xf32>,
    %add3A_1098 = arith.addf %add3A_1092, %get3A_1097 : vector<16xf32>
    %get3A_1099 = arith.constant 2539 : index
    %get3A_1100 = tpu.vector_load %arg7[%get3A_1099] {strides = array<i32>} : memref<4352xf32, #tpu.memory_space<vmem>>, vector<16xf32>,
    %add3A_1101 = arith.addf %add3A_1095, %get3A_1100 : vector<16xf32>
    %get3A_1102 = arith.constant 2555 : index
    %get3A_1103 = tpu.vector_load %arg7[%get3A_1102] {strides = array<i32>} : memref<4352xf32, #tpu.memory_space<vmem>>, vector<16xf32>,
    %add3A_1104 = arith.addf %add3A_1098, %get3A_1103 : vector<16xf32>
    %get3A_1105 = arith.constant 2572 : index
    %get3A_1106 = tpu.vector_load %arg7[%get3A_1105] {strides = array<i32>} : memref<4352xf32, #tpu.memory_space<vmem>>, vector<16xf32>,
    %add3A_1107 = arith.addf %add3A_1101, %get3A_1106 : vector<16xf32>
    %get3A_1108 = arith.constant 2588 : index
    %get3A_1109 = tpu.vector_load %arg7[%get3A_1108] {strides = array<i32>} : memref<4352xf32, #tpu.memory_space<vmem>>, vector<16xf32>,
    %add3A_1110 = arith.addf %add3A_1104, %get3A_1109 : vector<16xf32>
    %get3A_1111 = arith.constant 2605 : index
    %get3A_1112 = tpu.vector_load %arg7[%get3A_1111] {strides = array<i32>} : memref<4352xf32, #tpu.memory_space<vmem>>, vector<16xf32>,
    %add3A_1113 = arith.addf %add3A_1107, %get3A_1112 : vector<16xf32>
    %get3A_1114 = arith.constant 2621 : index
    %get3A_1115 = tpu.vector_load %arg7[%get3A_1114] {strides = array<i32>} : memref<4352xf32, #tpu.memory_space<vmem>>, vector<16xf32>,
    %add3A_1116 = arith.addf %add3A_1110, %get3A_1115 : vector<16xf32>
    %get3A_1117 = arith.constant 2638 : index
    %get3A_1118 = tpu.vector_load %arg7[%get3A_1117] {strides = array<i32>} : memref<4352xf32, #tpu.memory_space<vmem>>, vector<16xf32>,
    %add3A_1119 = arith.addf %add3A_1113, %get3A_1118 : vector<16xf32>
    %get3A_1120 = arith.constant 2654 : index
    %get3A_1121 = tpu.vector_load %arg7[%get3A_1120] {strides = array<i32>} : memref<4352xf32, #tpu.memory_space<vmem>>, vector<16xf32>,
    %add3A_1122 = arith.addf %add3A_1116, %get3A_1121 : vector<16xf32>
    %get3A_1123 = arith.constant 2671 : index
    %get3A_1124 = tpu.vector_load %arg7[%get3A_1123] {strides = array<i32>} : memref<4352xf32, #tpu.memory_space<vmem>>, vector<16xf32>,
    %add3A_1125 = arith.addf %add3A_1119, %get3A_1124 : vector<16xf32>
    %get3A_1126 = arith.constant 2687 : index
    %get3A_1127 = tpu.vector_load %arg7[%get3A_1126] {strides = array<i32>} : memref<4352xf32, #tpu.memory_space<vmem>>, vector<16xf32>,
    %add3A_1128 = arith.addf %add3A_1122, %get3A_1127 : vector<16xf32>
    %get3A_1129 = arith.constant 2720 : index
    %get3A_1130 = tpu.vector_load %arg7[%get3A_1129] {strides = array<i32>} : memref<4352xf32, #tpu.memory_space<vmem>>, vector<16xf32>,
    %add3A_1131 = arith.addf %add3A_1125, %get3A_1130 : vector<16xf32>
    %get3A_1132 = arith.constant 2736 : index
    %get3A_1133 = tpu.vector_load %arg7[%get3A_1132] {strides = array<i32>} : memref<4352xf32, #tpu.memory_space<vmem>>, vector<16xf32>,
    %add3A_1134 = arith.addf %add3A_1128, %get3A_1133 : vector<16xf32>
    %get3A_1135 = arith.constant 2753 : index
    %get3A_1136 = tpu.vector_load %arg7[%get3A_1135] {strides = array<i32>} : memref<4352xf32, #tpu.memory_space<vmem>>, vector<16xf32>,
    %add3A_1137 = arith.addf %add3A_1131, %get3A_1136 : vector<16xf32>
    %get3A_1138 = arith.constant 2769 : index
    %get3A_1139 = tpu.vector_load %arg7[%get3A_1138] {strides = array<i32>} : memref<4352xf32, #tpu.memory_space<vmem>>, vector<16xf32>,
    %add3A_1140 = arith.addf %add3A_1134, %get3A_1139 : vector<16xf32>
    %get3A_1141 = arith.constant 2786 : index
    %get3A_1142 = tpu.vector_load %arg7[%get3A_1141] {strides = array<i32>} : memref<4352xf32, #tpu.memory_space<vmem>>, vector<16xf32>,
    %add3A_1143 = arith.addf %add3A_1137, %get3A_1142 : vector<16xf32>
    %get3A_1144 = arith.constant 2802 : index
    %get3A_1145 = tpu.vector_load %arg7[%get3A_1144] {strides = array<i32>} : memref<4352xf32, #tpu.memory_space<vmem>>, vector<16xf32>,
    %add3A_1146 = arith.addf %add3A_1140, %get3A_1145 : vector<16xf32>
    %get3A_1147 = arith.constant 2819 : index
    %get3A_1148 = tpu.vector_load %arg7[%get3A_1147] {strides = array<i32>} : memref<4352xf32, #tpu.memory_space<vmem>>, vector<16xf32>,
    %add3A_1149 = arith.addf %add3A_1143, %get3A_1148 : vector<16xf32>
    %get3A_1150 = arith.constant 2835 : index
    %get3A_1151 = tpu.vector_load %arg7[%get3A_1150] {strides = array<i32>} : memref<4352xf32, #tpu.memory_space<vmem>>, vector<16xf32>,
    %add3A_1152 = arith.addf %add3A_1146, %get3A_1151 : vector<16xf32>
    %get3A_1153 = arith.constant 2852 : index
    %get3A_1154 = tpu.vector_load %arg7[%get3A_1153] {strides = array<i32>} : memref<4352xf32, #tpu.memory_space<vmem>>, vector<16xf32>,
    %add3A_1155 = arith.addf %add3A_1149, %get3A_1154 : vector<16xf32>
    %get3A_1156 = arith.constant 2868 : index
    %get3A_1157 = tpu.vector_load %arg7[%get3A_1156] {strides = array<i32>} : memref<4352xf32, #tpu.memory_space<vmem>>, vector<16xf32>,
    %add3A_1158 = arith.addf %add3A_1152, %get3A_1157 : vector<16xf32>
    %get3A_1159 = arith.constant 2885 : index
    %get3A_1160 = tpu.vector_load %arg7[%get3A_1159] {strides = array<i32>} : memref<4352xf32, #tpu.memory_space<vmem>>, vector<16xf32>,
    %add3A_1161 = arith.addf %add3A_1155, %get3A_1160 : vector<16xf32>
    %get3A_1162 = arith.constant 2901 : index
    %get3A_1163 = tpu.vector_load %arg7[%get3A_1162] {strides = array<i32>} : memref<4352xf32, #tpu.memory_space<vmem>>, vector<16xf32>,
    %add3A_1164 = arith.addf %add3A_1158, %get3A_1163 : vector<16xf32>
    %get3A_1165 = arith.constant 2918 : index
    %get3A_1166 = tpu.vector_load %arg7[%get3A_1165] {strides = array<i32>} : memref<4352xf32, #tpu.memory_space<vmem>>, vector<16xf32>,
    %add3A_1167 = arith.addf %add3A_1161, %get3A_1166 : vector<16xf32>
    %get3A_1168 = arith.constant 2934 : index
    %get3A_1169 = tpu.vector_load %arg7[%get3A_1168] {strides = array<i32>} : memref<4352xf32, #tpu.memory_space<vmem>>, vector<16xf32>,
    %add3A_1170 = arith.addf %add3A_1164, %get3A_1169 : vector<16xf32>
    %get3A_1171 = arith.constant 2951 : index
    %get3A_1172 = tpu.vector_load %arg7[%get3A_1171] {strides = array<i32>} : memref<4352xf32, #tpu.memory_space<vmem>>, vector<16xf32>,
    %add3A_1173 = arith.addf %add3A_1167, %get3A_1172 : vector<16xf32>
    %get3A_1174 = arith.constant 2967 : index
    %get3A_1175 = tpu.vector_load %arg7[%get3A_1174] {strides = array<i32>} : memref<4352xf32, #tpu.memory_space<vmem>>, vector<16xf32>,
    %add3A_1176 = arith.addf %add3A_1170, %get3A_1175 : vector<16xf32>
    %get3A_1177 = arith.constant 2984 : index
    %get3A_1178 = tpu.vector_load %arg7[%get3A_1177] {strides = array<i32>} : memref<4352xf32, #tpu.memory_space<vmem>>, vector<16xf32>,
    %add3A_1179 = arith.addf %add3A_1173, %get3A_1178 : vector<16xf32>
    %get3A_1180 = arith.constant 3000 : index
    %get3A_1181 = tpu.vector_load %arg7[%get3A_1180] {strides = array<i32>} : memref<4352xf32, #tpu.memory_space<vmem>>, vector<16xf32>,
    %add3A_1182 = arith.addf %add3A_1176, %get3A_1181 : vector<16xf32>
    %get3A_1183 = arith.constant 3017 : index
    %get3A_1184 = tpu.vector_load %arg7[%get3A_1183] {strides = array<i32>} : memref<4352xf32, #tpu.memory_space<vmem>>, vector<16xf32>,
    %add3A_1185 = arith.addf %add3A_1179, %get3A_1184 : vector<16xf32>
    %get3A_1186 = arith.constant 3033 : index
    %get3A_1187 = tpu.vector_load %arg7[%get3A_1186] {strides = array<i32>} : memref<4352xf32, #tpu.memory_space<vmem>>, vector<16xf32>,
    %add3A_1188 = arith.addf %add3A_1182, %get3A_1187 : vector<16xf32>
    %get3A_1189 = arith.constant 3050 : index
    %get3A_1190 = tpu.vector_load %arg7[%get3A_1189] {strides = array<i32>} : memref<4352xf32, #tpu.memory_space<vmem>>, vector<16xf32>,
    %add3A_1191 = arith.addf %add3A_1185, %get3A_1190 : vector<16xf32>
    %get3A_1192 = arith.constant 3066 : index
    %get3A_1193 = tpu.vector_load %arg7[%get3A_1192] {strides = array<i32>} : memref<4352xf32, #tpu.memory_space<vmem>>, vector<16xf32>,
    %add3A_1194 = arith.addf %add3A_1188, %get3A_1193 : vector<16xf32>
    %get3A_1195 = arith.constant 3083 : index
    %get3A_1196 = tpu.vector_load %arg7[%get3A_1195] {strides = array<i32>} : memref<4352xf32, #tpu.memory_space<vmem>>, vector<16xf32>,
    %add3A_1197 = arith.addf %add3A_1191, %get3A_1196 : vector<16xf32>
    %get3A_1198 = arith.constant 3099 : index
    %get3A_1199 = tpu.vector_load %arg7[%get3A_1198] {strides = array<i32>} : memref<4352xf32, #tpu.memory_space<vmem>>, vector<16xf32>,
    %add3A_1200 = arith.addf %add3A_1194, %get3A_1199 : vector<16xf32>
    %get3A_1201 = arith.constant 3116 : index
    %get3A_1202 = tpu.vector_load %arg7[%get3A_1201] {strides = array<i32>} : memref<4352xf32, #tpu.memory_space<vmem>>, vector<16xf32>,
    %add3A_1203 = arith.addf %add3A_1197, %get3A_1202 : vector<16xf32>
    %get3A_1204 = arith.constant 3132 : index
    %get3A_1205 = tpu.vector_load %arg7[%get3A_1204] {strides = array<i32>} : memref<4352xf32, #tpu.memory_space<vmem>>, vector<16xf32>,
    %add3A_1206 = arith.addf %add3A_1200, %get3A_1205 : vector<16xf32>
    %get3A_1207 = arith.constant 3149 : index
    %get3A_1208 = tpu.vector_load %arg7[%get3A_1207] {strides = array<i32>} : memref<4352xf32, #tpu.memory_space<vmem>>, vector<16xf32>,
    %add3A_1209 = arith.addf %add3A_1203, %get3A_1208 : vector<16xf32>
    %get3A_1210 = arith.constant 3165 : index
    %get3A_1211 = tpu.vector_load %arg7[%get3A_1210] {strides = array<i32>} : memref<4352xf32, #tpu.memory_space<vmem>>, vector<16xf32>,
    %add3A_1212 = arith.addf %add3A_1206, %get3A_1211 : vector<16xf32>
    %get3A_1213 = arith.constant 3182 : index
    %get3A_1214 = tpu.vector_load %arg7[%get3A_1213] {strides = array<i32>} : memref<4352xf32, #tpu.memory_space<vmem>>, vector<16xf32>,
    %add3A_1215 = arith.addf %add3A_1209, %get3A_1214 : vector<16xf32>
    %get3A_1216 = arith.constant 3198 : index
    %get3A_1217 = tpu.vector_load %arg7[%get3A_1216] {strides = array<i32>} : memref<4352xf32, #tpu.memory_space<vmem>>, vector<16xf32>,
    %add3A_1218 = arith.addf %add3A_1212, %get3A_1217 : vector<16xf32>
    %get3A_1219 = arith.constant 3215 : index
    %get3A_1220 = tpu.vector_load %arg7[%get3A_1219] {strides = array<i32>} : memref<4352xf32, #tpu.memory_space<vmem>>, vector<16xf32>,
    %add3A_1221 = arith.addf %add3A_1215, %get3A_1220 : vector<16xf32>
    %get3A_1222 = arith.constant 3231 : index
    %get3A_1223 = tpu.vector_load %arg7[%get3A_1222] {strides = array<i32>} : memref<4352xf32, #tpu.memory_space<vmem>>, vector<16xf32>,
    %add3A_1224 = arith.addf %add3A_1218, %get3A_1223 : vector<16xf32>
    %get3A_1225 = arith.constant 3264 : index
    %get3A_1226 = tpu.vector_load %arg7[%get3A_1225] {strides = array<i32>} : memref<4352xf32, #tpu.memory_space<vmem>>, vector<16xf32>,
    %add3A_1227 = arith.addf %add3A_1221, %get3A_1226 : vector<16xf32>
    %get3A_1228 = arith.constant 3280 : index
    %get3A_1229 = tpu.vector_load %arg7[%get3A_1228] {strides = array<i32>} : memref<4352xf32, #tpu.memory_space<vmem>>, vector<16xf32>,
    %add3A_1230 = arith.addf %add3A_1224, %get3A_1229 : vector<16xf32>
    %get3A_1231 = arith.constant 3297 : index
    %get3A_1232 = tpu.vector_load %arg7[%get3A_1231] {strides = array<i32>} : memref<4352xf32, #tpu.memory_space<vmem>>, vector<16xf32>,
    %add3A_1233 = arith.addf %add3A_1227, %get3A_1232 : vector<16xf32>
    %get3A_1234 = arith.constant 3313 : index
    %get3A_1235 = tpu.vector_load %arg7[%get3A_1234] {strides = array<i32>} : memref<4352xf32, #tpu.memory_space<vmem>>, vector<16xf32>,
    %add3A_1236 = arith.addf %add3A_1230, %get3A_1235 : vector<16xf32>
    %get3A_1237 = arith.constant 3330 : index
    %get3A_1238 = tpu.vector_load %arg7[%get3A_1237] {strides = array<i32>} : memref<4352xf32, #tpu.memory_space<vmem>>, vector<16xf32>,
    %add3A_1239 = arith.addf %add3A_1233, %get3A_1238 : vector<16xf32>
    %get3A_1240 = arith.constant 3346 : index
    %get3A_1241 = tpu.vector_load %arg7[%get3A_1240] {strides = array<i32>} : memref<4352xf32, #tpu.memory_space<vmem>>, vector<16xf32>,
    %add3A_1242 = arith.addf %add3A_1236, %get3A_1241 : vector<16xf32>
    %get3A_1243 = arith.constant 3363 : index
    %get3A_1244 = tpu.vector_load %arg7[%get3A_1243] {strides = array<i32>} : memref<4352xf32, #tpu.memory_space<vmem>>, vector<16xf32>,
    %add3A_1245 = arith.addf %add3A_1239, %get3A_1244 : vector<16xf32>
    %get3A_1246 = arith.constant 3379 : index
    %get3A_1247 = tpu.vector_load %arg7[%get3A_1246] {strides = array<i32>} : memref<4352xf32, #tpu.memory_space<vmem>>, vector<16xf32>,
    %add3A_1248 = arith.addf %add3A_1242, %get3A_1247 : vector<16xf32>
    %get3A_1249 = arith.constant 3396 : index
    %get3A_1250 = tpu.vector_load %arg7[%get3A_1249] {strides = array<i32>} : memref<4352xf32, #tpu.memory_space<vmem>>, vector<16xf32>,
    %add3A_1251 = arith.addf %add3A_1245, %get3A_1250 : vector<16xf32>
    %get3A_1252 = arith.constant 3412 : index
    %get3A_1253 = tpu.vector_load %arg7[%get3A_1252] {strides = array<i32>} : memref<4352xf32, #tpu.memory_space<vmem>>, vector<16xf32>,
    %add3A_1254 = arith.addf %add3A_1248, %get3A_1253 : vector<16xf32>
    %get3A_1255 = arith.constant 3429 : index
    %get3A_1256 = tpu.vector_load %arg7[%get3A_1255] {strides = array<i32>} : memref<4352xf32, #tpu.memory_space<vmem>>, vector<16xf32>,
    %add3A_1257 = arith.addf %add3A_1251, %get3A_1256 : vector<16xf32>
    %get3A_1258 = arith.constant 3445 : index
    %get3A_1259 = tpu.vector_load %arg7[%get3A_1258] {strides = array<i32>} : memref<4352xf32, #tpu.memory_space<vmem>>, vector<16xf32>,
    %add3A_1260 = arith.addf %add3A_1254, %get3A_1259 : vector<16xf32>
    %get3A_1261 = arith.constant 3462 : index
    %get3A_1262 = tpu.vector_load %arg7[%get3A_1261] {strides = array<i32>} : memref<4352xf32, #tpu.memory_space<vmem>>, vector<16xf32>,
    %add3A_1263 = arith.addf %add3A_1257, %get3A_1262 : vector<16xf32>
    %get3A_1264 = arith.constant 3478 : index
    %get3A_1265 = tpu.vector_load %arg7[%get3A_1264] {strides = array<i32>} : memref<4352xf32, #tpu.memory_space<vmem>>, vector<16xf32>,
    %add3A_1266 = arith.addf %add3A_1260, %get3A_1265 : vector<16xf32>
    %get3A_1267 = arith.constant 3495 : index
    %get3A_1268 = tpu.vector_load %arg7[%get3A_1267] {strides = array<i32>} : memref<4352xf32, #tpu.memory_space<vmem>>, vector<16xf32>,
    %add3A_1269 = arith.addf %add3A_1263, %get3A_1268 : vector<16xf32>
    %get3A_1270 = arith.constant 3511 : index
    %get3A_1271 = tpu.vector_load %arg7[%get3A_1270] {strides = array<i32>} : memref<4352xf32, #tpu.memory_space<vmem>>, vector<16xf32>,
    %add3A_1272 = arith.addf %add3A_1266, %get3A_1271 : vector<16xf32>
    %get3A_1273 = arith.constant 3528 : index
    %get3A_1274 = tpu.vector_load %arg7[%get3A_1273] {strides = array<i32>} : memref<4352xf32, #tpu.memory_space<vmem>>, vector<16xf32>,
    %add3A_1275 = arith.addf %add3A_1269, %get3A_1274 : vector<16xf32>
    %get3A_1276 = arith.constant 3544 : index
    %get3A_1277 = tpu.vector_load %arg7[%get3A_1276] {strides = array<i32>} : memref<4352xf32, #tpu.memory_space<vmem>>, vector<16xf32>,
    %add3A_1278 = arith.addf %add3A_1272, %get3A_1277 : vector<16xf32>
    %get3A_1279 = arith.constant 3561 : index
    %get3A_1280 = tpu.vector_load %arg7[%get3A_1279] {strides = array<i32>} : memref<4352xf32, #tpu.memory_space<vmem>>, vector<16xf32>,
    %add3A_1281 = arith.addf %add3A_1275, %get3A_1280 : vector<16xf32>
    %get3A_1282 = arith.constant 3577 : index
    %get3A_1283 = tpu.vector_load %arg7[%get3A_1282] {strides = array<i32>} : memref<4352xf32, #tpu.memory_space<vmem>>, vector<16xf32>,
    %add3A_1284 = arith.addf %add3A_1278, %get3A_1283 : vector<16xf32>
    %get3A_1285 = arith.constant 3594 : index
    %get3A_1286 = tpu.vector_load %arg7[%get3A_1285] {strides = array<i32>} : memref<4352xf32, #tpu.memory_space<vmem>>, vector<16xf32>,
    %add3A_1287 = arith.addf %add3A_1281, %get3A_1286 : vector<16xf32>
    %get3A_1288 = arith.constant 3610 : index
    %get3A_1289 = tpu.vector_load %arg7[%get3A_1288] {strides = array<i32>} : memref<4352xf32, #tpu.memory_space<vmem>>, vector<16xf32>,
    %add3A_1290 = arith.addf %add3A_1284, %get3A_1289 : vector<16xf32>
    %get3A_1291 = arith.constant 3627 : index
    %get3A_1292 = tpu.vector_load %arg7[%get3A_1291] {strides = array<i32>} : memref<4352xf32, #tpu.memory_space<vmem>>, vector<16xf32>,
    %add3A_1293 = arith.addf %add3A_1287, %get3A_1292 : vector<16xf32>
    %get3A_1294 = arith.constant 3643 : index
    %get3A_1295 = tpu.vector_load %arg7[%get3A_1294] {strides = array<i32>} : memref<4352xf32, #tpu.memory_space<vmem>>, vector<16xf32>,
    %add3A_1296 = arith.addf %add3A_1290, %get3A_1295 : vector<16xf32>
    %get3A_1297 = arith.constant 3660 : index
    %get3A_1298 = tpu.vector_load %arg7[%get3A_1297] {strides = array<i32>} : memref<4352xf32, #tpu.memory_space<vmem>>, vector<16xf32>,
    %add3A_1299 = arith.addf %add3A_1293, %get3A_1298 : vector<16xf32>
    %get3A_1300 = arith.constant 3676 : index
    %get3A_1301 = tpu.vector_load %arg7[%get3A_1300] {strides = array<i32>} : memref<4352xf32, #tpu.memory_space<vmem>>, vector<16xf32>,
    %add3A_1302 = arith.addf %add3A_1296, %get3A_1301 : vector<16xf32>
    %get3A_1303 = arith.constant 3693 : index
    %get3A_1304 = tpu.vector_load %arg7[%get3A_1303] {strides = array<i32>} : memref<4352xf32, #tpu.memory_space<vmem>>, vector<16xf32>,
    %add3A_1305 = arith.addf %add3A_1299, %get3A_1304 : vector<16xf32>
    %get3A_1306 = arith.constant 3709 : index
    %get3A_1307 = tpu.vector_load %arg7[%get3A_1306] {strides = array<i32>} : memref<4352xf32, #tpu.memory_space<vmem>>, vector<16xf32>,
    %add3A_1308 = arith.addf %add3A_1302, %get3A_1307 : vector<16xf32>
    %get3A_1309 = arith.constant 3726 : index
    %get3A_1310 = tpu.vector_load %arg7[%get3A_1309] {strides = array<i32>} : memref<4352xf32, #tpu.memory_space<vmem>>, vector<16xf32>,
    %add3A_1311 = arith.addf %add3A_1305, %get3A_1310 : vector<16xf32>
    %get3A_1312 = arith.constant 3742 : index
    %get3A_1313 = tpu.vector_load %arg7[%get3A_1312] {strides = array<i32>} : memref<4352xf32, #tpu.memory_space<vmem>>, vector<16xf32>,
    %add3A_1314 = arith.addf %add3A_1308, %get3A_1313 : vector<16xf32>
    %get3A_1315 = arith.constant 3759 : index
    %get3A_1316 = tpu.vector_load %arg7[%get3A_1315] {strides = array<i32>} : memref<4352xf32, #tpu.memory_space<vmem>>, vector<16xf32>,
    %add3A_1317 = arith.addf %add3A_1311, %get3A_1316 : vector<16xf32>
    %get3A_1318 = arith.constant 3775 : index
    %get3A_1319 = tpu.vector_load %arg7[%get3A_1318] {strides = array<i32>} : memref<4352xf32, #tpu.memory_space<vmem>>, vector<16xf32>,
    %add3A_1320 = arith.addf %add3A_1314, %get3A_1319 : vector<16xf32>
    %get3A_1321 = arith.constant 3808 : index
    %get3A_1322 = tpu.vector_load %arg7[%get3A_1321] {strides = array<i32>} : memref<4352xf32, #tpu.memory_space<vmem>>, vector<16xf32>,
    %add3A_1323 = arith.addf %add3A_1317, %get3A_1322 : vector<16xf32>
    %get3A_1324 = arith.constant 3824 : index
    %get3A_1325 = tpu.vector_load %arg7[%get3A_1324] {strides = array<i32>} : memref<4352xf32, #tpu.memory_space<vmem>>, vector<16xf32>,
    %add3A_1326 = arith.addf %add3A_1320, %get3A_1325 : vector<16xf32>
    %get3A_1327 = arith.constant 3841 : index
    %get3A_1328 = tpu.vector_load %arg7[%get3A_1327] {strides = array<i32>} : memref<4352xf32, #tpu.memory_space<vmem>>, vector<16xf32>,
    %add3A_1329 = arith.addf %add3A_1323, %get3A_1328 : vector<16xf32>
    %get3A_1330 = arith.constant 3857 : index
    %get3A_1331 = tpu.vector_load %arg7[%get3A_1330] {strides = array<i32>} : memref<4352xf32, #tpu.memory_space<vmem>>, vector<16xf32>,
    %add3A_1332 = arith.addf %add3A_1326, %get3A_1331 : vector<16xf32>
    %get3A_1333 = arith.constant 3874 : index
    %get3A_1334 = tpu.vector_load %arg7[%get3A_1333] {strides = array<i32>} : memref<4352xf32, #tpu.memory_space<vmem>>, vector<16xf32>,
    %add3A_1335 = arith.addf %add3A_1329, %get3A_1334 : vector<16xf32>
    %get3A_1336 = arith.constant 3890 : index
    %get3A_1337 = tpu.vector_load %arg7[%get3A_1336] {strides = array<i32>} : memref<4352xf32, #tpu.memory_space<vmem>>, vector<16xf32>,
    %add3A_1338 = arith.addf %add3A_1332, %get3A_1337 : vector<16xf32>
    %get3A_1339 = arith.constant 3907 : index
    %get3A_1340 = tpu.vector_load %arg7[%get3A_1339] {strides = array<i32>} : memref<4352xf32, #tpu.memory_space<vmem>>, vector<16xf32>,
    %add3A_1341 = arith.addf %add3A_1335, %get3A_1340 : vector<16xf32>
    %get3A_1342 = arith.constant 3923 : index
    %get3A_1343 = tpu.vector_load %arg7[%get3A_1342] {strides = array<i32>} : memref<4352xf32, #tpu.memory_space<vmem>>, vector<16xf32>,
    %add3A_1344 = arith.addf %add3A_1338, %get3A_1343 : vector<16xf32>
    %get3A_1345 = arith.constant 3940 : index
    %get3A_1346 = tpu.vector_load %arg7[%get3A_1345] {strides = array<i32>} : memref<4352xf32, #tpu.memory_space<vmem>>, vector<16xf32>,
    %add3A_1347 = arith.addf %add3A_1341, %get3A_1346 : vector<16xf32>
    %get3A_1348 = arith.constant 3956 : index
    %get3A_1349 = tpu.vector_load %arg7[%get3A_1348] {strides = array<i32>} : memref<4352xf32, #tpu.memory_space<vmem>>, vector<16xf32>,
    %add3A_1350 = arith.addf %add3A_1344, %get3A_1349 : vector<16xf32>
    %get3A_1351 = arith.constant 3973 : index
    %get3A_1352 = tpu.vector_load %arg7[%get3A_1351] {strides = array<i32>} : memref<4352xf32, #tpu.memory_space<vmem>>, vector<16xf32>,
    %add3A_1353 = arith.addf %add3A_1347, %get3A_1352 : vector<16xf32>
    %get3A_1354 = arith.constant 3989 : index
    %get3A_1355 = tpu.vector_load %arg7[%get3A_1354] {strides = array<i32>} : memref<4352xf32, #tpu.memory_space<vmem>>, vector<16xf32>,
    %add3A_1356 = arith.addf %add3A_1350, %get3A_1355 : vector<16xf32>
    %get3A_1357 = arith.constant 4006 : index
    %get3A_1358 = tpu.vector_load %arg7[%get3A_1357] {strides = array<i32>} : memref<4352xf32, #tpu.memory_space<vmem>>, vector<16xf32>,
    %add3A_1359 = arith.addf %add3A_1353, %get3A_1358 : vector<16xf32>
    %get3A_1360 = arith.constant 4022 : index
    %get3A_1361 = tpu.vector_load %arg7[%get3A_1360] {strides = array<i32>} : memref<4352xf32, #tpu.memory_space<vmem>>, vector<16xf32>,
    %add3A_1362 = arith.addf %add3A_1356, %get3A_1361 : vector<16xf32>
    %get3A_1363 = arith.constant 4039 : index
    %get3A_1364 = tpu.vector_load %arg7[%get3A_1363] {strides = array<i32>} : memref<4352xf32, #tpu.memory_space<vmem>>, vector<16xf32>,
    %add3A_1365 = arith.addf %add3A_1359, %get3A_1364 : vector<16xf32>
    %get3A_1366 = arith.constant 4055 : index
    %get3A_1367 = tpu.vector_load %arg7[%get3A_1366] {strides = array<i32>} : memref<4352xf32, #tpu.memory_space<vmem>>, vector<16xf32>,
    %add3A_1368 = arith.addf %add3A_1362, %get3A_1367 : vector<16xf32>
    %get3A_1369 = arith.constant 4072 : index
    %get3A_1370 = tpu.vector_load %arg7[%get3A_1369] {strides = array<i32>} : memref<4352xf32, #tpu.memory_space<vmem>>, vector<16xf32>,
    %add3A_1371 = arith.addf %add3A_1365, %get3A_1370 : vector<16xf32>
    %get3A_1372 = arith.constant 4088 : index
    %get3A_1373 = tpu.vector_load %arg7[%get3A_1372] {strides = array<i32>} : memref<4352xf32, #tpu.memory_space<vmem>>, vector<16xf32>,
    %add3A_1374 = arith.addf %add3A_1368, %get3A_1373 : vector<16xf32>
    %get3A_1375 = arith.constant 4105 : index
    %get3A_1376 = tpu.vector_load %arg7[%get3A_1375] {strides = array<i32>} : memref<4352xf32, #tpu.memory_space<vmem>>, vector<16xf32>,
    %add3A_1377 = arith.addf %add3A_1371, %get3A_1376 : vector<16xf32>
    %get3A_1378 = arith.constant 4121 : index
    %get3A_1379 = tpu.vector_load %arg7[%get3A_1378] {strides = array<i32>} : memref<4352xf32, #tpu.memory_space<vmem>>, vector<16xf32>,
    %add3A_1380 = arith.addf %add3A_1374, %get3A_1379 : vector<16xf32>
    %get3A_1381 = arith.constant 4138 : index
    %get3A_1382 = tpu.vector_load %arg7[%get3A_1381] {strides = array<i32>} : memref<4352xf32, #tpu.memory_space<vmem>>, vector<16xf32>,
    %add3A_1383 = arith.addf %add3A_1377, %get3A_1382 : vector<16xf32>
    %get3A_1384 = arith.constant 4154 : index
    %get3A_1385 = tpu.vector_load %arg7[%get3A_1384] {strides = array<i32>} : memref<4352xf32, #tpu.memory_space<vmem>>, vector<16xf32>,
    %add3A_1386 = arith.addf %add3A_1380, %get3A_1385 : vector<16xf32>
    %get3A_1387 = arith.constant 4171 : index
    %get3A_1388 = tpu.vector_load %arg7[%get3A_1387] {strides = array<i32>} : memref<4352xf32, #tpu.memory_space<vmem>>, vector<16xf32>,
    %add3A_1389 = arith.addf %add3A_1383, %get3A_1388 : vector<16xf32>
    %get3A_1390 = arith.constant 4187 : index
    %get3A_1391 = tpu.vector_load %arg7[%get3A_1390] {strides = array<i32>} : memref<4352xf32, #tpu.memory_space<vmem>>, vector<16xf32>,
    %add3A_1392 = arith.addf %add3A_1386, %get3A_1391 : vector<16xf32>
    %get3A_1393 = arith.constant 4204 : index
    %get3A_1394 = tpu.vector_load %arg7[%get3A_1393] {strides = array<i32>} : memref<4352xf32, #tpu.memory_space<vmem>>, vector<16xf32>,
    %add3A_1395 = arith.addf %add3A_1389, %get3A_1394 : vector<16xf32>
    %get3A_1396 = arith.constant 4220 : index
    %get3A_1397 = tpu.vector_load %arg7[%get3A_1396] {strides = array<i32>} : memref<4352xf32, #tpu.memory_space<vmem>>, vector<16xf32>,
    %add3A_1398 = arith.addf %add3A_1392, %get3A_1397 : vector<16xf32>
    %get3A_1399 = arith.constant 4237 : index
    %get3A_1400 = tpu.vector_load %arg7[%get3A_1399] {strides = array<i32>} : memref<4352xf32, #tpu.memory_space<vmem>>, vector<16xf32>,
    %add3A_1401 = arith.addf %add3A_1395, %get3A_1400 : vector<16xf32>
    %get3A_1402 = arith.constant 4253 : index
    %get3A_1403 = tpu.vector_load %arg7[%get3A_1402] {strides = array<i32>} : memref<4352xf32, #tpu.memory_space<vmem>>, vector<16xf32>,
    %add3A_1404 = arith.addf %add3A_1398, %get3A_1403 : vector<16xf32>
    %get3A_1405 = arith.constant 4270 : index
    %get3A_1406 = tpu.vector_load %arg7[%get3A_1405] {strides = array<i32>} : memref<4352xf32, #tpu.memory_space<vmem>>, vector<16xf32>,
    %add3A_1407 = arith.addf %add3A_1401, %get3A_1406 : vector<16xf32>
    %get3A_1408 = arith.constant 4286 : index
    %get3A_1409 = tpu.vector_load %arg7[%get3A_1408] {strides = array<i32>} : memref<4352xf32, #tpu.memory_space<vmem>>, vector<16xf32>,
    %add3A_1410 = arith.addf %add3A_1404, %get3A_1409 : vector<16xf32>
    %get3A_1411 = arith.constant 4303 : index
    %get3A_1412 = tpu.vector_load %arg7[%get3A_1411] {strides = array<i32>} : memref<4352xf32, #tpu.memory_space<vmem>>, vector<16xf32>,
    %add3A_1413 = arith.addf %add3A_1407, %get3A_1412 : vector<16xf32>
    %get3A_1414 = arith.constant 4319 : index
    %get3A_1415 = tpu.vector_load %arg7[%get3A_1414] {strides = array<i32>} : memref<4352xf32, #tpu.memory_space<vmem>>, vector<16xf32>,
    %add3A_1416 = arith.addf %add3A_1410, %get3A_1415 : vector<16xf32>
    %swap3A_1417 = arith.constant 0 : index
    %swap3A_1418 = tpu.vector_load %arg8[%swap3A_1417] {strides = array<i32>} : memref<32xf32, #tpu.memory_space<vmem>>, vector<16xf32>,
    tpu.vector_store %arg8[%swap3A_1417], %add3A_1413 {strides = array<i32>} : memref<32xf32, #tpu.memory_space<vmem>>, vector<16xf32>,
    %swap3A_1419 = arith.constant 16 : index
    %swap3A_1420 = tpu.vector_load %arg8[%swap3A_1419] {strides = array<i32>} : memref<32xf32, #tpu.memory_space<vmem>>, vector<16xf32>,
    tpu.vector_store %arg8[%swap3A_1419], %add3A_1416 {strides = array<i32>} : memref<32xf32, #tpu.memory_space<vmem>>, vector<16xf32>,
    "tpu.region"() ({
      %run_scoped3A = tpu.sem_alloc : memref<!tpu.dma_semaphore, #tpu.memory_space<semaphore_mem>>
      %dma_start3A_1421 = arith.constant 0 : i32
      %dma_start3A_1422 = tpu.memref_slice %arg4[%add3A, %dma_start3A_1421] : memref<32x32xf32, #tpu.memory_space<hbm>> -> memref<1x32xf32, #tpu.memory_space<hbm>>
      %dma_start3A_1423 = tpu.memref_squeeze %dma_start3A_1422 : memref<1x32xf32, #tpu.memory_space<hbm>> -> memref<32xf32, #tpu.memory_space<hbm>>
      %dma_start3A_1424 = arith.constant 0 : i32
      %dma_start3A_1425 = tpu.memref_slice %arg4[%add3A, %dma_start3A_1424] : memref<32x32xf32, #tpu.memory_space<hbm>> -> memref<1x32xf32, #tpu.memory_space<hbm>>
      %dma_start3A_1426 = tpu.memref_squeeze %dma_start3A_1425 : memref<1x32xf32, #tpu.memory_space<hbm>> -> memref<32xf32, #tpu.memory_space<hbm>>
      tpu.enqueue_dma source(%arg8 : memref<32xf32, #tpu.memory_space<vmem>>) target(%dma_start3A_1426 : memref<32xf32, #tpu.memory_space<hbm>>) target_semaphore(%run_scoped3A : memref<!tpu.dma_semaphore, #tpu.memory_space<semaphore_mem>>)
      %dma_wait3A_1427 = arith.constant 0 : i32
      %dma_wait3A_1428 = tpu.memref_slice %arg4[%add3A, %dma_wait3A_1427] : memref<32x32xf32, #tpu.memory_space<hbm>> -> memref<1x32xf32, #tpu.memory_space<hbm>>
      %dma_wait3A_1429 = tpu.memref_squeeze %dma_wait3A_1428 : memref<1x32xf32, #tpu.memory_space<hbm>> -> memref<32xf32, #tpu.memory_space<hbm>>
      %dma_wait3A_1430 = arith.constant 0 : i32
      %dma_wait3A_1431 = tpu.memref_slice %arg4[%add3A, %dma_wait3A_1430] : memref<32x32xf32, #tpu.memory_space<hbm>> -> memref<1x32xf32, #tpu.memory_space<hbm>>
      %dma_wait3A_1432 = tpu.memref_squeeze %dma_wait3A_1431 : memref<1x32xf32, #tpu.memory_space<hbm>> -> memref<32xf32, #tpu.memory_space<hbm>>
      tpu.wait_dma2 semaphore(%run_scoped3A : memref<!tpu.dma_semaphore, #tpu.memory_space<semaphore_mem>>) src(%arg8 : memref<32xf32, #tpu.memory_space<vmem>>) dst(%dma_wait3A_1432 : memref<32xf32, #tpu.memory_space<hbm>>)
      tpu.yield
    }) : () -> ()
    return
  }
}

module attributes {stable_mosaic.version = 14 : i64} {
  func.func @_loss_body(%arg0: i32, %arg1: memref<32x32xf32, #tpu.memory_space<vmem>>, %arg2: memref<256x4096xf32, #tpu.memory_space<vmem>>, %arg3: memref<256x4096xf32, #tpu.memory_space<vmem>>, %arg4: memref<256x4096xf32, #tpu.memory_space<vmem>>) attributes {dimension_semantics = [#tpu.dimension_semantics<arbitrary>], iteration_bounds = array<i64: 32>, scalar_prefetch = 0 : i64, scratch_operands = 0 : i64, tpu.core_type = #tpu.core_type<tc>, window_params = [{pipeline_mode = #tpu.pipeline_mode<synchronous>, transform_indices = @transform_0, window_bounds = array<i64: 32, 32>}, {transform_indices = @transform_1, window_bounds = array<i64: 256, 4096>}, {transform_indices = @transform_2, window_bounds = array<i64: 256, 4096>}, {transform_indices = @transform_3, window_bounds = array<i64: 256, 4096>}]} {
    %get3A = arith.constant 0 : index
    %get3A_0 = arith.constant 0 : index
    %get3A_1 = vector.load %arg1[%get3A, %get3A_0] : memref<32x32xf32, #tpu.memory_space<vmem>>, vector<32x32xf32>
    %reduce_sum3A = arith.constant dense<0.000000e+00> : vector<32xf32>
    %reduce_sum3A_2 = vector.multi_reduction <add>, %get3A_1, %reduce_sum3A [0] : vector<32x32xf32> to vector<32xf32>
    %broadcast_in_dim3A = vector.shape_cast %reduce_sum3A_2 : vector<32xf32> to vector<1x32xf32>
    %gt3A = arith.constant 0.000000e+00 : f32
    %gt3A_3 = vector.broadcast %gt3A : f32 to vector<1x32xf32>
    %gt3A_4 = arith.cmpf ogt, %broadcast_in_dim3A, %gt3A_3 : vector<1x32xf32>
    %convert_element_type3A = arith.extui %gt3A_4 : vector<1x32xi1> to vector<1x32xi32>
    %convert_element_type3A_5 = arith.sitofp %convert_element_type3A : vector<1x32xi32> to vector<1x32xf32>
    %reduce_sum3A_6 = vector.shape_cast %convert_element_type3A_5 : vector<1x32xf32> to vector<1x1x32xf32>
    %reduce_sum3A_7 = arith.constant dense<0.000000e+00> : vector<1xf32>
    %reduce_sum3A_8 = vector.multi_reduction <add>, %reduce_sum3A_6, %reduce_sum3A_7 [1, 2] : vector<1x1x32xf32> to vector<1xf32>
    %reduce_sum3A_9 = vector.shape_cast %reduce_sum3A_8 : vector<1xf32> to vector<1x1x1xf32>
    %reduce_sum3A_10 = vector.extract %reduce_sum3A_9[0, 0, 0] : f32 from vector<1x1x1xf32>
    %mul3A = arith.constant 0x4C000000 : f32
    %mul3A_11 = arith.mulf %mul3A, %reduce_sum3A_10 : f32
    %gt3A_12 = arith.constant 0.000000e+00 : f32
    %gt3A_13 = vector.broadcast %gt3A_12 : f32 to vector<1x32xf32>
    %gt3A_14 = arith.cmpf ogt, %broadcast_in_dim3A, %gt3A_13 : vector<1x32xf32>
    %max3A = arith.constant 1.000000e+00 : f32
    %max3A_15 = vector.broadcast %max3A : f32 to vector<1x32xf32>
    %max3A_16 = arith.maximumf %broadcast_in_dim3A, %max3A_15 : vector<1x32xf32>
    %div3A = vector.broadcast %mul3A_11 : f32 to vector<1x32xf32>
    %div3A_17 = arith.divf %div3A, %max3A_16 : vector<1x32xf32>
    %jit3A = arith.constant 0.000000e+00 : f32
    %broadcast_in_dim3A_18 = vector.broadcast %jit3A : f32 to vector<1x32xf32>
    %select_n3A = arith.select %gt3A_14, %div3A_17, %broadcast_in_dim3A_18 : vector<1x32xi1>, vector<1x32xf32>
    %get3A_19 = arith.constant 0 : index
    %get3A_20 = arith.constant 0 : index
    %get3A_21 = vector.load %arg2[%get3A_19, %get3A_20] : memref<256x4096xf32, #tpu.memory_space<vmem>>, vector<256x4096xf32>
    %get3A_22 = arith.constant 0 : index
    %get3A_23 = arith.constant 0 : index
    %get3A_24 = vector.load %arg3[%get3A_22, %get3A_23] : memref<256x4096xf32, #tpu.memory_space<vmem>>, vector<256x4096xf32>
    %sub3A = arith.subf %get3A_21, %get3A_24 : vector<256x4096xf32>
    %abs3A = math.absf %sub3A : vector<256x4096xf32>
    %mul3A_25 = arith.constant 29.9990234 : f32
    %mul3A_26 = vector.broadcast %mul3A_25 : f32 to vector<256x4096xf32>
    %mul3A_27 = arith.mulf %abs3A, %mul3A_26 : vector<256x4096xf32>
    %convert_element_type3A_28 = arith.fptosi %mul3A_27 : vector<256x4096xf32> to vector<256x4096xi32>
    %broadcast_in_dim3A_29 = arith.constant 0.000000e+00 : f32
    %broadcast_in_dim3A_30 = vector.broadcast %broadcast_in_dim3A_29 : f32 to vector<1x96xf32>
    %concatenate3A = tpu.concatenate %select_n3A, %broadcast_in_dim3A_30 in 1 : vector<1x32xf32>, vector<1x96xf32> -> vector<1x128xf32>
    %broadcast_in_dim3A_31 = vector.shape_cast %concatenate3A : vector<1x128xf32> to vector<1x128xf32>
    %broadcast_in_dim3A_32 = vector.broadcast %broadcast_in_dim3A_31 : vector<1x128xf32> to vector<256x128xf32>
    %slice3A = vector.extract_strided_slice %convert_element_type3A_28 {offsets = [0, 0], sizes = [256, 128], strides = [1, 1]} : vector<256x4096xi32> to vector<256x128xi32>
    %reshape3A = vector.shape_cast %slice3A : vector<256x128xi32> to vector<256x128x1xi32>
    %gather3A = vector.shape_cast %reshape3A : vector<256x128x1xi32> to vector<256x128xi32>
    %gather3A_33 = tpu.dynamic_gather %broadcast_in_dim3A_32[%gather3A] in [1] : vector<256x128xf32>, vector<256x128xi32> -> vector<256x128xf32>
    %slice3A_34 = vector.extract_strided_slice %convert_element_type3A_28 {offsets = [0, 128], sizes = [256, 128], strides = [1, 1]} : vector<256x4096xi32> to vector<256x128xi32>
    %reshape3A_35 = vector.shape_cast %slice3A_34 : vector<256x128xi32> to vector<256x128x1xi32>
    %gather3A_36 = vector.shape_cast %reshape3A_35 : vector<256x128x1xi32> to vector<256x128xi32>
    %gather3A_37 = tpu.dynamic_gather %broadcast_in_dim3A_32[%gather3A_36] in [1] : vector<256x128xf32>, vector<256x128xi32> -> vector<256x128xf32>
    %slice3A_38 = vector.extract_strided_slice %convert_element_type3A_28 {offsets = [0, 256], sizes = [256, 128], strides = [1, 1]} : vector<256x4096xi32> to vector<256x128xi32>
    %reshape3A_39 = vector.shape_cast %slice3A_38 : vector<256x128xi32> to vector<256x128x1xi32>
    %gather3A_40 = vector.shape_cast %reshape3A_39 : vector<256x128x1xi32> to vector<256x128xi32>
    %gather3A_41 = tpu.dynamic_gather %broadcast_in_dim3A_32[%gather3A_40] in [1] : vector<256x128xf32>, vector<256x128xi32> -> vector<256x128xf32>
    %slice3A_42 = vector.extract_strided_slice %convert_element_type3A_28 {offsets = [0, 384], sizes = [256, 128], strides = [1, 1]} : vector<256x4096xi32> to vector<256x128xi32>
    %reshape3A_43 = vector.shape_cast %slice3A_42 : vector<256x128xi32> to vector<256x128x1xi32>
    %gather3A_44 = vector.shape_cast %reshape3A_43 : vector<256x128x1xi32> to vector<256x128xi32>
    %gather3A_45 = tpu.dynamic_gather %broadcast_in_dim3A_32[%gather3A_44] in [1] : vector<256x128xf32>, vector<256x128xi32> -> vector<256x128xf32>
    %slice3A_46 = vector.extract_strided_slice %convert_element_type3A_28 {offsets = [0, 512], sizes = [256, 128], strides = [1, 1]} : vector<256x4096xi32> to vector<256x128xi32>
    %reshape3A_47 = vector.shape_cast %slice3A_46 : vector<256x128xi32> to vector<256x128x1xi32>
    %gather3A_48 = vector.shape_cast %reshape3A_47 : vector<256x128x1xi32> to vector<256x128xi32>
    %gather3A_49 = tpu.dynamic_gather %broadcast_in_dim3A_32[%gather3A_48] in [1] : vector<256x128xf32>, vector<256x128xi32> -> vector<256x128xf32>
    %slice3A_50 = vector.extract_strided_slice %convert_element_type3A_28 {offsets = [0, 640], sizes = [256, 128], strides = [1, 1]} : vector<256x4096xi32> to vector<256x128xi32>
    %reshape3A_51 = vector.shape_cast %slice3A_50 : vector<256x128xi32> to vector<256x128x1xi32>
    %gather3A_52 = vector.shape_cast %reshape3A_51 : vector<256x128x1xi32> to vector<256x128xi32>
    %gather3A_53 = tpu.dynamic_gather %broadcast_in_dim3A_32[%gather3A_52] in [1] : vector<256x128xf32>, vector<256x128xi32> -> vector<256x128xf32>
    %slice3A_54 = vector.extract_strided_slice %convert_element_type3A_28 {offsets = [0, 768], sizes = [256, 128], strides = [1, 1]} : vector<256x4096xi32> to vector<256x128xi32>
    %reshape3A_55 = vector.shape_cast %slice3A_54 : vector<256x128xi32> to vector<256x128x1xi32>
    %gather3A_56 = vector.shape_cast %reshape3A_55 : vector<256x128x1xi32> to vector<256x128xi32>
    %gather3A_57 = tpu.dynamic_gather %broadcast_in_dim3A_32[%gather3A_56] in [1] : vector<256x128xf32>, vector<256x128xi32> -> vector<256x128xf32>
    %slice3A_58 = vector.extract_strided_slice %convert_element_type3A_28 {offsets = [0, 896], sizes = [256, 128], strides = [1, 1]} : vector<256x4096xi32> to vector<256x128xi32>
    %reshape3A_59 = vector.shape_cast %slice3A_58 : vector<256x128xi32> to vector<256x128x1xi32>
    %gather3A_60 = vector.shape_cast %reshape3A_59 : vector<256x128x1xi32> to vector<256x128xi32>
    %gather3A_61 = tpu.dynamic_gather %broadcast_in_dim3A_32[%gather3A_60] in [1] : vector<256x128xf32>, vector<256x128xi32> -> vector<256x128xf32>
    %slice3A_62 = vector.extract_strided_slice %convert_element_type3A_28 {offsets = [0, 1024], sizes = [256, 128], strides = [1, 1]} : vector<256x4096xi32> to vector<256x128xi32>
    %reshape3A_63 = vector.shape_cast %slice3A_62 : vector<256x128xi32> to vector<256x128x1xi32>
    %gather3A_64 = vector.shape_cast %reshape3A_63 : vector<256x128x1xi32> to vector<256x128xi32>
    %gather3A_65 = tpu.dynamic_gather %broadcast_in_dim3A_32[%gather3A_64] in [1] : vector<256x128xf32>, vector<256x128xi32> -> vector<256x128xf32>
    %slice3A_66 = vector.extract_strided_slice %convert_element_type3A_28 {offsets = [0, 1152], sizes = [256, 128], strides = [1, 1]} : vector<256x4096xi32> to vector<256x128xi32>
    %reshape3A_67 = vector.shape_cast %slice3A_66 : vector<256x128xi32> to vector<256x128x1xi32>
    %gather3A_68 = vector.shape_cast %reshape3A_67 : vector<256x128x1xi32> to vector<256x128xi32>
    %gather3A_69 = tpu.dynamic_gather %broadcast_in_dim3A_32[%gather3A_68] in [1] : vector<256x128xf32>, vector<256x128xi32> -> vector<256x128xf32>
    %slice3A_70 = vector.extract_strided_slice %convert_element_type3A_28 {offsets = [0, 1280], sizes = [256, 128], strides = [1, 1]} : vector<256x4096xi32> to vector<256x128xi32>
    %reshape3A_71 = vector.shape_cast %slice3A_70 : vector<256x128xi32> to vector<256x128x1xi32>
    %gather3A_72 = vector.shape_cast %reshape3A_71 : vector<256x128x1xi32> to vector<256x128xi32>
    %gather3A_73 = tpu.dynamic_gather %broadcast_in_dim3A_32[%gather3A_72] in [1] : vector<256x128xf32>, vector<256x128xi32> -> vector<256x128xf32>
    %slice3A_74 = vector.extract_strided_slice %convert_element_type3A_28 {offsets = [0, 1408], sizes = [256, 128], strides = [1, 1]} : vector<256x4096xi32> to vector<256x128xi32>
    %reshape3A_75 = vector.shape_cast %slice3A_74 : vector<256x128xi32> to vector<256x128x1xi32>
    %gather3A_76 = vector.shape_cast %reshape3A_75 : vector<256x128x1xi32> to vector<256x128xi32>
    %gather3A_77 = tpu.dynamic_gather %broadcast_in_dim3A_32[%gather3A_76] in [1] : vector<256x128xf32>, vector<256x128xi32> -> vector<256x128xf32>
    %slice3A_78 = vector.extract_strided_slice %convert_element_type3A_28 {offsets = [0, 1536], sizes = [256, 128], strides = [1, 1]} : vector<256x4096xi32> to vector<256x128xi32>
    %reshape3A_79 = vector.shape_cast %slice3A_78 : vector<256x128xi32> to vector<256x128x1xi32>
    %gather3A_80 = vector.shape_cast %reshape3A_79 : vector<256x128x1xi32> to vector<256x128xi32>
    %gather3A_81 = tpu.dynamic_gather %broadcast_in_dim3A_32[%gather3A_80] in [1] : vector<256x128xf32>, vector<256x128xi32> -> vector<256x128xf32>
    %slice3A_82 = vector.extract_strided_slice %convert_element_type3A_28 {offsets = [0, 1664], sizes = [256, 128], strides = [1, 1]} : vector<256x4096xi32> to vector<256x128xi32>
    %reshape3A_83 = vector.shape_cast %slice3A_82 : vector<256x128xi32> to vector<256x128x1xi32>
    %gather3A_84 = vector.shape_cast %reshape3A_83 : vector<256x128x1xi32> to vector<256x128xi32>
    %gather3A_85 = tpu.dynamic_gather %broadcast_in_dim3A_32[%gather3A_84] in [1] : vector<256x128xf32>, vector<256x128xi32> -> vector<256x128xf32>
    %slice3A_86 = vector.extract_strided_slice %convert_element_type3A_28 {offsets = [0, 1792], sizes = [256, 128], strides = [1, 1]} : vector<256x4096xi32> to vector<256x128xi32>
    %reshape3A_87 = vector.shape_cast %slice3A_86 : vector<256x128xi32> to vector<256x128x1xi32>
    %gather3A_88 = vector.shape_cast %reshape3A_87 : vector<256x128x1xi32> to vector<256x128xi32>
    %gather3A_89 = tpu.dynamic_gather %broadcast_in_dim3A_32[%gather3A_88] in [1] : vector<256x128xf32>, vector<256x128xi32> -> vector<256x128xf32>
    %slice3A_90 = vector.extract_strided_slice %convert_element_type3A_28 {offsets = [0, 1920], sizes = [256, 128], strides = [1, 1]} : vector<256x4096xi32> to vector<256x128xi32>
    %reshape3A_91 = vector.shape_cast %slice3A_90 : vector<256x128xi32> to vector<256x128x1xi32>
    %gather3A_92 = vector.shape_cast %reshape3A_91 : vector<256x128x1xi32> to vector<256x128xi32>
    %gather3A_93 = tpu.dynamic_gather %broadcast_in_dim3A_32[%gather3A_92] in [1] : vector<256x128xf32>, vector<256x128xi32> -> vector<256x128xf32>
    %slice3A_94 = vector.extract_strided_slice %convert_element_type3A_28 {offsets = [0, 2048], sizes = [256, 128], strides = [1, 1]} : vector<256x4096xi32> to vector<256x128xi32>
    %reshape3A_95 = vector.shape_cast %slice3A_94 : vector<256x128xi32> to vector<256x128x1xi32>
    %gather3A_96 = vector.shape_cast %reshape3A_95 : vector<256x128x1xi32> to vector<256x128xi32>
    %gather3A_97 = tpu.dynamic_gather %broadcast_in_dim3A_32[%gather3A_96] in [1] : vector<256x128xf32>, vector<256x128xi32> -> vector<256x128xf32>
    %slice3A_98 = vector.extract_strided_slice %convert_element_type3A_28 {offsets = [0, 2176], sizes = [256, 128], strides = [1, 1]} : vector<256x4096xi32> to vector<256x128xi32>
    %reshape3A_99 = vector.shape_cast %slice3A_98 : vector<256x128xi32> to vector<256x128x1xi32>
    %gather3A_100 = vector.shape_cast %reshape3A_99 : vector<256x128x1xi32> to vector<256x128xi32>
    %gather3A_101 = tpu.dynamic_gather %broadcast_in_dim3A_32[%gather3A_100] in [1] : vector<256x128xf32>, vector<256x128xi32> -> vector<256x128xf32>
    %slice3A_102 = vector.extract_strided_slice %convert_element_type3A_28 {offsets = [0, 2304], sizes = [256, 128], strides = [1, 1]} : vector<256x4096xi32> to vector<256x128xi32>
    %reshape3A_103 = vector.shape_cast %slice3A_102 : vector<256x128xi32> to vector<256x128x1xi32>
    %gather3A_104 = vector.shape_cast %reshape3A_103 : vector<256x128x1xi32> to vector<256x128xi32>
    %gather3A_105 = tpu.dynamic_gather %broadcast_in_dim3A_32[%gather3A_104] in [1] : vector<256x128xf32>, vector<256x128xi32> -> vector<256x128xf32>
    %slice3A_106 = vector.extract_strided_slice %convert_element_type3A_28 {offsets = [0, 2432], sizes = [256, 128], strides = [1, 1]} : vector<256x4096xi32> to vector<256x128xi32>
    %reshape3A_107 = vector.shape_cast %slice3A_106 : vector<256x128xi32> to vector<256x128x1xi32>
    %gather3A_108 = vector.shape_cast %reshape3A_107 : vector<256x128x1xi32> to vector<256x128xi32>
    %gather3A_109 = tpu.dynamic_gather %broadcast_in_dim3A_32[%gather3A_108] in [1] : vector<256x128xf32>, vector<256x128xi32> -> vector<256x128xf32>
    %slice3A_110 = vector.extract_strided_slice %convert_element_type3A_28 {offsets = [0, 2560], sizes = [256, 128], strides = [1, 1]} : vector<256x4096xi32> to vector<256x128xi32>
    %reshape3A_111 = vector.shape_cast %slice3A_110 : vector<256x128xi32> to vector<256x128x1xi32>
    %gather3A_112 = vector.shape_cast %reshape3A_111 : vector<256x128x1xi32> to vector<256x128xi32>
    %gather3A_113 = tpu.dynamic_gather %broadcast_in_dim3A_32[%gather3A_112] in [1] : vector<256x128xf32>, vector<256x128xi32> -> vector<256x128xf32>
    %slice3A_114 = vector.extract_strided_slice %convert_element_type3A_28 {offsets = [0, 2688], sizes = [256, 128], strides = [1, 1]} : vector<256x4096xi32> to vector<256x128xi32>
    %reshape3A_115 = vector.shape_cast %slice3A_114 : vector<256x128xi32> to vector<256x128x1xi32>
    %gather3A_116 = vector.shape_cast %reshape3A_115 : vector<256x128x1xi32> to vector<256x128xi32>
    %gather3A_117 = tpu.dynamic_gather %broadcast_in_dim3A_32[%gather3A_116] in [1] : vector<256x128xf32>, vector<256x128xi32> -> vector<256x128xf32>
    %slice3A_118 = vector.extract_strided_slice %convert_element_type3A_28 {offsets = [0, 2816], sizes = [256, 128], strides = [1, 1]} : vector<256x4096xi32> to vector<256x128xi32>
    %reshape3A_119 = vector.shape_cast %slice3A_118 : vector<256x128xi32> to vector<256x128x1xi32>
    %gather3A_120 = vector.shape_cast %reshape3A_119 : vector<256x128x1xi32> to vector<256x128xi32>
    %gather3A_121 = tpu.dynamic_gather %broadcast_in_dim3A_32[%gather3A_120] in [1] : vector<256x128xf32>, vector<256x128xi32> -> vector<256x128xf32>
    %slice3A_122 = vector.extract_strided_slice %convert_element_type3A_28 {offsets = [0, 2944], sizes = [256, 128], strides = [1, 1]} : vector<256x4096xi32> to vector<256x128xi32>
    %reshape3A_123 = vector.shape_cast %slice3A_122 : vector<256x128xi32> to vector<256x128x1xi32>
    %gather3A_124 = vector.shape_cast %reshape3A_123 : vector<256x128x1xi32> to vector<256x128xi32>
    %gather3A_125 = tpu.dynamic_gather %broadcast_in_dim3A_32[%gather3A_124] in [1] : vector<256x128xf32>, vector<256x128xi32> -> vector<256x128xf32>
    %slice3A_126 = vector.extract_strided_slice %convert_element_type3A_28 {offsets = [0, 3072], sizes = [256, 128], strides = [1, 1]} : vector<256x4096xi32> to vector<256x128xi32>
    %reshape3A_127 = vector.shape_cast %slice3A_126 : vector<256x128xi32> to vector<256x128x1xi32>
    %gather3A_128 = vector.shape_cast %reshape3A_127 : vector<256x128x1xi32> to vector<256x128xi32>
    %gather3A_129 = tpu.dynamic_gather %broadcast_in_dim3A_32[%gather3A_128] in [1] : vector<256x128xf32>, vector<256x128xi32> -> vector<256x128xf32>
    %slice3A_130 = vector.extract_strided_slice %convert_element_type3A_28 {offsets = [0, 3200], sizes = [256, 128], strides = [1, 1]} : vector<256x4096xi32> to vector<256x128xi32>
    %reshape3A_131 = vector.shape_cast %slice3A_130 : vector<256x128xi32> to vector<256x128x1xi32>
    %gather3A_132 = vector.shape_cast %reshape3A_131 : vector<256x128x1xi32> to vector<256x128xi32>
    %gather3A_133 = tpu.dynamic_gather %broadcast_in_dim3A_32[%gather3A_132] in [1] : vector<256x128xf32>, vector<256x128xi32> -> vector<256x128xf32>
    %slice3A_134 = vector.extract_strided_slice %convert_element_type3A_28 {offsets = [0, 3328], sizes = [256, 128], strides = [1, 1]} : vector<256x4096xi32> to vector<256x128xi32>
    %reshape3A_135 = vector.shape_cast %slice3A_134 : vector<256x128xi32> to vector<256x128x1xi32>
    %gather3A_136 = vector.shape_cast %reshape3A_135 : vector<256x128x1xi32> to vector<256x128xi32>
    %gather3A_137 = tpu.dynamic_gather %broadcast_in_dim3A_32[%gather3A_136] in [1] : vector<256x128xf32>, vector<256x128xi32> -> vector<256x128xf32>
    %slice3A_138 = vector.extract_strided_slice %convert_element_type3A_28 {offsets = [0, 3456], sizes = [256, 128], strides = [1, 1]} : vector<256x4096xi32> to vector<256x128xi32>
    %reshape3A_139 = vector.shape_cast %slice3A_138 : vector<256x128xi32> to vector<256x128x1xi32>
    %gather3A_140 = vector.shape_cast %reshape3A_139 : vector<256x128x1xi32> to vector<256x128xi32>
    %gather3A_141 = tpu.dynamic_gather %broadcast_in_dim3A_32[%gather3A_140] in [1] : vector<256x128xf32>, vector<256x128xi32> -> vector<256x128xf32>
    %slice3A_142 = vector.extract_strided_slice %convert_element_type3A_28 {offsets = [0, 3584], sizes = [256, 128], strides = [1, 1]} : vector<256x4096xi32> to vector<256x128xi32>
    %reshape3A_143 = vector.shape_cast %slice3A_142 : vector<256x128xi32> to vector<256x128x1xi32>
    %gather3A_144 = vector.shape_cast %reshape3A_143 : vector<256x128x1xi32> to vector<256x128xi32>
    %gather3A_145 = tpu.dynamic_gather %broadcast_in_dim3A_32[%gather3A_144] in [1] : vector<256x128xf32>, vector<256x128xi32> -> vector<256x128xf32>
    %slice3A_146 = vector.extract_strided_slice %convert_element_type3A_28 {offsets = [0, 3712], sizes = [256, 128], strides = [1, 1]} : vector<256x4096xi32> to vector<256x128xi32>
    %reshape3A_147 = vector.shape_cast %slice3A_146 : vector<256x128xi32> to vector<256x128x1xi32>
    %gather3A_148 = vector.shape_cast %reshape3A_147 : vector<256x128x1xi32> to vector<256x128xi32>
    %gather3A_149 = tpu.dynamic_gather %broadcast_in_dim3A_32[%gather3A_148] in [1] : vector<256x128xf32>, vector<256x128xi32> -> vector<256x128xf32>
    %slice3A_150 = vector.extract_strided_slice %convert_element_type3A_28 {offsets = [0, 3840], sizes = [256, 128], strides = [1, 1]} : vector<256x4096xi32> to vector<256x128xi32>
    %reshape3A_151 = vector.shape_cast %slice3A_150 : vector<256x128xi32> to vector<256x128x1xi32>
    %gather3A_152 = vector.shape_cast %reshape3A_151 : vector<256x128x1xi32> to vector<256x128xi32>
    %gather3A_153 = tpu.dynamic_gather %broadcast_in_dim3A_32[%gather3A_152] in [1] : vector<256x128xf32>, vector<256x128xi32> -> vector<256x128xf32>
    %slice3A_154 = vector.extract_strided_slice %convert_element_type3A_28 {offsets = [0, 3968], sizes = [256, 128], strides = [1, 1]} : vector<256x4096xi32> to vector<256x128xi32>
    %reshape3A_155 = vector.shape_cast %slice3A_154 : vector<256x128xi32> to vector<256x128x1xi32>
    %gather3A_156 = vector.shape_cast %reshape3A_155 : vector<256x128x1xi32> to vector<256x128xi32>
    %gather3A_157 = tpu.dynamic_gather %broadcast_in_dim3A_32[%gather3A_156] in [1] : vector<256x128xf32>, vector<256x128xi32> -> vector<256x128xf32>
    %concatenate3A_158 = tpu.concatenate %gather3A_33, %gather3A_37, %gather3A_41, %gather3A_45, %gather3A_49, %gather3A_53, %gather3A_57, %gather3A_61, %gather3A_65, %gather3A_69, %gather3A_73, %gather3A_77, %gather3A_81, %gather3A_85, %gather3A_89, %gather3A_93, %gather3A_97, %gather3A_101, %gather3A_105, %gather3A_109, %gather3A_113, %gather3A_117, %gather3A_121, %gather3A_125, %gather3A_129, %gather3A_133, %gather3A_137, %gather3A_141, %gather3A_145, %gather3A_149, %gather3A_153, %gather3A_157 in 1 : vector<256x128xf32>, vector<256x128xf32>, vector<256x128xf32>, vector<256x128xf32>, vector<256x128xf32>, vector<256x128xf32>, vector<256x128xf32>, vector<256x128xf32>, vector<256x128xf32>, vector<256x128xf32>, vector<256x128xf32>, vector<256x128xf32>, vector<256x128xf32>, vector<256x128xf32>, vector<256x128xf32>, vector<256x128xf32>, vector<256x128xf32>, vector<256x128xf32>, vector<256x128xf32>, vector<256x128xf32>, vector<256x128xf32>, vector<256x128xf32>, vector<256x128xf32>, vector<256x128xf32>, vector<256x128xf32>, vector<256x128xf32>, vector<256x128xf32>, vector<256x128xf32>, vector<256x128xf32>, vector<256x128xf32>, vector<256x128xf32>, vector<256x128xf32> -> vector<256x4096xf32>
    %jit3A_159 = arith.constant 1.000000e-07 : f32
    %jit3A_160 = arith.constant 0.99999988 : f32
    %max3A_161 = vector.broadcast %jit3A_159 : f32 to vector<256x4096xf32>
    %max3A_162 = arith.maximumf %max3A_161, %get3A_21 : vector<256x4096xf32>
    %min3A = vector.broadcast %jit3A_160 : f32 to vector<256x4096xf32>
    %min3A_163 = arith.minimumf %min3A, %max3A_162 : vector<256x4096xf32>
    %log3A = math.log %min3A_163 : vector<256x4096xf32>
    %mul3A_164 = arith.mulf %get3A_24, %log3A : vector<256x4096xf32>
    %sub3A_165 = arith.constant 1.000000e+00 : f32
    %sub3A_166 = vector.broadcast %sub3A_165 : f32 to vector<256x4096xf32>
    %sub3A_167 = arith.subf %sub3A_166, %get3A_24 : vector<256x4096xf32>
    %sub3A_168 = arith.constant 1.000000e+00 : f32
    %sub3A_169 = vector.broadcast %sub3A_168 : f32 to vector<256x4096xf32>
    %sub3A_170 = arith.subf %sub3A_169, %min3A_163 : vector<256x4096xf32>
    %log3A_171 = math.log %sub3A_170 : vector<256x4096xf32>
    %mul3A_172 = arith.mulf %sub3A_167, %log3A_171 : vector<256x4096xf32>
    %add3A = arith.addf %mul3A_164, %mul3A_172 : vector<256x4096xf32>
    %neg3A = arith.constant 0.000000e+00 : f32
    %neg3A_173 = vector.broadcast %neg3A : f32 to vector<256x4096xf32>
    %neg3A_174 = arith.subf %neg3A_173, %add3A : vector<256x4096xf32>
    %mul3A_175 = arith.mulf %neg3A_174, %concatenate3A_158 : vector<256x4096xf32>
    %swap3A = arith.constant 0 : index
    %swap3A_176 = arith.constant 0 : index
    %swap3A_177 = vector.load %arg4[%swap3A, %swap3A_176] : memref<256x4096xf32, #tpu.memory_space<vmem>>, vector<256x4096xf32>
    tpu.vector_store %arg4[%swap3A, %swap3A_176], %mul3A_175 {strides = array<i32>} : memref<256x4096xf32, #tpu.memory_space<vmem>>, vector<256x4096xf32>,
    return
  }
  func.func @transform_0(%arg0: i32) -> (i32, i32) {
    %c0_i32 = arith.constant 0 : i32
    %c0_i32_0 = arith.constant 0 : i32
    %c0_i32_1 = arith.constant 0 : i32
    return %c0_i32, %c0_i32_0 : i32, i32
  }
  func.func @transform_1(%arg0: i32) -> (i32, i32) {
    %c0_i32 = arith.constant 0 : i32
    %c0_i32_0 = arith.constant 0 : i32
    return %arg0, %c0_i32 : i32, i32
  }
  func.func @transform_2(%arg0: i32) -> (i32, i32) {
    %c0_i32 = arith.constant 0 : i32
    %c0_i32_0 = arith.constant 0 : i32
    return %arg0, %c0_i32 : i32, i32
  }
  func.func @transform_3(%arg0: i32) -> (i32, i32) {
    %c0_i32 = arith.constant 0 : i32
    %c0_i32_0 = arith.constant 0 : i32
    return %arg0, %c0_i32 : i32, i32
  }
}

</mosaic_0001>

<sc_bundles>
// kernel: kernel.4.cloned.1.call-start
scs
__scs_entry_jumppad:
0x0: {  	(pc) =	sbr.rel $0x88, $3  }
0x1: {  	(tag) =	ssettag $0x0;
	lr =	simm.s32 $0x1  }
0x2: {  	[smem:$0x3F9F] =	sst lr;
	_ =	strace $0xD0000000  }
0x3: {  	_ = 	snop  }
0x4: {  	_ = 	snop  }
0x5: {  	_ = 	snop  }
0x6: {  	_ = 	snop  }
0x7: {  	_ = 	snop  }
__scs_overlays_trampoline_lowered:
0x8: {  	[smem:$0x3FAE] =	sst s0  }
0x9: {  	[smem:$0x3FAF] =	sst s1  }
0xa: {  	[smem:$0x3FB0] =	sst s2  }
0xb: {  	[smem:$0x3FB1] =	sst s3  }
0xc: {  	[smem:$0x3FB2] =	sst s4  }
0xd: {  	[smem:$0x3FB3] =	sst s5  }
0xe: {  	[smem:$0x3FB4] =	sst s6  }
0xf: {  	[smem:$0x3FB5] =	sst s7  }
0x10: {  	[smem:$0x3FB6] =	sst s8  }
0x11: {  	[smem:$0x3FB7] =	sst s9;
	s0 =	simm.s32 @!p0 $0x0  }
0x12: {  	s1 =	sld [smem:$0x3F9D];
	s0 =	simm.s32 @p0 $0x1  }
0x13: {  	[smem:$0x3FB8] =	sst s0;
	s0 =	simm.s32 @!p1 $0x0  }
0x14: {  	s2 =	sld [smem:$0x3F9C];
	s0 =	simm.s32 @p1 $0x1  }
0x15: {  	[smem:$0x3FB9] =	sst s0;
	s0 =	simm.s32 @!p2 $0x0  }
0x16: {  	s3 =	sld [smem:$0x3FDB];
	s0 =	simm.s32 @p2 $0x1  }
0x17: {  	s4 =	simm.s32 $0x1BF5;
	[smem:$0x3FBB] =	sst s0  }
0x18: {  	s0 =	sld [smem:$0x3F9E];
	_ =	swait.ge [sflag:s4], $0x0  }
0x19: {  	s7 =	sld [smem:$0x3F9F]  }
0x1a: {  	s8 =	sadd.s32 $0xFFFFE003, lr  }
0x1b: {  	s9 =	sadd.s32 $0xFFFFFEF7, lr;
	s5 =	simm.s32 $0xFFFFFFFF;
	p2 =	slt.u32 s8, $0xFFFFF086  }
0x1c: {  	p1 =	slt.u32 s9, $0xF7A;
	s5 =	simm.s32 @!p2 $0x0  }
0x1d: {  	s5 =	simm.s32 @p1 $0x1;
	p0 =	seq.s32 s7, s2  }
0x1e: {  	s7 =	smul.u32 @!p0 $0xF7A, s2;
	p2 =	seq.s32 @!p0 s5, $0x0  }
0x1f: {  	s9 =	smul.u32 $0xF7A, s1;
	s8 =	simm.s32 @!p0 $0x1BF5;
	p2 =	por !p2, p0  }
0x20: {  	[sflag:s8] =	ssyncset.s32 @!p0 $0xFFFFF086;
	s6 =	sadd.s32 @!p0 s3, s7;
	s7 =	simm.s32 @!p0 $0x108  }
0x21: {  	s3 =	sadd.s32 s3, s9;
	s6 =	sadd.s32 @!p0 $0x88, s6;
	s7 =	simm.s32 @p2 $0x1082  }
0x22: {  	[simem:s7], [sflag:s8] =	dma.local @!p0 [hbm:s6], $0xF7A  }
0x23: {  	s9 =	sor.u32 $0xD0000000, s2;
	s6 =	simm.s32 $0x108;
	_ =	swait.ge @!p0 [sflag:s8], $0x0  }
0x24: {  	s3 =	sadd.s32 $0x88, s3;
	s6 =	simm.s32 @!p1 $0x1082;
	[sflag:s4] =	ssyncset.s32 $0xFFFFF086  }
0x25: {  	[simem:s6], [sflag:s4] =	dma.local [hbm:s3], $0xF7A  }
0x26: {  	[smem:$0x3F9F] =	sst s1;
	(tag) =	ssettag s2;
	_ =	strace s9  }
0x27: {  	s1 =	sld [smem:$0x3FAF]  }
0x28: {  	s2 =	sld [smem:$0x3FB0]  }
0x29: {  	s4 =	sld [smem:$0x3FB2]  }
0x2a: {  	p0 =	seq.s32 s5, $0x0;
	s5 =	sld [smem:$0x3FB3]  }
0x2b: {  	s6 =	sld [smem:$0x3FB4]  }
0x2c: {  	s7 =	sld [smem:$0x3FB5]  }
0x2d: {  	s3 =	simm.s32 $0x108;
	s8 =	sld [smem:$0x3FB6]  }
0x2e: {  	s3 =	simm.s32 @!p0 $0x1082;
	s9 =	sld [smem:$0x3FB7]  }
0x2f: {  	lr =	sadd.s32 s0, s3;
	s0 =	sld [smem:$0x3FAE]  }
0x30: {  	s3 =	sld [smem:$0x3FB1]  }
0x31: {  	[smem:$0x3FBA] =	sst s10  }
0x32: {  	s10 =	sld [smem:$0x3FB8];
	_ =	sdelay $0x3  }
0x33: {  	p0 =	seq.s32 s10, $0x1;
	s10 =	sld [smem:$0x3FBA];
	_ =	sdelay $0x3  }
0x34: {  	[smem:$0x3FBA] =	sst s10  }
0x35: {  	s10 =	sld [smem:$0x3FB9];
	_ =	sdelay $0x3  }
0x36: {  	p1 =	seq.s32 s10, $0x1;
	s10 =	sld [smem:$0x3FBA];
	_ =	sdelay $0x3  }
0x37: {  	[smem:$0x3FBA] =	sst s10  }
0x38: {  	s10 =	sld [smem:$0x3FBB]  }
0x39: {  	_ = 	snop;
	(pc) =	sbr.ind lr, $3  }
0x3a: {  	_ = 	snop  }
0x3b: {  	_ = 	snop  }
0x3c: {  	p2 =	seq.s32 s10, $0x1;
	s10 =	sld [smem:$0x3FBA]  }
0x3d: {  	_ =	shalt  }
0x3e: {  	_ =	shalt  }
0x3f: {  	_ =	shalt  }
0x40: {  	_ =	shalt  }
0x41: {  	_ =	shalt  }
0x42: {  	_ =	shalt  }
0x43: {  	_ =	shalt  }
0x44: {  	_ =	shalt  }
0x45: {  	_ =	shalt  }
0x46: {  	_ =	shalt  }
0x47: {  	_ =	shalt  }
0x48: {  	_ =	shalt  }
0x49: {  	_ =	shalt  }
0x4a: {  	_ =	shalt  }
0x4b: {  	_ =	shalt  }
0x4c: {  	_ =	shalt  }
0x4d: {  	_ =	shalt  }
0x4e: {  	_ =	shalt  }
0x4f: {  	_ =	shalt  }
0x50: {  	_ =	shalt  }
0x51: {  	_ =	shalt  }
0x52: {  	_ =	shalt  }
0x53: {  	_ =	shalt  }
0x54: {  	_ =	shalt  }
0x55: {  	_ =	shalt  }
0x56: {  	_ =	shalt  }
0x57: {  	_ =	shalt  }
0x58: {  	_ =	shalt  }
0x59: {  	_ =	shalt  }
0x5a: {  	_ =	shalt  }
0x5b: {  	_ =	shalt  }
0x5c: {  	_ =	shalt  }
0x5d: {  	_ =	shalt  }
0x5e: {  	_ =	shalt  }
0x5f: {  	_ =	shalt  }
0x60: {  	_ =	shalt  }
0x61: {  	_ =	shalt  }
0x62: {  	_ =	shalt  }
0x63: {  	_ =	shalt  }
0x64: {  	_ =	shalt  }
0x65: {  	_ =	shalt  }
0x66: {  	_ =	shalt  }
0x67: {  	_ =	shalt  }
0x68: {  	_ =	shalt  }
0x69: {  	_ =	shalt  }
0x6a: {  	_ =	shalt  }
0x6b: {  	_ =	shalt  }
0x6c: {  	_ =	shalt  }
0x6d: {  	_ =	shalt  }
0x6e: {  	_ =	shalt  }
0x6f: {  	_ =	shalt  }
0x70: {  	_ =	shalt  }
0x71: {  	_ =	shalt  }
0x72: {  	_ =	shalt  }
0x73: {  	_ =	shalt  }
0x74: {  	_ =	shalt  }
0x75: {  	_ =	shalt  }
0x76: {  	_ =	shalt  }
0x77: {  	_ =	shalt  }
0x78: {  	_ =	shalt  }
0x79: {  	_ =	shalt  }
0x7a: {  	_ =	shalt  }
0x7b: {  	_ =	shalt  }
0x7c: {  	_ =	shalt  }
0x7d: {  	_ =	shalt  }
0x7e: {  	_ =	shalt  }
0x7f: {  	_ =	shalt  }
0x80: {  	_ =	shalt  }
0x81: {  	_ =	shalt  }
0x82: {  	_ =	shalt  }
0x83: {  	_ =	shalt  }
0x84: {  	_ =	shalt  }
0x85: {  	_ =	shalt  }
0x86: {  	_ =	shalt  }
0x87: {  	_ =	shalt  }
.Lfunc_end0:
.L_simem_size_0:
called_computation.2_lowered:
.L_overlay_start_0:
0x88: {  	s2 =	sld [smem:$0x3FD9]  }
0x89: {  	s3 =	sld [smem:$0x3FFE];
	_ =	sdelay $0x1  }
0x8a: {  	s1 =	srdreg.scid  }
0x8b: {  	s0 =	sand.u32 $0x1, s1  }
0x8c: {  	s17 =	sshll.u32 s0, $0xA;
	s2 =	sadd.s32 s3, s2  }
0x8d: {  	s2 =	sadd.s32 s2, s17  }
0x8e: {  	[smem:$0x3FC6] =	sst s2  }
0x8f: {  	_ = 	snop  }
0x90: {  	s2 =	sld [smem:$0x3FD0];
	(tm) =	ssettm $0x1  }
0x91: {  	s18 =	sld [smem:$0x3FFB];
	_ =	sdelay $0x3  }
0x92: {  	_ =	strace s18  }
0x93: {  	s3 =	sld [smem:$0x3FFC];
	_ =	sdelay $0x3  }
0x94: {  	_ =	strace s3  }
0x95: {  	s3 =	sld [smem:$0x3FFD];
	_ =	sdelay $0x3  }
0x96: {  	_ =	strace s3  }
0x97: {  	_ =	strace $0x8FFFFFFF  }
0x98: {  	s19 =	sld [smem:$0x3FDB];
	_ =	sdelay $0x1  }
0x99: {  	s4 =	simm.s32 $_scs_section_size  }
0x9a: {  	s5 =	simm.s32 $_size__tile_overlayer_lowered;
	s6 =	simm.s32 $_tile_overlayer_lowered  }
0x9b: {  	s22 =	simm.s32 $0x1BFF;
	s21 =	sshll.u32 s6, $0x1;
	s3 =	sadd.s32 s4, s19  }
0x9c: {  	s7 =	simm.s32 $0x0;
	s20 =	sshll.u32 s5, $0x1;
	s5 =	sadd.s32 s21, s3  }
0x9d: {  	[timem:s7], [sflag:s22] =	dma.local [hbm:s5], s20  }
0x9e: {  	_ =	swait.ge [sflag:s22], s20  }
0x9f: {  	s4 =	ssub.s32 $0x0, s20;
	[sflag:s22] =	ssyncset.done $0x0  }
0xa0: {  	[sflag:s22] =	ssyncadd.s32 s4;
	_ =	sdelay $0x1  }
0xa1: {  	s23 =	simm.s32 $0x1B8B  }
0xa2: {  	_ =	swait.ge [sflag:s23], $0x1  }
0xa3: {  	[sflag:s23] =	ssyncset.done $0x0  }
0xa4: {  	s25 =	simm.s32 $0x1B8E;
	s24 =	sld [smem:$0x3FFE];
	[sflag:s23] =	ssyncadd.s32 $0xFFFFFFFF  }
0xa5: {  	s26 =	simm.s32 $execute0_lowered;
	[smem:$0x3FD2] =	sst s25  }
0xa6: {  	s5 =	sshll.u32 s26, $0x1;
	_ =	strace $0x8000004C;
	[dreg:$0x1] =	wrdreg $0xFFFFFFFF  }
0xa7: {  	s28 =	simm.s32 $_size_execute0_lowered;
	s3 =	sadd.s32 s3, s5;
	[dreg:$0x0] =	wrdreg $0x0  }
0xa8: {  	s5 =	sshll.u32 s28, $0x1;
	[dreg:$0x2] =	wrdreg s3  }
0xa9: {  	[dreg:$0x3] =	wrdreg s5  }
0xaa: {  	[dreg:$0x4] =	wrdreg $0xC0  }
0xab: {  	_ =	task [dreg:s7], $0x5FFFF  }
0xac: {  	[dreg:$0x1] =	wrdreg $0xFFFFFFFF  }
0xad: {  	[dreg:$0x0] =	wrdreg $0x60  }
0xae: {  	[dreg:$0x2] =	wrdreg s2  }
0xaf: {  	[dreg:$0x3] =	wrdreg s24  }
0xb0: {  	[dreg:$0x4] =	wrdreg $0x9  }
0xb1: {  	_ =	task.clear_ibuf [dreg:s7], $0x5FFFF;
	_ =	strace $0x9000004C  }
0xb2: {  	s29 =	simm.s32 $0x9;
	_ =	strace $0x8000004E  }
0xb3: {  	_ =	swait.ge [sflag:s29], $0x1  }
0xb4: {  	[sflag:s29] =	ssyncadd.s32 $0xFFFFFFFF  }
0xb5: {  	_ =	strace $0x9000004E  }
0xb6: {  	_ =	sfence  }
0xb7: {  	s30 =	sld [smem:$0x0];
	_ =	sdelay $0x2  }
0xb8: {  	s31 =	sshll.u32 s1, $0xD;
	s1 =	sshrl.u32 s1, $0x2  }
0xb9: {  	s3 =	sand.u32 $0x4000, s31;
	s1 =	sadd.s32 s1, s30  }
0xba: {  	s0 =	sor.u32 s3, s0;
	s1 =	sshll.u32 s1, $0x11  }
0xbb: {  	s0 =	sor.u32 s1, s0  }
0xbc: {  	s0 =	sadd.s32 $0x8F2B, s0  }
0xbd: {  	[sflag:s0] =	ssyncadd.remote.s32 $0x1  }
0xbe: {  	_ =	sfence.sel $0xFFFF  }
0xbf: {  	[dreg:$0x0] =	wrdreg $0xFFFFFFFF;
	(pc) =	sbr.abs _section_cstart, $3  }
0xc0: {  	[dreg:$0x1] =	wrdreg $0xFFFFFFFF  }
0xc1: {  	_ =	task.clear_ibuf [dreg:s7], $0x2FFFF;
	_ =	strace $0x9FFFFFFF  }
0xc2: {  	(tm) =	ssettm $0x7FFFFFFF  }
0xc3: {  	_ =	shalt  }
tec
execute0_lowered:
.L_overlay_start_1:
0x0: {  	(tag) =	ssettag $0x1  }
0x1: {  	s1 =	rddreg [dreg:$0x0]  }
0x2: {  	s5 =	rddreg [dreg:$0x1];
	s2 =	srdreg.scid  }
0x3: {  	s0 =	rddreg [dreg:$0x2];
	s3 =	simm.s32 $0x0;
	s12 =	simm.s32 $0x4000  }
0x4: {  	s13 =	simm.s32 $0xC000;
	s14 =	simm.s32 $0x1;
	s15 =	simm.s32 $0x3  }
0x5: {  	s16 =	simm.s32 $0x10000;
	s17 =	simm.s32 $0x2;
	s18 =	simm.s32 $0x4  }
0x6: {  	s19 =	simm.s32 $0x11100;
	s20 =	simm.s32 $0x5;
	s21 =	simm.s32 $0x0  }
0x7: {  	s4 =	sand.u32 $0x1, s2;
	[smem:$0x7FF] =	sst s3;
	s2 =	stileid.u32  }
0x8: {  	v0 =	vlaneseq.u32;
	s6 =	sshll.u32 s4, $0x4;
	_ =	strace $0x8000004D;
	s7 =	ssub.s32 $0x2, s4  }
0x9: {  	v0 =	vmul.u32 $0x21, v0;
	s4 =	sadd.s32 $0xC00, s5;
	s6 =	sor.u32 s2, s6;
	s9 =	sshrl.u32 s7, $0x1  }
0xa: {  	s8 =	sshll.u32 s6, $0x2;
	s11 =	ssub.s32 s7, s9;
	s30 =	sshll.u32 s6, $0x11  }
0xb: {  	v1 =	vimm.f32 $0.0e+00;
	v2 =	vimm.f32 $1.000000000e+00;
	v3 =	vadd.s32 $0x220, v0;
	s31 =	sshll.u32 s6, $0x14;
	s10 =	sadd.s32 s8, s5;
	s5 =	sadd.s32 s1, s30  }
0xc: {  	v4 =	vadd.s32 $0x440, v0;
	v5 =	vadd.s32 $0x660, v0;
	v6 =	vadd.s32 $0x880, v0;
	s6 =	sadd.s32 s4, s30;
	s7 =	sor.u32 $0x4000, s31;
	s8 =	sor.u32 $0x8000, s31  }
0xd: {  	v7 =	vadd.s32 $0xAA0, v0;
	v8 =	vadd.s32 $0xCC0, v0;
	v9 =	vadd.s32 $0xEE0, v0;
	s9 =	sadd.s32 $0x400C00, s10;
	s10 =	smax.u32 s11, $0x1;
	s11 =	simm.s32 $0x8000  }
.LBB2_1:
0xe: {  	[tilespmem:$0x10000] =	vst v1  }
0xf: {  	[tilespmem:$0x10010] =	vst v1  }
0x10: {  	[tilespmem:$0x10020] =	vst v1  }
0x11: {  	[tilespmem:$0x10030] =	vst v1  }
0x12: {  	[tilespmem:$0x10040] =	vst v1  }
0x13: {  	[tilespmem:$0x10050] =	vst v1  }
0x14: {  	[tilespmem:$0x10060] =	vst v1  }
0x15: {  	[tilespmem:$0x10070] =	vst v1  }
0x16: {  	[tilespmem:$0x10080] =	vst v1  }
0x17: {  	[tilespmem:$0x10090] =	vst v1  }
0x18: {  	[tilespmem:$0x100A0] =	vst v1  }
0x19: {  	[tilespmem:$0x100B0] =	vst v1  }
0x1a: {  	[tilespmem:$0x100C0] =	vst v1  }
0x1b: {  	[tilespmem:$0x100D0] =	vst v1  }
0x1c: {  	[tilespmem:$0x100E0] =	vst v1  }
0x1d: {  	[tilespmem:$0x100F0] =	vst v1  }
0x1e: {  	[tilespmem:$0x10100] =	vst v1  }
0x1f: {  	[tilespmem:$0x10110] =	vst v1  }
0x20: {  	[tilespmem:$0x10120] =	vst v1  }
0x21: {  	[tilespmem:$0x10130] =	vst v1  }
0x22: {  	[tilespmem:$0x10140] =	vst v1  }
0x23: {  	[tilespmem:$0x10150] =	vst v1  }
0x24: {  	[tilespmem:$0x10160] =	vst v1  }
0x25: {  	[tilespmem:$0x10170] =	vst v1  }
0x26: {  	[tilespmem:$0x10180] =	vst v1  }
0x27: {  	[tilespmem:$0x10190] =	vst v1  }
0x28: {  	[tilespmem:$0x101A0] =	vst v1  }
0x29: {  	[tilespmem:$0x101B0] =	vst v1  }
0x2a: {  	[tilespmem:$0x101C0] =	vst v1  }
0x2b: {  	[tilespmem:$0x101D0] =	vst v1  }
0x2c: {  	[tilespmem:$0x101E0] =	vst v1  }
0x2d: {  	[tilespmem:$0x101F0] =	vst v1  }
0x2e: {  	[tilespmem:$0x10200] =	vst v1  }
0x2f: {  	[tilespmem:$0x10210] =	vst v1  }
0x30: {  	[tilespmem:$0x10220] =	vst v1  }
0x31: {  	[tilespmem:$0x10230] =	vst v1  }
0x32: {  	[tilespmem:$0x10240] =	vst v1  }
0x33: {  	[tilespmem:$0x10250] =	vst v1  }
0x34: {  	[tilespmem:$0x10260] =	vst v1  }
0x35: {  	[tilespmem:$0x10270] =	vst v1  }
0x36: {  	[tilespmem:$0x10280] =	vst v1  }
0x37: {  	[tilespmem:$0x10290] =	vst v1  }
0x38: {  	[tilespmem:$0x102A0] =	vst v1  }
0x39: {  	[tilespmem:$0x102B0] =	vst v1  }
0x3a: {  	[tilespmem:$0x102C0] =	vst v1  }
0x3b: {  	[tilespmem:$0x102D0] =	vst v1  }
0x3c: {  	[tilespmem:$0x102E0] =	vst v1  }
0x3d: {  	[tilespmem:$0x102F0] =	vst v1  }
0x3e: {  	[tilespmem:$0x10300] =	vst v1  }
0x3f: {  	[tilespmem:$0x10310] =	vst v1  }
0x40: {  	[tilespmem:$0x10320] =	vst v1  }
0x41: {  	[tilespmem:$0x10330] =	vst v1  }
0x42: {  	[tilespmem:$0x10340] =	vst v1  }
0x43: {  	[tilespmem:$0x10350] =	vst v1  }
0x44: {  	[tilespmem:$0x10360] =	vst v1  }
0x45: {  	[tilespmem:$0x10370] =	vst v1  }
0x46: {  	[tilespmem:$0x10380] =	vst v1  }
0x47: {  	[tilespmem:$0x10390] =	vst v1  }
0x48: {  	[tilespmem:$0x103A0] =	vst v1  }
0x49: {  	[tilespmem:$0x103B0] =	vst v1  }
0x4a: {  	[tilespmem:$0x103C0] =	vst v1  }
0x4b: {  	[tilespmem:$0x103D0] =	vst v1  }
0x4c: {  	[tilespmem:$0x103E0] =	vst v1  }
0x4d: {  	[tilespmem:$0x103F0] =	vst v1  }
0x4e: {  	[tilespmem:$0x10400] =	vst v1  }
0x4f: {  	[tilespmem:$0x10410] =	vst v1  }
0x50: {  	[tilespmem:$0x10420] =	vst v1  }
0x51: {  	[tilespmem:$0x10430] =	vst v1  }
0x52: {  	[tilespmem:$0x10440] =	vst v1  }
0x53: {  	[tilespmem:$0x10450] =	vst v1  }
0x54: {  	[tilespmem:$0x10460] =	vst v1  }
0x55: {  	[tilespmem:$0x10470] =	vst v1  }
0x56: {  	[tilespmem:$0x10480] =	vst v1  }
0x57: {  	[tilespmem:$0x10490] =	vst v1  }
0x58: {  	[tilespmem:$0x104A0] =	vst v1  }
0x59: {  	[tilespmem:$0x104B0] =	vst v1  }
0x5a: {  	[tilespmem:$0x104C0] =	vst v1  }
0x5b: {  	[tilespmem:$0x104D0] =	vst v1  }
0x5c: {  	[tilespmem:$0x104E0] =	vst v1  }
0x5d: {  	[tilespmem:$0x104F0] =	vst v1  }
0x5e: {  	[tilespmem:$0x10500] =	vst v1  }
0x5f: {  	[tilespmem:$0x10510] =	vst v1  }
0x60: {  	[tilespmem:$0x10520] =	vst v1  }
0x61: {  	[tilespmem:$0x10530] =	vst v1  }
0x62: {  	[tilespmem:$0x10540] =	vst v1  }
0x63: {  	[tilespmem:$0x10550] =	vst v1  }
0x64: {  	[tilespmem:$0x10560] =	vst v1  }
0x65: {  	[tilespmem:$0x10570] =	vst v1  }
0x66: {  	[tilespmem:$0x10580] =	vst v1  }
0x67: {  	[tilespmem:$0x10590] =	vst v1  }
0x68: {  	[tilespmem:$0x105A0] =	vst v1  }
0x69: {  	[tilespmem:$0x105B0] =	vst v1  }
0x6a: {  	[tilespmem:$0x105C0] =	vst v1  }
0x6b: {  	[tilespmem:$0x105D0] =	vst v1  }
0x6c: {  	[tilespmem:$0x105E0] =	vst v1  }
0x6d: {  	[tilespmem:$0x105F0] =	vst v1  }
0x6e: {  	[tilespmem:$0x10600] =	vst v1  }
0x6f: {  	[tilespmem:$0x10610] =	vst v1  }
0x70: {  	[tilespmem:$0x10620] =	vst v1  }
0x71: {  	[tilespmem:$0x10630] =	vst v1  }
0x72: {  	[tilespmem:$0x10640] =	vst v1  }
0x73: {  	[tilespmem:$0x10650] =	vst v1  }
0x74: {  	[tilespmem:$0x10660] =	vst v1  }
0x75: {  	[tilespmem:$0x10670] =	vst v1  }
0x76: {  	[tilespmem:$0x10680] =	vst v1  }
0x77: {  	[tilespmem:$0x10690] =	vst v1  }
0x78: {  	[tilespmem:$0x106A0] =	vst v1  }
0x79: {  	[tilespmem:$0x106B0] =	vst v1  }
0x7a: {  	[tilespmem:$0x106C0] =	vst v1  }
0x7b: {  	[tilespmem:$0x106D0] =	vst v1  }
0x7c: {  	[tilespmem:$0x106E0] =	vst v1  }
0x7d: {  	[tilespmem:$0x106F0] =	vst v1  }
0x7e: {  	[tilespmem:$0x10700] =	vst v1  }
0x7f: {  	[tilespmem:$0x10710] =	vst v1  }
0x80: {  	[tilespmem:$0x10720] =	vst v1  }
0x81: {  	[tilespmem:$0x10730] =	vst v1  }
0x82: {  	[tilespmem:$0x10740] =	vst v1  }
0x83: {  	[tilespmem:$0x10750] =	vst v1  }
0x84: {  	[tilespmem:$0x10760] =	vst v1  }
0x85: {  	[tilespmem:$0x10770] =	vst v1  }
0x86: {  	[tilespmem:$0x10780] =	vst v1  }
0x87: {  	[tilespmem:$0x10790] =	vst v1  }
0x88: {  	[tilespmem:$0x107A0] =	vst v1  }
0x89: {  	[tilespmem:$0x107B0] =	vst v1  }
0x8a: {  	[tilespmem:$0x107C0] =	vst v1  }
0x8b: {  	[tilespmem:$0x107D0] =	vst v1  }
0x8c: {  	[tilespmem:$0x107E0] =	vst v1  }
0x8d: {  	[tilespmem:$0x107F0] =	vst v1  }
0x8e: {  	[tilespmem:$0x10800] =	vst v1  }
0x8f: {  	[tilespmem:$0x10810] =	vst v1  }
0x90: {  	[tilespmem:$0x10820] =	vst v1  }
0x91: {  	[tilespmem:$0x10830] =	vst v1  }
0x92: {  	[tilespmem:$0x10840] =	vst v1  }
0x93: {  	[tilespmem:$0x10850] =	vst v1  }
0x94: {  	[tilespmem:$0x10860] =	vst v1  }
0x95: {  	[tilespmem:$0x10870] =	vst v1  }
0x96: {  	[tilespmem:$0x10880] =	vst v1  }
0x97: {  	[tilespmem:$0x10890] =	vst v1  }
0x98: {  	[tilespmem:$0x108A0] =	vst v1  }
0x99: {  	[tilespmem:$0x108B0] =	vst v1  }
0x9a: {  	[tilespmem:$0x108C0] =	vst v1  }
0x9b: {  	[tilespmem:$0x108D0] =	vst v1  }
0x9c: {  	[tilespmem:$0x108E0] =	vst v1  }
0x9d: {  	[tilespmem:$0x108F0] =	vst v1  }
0x9e: {  	[tilespmem:$0x10900] =	vst v1  }
0x9f: {  	[tilespmem:$0x10910] =	vst v1  }
0xa0: {  	[tilespmem:$0x10920] =	vst v1  }
0xa1: {  	[tilespmem:$0x10930] =	vst v1  }
0xa2: {  	[tilespmem:$0x10940] =	vst v1  }
0xa3: {  	[tilespmem:$0x10950] =	vst v1  }
0xa4: {  	[tilespmem:$0x10960] =	vst v1  }
0xa5: {  	[tilespmem:$0x10970] =	vst v1  }
0xa6: {  	[tilespmem:$0x10980] =	vst v1  }
0xa7: {  	[tilespmem:$0x10990] =	vst v1  }
0xa8: {  	[tilespmem:$0x109A0] =	vst v1  }
0xa9: {  	[tilespmem:$0x109B0] =	vst v1  }
0xaa: {  	[tilespmem:$0x109C0] =	vst v1  }
0xab: {  	[tilespmem:$0x109D0] =	vst v1  }
0xac: {  	[tilespmem:$0x109E0] =	vst v1  }
0xad: {  	[tilespmem:$0x109F0] =	vst v1  }
0xae: {  	[tilespmem:$0x10A00] =	vst v1  }
0xaf: {  	[tilespmem:$0x10A10] =	vst v1  }
0xb0: {  	[tilespmem:$0x10A20] =	vst v1  }
0xb1: {  	[tilespmem:$0x10A30] =	vst v1  }
0xb2: {  	[tilespmem:$0x10A40] =	vst v1  }
0xb3: {  	[tilespmem:$0x10A50] =	vst v1  }
0xb4: {  	[tilespmem:$0x10A60] =	vst v1  }
0xb5: {  	[tilespmem:$0x10A70] =	vst v1  }
0xb6: {  	[tilespmem:$0x10A80] =	vst v1  }
0xb7: {  	[tilespmem:$0x10A90] =	vst v1  }
0xb8: {  	[tilespmem:$0x10AA0] =	vst v1  }
0xb9: {  	[tilespmem:$0x10AB0] =	vst v1  }
0xba: {  	[tilespmem:$0x10AC0] =	vst v1  }
0xbb: {  	[tilespmem:$0x10AD0] =	vst v1  }
0xbc: {  	[tilespmem:$0x10AE0] =	vst v1  }
0xbd: {  	[tilespmem:$0x10AF0] =	vst v1  }
0xbe: {  	[tilespmem:$0x10B00] =	vst v1  }
0xbf: {  	[tilespmem:$0x10B10] =	vst v1  }
0xc0: {  	[tilespmem:$0x10B20] =	vst v1  }
0xc1: {  	[tilespmem:$0x10B30] =	vst v1  }
0xc2: {  	[tilespmem:$0x10B40] =	vst v1  }
0xc3: {  	[tilespmem:$0x10B50] =	vst v1  }
0xc4: {  	[tilespmem:$0x10B60] =	vst v1  }
0xc5: {  	[tilespmem:$0x10B70] =	vst v1  }
0xc6: {  	[tilespmem:$0x10B80] =	vst v1  }
0xc7: {  	[tilespmem:$0x10B90] =	vst v1  }
0xc8: {  	[tilespmem:$0x10BA0] =	vst v1  }
0xc9: {  	[tilespmem:$0x10BB0] =	vst v1  }
0xca: {  	[tilespmem:$0x10BC0] =	vst v1  }
0xcb: {  	[tilespmem:$0x10BD0] =	vst v1  }
0xcc: {  	[tilespmem:$0x10BE0] =	vst v1  }
0xcd: {  	[tilespmem:$0x10BF0] =	vst v1  }
0xce: {  	[tilespmem:$0x10C00] =	vst v1  }
0xcf: {  	[tilespmem:$0x10C10] =	vst v1  }
0xd0: {  	[tilespmem:$0x10C20] =	vst v1  }
0xd1: {  	[tilespmem:$0x10C30] =	vst v1  }
0xd2: {  	[tilespmem:$0x10C40] =	vst v1  }
0xd3: {  	[tilespmem:$0x10C50] =	vst v1  }
0xd4: {  	[tilespmem:$0x10C60] =	vst v1  }
0xd5: {  	[tilespmem:$0x10C70] =	vst v1  }
0xd6: {  	[tilespmem:$0x10C80] =	vst v1  }
0xd7: {  	[tilespmem:$0x10C90] =	vst v1  }
0xd8: {  	[tilespmem:$0x10CA0] =	vst v1  }
0xd9: {  	[tilespmem:$0x10CB0] =	vst v1  }
0xda: {  	[tilespmem:$0x10CC0] =	vst v1  }
0xdb: {  	[tilespmem:$0x10CD0] =	vst v1  }
0xdc: {  	[tilespmem:$0x10CE0] =	vst v1  }
0xdd: {  	[tilespmem:$0x10CF0] =	vst v1  }
0xde: {  	[tilespmem:$0x10D00] =	vst v1  }
0xdf: {  	[tilespmem:$0x10D10] =	vst v1  }
0xe0: {  	[tilespmem:$0x10D20] =	vst v1  }
0xe1: {  	[tilespmem:$0x10D30] =	vst v1  }
0xe2: {  	[tilespmem:$0x10D40] =	vst v1  }
0xe3: {  	[tilespmem:$0x10D50] =	vst v1  }
0xe4: {  	[tilespmem:$0x10D60] =	vst v1  }
0xe5: {  	[tilespmem:$0x10D70] =	vst v1  }
0xe6: {  	[tilespmem:$0x10D80] =	vst v1  }
0xe7: {  	[tilespmem:$0x10D90] =	vst v1  }
0xe8: {  	[tilespmem:$0x10DA0] =	vst v1  }
0xe9: {  	[tilespmem:$0x10DB0] =	vst v1  }
0xea: {  	[tilespmem:$0x10DC0] =	vst v1  }
0xeb: {  	[tilespmem:$0x10DD0] =	vst v1  }
0xec: {  	[tilespmem:$0x10DE0] =	vst v1  }
0xed: {  	[tilespmem:$0x10DF0] =	vst v1  }
0xee: {  	[tilespmem:$0x10E00] =	vst v1  }
0xef: {  	[tilespmem:$0x10E10] =	vst v1  }
0xf0: {  	[tilespmem:$0x10E20] =	vst v1  }
0xf1: {  	[tilespmem:$0x10E30] =	vst v1  }
0xf2: {  	[tilespmem:$0x10E40] =	vst v1  }
0xf3: {  	[tilespmem:$0x10E50] =	vst v1  }
0xf4: {  	[tilespmem:$0x10E60] =	vst v1  }
0xf5: {  	[tilespmem:$0x10E70] =	vst v1  }
0xf6: {  	[tilespmem:$0x10E80] =	vst v1  }
0xf7: {  	[tilespmem:$0x10E90] =	vst v1  }
0xf8: {  	[tilespmem:$0x10EA0] =	vst v1  }
0xf9: {  	[tilespmem:$0x10EB0] =	vst v1  }
0xfa: {  	[tilespmem:$0x10EC0] =	vst v1  }
0xfb: {  	[tilespmem:$0x10ED0] =	vst v1  }
0xfc: {  	[tilespmem:$0x10EE0] =	vst v1  }
0xfd: {  	[tilespmem:$0x10EF0] =	vst v1  }
0xfe: {  	[tilespmem:$0x10F00] =	vst v1  }
0xff: {  	[tilespmem:$0x10F10] =	vst v1  }
0x100: {  	[tilespmem:$0x10F20] =	vst v1  }
0x101: {  	[tilespmem:$0x10F30] =	vst v1  }
0x102: {  	[tilespmem:$0x10F40] =	vst v1  }
0x103: {  	[tilespmem:$0x10F50] =	vst v1  }
0x104: {  	[tilespmem:$0x10F60] =	vst v1  }
0x105: {  	[tilespmem:$0x10F70] =	vst v1  }
0x106: {  	[tilespmem:$0x10F80] =	vst v1  }
0x107: {  	[tilespmem:$0x10F90] =	vst v1  }
0x108: {  	[tilespmem:$0x10FA0] =	vst v1  }
0x109: {  	[tilespmem:$0x10FB0] =	vst v1  }
0x10a: {  	[tilespmem:$0x10FC0] =	vst v1  }
0x10b: {  	[tilespmem:$0x10FD0] =	vst v1  }
0x10c: {  	[tilespmem:$0x10FE0] =	vst v1  }
0x10d: {  	[tilespmem:$0x10FF0] =	vst v1  }
0x10e: {  	[tilespmem:$0x11000] =	vst v1  }
0x10f: {  	[tilespmem:$0x11010] =	vst v1  }
0x110: {  	[tilespmem:$0x11020] =	vst v1  }
0x111: {  	[tilespmem:$0x11030] =	vst v1  }
0x112: {  	[tilespmem:$0x11040] =	vst v1  }
0x113: {  	[tilespmem:$0x11050] =	vst v1  }
0x114: {  	[tilespmem:$0x11060] =	vst v1  }
0x115: {  	[tilespmem:$0x11070] =	vst v1  }
0x116: {  	[tilespmem:$0x11080] =	vst v1  }
0x117: {  	[tilespmem:$0x11090] =	vst v1  }
0x118: {  	[tilespmem:$0x110A0] =	vst v1  }
0x119: {  	[tilespmem:$0x110B0] =	vst v1  }
0x11a: {  	[tilespmem:$0x110C0] =	vst v1  }
0x11b: {  	[tilespmem:$0x110D0] =	vst v1  }
0x11c: {  	[tilespmem:$0x110E0] =	vst v1  }
0x11d: {  	[tilespmem:$0x110F0] =	vst v1  }
0x11e: {  	[tilespmem:s3], [sflag:$0x1] =	stream.linear.gather [hbm4b:s5+s3], $0x4000, $0x38;
	[tilespmem:$0x11120] =	vst v63  }
0x11f: {  	s22 =	simm.s32 $0x0  }
0x120: {  	[tilespmem:s11], [sflag:$0x3] =	stream.linear.gather [hbm4b:s6+s3], $0x4000, $0x38;
	[tilespmem:$0x11120] =	vst v63  }
.LBB2_2:
0x121: {  	s23 =	sshll.u32 s22, $0xF  }
0x122: {  	s23 =	sadd.s32 s7, s23  }
0x123: {  	s24 =	sshrl.u32 s23, $0x3  }
0x124: {  	s23 =	simm.s32 $0x0;
	s25 =	sadd.s32 s1, s24  }
0x125: {  	[tilespmem:s12], [sflag:$0x2] =	stream.linear.gather [hbm4b:s25+s23], $0x4000, $0x38;
	[tilespmem:$0x11120] =	vst v63  }
0x126: {  	s24 =	sadd.s32 s4, s24  }
0x127: {  	[tilespmem:s13], [sflag:$0x4] =	stream.linear.gather [hbm4b:s24+s23], $0x4000, $0x38;
	[tilespmem:$0x11120] =	vst v63  }
0x128: {  	_ =	swait.ge [sflag:s14], $0x4000  }
0x129: {  	[sflag:s14] =	ssyncset.done $0x0  }
0x12a: {  	[sflag:s14] =	ssyncadd.s32 $0xFFFFC000  }
0x12b: {  	_ =	swait.ge [sflag:s15], $0x4000  }
0x12c: {  	[sflag:s15] =	ssyncset.done $0x0  }
0x12d: {  	[sflag:s15] =	ssyncadd.s32 $0xFFFFC000  }
.LBB2_3:
0x12e: {  	s24 =	sshra.s32 s23, $0x2  }
0x12f: {  	v10 =	vld [tilespmem:s24+$0x0]  }
0x130: {  	v11 =	vld [tilespmem:s24+$0x8000];
	_ =	sdelay $0x4  }
0x131: {  	v10 =	vsub.f32 v10, v11;
	_ =	sdelay $0x1  }
0x132: {  	v10 =	vand.u32 $0x7FFFFFFF, v10  }
0x133: {  	v10 =	vmul.f32 $2.999902340e+01, v10;
	_ =	sdelay $0x1  }
0x134: {  	v10 =	vtrunc.f32 v10  }
0x135: {  	v10 =	vcvt.f32.s32 v10;
	_ =	sdelay $0x1  }
0x136: {  	v10 =	vadd.s32 v0, v10;
	_ =	sdelay $0x4  }
0x137: {  	[tilespmem:v10+s16+$0x0] =	vst.idx.add.f32.msk $0xffff, v2  }
0x138: {  	v10 =	vld [tilespmem:s24+$0x10]  }
0x139: {  	v11 =	vld [tilespmem:s24+$0x8010];
	_ =	sdelay $0x4  }
0x13a: {  	v10 =	vsub.f32 v10, v11;
	_ =	sdelay $0x1  }
0x13b: {  	v10 =	vand.u32 $0x7FFFFFFF, v10  }
0x13c: {  	v10 =	vmul.f32 $2.999902340e+01, v10;
	_ =	sdelay $0x1  }
0x13d: {  	v10 =	vtrunc.f32 v10  }
0x13e: {  	v10 =	vcvt.f32.s32 v10;
	_ =	sdelay $0x1  }
0x13f: {  	v10 =	vadd.s32 v3, v10;
	_ =	sdelay $0x4  }
0x140: {  	[tilespmem:v10+s16+$0x0] =	vst.idx.add.f32.msk $0xffff, v2  }
0x141: {  	v10 =	vld [tilespmem:s24+$0x20]  }
0x142: {  	v11 =	vld [tilespmem:s24+$0x8020];
	_ =	sdelay $0x4  }
0x143: {  	v10 =	vsub.f32 v10, v11;
	_ =	sdelay $0x1  }
0x144: {  	v10 =	vand.u32 $0x7FFFFFFF, v10  }
0x145: {  	v10 =	vmul.f32 $2.999902340e+01, v10;
	_ =	sdelay $0x1  }
0x146: {  	v10 =	vtrunc.f32 v10  }
0x147: {  	v10 =	vcvt.f32.s32 v10;
	_ =	sdelay $0x1  }
0x148: {  	v10 =	vadd.s32 v4, v10;
	_ =	sdelay $0x4  }
0x149: {  	[tilespmem:v10+s16+$0x0] =	vst.idx.add.f32.msk $0xffff, v2  }
0x14a: {  	v10 =	vld [tilespmem:s24+$0x30]  }
0x14b: {  	v11 =	vld [tilespmem:s24+$0x8030];
	_ =	sdelay $0x4  }
0x14c: {  	v10 =	vsub.f32 v10, v11;
	_ =	sdelay $0x1  }
0x14d: {  	v10 =	vand.u32 $0x7FFFFFFF, v10  }
0x14e: {  	v10 =	vmul.f32 $2.999902340e+01, v10;
	_ =	sdelay $0x1  }
0x14f: {  	v10 =	vtrunc.f32 v10  }
0x150: {  	v10 =	vcvt.f32.s32 v10;
	_ =	sdelay $0x1  }
0x151: {  	v10 =	vadd.s32 v5, v10;
	_ =	sdelay $0x4  }
0x152: {  	[tilespmem:v10+s16+$0x0] =	vst.idx.add.f32.msk $0xffff, v2  }
0x153: {  	v10 =	vld [tilespmem:s24+$0x40]  }
0x154: {  	v11 =	vld [tilespmem:s24+$0x8040];
	_ =	sdelay $0x4  }
0x155: {  	v10 =	vsub.f32 v10, v11;
	_ =	sdelay $0x1  }
0x156: {  	v10 =	vand.u32 $0x7FFFFFFF, v10  }
0x157: {  	v10 =	vmul.f32 $2.999902340e+01, v10;
	_ =	sdelay $0x1  }
0x158: {  	v10 =	vtrunc.f32 v10  }
0x159: {  	v10 =	vcvt.f32.s32 v10;
	_ =	sdelay $0x1  }
0x15a: {  	v10 =	vadd.s32 v6, v10;
	_ =	sdelay $0x4  }
0x15b: {  	[tilespmem:v10+s16+$0x0] =	vst.idx.add.f32.msk $0xffff, v2  }
0x15c: {  	v10 =	vld [tilespmem:s24+$0x50]  }
0x15d: {  	v11 =	vld [tilespmem:s24+$0x8050];
	_ =	sdelay $0x4  }
0x15e: {  	v10 =	vsub.f32 v10, v11;
	_ =	sdelay $0x1  }
0x15f: {  	v10 =	vand.u32 $0x7FFFFFFF, v10  }
0x160: {  	v10 =	vmul.f32 $2.999902340e+01, v10;
	_ =	sdelay $0x1  }
0x161: {  	v10 =	vtrunc.f32 v10  }
0x162: {  	v10 =	vcvt.f32.s32 v10;
	_ =	sdelay $0x1  }
0x163: {  	v10 =	vadd.s32 v7, v10;
	_ =	sdelay $0x4  }
0x164: {  	[tilespmem:v10+s16+$0x0] =	vst.idx.add.f32.msk $0xffff, v2  }
0x165: {  	v10 =	vld [tilespmem:s24+$0x60]  }
0x166: {  	v11 =	vld [tilespmem:s24+$0x8060];
	_ =	sdelay $0x4  }
0x167: {  	v10 =	vsub.f32 v10, v11;
	_ =	sdelay $0x1  }
0x168: {  	v10 =	vand.u32 $0x7FFFFFFF, v10  }
0x169: {  	v10 =	vmul.f32 $2.999902340e+01, v10;
	_ =	sdelay $0x1  }
0x16a: {  	v10 =	vtrunc.f32 v10  }
0x16b: {  	v10 =	vcvt.f32.s32 v10;
	_ =	sdelay $0x1  }
0x16c: {  	v10 =	vadd.s32 v8, v10;
	_ =	sdelay $0x4  }
0x16d: {  	[tilespmem:v10+s16+$0x0] =	vst.idx.add.f32.msk $0xffff, v2  }
0x16e: {  	v10 =	vld [tilespmem:s24+$0x70]  }
0x16f: {  	v11 =	vld [tilespmem:s24+$0x8070];
	_ =	sdelay $0x4  }
0x170: {  	v10 =	vsub.f32 v10, v11;
	_ =	sdelay $0x1  }
0x171: {  	v10 =	vand.u32 $0x7FFFFFFF, v10  }
0x172: {  	v10 =	vmul.f32 $2.999902340e+01, v10;
	_ =	sdelay $0x1  }
0x173: {  	v10 =	vtrunc.f32 v10  }
0x174: {  	v10 =	vcvt.f32.s32 v10;
	_ =	sdelay $0x1  }
0x175: {  	p0 =	sne.s32 s23, $0xFE00;
	v10 =	vadd.s32 v9, v10  }
.Ltmp0:
0x176: {  	_ = 	snop;
	(pc) =	sbr.rel @p0 .LBB2_3-.Ltmp0, $2  }
0x177: {  	_ =	sdelay $0x2  }
0x178: {  	s23 =	sadd.s32 $0x200, s23;
	[tilespmem:v10+s16+$0x0] =	vst.idx.add.f32.msk $0xffff, v2  }
0x179: {  	s23 =	sshll.u32 s22, $0x1  }
0x17a: {  	s23 =	smin.u32 s23, $0x3D  }
0x17b: {  	s23 =	sshll.u32 s23, $0xE  }
0x17c: {  	s23 =	sadd.s32 s23, s8  }
0x17d: {  	s24 =	sshrl.u32 s23, $0x3  }
0x17e: {  	s23 =	simm.s32 $0x0;
	s25 =	sadd.s32 s1, s24  }
0x17f: {  	[tilespmem:s23], [sflag:$0x1] =	stream.linear.gather [hbm4b:s25+s23], $0x4000, $0x38;
	[tilespmem:$0x11120] =	vst v63  }
0x180: {  	s24 =	sadd.s32 s4, s24  }
0x181: {  	[tilespmem:s11], [sflag:$0x3] =	stream.linear.gather [hbm4b:s24+s23], $0x4000, $0x38;
	[tilespmem:$0x11120] =	vst v63  }
0x182: {  	_ =	swait.ge [sflag:s17], $0x4000  }
0x183: {  	[sflag:s17] =	ssyncset.done $0x0  }
0x184: {  	[sflag:s17] =	ssyncadd.s32 $0xFFFFC000  }
0x185: {  	_ =	swait.ge [sflag:s18], $0x4000  }
0x186: {  	[sflag:s18] =	ssyncset.done $0x0  }
0x187: {  	[sflag:s18] =	ssyncadd.s32 $0xFFFFC000  }
.LBB2_5:
0x188: {  	s24 =	sshra.s32 s23, $0x2  }
0x189: {  	v10 =	vld [tilespmem:s24+$0x4000]  }
0x18a: {  	v11 =	vld [tilespmem:s24+$0xC000];
	_ =	sdelay $0x4  }
0x18b: {  	v10 =	vsub.f32 v10, v11;
	_ =	sdelay $0x1  }
0x18c: {  	v10 =	vand.u32 $0x7FFFFFFF, v10  }
0x18d: {  	v10 =	vmul.f32 $2.999902340e+01, v10;
	_ =	sdelay $0x1  }
0x18e: {  	v10 =	vtrunc.f32 v10  }
0x18f: {  	v10 =	vcvt.f32.s32 v10;
	_ =	sdelay $0x1  }
0x190: {  	v10 =	vadd.s32 v0, v10;
	_ =	sdelay $0x4  }
0x191: {  	[tilespmem:v10+s16+$0x0] =	vst.idx.add.f32.msk $0xffff, v2  }
0x192: {  	v10 =	vld [tilespmem:s24+$0x4010]  }
0x193: {  	v11 =	vld [tilespmem:s24+$0xC010];
	_ =	sdelay $0x4  }
0x194: {  	v10 =	vsub.f32 v10, v11;
	_ =	sdelay $0x1  }
0x195: {  	v10 =	vand.u32 $0x7FFFFFFF, v10  }
0x196: {  	v10 =	vmul.f32 $2.999902340e+01, v10;
	_ =	sdelay $0x1  }
0x197: {  	v10 =	vtrunc.f32 v10  }
0x198: {  	v10 =	vcvt.f32.s32 v10;
	_ =	sdelay $0x1  }
0x199: {  	v10 =	vadd.s32 v3, v10;
	_ =	sdelay $0x4  }
0x19a: {  	[tilespmem:v10+s16+$0x0] =	vst.idx.add.f32.msk $0xffff, v2  }
0x19b: {  	v10 =	vld [tilespmem:s24+$0x4020]  }
0x19c: {  	v11 =	vld [tilespmem:s24+$0xC020];
	_ =	sdelay $0x4  }
0x19d: {  	v10 =	vsub.f32 v10, v11;
	_ =	sdelay $0x1  }
0x19e: {  	v10 =	vand.u32 $0x7FFFFFFF, v10  }
0x19f: {  	v10 =	vmul.f32 $2.999902340e+01, v10;
	_ =	sdelay $0x1  }
0x1a0: {  	v10 =	vtrunc.f32 v10  }
0x1a1: {  	v10 =	vcvt.f32.s32 v10;
	_ =	sdelay $0x1  }
0x1a2: {  	v10 =	vadd.s32 v4, v10;
	_ =	sdelay $0x4  }
0x1a3: {  	[tilespmem:v10+s16+$0x0] =	vst.idx.add.f32.msk $0xffff, v2  }
0x1a4: {  	v10 =	vld [tilespmem:s24+$0x4030]  }
0x1a5: {  	v11 =	vld [tilespmem:s24+$0xC030];
	_ =	sdelay $0x4  }
0x1a6: {  	v10 =	vsub.f32 v10, v11;
	_ =	sdelay $0x1  }
0x1a7: {  	v10 =	vand.u32 $0x7FFFFFFF, v10  }
0x1a8: {  	v10 =	vmul.f32 $2.999902340e+01, v10;
	_ =	sdelay $0x1  }
0x1a9: {  	v10 =	vtrunc.f32 v10  }
0x1aa: {  	v10 =	vcvt.f32.s32 v10;
	_ =	sdelay $0x1  }
0x1ab: {  	v10 =	vadd.s32 v5, v10;
	_ =	sdelay $0x4  }
0x1ac: {  	[tilespmem:v10+s16+$0x0] =	vst.idx.add.f32.msk $0xffff, v2  }
0x1ad: {  	v10 =	vld [tilespmem:s24+$0x4040]  }
0x1ae: {  	v11 =	vld [tilespmem:s24+$0xC040];
	_ =	sdelay $0x4  }
0x1af: {  	v10 =	vsub.f32 v10, v11;
	_ =	sdelay $0x1  }
0x1b0: {  	v10 =	vand.u32 $0x7FFFFFFF, v10  }
0x1b1: {  	v10 =	vmul.f32 $2.999902340e+01, v10;
	_ =	sdelay $0x1  }
0x1b2: {  	v10 =	vtrunc.f32 v10  }
0x1b3: {  	v10 =	vcvt.f32.s32 v10;
	_ =	sdelay $0x1  }
0x1b4: {  	v10 =	vadd.s32 v6, v10;
	_ =	sdelay $0x4  }
0x1b5: {  	[tilespmem:v10+s16+$0x0] =	vst.idx.add.f32.msk $0xffff, v2  }
0x1b6: {  	v10 =	vld [tilespmem:s24+$0x4050]  }
0x1b7: {  	v11 =	vld [tilespmem:s24+$0xC050];
	_ =	sdelay $0x4  }
0x1b8: {  	v10 =	vsub.f32 v10, v11;
	_ =	sdelay $0x1  }
0x1b9: {  	v10 =	vand.u32 $0x7FFFFFFF, v10  }
0x1ba: {  	v10 =	vmul.f32 $2.999902340e+01, v10;
	_ =	sdelay $0x1  }
0x1bb: {  	v10 =	vtrunc.f32 v10  }
0x1bc: {  	v10 =	vcvt.f32.s32 v10;
	_ =	sdelay $0x1  }
0x1bd: {  	v10 =	vadd.s32 v7, v10;
	_ =	sdelay $0x4  }
0x1be: {  	[tilespmem:v10+s16+$0x0] =	vst.idx.add.f32.msk $0xffff, v2  }
0x1bf: {  	v10 =	vld [tilespmem:s24+$0x4060]  }
0x1c0: {  	v11 =	vld [tilespmem:s24+$0xC060];
	_ =	sdelay $0x4  }
0x1c1: {  	v10 =	vsub.f32 v10, v11;
	_ =	sdelay $0x1  }
0x1c2: {  	v10 =	vand.u32 $0x7FFFFFFF, v10  }
0x1c3: {  	v10 =	vmul.f32 $2.999902340e+01, v10;
	_ =	sdelay $0x1  }
0x1c4: {  	v10 =	vtrunc.f32 v10  }
0x1c5: {  	v10 =	vcvt.f32.s32 v10;
	_ =	sdelay $0x1  }
0x1c6: {  	v10 =	vadd.s32 v8, v10;
	_ =	sdelay $0x4  }
0x1c7: {  	[tilespmem:v10+s16+$0x0] =	vst.idx.add.f32.msk $0xffff, v2  }
0x1c8: {  	v10 =	vld [tilespmem:s24+$0x4070]  }
0x1c9: {  	v11 =	vld [tilespmem:s24+$0xC070];
	_ =	sdelay $0x4  }
0x1ca: {  	v10 =	vsub.f32 v10, v11;
	_ =	sdelay $0x1  }
0x1cb: {  	v10 =	vand.u32 $0x7FFFFFFF, v10  }
0x1cc: {  	v10 =	vmul.f32 $2.999902340e+01, v10;
	_ =	sdelay $0x1  }
0x1cd: {  	v10 =	vtrunc.f32 v10  }
0x1ce: {  	v10 =	vcvt.f32.s32 v10;
	_ =	sdelay $0x1  }
0x1cf: {  	p0 =	sne.s32 s23, $0xFE00;
	v10 =	vadd.s32 v9, v10  }
.Ltmp1:
0x1d0: {  	_ = 	snop;
	(pc) =	sbr.rel @p0 .LBB2_5-.Ltmp1, $2  }
0x1d1: {  	_ =	sdelay $0x2  }
0x1d2: {  	s23 =	sadd.s32 $0x200, s23;
	[tilespmem:v10+s16+$0x0] =	vst.idx.add.f32.msk $0xffff, v2  }
0x1d3: {  	s22 =	sadd.s32 $0x1, s22  }
0x1d4: {  	p0 =	sne.s32 s22, $0x20  }
.Ltmp2:
0x1d5: {  	_ = 	snop;
	(pc) =	sbr.rel @p0 .LBB2_2-.Ltmp2, $1  }
0x1d6: {  	_ =	sdelay $0x3  }
0x1d7: {  	_ =	swait.ge [sflag:s14], $0x4000  }
0x1d8: {  	[sflag:s14] =	ssyncset.done $0x0  }
0x1d9: {  	[sflag:s14] =	ssyncadd.s32 $0xFFFFC000  }
0x1da: {  	_ =	swait.ge [sflag:s15], $0x4000  }
0x1db: {  	[sflag:s15] =	ssyncset.done $0x0  }
0x1dc: {  	[sflag:s15] =	ssyncadd.s32 $0xFFFFC000  }
0x1dd: {  	v10 =	vld [tilespmem:$0x10000]  }
0x1de: {  	v11 =	vld [tilespmem:$0x10010]  }
0x1df: {  	v12 =	vld [tilespmem:$0x10021]  }
0x1e0: {  	v13 =	vld [tilespmem:$0x10031]  }
0x1e1: {  	v14 =	vld [tilespmem:$0x10042]  }
0x1e2: {  	v15 =	vld [tilespmem:$0x10052];
	v10 =	vadd.f32 $0.0e+00, v10  }
0x1e3: {  	v16 =	vld [tilespmem:$0x10063];
	v11 =	vadd.f32 $0.0e+00, v11  }
0x1e4: {  	v35 =	vld [tilespmem:$0x10073];
	v10 =	vadd.f32 v12, v10  }
0x1e5: {  	v36 =	vld [tilespmem:$0x10084];
	v11 =	vadd.f32 v13, v11  }
0x1e6: {  	v37 =	vld [tilespmem:$0x10094];
	v10 =	vadd.f32 v14, v10  }
0x1e7: {  	v38 =	vld [tilespmem:$0x100A5];
	v11 =	vadd.f32 v15, v11  }
0x1e8: {  	v39 =	vld [tilespmem:$0x100B5];
	v10 =	vadd.f32 v16, v10  }
0x1e9: {  	v40 =	vld [tilespmem:$0x100C6];
	v11 =	vadd.f32 v35, v11  }
0x1ea: {  	v41 =	vld [tilespmem:$0x100D6];
	v10 =	vadd.f32 v36, v10  }
0x1eb: {  	v42 =	vld [tilespmem:$0x100E7];
	v11 =	vadd.f32 v37, v11  }
0x1ec: {  	v43 =	vld [tilespmem:$0x100F7];
	v10 =	vadd.f32 v38, v10  }
0x1ed: {  	v44 =	vld [tilespmem:$0x10108];
	v11 =	vadd.f32 v39, v11  }
0x1ee: {  	v45 =	vld [tilespmem:$0x10118];
	v10 =	vadd.f32 v40, v10  }
0x1ef: {  	v46 =	vld [tilespmem:$0x10129];
	v11 =	vadd.f32 v41, v11  }
0x1f0: {  	v47 =	vld [tilespmem:$0x10139];
	v10 =	vadd.f32 v42, v10  }
0x1f1: {  	v48 =	vld [tilespmem:$0x1014A];
	v11 =	vadd.f32 v43, v11  }
0x1f2: {  	v49 =	vld [tilespmem:$0x1015A];
	v10 =	vadd.f32 v44, v10  }
0x1f3: {  	v50 =	vld [tilespmem:$0x1016B];
	v11 =	vadd.f32 v45, v11  }
0x1f4: {  	v51 =	vld [tilespmem:$0x1017B];
	v10 =	vadd.f32 v46, v10  }
0x1f5: {  	v52 =	vld [tilespmem:$0x1018C];
	v11 =	vadd.f32 v47, v11  }
0x1f6: {  	v53 =	vld [tilespmem:$0x1019C];
	v10 =	vadd.f32 v48, v10  }
0x1f7: {  	v54 =	vld [tilespmem:$0x101AD];
	v11 =	vadd.f32 v49, v11  }
0x1f8: {  	v55 =	vld [tilespmem:$0x101BD];
	v10 =	vadd.f32 v50, v10  }
0x1f9: {  	v56 =	vld [tilespmem:$0x101CE];
	v11 =	vadd.f32 v51, v11  }
0x1fa: {  	v57 =	vld [tilespmem:$0x101DE];
	v10 =	vadd.f32 v52, v10  }
0x1fb: {  	v58 =	vld [tilespmem:$0x101EF];
	v11 =	vadd.f32 v53, v11  }
0x1fc: {  	v59 =	vld [tilespmem:$0x101FF];
	v10 =	vadd.f32 v54, v10  }
0x1fd: {  	v60 =	vld [tilespmem:$0x10220];
	v11 =	vadd.f32 v55, v11  }
0x1fe: {  	v61 =	vld [tilespmem:$0x10230];
	v10 =	vadd.f32 v56, v10  }
0x1ff: {  	v62 =	vld [tilespmem:$0x10241];
	v11 =	vadd.f32 v57, v11  }
0x200: {  	v63 =	vld [tilespmem:$0x10251];
	v10 =	vadd.f32 v58, v10  }
0x201: {  	v20 =	vld [tilespmem:$0x10262];
	v11 =	vadd.f32 v59, v11  }
0x202: {  	v21 =	vld [tilespmem:$0x10272];
	v10 =	vadd.f32 v60, v10  }
0x203: {  	v22 =	vld [tilespmem:$0x10283];
	v11 =	vadd.f32 v61, v11  }
0x204: {  	v23 =	vld [tilespmem:$0x10293];
	v10 =	vadd.f32 v62, v10  }
0x205: {  	v24 =	vld [tilespmem:$0x102A4];
	v11 =	vadd.f32 v63, v11  }
0x206: {  	v25 =	vld [tilespmem:$0x102B4];
	v10 =	vadd.f32 v20, v10  }
0x207: {  	v26 =	vld [tilespmem:$0x102C5];
	v11 =	vadd.f32 v21, v11  }
0x208: {  	v27 =	vld [tilespmem:$0x102D5];
	v10 =	vadd.f32 v22, v10  }
0x209: {  	v28 =	vld [tilespmem:$0x102E6];
	v11 =	vadd.f32 v23, v11  }
0x20a: {  	v29 =	vld [tilespmem:$0x102F6];
	v10 =	vadd.f32 v24, v10  }
0x20b: {  	v30 =	vld [tilespmem:$0x10307];
	v11 =	vadd.f32 v25, v11  }
0x20c: {  	v31 =	vld [tilespmem:$0x10317];
	v10 =	vadd.f32 v26, v10  }
0x20d: {  	v32 =	vld [tilespmem:$0x10328];
	v11 =	vadd.f32 v27, v11  }
0x20e: {  	v33 =	vld [tilespmem:$0x10338];
	v10 =	vadd.f32 v28, v10  }
0x20f: {  	v34 =	vld [tilespmem:$0x10349];
	v11 =	vadd.f32 v29, v11  }
0x210: {  	v35 =	vld [tilespmem:$0x10359];
	v10 =	vadd.f32 v30, v10  }
0x211: {  	v36 =	vld [tilespmem:$0x1036A];
	v11 =	vadd.f32 v31, v11  }
0x212: {  	v37 =	vld [tilespmem:$0x1037A];
	v10 =	vadd.f32 v32, v10  }
0x213: {  	v38 =	vld [tilespmem:$0x1038B];
	v11 =	vadd.f32 v33, v11  }
0x214: {  	v39 =	vld [tilespmem:$0x1039B];
	v10 =	vadd.f32 v34, v10  }
0x215: {  	v40 =	vld [tilespmem:$0x103AC];
	v11 =	vadd.f32 v35, v11  }
0x216: {  	v41 =	vld [tilespmem:$0x103BC];
	v10 =	vadd.f32 v36, v10  }
0x217: {  	v42 =	vld [tilespmem:$0x103CD];
	v11 =	vadd.f32 v37, v11  }
0x218: {  	v43 =	vld [tilespmem:$0x103DD];
	v10 =	vadd.f32 v38, v10  }
0x219: {  	v44 =	vld [tilespmem:$0x103EE];
	v11 =	vadd.f32 v39, v11  }
0x21a: {  	v45 =	vld [tilespmem:$0x103FE];
	v10 =	vadd.f32 v40, v10  }
0x21b: {  	v46 =	vld [tilespmem:$0x1040F];
	v11 =	vadd.f32 v41, v11  }
0x21c: {  	v47 =	vld [tilespmem:$0x1041F];
	v10 =	vadd.f32 v42, v10  }
0x21d: {  	v48 =	vld [tilespmem:$0x10440];
	v11 =	vadd.f32 v43, v11  }
0x21e: {  	v49 =	vld [tilespmem:$0x10450];
	v10 =	vadd.f32 v44, v10  }
0x21f: {  	v50 =	vld [tilespmem:$0x10461];
	v11 =	vadd.f32 v45, v11  }
0x220: {  	v51 =	vld [tilespmem:$0x10471];
	v10 =	vadd.f32 v46, v10  }
0x221: {  	v52 =	vld [tilespmem:$0x10482];
	v11 =	vadd.f32 v47, v11  }
0x222: {  	v53 =	vld [tilespmem:$0x10492];
	v10 =	vadd.f32 v48, v10  }
0x223: {  	v54 =	vld [tilespmem:$0x104A3];
	v11 =	vadd.f32 v49, v11  }
0x224: {  	v55 =	vld [tilespmem:$0x104B3];
	v10 =	vadd.f32 v50, v10  }
0x225: {  	v56 =	vld [tilespmem:$0x104C4];
	v11 =	vadd.f32 v51, v11  }
0x226: {  	v57 =	vld [tilespmem:$0x104D4];
	v10 =	vadd.f32 v52, v10  }
0x227: {  	v58 =	vld [tilespmem:$0x104E5];
	v11 =	vadd.f32 v53, v11  }
0x228: {  	v59 =	vld [tilespmem:$0x104F5];
	v10 =	vadd.f32 v54, v10  }
0x229: {  	v60 =	vld [tilespmem:$0x10506];
	v11 =	vadd.f32 v55, v11  }
0x22a: {  	v61 =	vld [tilespmem:$0x10516];
	v10 =	vadd.f32 v56, v10  }
0x22b: {  	v62 =	vld [tilespmem:$0x10527];
	v11 =	vadd.f32 v57, v11  }
0x22c: {  	v63 =	vld [tilespmem:$0x10537];
	v10 =	vadd.f32 v58, v10  }
0x22d: {  	v20 =	vld [tilespmem:$0x10548];
	v11 =	vadd.f32 v59, v11  }
0x22e: {  	v21 =	vld [tilespmem:$0x10558];
	v10 =	vadd.f32 v60, v10  }
0x22f: {  	v22 =	vld [tilespmem:$0x10569];
	v11 =	vadd.f32 v61, v11  }
0x230: {  	v23 =	vld [tilespmem:$0x10579];
	v10 =	vadd.f32 v62, v10  }
0x231: {  	v24 =	vld [tilespmem:$0x1058A];
	v11 =	vadd.f32 v63, v11  }
0x232: {  	v25 =	vld [tilespmem:$0x1059A];
	v10 =	vadd.f32 v20, v10  }
0x233: {  	v26 =	vld [tilespmem:$0x105AB];
	v11 =	vadd.f32 v21, v11  }
0x234: {  	v27 =	vld [tilespmem:$0x105BB];
	v10 =	vadd.f32 v22, v10  }
0x235: {  	v28 =	vld [tilespmem:$0x105CC];
	v11 =	vadd.f32 v23, v11  }
0x236: {  	v29 =	vld [tilespmem:$0x105DC];
	v10 =	vadd.f32 v24, v10  }
0x237: {  	v30 =	vld [tilespmem:$0x105ED];
	v11 =	vadd.f32 v25, v11  }
0x238: {  	v31 =	vld [tilespmem:$0x105FD];
	v10 =	vadd.f32 v26, v10  }
0x239: {  	v32 =	vld [tilespmem:$0x1060E];
	v11 =	vadd.f32 v27, v11  }
0x23a: {  	v33 =	vld [tilespmem:$0x1061E];
	v10 =	vadd.f32 v28, v10  }
0x23b: {  	v34 =	vld [tilespmem:$0x1062F];
	v11 =	vadd.f32 v29, v11  }
0x23c: {  	v35 =	vld [tilespmem:$0x1063F];
	v10 =	vadd.f32 v30, v10  }
0x23d: {  	v36 =	vld [tilespmem:$0x10660];
	v11 =	vadd.f32 v31, v11  }
0x23e: {  	v37 =	vld [tilespmem:$0x10670];
	v10 =	vadd.f32 v32, v10  }
0x23f: {  	v38 =	vld [tilespmem:$0x10681];
	v11 =	vadd.f32 v33, v11  }
0x240: {  	v39 =	vld [tilespmem:$0x10691];
	v10 =	vadd.f32 v34, v10  }
0x241: {  	v40 =	vld [tilespmem:$0x106A2];
	v11 =	vadd.f32 v35, v11  }
0x242: {  	v41 =	vld [tilespmem:$0x106B2];
	v10 =	vadd.f32 v36, v10  }
0x243: {  	v42 =	vld [tilespmem:$0x106C3];
	v11 =	vadd.f32 v37, v11  }
0x244: {  	v43 =	vld [tilespmem:$0x106D3];
	v10 =	vadd.f32 v38, v10  }
0x245: {  	v44 =	vld [tilespmem:$0x106E4];
	v11 =	vadd.f32 v39, v11  }
0x246: {  	v45 =	vld [tilespmem:$0x106F4];
	v10 =	vadd.f32 v40, v10  }
0x247: {  	v46 =	vld [tilespmem:$0x10705];
	v11 =	vadd.f32 v41, v11  }
0x248: {  	v47 =	vld [tilespmem:$0x10715];
	v10 =	vadd.f32 v42, v10  }
0x249: {  	v48 =	vld [tilespmem:$0x10726];
	v11 =	vadd.f32 v43, v11  }
0x24a: {  	v49 =	vld [tilespmem:$0x10736];
	v10 =	vadd.f32 v44, v10  }
0x24b: {  	v50 =	vld [tilespmem:$0x10747];
	v11 =	vadd.f32 v45, v11  }
0x24c: {  	v51 =	vld [tilespmem:$0x10757];
	v10 =	vadd.f32 v46, v10  }
0x24d: {  	v52 =	vld [tilespmem:$0x10768];
	v11 =	vadd.f32 v47, v11  }
0x24e: {  	v53 =	vld [tilespmem:$0x10778];
	v10 =	vadd.f32 v48, v10  }
0x24f: {  	v54 =	vld [tilespmem:$0x10789];
	v11 =	vadd.f32 v49, v11  }
0x250: {  	v55 =	vld [tilespmem:$0x10799];
	v10 =	vadd.f32 v50, v10  }
0x251: {  	v56 =	vld [tilespmem:$0x107AA];
	v11 =	vadd.f32 v51, v11  }
0x252: {  	v57 =	vld [tilespmem:$0x107BA];
	v10 =	vadd.f32 v52, v10  }
0x253: {  	v58 =	vld [tilespmem:$0x107CB];
	v11 =	vadd.f32 v53, v11  }
0x254: {  	v59 =	vld [tilespmem:$0x107DB];
	v10 =	vadd.f32 v54, v10  }
0x255: {  	v60 =	vld [tilespmem:$0x107EC];
	v11 =	vadd.f32 v55, v11  }
0x256: {  	v61 =	vld [tilespmem:$0x107FC];
	v10 =	vadd.f32 v56, v10  }
0x257: {  	v62 =	vld [tilespmem:$0x1080D];
	v11 =	vadd.f32 v57, v11  }
0x258: {  	v63 =	vld [tilespmem:$0x1081D];
	v10 =	vadd.f32 v58, v10  }
0x259: {  	v20 =	vld [tilespmem:$0x1082E];
	v11 =	vadd.f32 v59, v11  }
0x25a: {  	v21 =	vld [tilespmem:$0x1083E];
	v10 =	vadd.f32 v60, v10  }
0x25b: {  	v22 =	vld [tilespmem:$0x1084F];
	v11 =	vadd.f32 v61, v11  }
0x25c: {  	v23 =	vld [tilespmem:$0x1085F];
	v10 =	vadd.f32 v62, v10  }
0x25d: {  	v24 =	vld [tilespmem:$0x10880];
	v11 =	vadd.f32 v63, v11  }
0x25e: {  	v25 =	vld [tilespmem:$0x10890];
	v10 =	vadd.f32 v20, v10  }
0x25f: {  	v26 =	vld [tilespmem:$0x108A1];
	v11 =	vadd.f32 v21, v11  }
0x260: {  	v27 =	vld [tilespmem:$0x108B1];
	v10 =	vadd.f32 v22, v10  }
0x261: {  	v28 =	vld [tilespmem:$0x108C2];
	v11 =	vadd.f32 v23, v11  }
0x262: {  	v29 =	vld [tilespmem:$0x108D2];
	v10 =	vadd.f32 v24, v10  }
0x263: {  	v30 =	vld [tilespmem:$0x108E3];
	v11 =	vadd.f32 v25, v11  }
0x264: {  	v31 =	vld [tilespmem:$0x108F3];
	v10 =	vadd.f32 v26, v10  }
0x265: {  	v32 =	vld [tilespmem:$0x10904];
	v11 =	vadd.f32 v27, v11  }
0x266: {  	v33 =	vld [tilespmem:$0x10914];
	v10 =	vadd.f32 v28, v10  }
0x267: {  	v34 =	vld [tilespmem:$0x10925];
	v11 =	vadd.f32 v29, v11  }
0x268: {  	v35 =	vld [tilespmem:$0x10935];
	v10 =	vadd.f32 v30, v10  }
0x269: {  	v36 =	vld [tilespmem:$0x10946];
	v11 =	vadd.f32 v31, v11  }
0x26a: {  	v37 =	vld [tilespmem:$0x10956];
	v10 =	vadd.f32 v32, v10  }
0x26b: {  	v38 =	vld [tilespmem:$0x10967];
	v11 =	vadd.f32 v33, v11  }
0x26c: {  	v39 =	vld [tilespmem:$0x10977];
	v10 =	vadd.f32 v34, v10  }
0x26d: {  	v40 =	vld [tilespmem:$0x10988];
	v11 =	vadd.f32 v35, v11  }
0x26e: {  	v41 =	vld [tilespmem:$0x10998];
	v10 =	vadd.f32 v36, v10  }
0x26f: {  	v42 =	vld [tilespmem:$0x109A9];
	v11 =	vadd.f32 v37, v11  }
0x270: {  	v43 =	vld [tilespmem:$0x109B9];
	v10 =	vadd.f32 v38, v10  }
0x271: {  	v44 =	vld [tilespmem:$0x109CA];
	v11 =	vadd.f32 v39, v11  }
0x272: {  	v45 =	vld [tilespmem:$0x109DA];
	v10 =	vadd.f32 v40, v10  }
0x273: {  	v46 =	vld [tilespmem:$0x109EB];
	v11 =	vadd.f32 v41, v11  }
0x274: {  	v47 =	vld [tilespmem:$0x109FB];
	v10 =	vadd.f32 v42, v10  }
0x275: {  	v48 =	vld [tilespmem:$0x10A0C];
	v11 =	vadd.f32 v43, v11  }
0x276: {  	v49 =	vld [tilespmem:$0x10A1C];
	v10 =	vadd.f32 v44, v10  }
0x277: {  	v50 =	vld [tilespmem:$0x10A2D];
	v11 =	vadd.f32 v45, v11  }
0x278: {  	v51 =	vld [tilespmem:$0x10A3D];
	v10 =	vadd.f32 v46, v10  }
0x279: {  	v52 =	vld [tilespmem:$0x10A4E];
	v11 =	vadd.f32 v47, v11  }
0x27a: {  	v53 =	vld [tilespmem:$0x10A5E];
	v10 =	vadd.f32 v48, v10  }
0x27b: {  	v54 =	vld [tilespmem:$0x10A6F];
	v11 =	vadd.f32 v49, v11  }
0x27c: {  	v55 =	vld [tilespmem:$0x10A7F];
	v10 =	vadd.f32 v50, v10  }
0x27d: {  	v56 =	vld [tilespmem:$0x10AA0];
	v11 =	vadd.f32 v51, v11  }
0x27e: {  	v57 =	vld [tilespmem:$0x10AB0];
	v10 =	vadd.f32 v52, v10  }
0x27f: {  	v58 =	vld [tilespmem:$0x10AC1];
	v11 =	vadd.f32 v53, v11  }
0x280: {  	v59 =	vld [tilespmem:$0x10AD1];
	v10 =	vadd.f32 v54, v10  }
0x281: {  	v60 =	vld [tilespmem:$0x10AE2];
	v11 =	vadd.f32 v55, v11  }
0x282: {  	v61 =	vld [tilespmem:$0x10AF2];
	v10 =	vadd.f32 v56, v10  }
0x283: {  	v62 =	vld [tilespmem:$0x10B03];
	v11 =	vadd.f32 v57, v11  }
0x284: {  	v63 =	vld [tilespmem:$0x10B13];
	v10 =	vadd.f32 v58, v10  }
0x285: {  	v20 =	vld [tilespmem:$0x10B24];
	v11 =	vadd.f32 v59, v11  }
0x286: {  	v21 =	vld [tilespmem:$0x10B34];
	v10 =	vadd.f32 v60, v10  }
0x287: {  	v22 =	vld [tilespmem:$0x10B45];
	v11 =	vadd.f32 v61, v11  }
0x288: {  	v23 =	vld [tilespmem:$0x10B55];
	v10 =	vadd.f32 v62, v10  }
0x289: {  	v24 =	vld [tilespmem:$0x10B66];
	v11 =	vadd.f32 v63, v11  }
0x28a: {  	v25 =	vld [tilespmem:$0x10B76];
	v10 =	vadd.f32 v20, v10  }
0x28b: {  	v26 =	vld [tilespmem:$0x10B87];
	v11 =	vadd.f32 v21, v11  }
0x28c: {  	v27 =	vld [tilespmem:$0x10B97];
	v10 =	vadd.f32 v22, v10  }
0x28d: {  	v28 =	vld [tilespmem:$0x10BA8];
	v11 =	vadd.f32 v23, v11  }
0x28e: {  	v29 =	vld [tilespmem:$0x10BB8];
	v10 =	vadd.f32 v24, v10  }
0x28f: {  	v30 =	vld [tilespmem:$0x10BC9];
	v11 =	vadd.f32 v25, v11  }
0x290: {  	v31 =	vld [tilespmem:$0x10BD9];
	v10 =	vadd.f32 v26, v10  }
0x291: {  	v32 =	vld [tilespmem:$0x10BEA];
	v11 =	vadd.f32 v27, v11  }
0x292: {  	v33 =	vld [tilespmem:$0x10BFA];
	v10 =	vadd.f32 v28, v10  }
0x293: {  	v34 =	vld [tilespmem:$0x10C0B];
	v11 =	vadd.f32 v29, v11  }
0x294: {  	v35 =	vld [tilespmem:$0x10C1B];
	v10 =	vadd.f32 v30, v10  }
0x295: {  	v36 =	vld [tilespmem:$0x10C2C];
	v11 =	vadd.f32 v31, v11  }
0x296: {  	v37 =	vld [tilespmem:$0x10C3C];
	v10 =	vadd.f32 v32, v10  }
0x297: {  	v38 =	vld [tilespmem:$0x10C4D];
	v11 =	vadd.f32 v33, v11  }
0x298: {  	v39 =	vld [tilespmem:$0x10C5D];
	v10 =	vadd.f32 v34, v10  }
0x299: {  	v40 =	vld [tilespmem:$0x10C6E];
	v11 =	vadd.f32 v35, v11  }
0x29a: {  	v41 =	vld [tilespmem:$0x10C7E];
	v10 =	vadd.f32 v36, v10  }
0x29b: {  	v42 =	vld [tilespmem:$0x10C8F];
	v11 =	vadd.f32 v37, v11  }
0x29c: {  	v43 =	vld [tilespmem:$0x10C9F];
	v10 =	vadd.f32 v38, v10  }
0x29d: {  	v44 =	vld [tilespmem:$0x10CC0];
	v11 =	vadd.f32 v39, v11  }
0x29e: {  	v45 =	vld [tilespmem:$0x10CD0];
	v10 =	vadd.f32 v40, v10  }
0x29f: {  	v46 =	vld [tilespmem:$0x10CE1];
	v11 =	vadd.f32 v41, v11  }
0x2a0: {  	v47 =	vld [tilespmem:$0x10CF1];
	v10 =	vadd.f32 v42, v10  }
0x2a1: {  	v48 =	vld [tilespmem:$0x10D02];
	v11 =	vadd.f32 v43, v11  }
0x2a2: {  	v49 =	vld [tilespmem:$0x10D12];
	v10 =	vadd.f32 v44, v10  }
0x2a3: {  	v50 =	vld [tilespmem:$0x10D23];
	v11 =	vadd.f32 v45, v11  }
0x2a4: {  	v51 =	vld [tilespmem:$0x10D33];
	v10 =	vadd.f32 v46, v10  }
0x2a5: {  	v52 =	vld [tilespmem:$0x10D44];
	v11 =	vadd.f32 v47, v11  }
0x2a6: {  	v53 =	vld [tilespmem:$0x10D54];
	v10 =	vadd.f32 v48, v10  }
0x2a7: {  	v54 =	vld [tilespmem:$0x10D65];
	v11 =	vadd.f32 v49, v11  }
0x2a8: {  	v55 =	vld [tilespmem:$0x10D75];
	v10 =	vadd.f32 v50, v10  }
0x2a9: {  	v56 =	vld [tilespmem:$0x10D86];
	v11 =	vadd.f32 v51, v11  }
0x2aa: {  	v57 =	vld [tilespmem:$0x10D96];
	v10 =	vadd.f32 v52, v10  }
0x2ab: {  	v58 =	vld [tilespmem:$0x10DA7];
	v11 =	vadd.f32 v53, v11  }
0x2ac: {  	v59 =	vld [tilespmem:$0x10DB7];
	v10 =	vadd.f32 v54, v10  }
0x2ad: {  	v60 =	vld [tilespmem:$0x10DC8];
	v11 =	vadd.f32 v55, v11  }
0x2ae: {  	v61 =	vld [tilespmem:$0x10DD8];
	v10 =	vadd.f32 v56, v10  }
0x2af: {  	v62 =	vld [tilespmem:$0x10DE9];
	v11 =	vadd.f32 v57, v11  }
0x2b0: {  	v63 =	vld [tilespmem:$0x10DF9];
	v10 =	vadd.f32 v58, v10  }
0x2b1: {  	v20 =	vld [tilespmem:$0x10E0A];
	v11 =	vadd.f32 v59, v11  }
0x2b2: {  	v21 =	vld [tilespmem:$0x10E1A];
	v10 =	vadd.f32 v60, v10  }
0x2b3: {  	v22 =	vld [tilespmem:$0x10E2B];
	v11 =	vadd.f32 v61, v11  }
0x2b4: {  	v23 =	vld [tilespmem:$0x10E3B];
	v10 =	vadd.f32 v62, v10  }
0x2b5: {  	v24 =	vld [tilespmem:$0x10E4C];
	v11 =	vadd.f32 v63, v11  }
0x2b6: {  	v25 =	vld [tilespmem:$0x10E5C];
	v10 =	vadd.f32 v20, v10  }
0x2b7: {  	v26 =	vld [tilespmem:$0x10E6D];
	v11 =	vadd.f32 v21, v11  }
0x2b8: {  	v27 =	vld [tilespmem:$0x10E7D];
	v10 =	vadd.f32 v22, v10  }
0x2b9: {  	v28 =	vld [tilespmem:$0x10E8E];
	v11 =	vadd.f32 v23, v11  }
0x2ba: {  	v29 =	vld [tilespmem:$0x10E9E];
	v10 =	vadd.f32 v24, v10  }
0x2bb: {  	v30 =	vld [tilespmem:$0x10EAF];
	v11 =	vadd.f32 v25, v11  }
0x2bc: {  	v31 =	vld [tilespmem:$0x10EBF];
	v10 =	vadd.f32 v26, v10  }
0x2bd: {  	v32 =	vld [tilespmem:$0x10EE0];
	v11 =	vadd.f32 v27, v11  }
0x2be: {  	v33 =	vld [tilespmem:$0x10EF0];
	v10 =	vadd.f32 v28, v10  }
0x2bf: {  	v34 =	vld [tilespmem:$0x10F01];
	v11 =	vadd.f32 v29, v11  }
0x2c0: {  	v35 =	vld [tilespmem:$0x10F11];
	v10 =	vadd.f32 v30, v10  }
0x2c1: {  	v36 =	vld [tilespmem:$0x10F22];
	v11 =	vadd.f32 v31, v11  }
0x2c2: {  	v37 =	vld [tilespmem:$0x10F32];
	v10 =	vadd.f32 v32, v10  }
0x2c3: {  	v38 =	vld [tilespmem:$0x10F43];
	v11 =	vadd.f32 v33, v11  }
0x2c4: {  	v39 =	vld [tilespmem:$0x10F53];
	v10 =	vadd.f32 v34, v10  }
0x2c5: {  	v40 =	vld [tilespmem:$0x10F64];
	v11 =	vadd.f32 v35, v11  }
0x2c6: {  	v41 =	vld [tilespmem:$0x10F74];
	v10 =	vadd.f32 v36, v10  }
0x2c7: {  	v42 =	vld [tilespmem:$0x10F85];
	v11 =	vadd.f32 v37, v11  }
0x2c8: {  	v43 =	vld [tilespmem:$0x10F95];
	v10 =	vadd.f32 v38, v10  }
0x2c9: {  	v44 =	vld [tilespmem:$0x10FA6];
	v11 =	vadd.f32 v39, v11  }
0x2ca: {  	v45 =	vld [tilespmem:$0x10FB6];
	v10 =	vadd.f32 v40, v10  }
0x2cb: {  	v46 =	vld [tilespmem:$0x10FC7];
	v11 =	vadd.f32 v41, v11  }
0x2cc: {  	v47 =	vld [tilespmem:$0x10FD7];
	v10 =	vadd.f32 v42, v10  }
0x2cd: {  	v48 =	vld [tilespmem:$0x10FE8];
	v11 =	vadd.f32 v43, v11  }
0x2ce: {  	v49 =	vld [tilespmem:$0x10FF8];
	v10 =	vadd.f32 v44, v10  }
0x2cf: {  	v50 =	vld [tilespmem:$0x11009];
	v11 =	vadd.f32 v45, v11  }
0x2d0: {  	v51 =	vld [tilespmem:$0x11019];
	v10 =	vadd.f32 v46, v10  }
0x2d1: {  	v52 =	vld [tilespmem:$0x1102A];
	v11 =	vadd.f32 v47, v11  }
0x2d2: {  	v53 =	vld [tilespmem:$0x1103A];
	v10 =	vadd.f32 v48, v10  }
0x2d3: {  	v54 =	vld [tilespmem:$0x1104B];
	v11 =	vadd.f32 v49, v11  }
0x2d4: {  	v55 =	vld [tilespmem:$0x1105B];
	v10 =	vadd.f32 v50, v10  }
0x2d5: {  	v56 =	vld [tilespmem:$0x1106C];
	v11 =	vadd.f32 v51, v11  }
0x2d6: {  	v57 =	vld [tilespmem:$0x1107C];
	v10 =	vadd.f32 v52, v10  }
0x2d7: {  	v58 =	vld [tilespmem:$0x1108D];
	v11 =	vadd.f32 v53, v11  }
0x2d8: {  	v59 =	vld [tilespmem:$0x1109D];
	v10 =	vadd.f32 v54, v10  }
0x2d9: {  	v60 =	vld [tilespmem:$0x110AE];
	v11 =	vadd.f32 v55, v11  }
0x2da: {  	v61 =	vld [tilespmem:$0x110BE];
	v10 =	vadd.f32 v56, v10  }
0x2db: {  	v62 =	vld [tilespmem:$0x110CF];
	v11 =	vadd.f32 v57, v11  }
0x2dc: {  	v63 =	vld [tilespmem:$0x110DF];
	v10 =	vadd.f32 v58, v10  }
0x2dd: {  	v11 =	vadd.f32 v59, v11  }
0x2de: {  	v10 =	vadd.f32 v60, v10  }
0x2df: {  	v11 =	vadd.f32 v61, v11  }
0x2e0: {  	v10 =	vadd.f32 v62, v10  }
0x2e1: {  	s21 =	sadd.s32 $0x1, s21;
	v11 =	vadd.f32 v63, v11  }
0x2e2: {  	p0 =	sne.s32 s21, s10;
	[tilespmem:$0x11100] =	vst v10  }
.Ltmp3:
0x2e3: {  	[tilespmem:$0x11110] =	vst v11;
	(pc) =	sbr.rel @p0 .LBB2_1-.Ltmp3, $4  }
0x2e4: {  	[hbm4b:s9+s3] =	stream.linear.scatter [tilespmem:s19], [sflag:$0x5], $0x20, $0x38;
	[tilespmem:$0x11120] =	vst v63  }
0x2e5: {  	_ =	swait.ge [sflag:s20], $0x20  }
0x2e6: {  	[sflag:s20] =	ssyncset.done $0x0  }
0x2e7: {  	[sflag:s20] =	ssyncadd.s32 $0xFFFFFFE0  }
0x2e8: {  	_ =	sfence.sel $0x180000  }
0x2e9: {  	[bflag:$0x0] =	sbarrier.arrive $0xFFFF  }
0x2ea: {  	p0 =	sne.s32 s2, $0x0;
	_ =	strace $0x9000004D  }
0x2eb: {  	s0 =	sadd.s32 @!p0 $0x100000, s0;
	[bflag:$0x2] =	sbarrier.arrive $0xFFFF  }
0x2ec: {  	[sflag:s0] =	ssyncadd.tile.s32 @!p0 $0x1;
	_ =	shalt  }
.Lfunc_end2:
_tile_overlayer_lowered:
.L_overlay_start_2:
0x2ed: {  	(tag) =	ssettag $0x2  }
0x2ee: {  	s0 =	rddreg [dreg:$0x0];
	s2 =	stileid.u32  }
0x2ef: {  	s1 =	rddreg [dreg:$0x1];
	p0 =	sne.s32 s2, $0x0  }
0x2f0: {  	s3 =	rddreg [dreg:$0x2];
	[bflag:$0x3] =	sbarrier.arrive $0xFFFF;
	s2 =	simm.s32 @!p0 $0x1C05  }
0x2f1: {  	[timem:s3], [sflag:s2] =	dma.local @!p0 [hbm:s0], s1  }
0x2f2: {  	s0 =	simm.s32 @!p0 $0x5  }
0x2f3: {  	_ =	swait.ge @!p0 [sflag:s0], s1  }
0x2f4: {  	s1 =	ssub.s32 @!p0 $0x0, s1;
	[sflag:s0] =	ssyncset.done @!p0 $0x0  }
0x2f5: {  	[sflag:s0] =	ssyncadd.s32 @!p0 s1  }
0x2f6: {  	[bflag:$0x3] =	sbarrier.arrive $0xFFFF  }
0x2f7: {  	_ =	shalt  }

// kernel: sparse-core-data-format-call.1.cloned.1.call-start
scs
called_computation.1_lowered:
.L_overlay_start_0:
0x0: {  	s2 =	sld [smem:$0x3FD9]  }
0x1: {  	s3 =	sld [smem:$0x3FFE];
	_ =	sdelay $0x1  }
0x2: {  	s1 =	srdreg.scid  }
0x3: {  	s0 =	sand.u32 $0x1, s1  }
0x4: {  	s19 =	sshll.u32 s0, $0xA;
	s2 =	sadd.s32 s3, s2  }
0x5: {  	s2 =	sadd.s32 s2, s19  }
0x6: {  	[smem:$0x3FC6] =	sst s2  }
0x7: {  	_ = 	snop  }
0x8: {  	s20 =	sld [smem:$0x3FC9]  }
0x9: {  	s4 =	sld [smem:$0x3FD0];
	(tm) =	ssettm $0x1  }
0xa: {  	s21 =	sld [smem:$0x3FFB];
	_ =	sdelay $0x3  }
0xb: {  	_ =	strace s21  }
0xc: {  	s2 =	sld [smem:$0x3FFC];
	_ =	sdelay $0x3  }
0xd: {  	_ =	strace s2  }
0xe: {  	s2 =	sld [smem:$0x3FFD];
	_ =	sdelay $0x3  }
0xf: {  	_ =	strace s2  }
0x10: {  	_ =	strace $0x8FFFFFFF  }
0x11: {  	s22 =	sld [smem:$0x3FDB];
	_ =	sdelay $0x1  }
0x12: {  	s5 =	simm.s32 $_scs_section_size  }
0x13: {  	s6 =	simm.s32 $_size__tile_overlayer_lowered;
	s7 =	simm.s32 $_tile_overlayer_lowered  }
0x14: {  	s8 =	simm.s32 $0x1BFF;
	s23 =	sshll.u32 s7, $0x1;
	s5 =	sadd.s32 s5, s22  }
0x15: {  	s24 =	simm.s32 $0x0;
	s6 =	sshll.u32 s6, $0x1;
	s7 =	sadd.s32 s23, s5  }
0x16: {  	[timem:s24], [sflag:s8] =	dma.local [hbm:s7], s6  }
0x17: {  	_ =	swait.ge [sflag:s8], s6  }
0x18: {  	s6 =	ssub.s32 $0x0, s6;
	[sflag:s8] =	ssyncset.done $0x0  }
0x19: {  	[sflag:s8] =	ssyncadd.s32 s6;
	_ =	sdelay $0x1  }
0x1a: {  	s25 =	simm.s32 $0x1B8B  }
0x1b: {  	_ =	swait.ge [sflag:s25], $0x1  }
0x1c: {  	[sflag:s25] =	ssyncset.done $0x0  }
0x1d: {  	[sflag:s25] =	ssyncadd.s32 $0xFFFFFFFF  }
0x1e: {  	s6 =	sld [smem:$0x0]  }
0x1f: {  	s7 =	sand.u32 $0xFFFFFFFE, s1  }
0x20: {  	p0 =	sne.s32 s1, s7  }
0x21: {  	s7 =	sshll.u32 @p0 s7, $0xE  }
0x22: {  	s7 =	sadd.s32 @p0 $0x11B8D, s7;
	s8 =	sshll.u32 @p0 s6, $0x11  }
0x23: {  	s7 =	sor.u32 @p0 s8, s7  }
0x24: {  	[sflag:s7] =	ssyncadd.remote.s32 @p0 $0x1;
	_ =	sdelay $0x1  }
0x25: {  	s7 =	simm.s32 @p0 $0x1B8D  }
0x26: {  	_ =	swait.eq @p0 [sflag:s7], $0x1  }
0x27: {  	[sflag:s7] =	ssyncadd.s32 @p0 $0xFFFFFFFF  }
0x28: {  	s8 =	sshll.u32 @!p0 s1, $0xE  }
0x29: {  	s8 =	sor.u32 @!p0 $0x4000, s8;
	s7 =	simm.s32 @!p0 $0x1B8D  }
0x2a: {  	s6 =	sshll.u32 @!p0 s6, $0x11;
	s8 =	sadd.s32 @!p0 $0x11B8D, s8;
	_ =	swait.eq @!p0 [sflag:s7], $0x1  }
0x2b: {  	s6 =	sor.u32 @!p0 s6, s8;
	[sflag:s7] =	ssyncadd.s32 @!p0 $0xFFFFFFFF  }
0x2c: {  	s26 =	simm.s32 $0x1B8E;
	[sflag:s6] =	ssyncadd.remote.s32 @!p0 $0x1  }
0x2d: {  	s27 =	simm.s32 $execute0_lowered;
	[smem:$0x3FD2] =	sst s26  }
0x2e: {  	s6 =	sshll.u32 s27, $0x1;
	_ =	strace $0x80000049;
	[dreg:$0x1] =	wrdreg $0xFFFFFFFF  }
0x2f: {  	s28 =	simm.s32 $_size_execute0_lowered;
	s5 =	sadd.s32 s5, s6;
	[dreg:$0x0] =	wrdreg $0x0  }
0x30: {  	s6 =	sshll.u32 s28, $0x1;
	[dreg:$0x2] =	wrdreg s5  }
0x31: {  	[dreg:$0x3] =	wrdreg s6  }
0x32: {  	[dreg:$0x4] =	wrdreg $0xC0  }
0x33: {  	_ =	task [dreg:s24], $0x5FFFF  }
0x34: {  	[dreg:$0x1] =	wrdreg $0xFFFFFFFF  }
0x35: {  	[dreg:$0x0] =	wrdreg $0x60  }
0x36: {  	[dreg:$0x2] =	wrdreg s20  }
0x37: {  	[dreg:$0x3] =	wrdreg s4  }
0x38: {  	[dreg:$0x4] =	wrdreg $0xA  }
0x39: {  	_ =	task.clear_ibuf [dreg:s24], $0x5FFFF;
	_ =	strace $0x90000049  }
0x3a: {  	s29 =	simm.s32 $0xA;
	_ =	strace $0x8000004B  }
0x3b: {  	_ =	swait.ge [sflag:s29], $0x1  }
0x3c: {  	[sflag:s29] =	ssyncadd.s32 $0xFFFFFFFF  }
0x3d: {  	_ =	strace $0x9000004B  }
0x3e: {  	_ =	sfence  }
0x3f: {  	s30 =	sld [smem:$0x0];
	_ =	sdelay $0x2  }
0x40: {  	s31 =	sshll.u32 s1, $0xD;
	s1 =	sshrl.u32 s1, $0x2  }
0x41: {  	s4 =	sand.u32 $0x4000, s31;
	s1 =	sadd.s32 s1, s30  }
0x42: {  	s0 =	sor.u32 s4, s0;
	s1 =	sshll.u32 s1, $0x11  }
0x43: {  	s0 =	sor.u32 s1, s0  }
0x44: {  	s0 =	sadd.s32 $0x8F2B, s0  }
0x45: {  	[sflag:s0] =	ssyncadd.remote.s32 $0x1  }
0x46: {  	_ =	sfence.sel $0xFFFF  }
0x47: {  	[dreg:$0x0] =	wrdreg $0xFFFFFFFF;
	(pc) =	sbr.abs _section_cstart, $3  }
0x48: {  	[dreg:$0x1] =	wrdreg $0xFFFFFFFF  }
0x49: {  	_ =	task.clear_ibuf [dreg:s24], $0x2FFFF;
	_ =	strace $0x9FFFFFFF  }
0x4a: {  	(tm) =	ssettm $0x7FFFFFFF  }
0x4b: {  	_ =	shalt  }
tec
execute0_lowered:
.L_overlay_start_1:
0x0: {  	(tag) =	ssettag $0x1  }
0x1: {  	s2 =	rddreg [dreg:$0x0]  }
0x2: {  	s3 =	rddreg [dreg:$0x1]  }
0x3: {  	s0 =	rddreg [dreg:$0x2];
	_ =	strace $0x8000004A  }
0x4: {  	s4 =	srdreg.scid;
	s1 =	stileid.u32;
	s6 =	simm.s32 $0x2  }
.Ltmp0:
0x5: {  	s11 =	simm.s32 $0x0;
	p0 =	por $0x0, $0x0;
	(pc) =	sbr.rel .LBB1_1-.Ltmp0, $4  }
0x6: {  	s7 =	simm.s32 $0x1000;
	s12 =	simm.s32 $0x0;
	s5 =	sshll.u32 s4, $0x4  }
0x7: {  	s9 =	simm.s32 $0x0;
	s4 =	simm.s32 $0x1;
	s5 =	sand.u32 $0x10, s5  }
0x8: {  	s8 =	simm.s32 $0x0;
	[sflag:s4] =	ssyncpa.u1 $0x0;
	s5 =	sor.u32 s1, s5  }
0x9: {  	[sflag:s6] =	ssyncpa.u1 $0x0;
	s6 =	simm.s32 $0x800;
	s10 =	smov.u32 s5  }
.LBB1_7:
0xa: {  	s13 =	sadd.s32 $0x10, s9  }
0xb: {  	s11 =	sadd.s32 $0x20, s10;
	s15 =	smov.u32 s10;
	p2 =	sgt.s32 s13, $0x1F  }
0xc: {  	p1 =	slt.u32 s8, $0x2;
	s15 =	smov.u32 @p2 s11  }
0xd: {  	s8 =	sadd.s32 $0x1, s8;
	s13 =	simm.s32 @p2 $0x0;
	p2 =	sgt.s32 s15, $0x3FF  }
0xe: {  	s15 =	smov.u32 @p2 s5;
	p2 =	sne.s32 s8, $0x42  }
.Ltmp1:
0xf: {  	_ = 	snop;
	(pc) =	sbr.rel @!p2 .LBB1_8-.Ltmp1, $4  }
0x10: {  	s14 =	simm.s32 @!p1 $0x2  }
0x11: {  	s12 =	smov.u32 s10;
	_ =	swait.ge @!p1 [sflag:s14], $0x4000  }
0x12: {  	p0 =	por !p0, !p0;
	s11 =	smov.u32 s9;
	[sflag:s14] =	ssyncset.done @!p1 $0x0  }
0x13: {  	s9 =	smov.u32 s13;
	[sflag:s14] =	ssyncadd.s32 @!p1 $0xFFFFC000;
	s10 =	smov.u32 s15  }
.LBB1_1:
0x14: {  	p1 =	sgt.u32 s8, $0x3F  }
0x15: {  	s13 =	sxor.u32 @!p1 $0xFFFFFFFF, s8;
	s14 =	sshll.u32 @!p1 s10, $0xC  }
0x16: {  	s15 =	sshll.u32 @!p1 s9, $0x7;
	s13 =	sshll.u32 @!p1 s13, $0xE;
	s14 =	sadd.s32 @!p1 s2, s14  }
0x17: {  	s13 =	sand.u32 @!p1 $0x4000, s13;
	s14 =	sadd.s32 @!p1 s15, s14;
	s15 =	simm.s32 @!p1 $0x0  }
0x18: {  	[tilespmem:s13], [sflag:$0x1] =	stream.linear.gather @!p1 [hbm4b:s14+s15], $0x4000, $0x38;
	[tilespmem:$0x10000] =	vst v63  }
0x19: {  	p1 =	seq.s32 s8, $0x0  }
0x1a: {  	p2 =	seq.s32 @!p1 s8, $0x41  }
0x1b: {  	p1 =	por p1, p2  }
.Ltmp2:
0x1c: {  	_ = 	snop;
	(pc) =	sbr.rel @p1 .LBB1_7-.Ltmp2, $1  }
0x1d: {  	_ =	sdelay $0x3  }
0x1e: {  	s13 =	simm.s32 $0x1;
	_ =	swait.ge [sflag:s4], $0x4000;
	s16 =	sshll.u32 s8, $0xE  }
0x1f: {  	s13 =	simm.s32 @!p0 $0x0;
	[sflag:s4] =	ssyncset.done $0x0;
	s31 =	sand.u32 $0x4000, s16  }
0x20: {  	s16 =	simm.s32 $0x0;
	s14 =	sshll.u32 s13, $0xE;
	[sflag:s4] =	ssyncadd.s32 $0xFFFFC000  }
0x21: {  	s13 =	sor.u32 $0x8040, s14;
	s15 =	sor.u32 $0x40, s14;
	s14 =	sor.u32 $0x8000, s31  }
.LBB1_3:
0x22: {  	v0 =	vmov s15;
	_ =	sdelay $0x3  }
0x23: {  	s18 =	simm.s32 $0x0  }
0x24: {  	v6 =	vld.idx.msk [tilespmem:v0+s18+$0x30 ss:$0x1], $0xffff  }
0x25: {  	v7 =	vld.idx.msk [tilespmem:v0+s18+$0xFFFFFFC0 ss:$0x1], $0xffff  }
0x26: {  	v5 =	vld.idx.msk [tilespmem:v0+s18+$0xFFFFFFD0 ss:$0x1], $0xffff  }
0x27: {  	v4 =	vld.idx.msk [tilespmem:v0+s18+$0xFFFFFFE0 ss:$0x1], $0xffff  }
0x28: {  	v3 =	vld.idx.msk [tilespmem:v0+s18+$0xFFFFFFF0 ss:$0x1], $0xffff  }
0x29: {  	v1 =	vld.idx.msk [tilespmem:v0+s18+$0x0 ss:$0x1], $0xffff  }
0x2a: {  	v2 =	vld.idx.msk [tilespmem:v0+s18+$0x10 ss:$0x1], $0xffff;
	[tilespmem:s13+$0x30] =	vst v6  }
0x2b: {  	s17 =	simm.s32 $0x80;
	s19 =	simm.s32 $0x400;
	[tilespmem:s13+$0xFFFFFFC0] =	vst v7;
	v6 =	vld.idx.msk [tilespmem:v0+s18+$0x20 ss:$0x1], $0xffff;
	s18 =	smov.u32 s13  }
.LBB1_4:
0x2c: {  	p1 =	sne.s32 s19, $0xE00;
	v7 =	vld.idx.msk [tilespmem:v0+s17+$0x30 ss:$0x1], $0xffff;
	[tilespmem:s18+$0xFFFFFFD0] =	vst v5  }
0x2d: {  	v8 =	vld.idx.msk [tilespmem:v0+s17+$0xFFFFFFC0 ss:$0x1], $0xffff;
	[tilespmem:s18+$0xFFFFFFE0] =	vst v4  }
0x2e: {  	v5 =	vld.idx.msk [tilespmem:v0+s17+$0xFFFFFFD0 ss:$0x1], $0xffff;
	[tilespmem:s18+$0xFFFFFFF0] =	vst v3  }
.Ltmp3:
0x2f: {  	v4 =	vld.idx.msk [tilespmem:v0+s17+$0xFFFFFFE0 ss:$0x1], $0xffff;
	[tilespmem:s18+$0x0] =	vst v1;
	(pc) =	sbr.rel @p1 .LBB1_4-.Ltmp3, $4  }
0x30: {  	v3 =	vld.idx.msk [tilespmem:v0+s17+$0xFFFFFFF0 ss:$0x1], $0xffff;
	[tilespmem:s18+$0x10] =	vst v2  }
0x31: {  	v1 =	vld.idx.msk [tilespmem:v0+s17+$0x0 ss:$0x1], $0xffff;
	[tilespmem:s18+$0x20] =	vst v6;
	s18 =	sadd.s32 $0x800, s18  }
0x32: {  	v2 =	vld.idx.msk [tilespmem:v0+s17+$0x10 ss:$0x1], $0xffff;
	[tilespmem:s18+$0x30] =	vst v7  }
0x33: {  	[tilespmem:s18+$0xFFFFFFC0] =	vst v8;
	v6 =	vld.idx.msk [tilespmem:v0+s17+$0x20 ss:$0x1], $0xffff;
	s17 =	sshra.s32 s19, $0x2;
	s19 =	sadd.s32 $0x200, s19  }
0x34: {  	_ =	sdelay $0x2  }
0x35: {  	[tilespmem:s18+$0xFFFFFFD0] =	vst v5  }
0x36: {  	v56 =	vld.idx.msk [tilespmem:v0+s17+$0x30 ss:$0x1], $0xffff;
	[tilespmem:s18+$0xFFFFFFE0] =	vst v4  }
0x37: {  	v57 =	vld.idx.msk [tilespmem:v0+s17+$0xFFFFFFC0 ss:$0x1], $0xffff;
	[tilespmem:s18+$0xFFFFFFF0] =	vst v3  }
0x38: {  	v58 =	vld.idx.msk [tilespmem:v0+s17+$0xFFFFFFD0 ss:$0x1], $0xffff;
	[tilespmem:s18+$0x0] =	vst v1  }
0x39: {  	v59 =	vld.idx.msk [tilespmem:v0+s17+$0xFFFFFFE0 ss:$0x1], $0xffff;
	[tilespmem:s18+$0x10] =	vst v2  }
0x3a: {  	v60 =	vld.idx.msk [tilespmem:v0+s17+$0xFFFFFFF0 ss:$0x1], $0xffff;
	s31 =	sadd.s32 $0x800, s18;
	[tilespmem:s18+$0x20] =	vst v6  }
0x3b: {  	v61 =	vld.idx.msk [tilespmem:v0+s17+$0x0 ss:$0x1], $0xffff;
	[tilespmem:s31+$0x30] =	vst v56  }
0x3c: {  	v62 =	vld.idx.msk [tilespmem:v0+s17+$0x10 ss:$0x1], $0xffff;
	s16 =	sadd.s32 $0x1, s16;
	[tilespmem:s31+$0xFFFFFFC0] =	vst v57  }
0x3d: {  	v63 =	vld.idx.msk [tilespmem:v0+s17+$0x20 ss:$0x1], $0xffff;
	p1 =	sne.s32 s16, $0x10;
	[tilespmem:s31+$0xFFFFFFD0] =	vst v58  }
.Ltmp4:
0x3e: {  	[tilespmem:s31+$0xFFFFFFE0] =	vst v59;
	(pc) =	sbr.rel @p1 .LBB1_3-.Ltmp4, $4  }
0x3f: {  	[tilespmem:s31+$0xFFFFFFF0] =	vst v60  }
0x40: {  	[tilespmem:s31+$0x0] =	vst v61  }
0x41: {  	[tilespmem:s31+$0x10] =	vst v62  }
0x42: {  	s13 =	sadd.s32 $0x80, s13;
	s15 =	sadd.s32 $0x400, s15;
	[tilespmem:s31+$0x20] =	vst v63  }
.Ltmp5:
0x43: {  	(pc) =	sbr.rel .LBB1_7-.Ltmp5, $4  }
0x44: {  	s12 =	sshll.u32 s12, $0xC;
	s11 =	sshll.u32 s11, $0x4  }
0x45: {  	s11 =	sand.u32 $0x1F0, s11;
	s12 =	sadd.s32 s3, s12  }
0x46: {  	s11 =	sadd.s32 s11, s12  }
0x47: {  	[hbm4b:s11+s6] =	stream.strided.scatter [tilespmem:s14], [sflag:$0x2], $0x4000, s7, s6, $0x38;
	[tilespmem:$0x10000] =	vst v63  }
.LBB1_8:
0x48: {  	_ =	sfence.sel $0x180000  }
0x49: {  	s2 =	simm.s32 $0x1;
	[bflag:$0x0] =	sbarrier.arrive $0xFFFF  }
0x4a: {  	s31 =	simm.s32 $0x2;
	[sflag:s2] =	ssyncpa.u1 $0x1  }
0x4b: {  	[sflag:s31] =	ssyncpa.u1 $0x1  }
0x4c: {  	p0 =	sne.s32 s1, $0x0;
	_ =	strace $0x9000004A  }
0x4d: {  	s0 =	sadd.s32 @!p0 $0x100000, s0;
	[bflag:$0x2] =	sbarrier.arrive $0xFFFF  }
0x4e: {  	[sflag:s0] =	ssyncadd.tile.s32 @!p0 $0x1;
	_ =	shalt  }
.Lfunc_end1:
_tile_overlayer_lowered:
.L_overlay_start_2:
0x4f: {  	(tag) =	ssettag $0x2  }
0x50: {  	s0 =	rddreg [dreg:$0x0];
	s2 =	stileid.u32  }
0x51: {  	s1 =	rddreg [dreg:$0x1];
	p0 =	sne.s32 s2, $0x0  }
0x52: {  	s3 =	rddreg [dreg:$0x2];
	[bflag:$0x3] =	sbarrier.arrive $0xFFFF;
	s2 =	simm.s32 @!p0 $0x1C01  }
0x53: {  	[timem:s3], [sflag:s2] =	dma.local @!p0 [hbm:s0], s1  }
0x54: {  	s0 =	simm.s32 @!p0 $0x1  }
0x55: {  	_ =	swait.ge @!p0 [sflag:s0], s1  }
0x56: {  	s1 =	ssub.s32 @!p0 $0x0, s1;
	[sflag:s0] =	ssyncset.done @!p0 $0x0  }
0x57: {  	[sflag:s0] =	ssyncadd.s32 @!p0 s1  }
0x58: {  	[bflag:$0x3] =	sbarrier.arrive $0xFFFF  }
0x59: {  	_ =	shalt  }

// kernel: sparse-core-data-format-call.cloned.1.call-start
scs
called_computation_lowered:
.L_overlay_start_0:
0x0: {  	s2 =	sld [smem:$0x3FD9]  }
0x1: {  	s3 =	sld [smem:$0x3FFE];
	_ =	sdelay $0x1  }
0x2: {  	s1 =	srdreg.scid  }
0x3: {  	s0 =	sand.u32 $0x1, s1  }
0x4: {  	s18 =	sshll.u32 s0, $0xA;
	s2 =	sadd.s32 s3, s2  }
0x5: {  	s2 =	sadd.s32 s2, s18  }
0x6: {  	[smem:$0x3FC6] =	sst s2  }
0x7: {  	_ = 	snop  }
0x8: {  	s2 =	sld [smem:$0x3FC8];
	(tm) =	ssettm $0x1  }
0x9: {  	s19 =	sld [smem:$0x3FFB];
	_ =	sdelay $0x3  }
0xa: {  	_ =	strace s19  }
0xb: {  	s3 =	sld [smem:$0x3FFC];
	_ =	sdelay $0x3  }
0xc: {  	_ =	strace s3  }
0xd: {  	s3 =	sld [smem:$0x3FFD];
	_ =	sdelay $0x3  }
0xe: {  	_ =	strace s3  }
0xf: {  	_ =	strace $0x8FFFFFFF  }
0x10: {  	s20 =	sld [smem:$0x3FDB];
	_ =	sdelay $0x1  }
0x11: {  	s4 =	simm.s32 $_scs_section_size  }
0x12: {  	s5 =	simm.s32 $_size__tile_overlayer_lowered;
	s6 =	simm.s32 $_tile_overlayer_lowered  }
0x13: {  	s23 =	simm.s32 $0x1BFF;
	s22 =	sshll.u32 s6, $0x1;
	s3 =	sadd.s32 s4, s20  }
0x14: {  	s7 =	simm.s32 $0x0;
	s21 =	sshll.u32 s5, $0x1;
	s5 =	sadd.s32 s22, s3  }
0x15: {  	[timem:s7], [sflag:s23] =	dma.local [hbm:s5], s21  }
0x16: {  	_ =	swait.ge [sflag:s23], s21  }
0x17: {  	s4 =	ssub.s32 $0x0, s21;
	[sflag:s23] =	ssyncset.done $0x0  }
0x18: {  	[sflag:s23] =	ssyncadd.s32 s4;
	_ =	sdelay $0x1  }
0x19: {  	s24 =	simm.s32 $0x1B8B  }
0x1a: {  	_ =	swait.ge [sflag:s24], $0x1  }
0x1b: {  	[sflag:s24] =	ssyncset.done $0x0  }
0x1c: {  	s26 =	simm.s32 $0x1B8E;
	s25 =	sld [smem:$0x3FFE];
	[sflag:s24] =	ssyncadd.s32 $0xFFFFFFFF  }
0x1d: {  	s27 =	simm.s32 $execute0_lowered;
	[smem:$0x3FD2] =	sst s26  }
0x1e: {  	s5 =	sshll.u32 s27, $0x1;
	_ =	strace $0x80000046;
	[dreg:$0x1] =	wrdreg $0xFFFFFFFF  }
0x1f: {  	s28 =	simm.s32 $_size_execute0_lowered;
	s3 =	sadd.s32 s3, s5;
	[dreg:$0x0] =	wrdreg $0x0  }
0x20: {  	s5 =	sshll.u32 s28, $0x1;
	[dreg:$0x2] =	wrdreg s3  }
0x21: {  	[dreg:$0x3] =	wrdreg s5  }
0x22: {  	[dreg:$0x4] =	wrdreg $0xC0  }
0x23: {  	_ =	task [dreg:s7], $0x5FFFF  }
0x24: {  	[dreg:$0x1] =	wrdreg $0xFFFFFFFF  }
0x25: {  	[dreg:$0x0] =	wrdreg $0x60  }
0x26: {  	[dreg:$0x2] =	wrdreg s2  }
0x27: {  	[dreg:$0x3] =	wrdreg s25  }
0x28: {  	[dreg:$0x4] =	wrdreg $0x9  }
0x29: {  	_ =	task.clear_ibuf [dreg:s7], $0x5FFFF;
	_ =	strace $0x90000046  }
0x2a: {  	s29 =	simm.s32 $0x9;
	_ =	strace $0x80000048  }
0x2b: {  	_ =	swait.ge [sflag:s29], $0x1  }
0x2c: {  	[sflag:s29] =	ssyncadd.s32 $0xFFFFFFFF  }
0x2d: {  	_ =	strace $0x90000048  }
0x2e: {  	_ =	sfence  }
0x2f: {  	s30 =	sld [smem:$0x0];
	_ =	sdelay $0x2  }
0x30: {  	s31 =	sshll.u32 s1, $0xD;
	s1 =	sshrl.u32 s1, $0x2  }
0x31: {  	s3 =	sand.u32 $0x4000, s31;
	s1 =	sadd.s32 s1, s30  }
0x32: {  	s0 =	sor.u32 s3, s0;
	s1 =	sshll.u32 s1, $0x11  }
0x33: {  	s0 =	sor.u32 s1, s0  }
0x34: {  	s0 =	sadd.s32 $0x8F2B, s0  }
0x35: {  	[sflag:s0] =	ssyncadd.remote.s32 $0x1  }
0x36: {  	_ =	sfence.sel $0xFFFF  }
0x37: {  	[dreg:$0x0] =	wrdreg $0xFFFFFFFF;
	(pc) =	sbr.abs _section_cstart, $3  }
0x38: {  	[dreg:$0x1] =	wrdreg $0xFFFFFFFF  }
0x39: {  	_ =	task.clear_ibuf [dreg:s7], $0x2FFFF;
	_ =	strace $0x9FFFFFFF  }
0x3a: {  	(tm) =	ssettm $0x7FFFFFFF  }
0x3b: {  	_ =	shalt  }
tec
execute0_lowered:
.L_overlay_start_1:
0x0: {  	(tag) =	ssettag $0x1  }
0x1: {  	s2 =	rddreg [dreg:$0x0]  }
0x2: {  	s1 =	rddreg [dreg:$0x1]  }
0x3: {  	s0 =	rddreg [dreg:$0x2];
	_ =	strace $0x80000047;
	s4 =	srdreg.scid  }
0x4: {  	s6 =	simm.s32 $0x2;
	s11 =	simm.s32 $0x0;
	p0 =	por $0x0, $0x0  }
.Ltmp0:
0x5: {  	s7 =	simm.s32 $0x1000;
	s12 =	simm.s32 $0x0;
	(pc) =	sbr.rel .LBB1_1-.Ltmp0, $4  }
0x6: {  	s9 =	simm.s32 $0x0;
	s3 =	sadd.s32 $0xC00, s1;
	s5 =	sshll.u32 s4, $0x4  }
0x7: {  	s1 =	stileid.u32;
	s4 =	simm.s32 $0x1;
	s5 =	sand.u32 $0x10, s5  }
0x8: {  	s8 =	simm.s32 $0x0;
	[sflag:s4] =	ssyncpa.u1 $0x0;
	s5 =	sor.u32 s1, s5  }
0x9: {  	[sflag:s6] =	ssyncpa.u1 $0x0;
	s6 =	simm.s32 $0x800;
	s10 =	smov.u32 s5  }
.LBB1_7:
0xa: {  	s13 =	sadd.s32 $0x10, s9  }
0xb: {  	s11 =	sadd.s32 $0x20, s10;
	s15 =	smov.u32 s10;
	p2 =	sgt.s32 s13, $0x1F  }
0xc: {  	p1 =	slt.u32 s8, $0x2;
	s15 =	smov.u32 @p2 s11  }
0xd: {  	s8 =	sadd.s32 $0x1, s8;
	s13 =	simm.s32 @p2 $0x0;
	p2 =	sgt.s32 s15, $0x3FF  }
0xe: {  	s15 =	smov.u32 @p2 s5;
	p2 =	sne.s32 s8, $0x42  }
.Ltmp1:
0xf: {  	_ = 	snop;
	(pc) =	sbr.rel @!p2 .LBB1_8-.Ltmp1, $4  }
0x10: {  	s14 =	simm.s32 @!p1 $0x2  }
0x11: {  	s12 =	smov.u32 s10;
	_ =	swait.ge @!p1 [sflag:s14], $0x4000  }
0x12: {  	p0 =	por !p0, !p0;
	s11 =	smov.u32 s9;
	[sflag:s14] =	ssyncset.done @!p1 $0x0  }
0x13: {  	s9 =	smov.u32 s13;
	[sflag:s14] =	ssyncadd.s32 @!p1 $0xFFFFC000;
	s10 =	smov.u32 s15  }
.LBB1_1:
0x14: {  	p1 =	sgt.u32 s8, $0x3F  }
0x15: {  	s13 =	sxor.u32 @!p1 $0xFFFFFFFF, s8;
	s14 =	sshll.u32 @!p1 s10, $0xC  }
0x16: {  	s15 =	sshll.u32 @!p1 s9, $0x7;
	s13 =	sshll.u32 @!p1 s13, $0xE;
	s14 =	sadd.s32 @!p1 s2, s14  }
0x17: {  	s13 =	sand.u32 @!p1 $0x4000, s13;
	s14 =	sadd.s32 @!p1 s15, s14;
	s15 =	simm.s32 @!p1 $0x0  }
0x18: {  	[tilespmem:s13], [sflag:$0x1] =	stream.linear.gather @!p1 [hbm4b:s14+s15], $0x4000, $0x38;
	[tilespmem:$0x10000] =	vst v63  }
0x19: {  	p1 =	seq.s32 s8, $0x0  }
0x1a: {  	p2 =	seq.s32 @!p1 s8, $0x41  }
0x1b: {  	p1 =	por p1, p2  }
.Ltmp2:
0x1c: {  	_ = 	snop;
	(pc) =	sbr.rel @p1 .LBB1_7-.Ltmp2, $1  }
0x1d: {  	_ =	sdelay $0x3  }
0x1e: {  	s13 =	simm.s32 $0x1;
	_ =	swait.ge [sflag:s4], $0x4000;
	s16 =	sshll.u32 s8, $0xE  }
0x1f: {  	s13 =	simm.s32 @!p0 $0x0;
	[sflag:s4] =	ssyncset.done $0x0;
	s31 =	sand.u32 $0x4000, s16  }
0x20: {  	s16 =	simm.s32 $0x0;
	s14 =	sshll.u32 s13, $0xE;
	[sflag:s4] =	ssyncadd.s32 $0xFFFFC000  }
0x21: {  	s13 =	sor.u32 $0x8040, s14;
	s15 =	sor.u32 $0x40, s14;
	s14 =	sor.u32 $0x8000, s31  }
.LBB1_3:
0x22: {  	v0 =	vmov s15;
	_ =	sdelay $0x3  }
0x23: {  	s18 =	simm.s32 $0x0  }
0x24: {  	v6 =	vld.idx.msk [tilespmem:v0+s18+$0x30 ss:$0x1], $0xffff  }
0x25: {  	v7 =	vld.idx.msk [tilespmem:v0+s18+$0xFFFFFFC0 ss:$0x1], $0xffff  }
0x26: {  	v5 =	vld.idx.msk [tilespmem:v0+s18+$0xFFFFFFD0 ss:$0x1], $0xffff  }
0x27: {  	v4 =	vld.idx.msk [tilespmem:v0+s18+$0xFFFFFFE0 ss:$0x1], $0xffff  }
0x28: {  	v3 =	vld.idx.msk [tilespmem:v0+s18+$0xFFFFFFF0 ss:$0x1], $0xffff  }
0x29: {  	v1 =	vld.idx.msk [tilespmem:v0+s18+$0x0 ss:$0x1], $0xffff  }
0x2a: {  	v2 =	vld.idx.msk [tilespmem:v0+s18+$0x10 ss:$0x1], $0xffff;
	[tilespmem:s13+$0x30] =	vst v6  }
0x2b: {  	s17 =	simm.s32 $0x80;
	s19 =	simm.s32 $0x400;
	[tilespmem:s13+$0xFFFFFFC0] =	vst v7;
	v6 =	vld.idx.msk [tilespmem:v0+s18+$0x20 ss:$0x1], $0xffff;
	s18 =	smov.u32 s13  }
.LBB1_4:
0x2c: {  	p1 =	sne.s32 s19, $0xE00;
	v7 =	vld.idx.msk [tilespmem:v0+s17+$0x30 ss:$0x1], $0xffff;
	[tilespmem:s18+$0xFFFFFFD0] =	vst v5  }
0x2d: {  	v8 =	vld.idx.msk [tilespmem:v0+s17+$0xFFFFFFC0 ss:$0x1], $0xffff;
	[tilespmem:s18+$0xFFFFFFE0] =	vst v4  }
0x2e: {  	v5 =	vld.idx.msk [tilespmem:v0+s17+$0xFFFFFFD0 ss:$0x1], $0xffff;
	[tilespmem:s18+$0xFFFFFFF0] =	vst v3  }
.Ltmp3:
0x2f: {  	v4 =	vld.idx.msk [tilespmem:v0+s17+$0xFFFFFFE0 ss:$0x1], $0xffff;
	[tilespmem:s18+$0x0] =	vst v1;
	(pc) =	sbr.rel @p1 .LBB1_4-.Ltmp3, $4  }
0x30: {  	v3 =	vld.idx.msk [tilespmem:v0+s17+$0xFFFFFFF0 ss:$0x1], $0xffff;
	[tilespmem:s18+$0x10] =	vst v2  }
0x31: {  	v1 =	vld.idx.msk [tilespmem:v0+s17+$0x0 ss:$0x1], $0xffff;
	[tilespmem:s18+$0x20] =	vst v6;
	s18 =	sadd.s32 $0x800, s18  }
0x32: {  	v2 =	vld.idx.msk [tilespmem:v0+s17+$0x10 ss:$0x1], $0xffff;
	[tilespmem:s18+$0x30] =	vst v7  }
0x33: {  	[tilespmem:s18+$0xFFFFFFC0] =	vst v8;
	v6 =	vld.idx.msk [tilespmem:v0+s17+$0x20 ss:$0x1], $0xffff;
	s17 =	sshra.s32 s19, $0x2;
	s19 =	sadd.s32 $0x200, s19  }
0x34: {  	_ =	sdelay $0x2  }
0x35: {  	[tilespmem:s18+$0xFFFFFFD0] =	vst v5  }
0x36: {  	v56 =	vld.idx.msk [tilespmem:v0+s17+$0x30 ss:$0x1], $0xffff;
	[tilespmem:s18+$0xFFFFFFE0] =	vst v4  }
0x37: {  	v57 =	vld.idx.msk [tilespmem:v0+s17+$0xFFFFFFC0 ss:$0x1], $0xffff;
	[tilespmem:s18+$0xFFFFFFF0] =	vst v3  }
0x38: {  	v58 =	vld.idx.msk [tilespmem:v0+s17+$0xFFFFFFD0 ss:$0x1], $0xffff;
	[tilespmem:s18+$0x0] =	vst v1  }
0x39: {  	v59 =	vld.idx.msk [tilespmem:v0+s17+$0xFFFFFFE0 ss:$0x1], $0xffff;
	[tilespmem:s18+$0x10] =	vst v2  }
0x3a: {  	v60 =	vld.idx.msk [tilespmem:v0+s17+$0xFFFFFFF0 ss:$0x1], $0xffff;
	s31 =	sadd.s32 $0x800, s18;
	[tilespmem:s18+$0x20] =	vst v6  }
0x3b: {  	v61 =	vld.idx.msk [tilespmem:v0+s17+$0x0 ss:$0x1], $0xffff;
	[tilespmem:s31+$0x30] =	vst v56  }
0x3c: {  	v62 =	vld.idx.msk [tilespmem:v0+s17+$0x10 ss:$0x1], $0xffff;
	s16 =	sadd.s32 $0x1, s16;
	[tilespmem:s31+$0xFFFFFFC0] =	vst v57  }
0x3d: {  	v63 =	vld.idx.msk [tilespmem:v0+s17+$0x20 ss:$0x1], $0xffff;
	p1 =	sne.s32 s16, $0x10;
	[tilespmem:s31+$0xFFFFFFD0] =	vst v58  }
.Ltmp4:
0x3e: {  	[tilespmem:s31+$0xFFFFFFE0] =	vst v59;
	(pc) =	sbr.rel @p1 .LBB1_3-.Ltmp4, $4  }
0x3f: {  	[tilespmem:s31+$0xFFFFFFF0] =	vst v60  }
0x40: {  	[tilespmem:s31+$0x0] =	vst v61  }
0x41: {  	[tilespmem:s31+$0x10] =	vst v62  }
0x42: {  	s13 =	sadd.s32 $0x80, s13;
	s15 =	sadd.s32 $0x400, s15;
	[tilespmem:s31+$0x20] =	vst v63  }
.Ltmp5:
0x43: {  	(pc) =	sbr.rel .LBB1_7-.Ltmp5, $4  }
0x44: {  	s12 =	sshll.u32 s12, $0xC;
	s11 =	sshll.u32 s11, $0x4  }
0x45: {  	s11 =	sand.u32 $0x1F0, s11;
	s12 =	sadd.s32 s3, s12  }
0x46: {  	s11 =	sadd.s32 s11, s12  }
0x47: {  	[hbm4b:s11+s6] =	stream.strided.scatter [tilespmem:s14], [sflag:$0x2], $0x4000, s7, s6, $0x38;
	[tilespmem:$0x10000] =	vst v63  }
.LBB1_8:
0x48: {  	_ =	sfence.sel $0x180000  }
0x49: {  	s2 =	simm.s32 $0x1;
	[bflag:$0x0] =	sbarrier.arrive $0xFFFF  }
0x4a: {  	s31 =	simm.s32 $0x2;
	[sflag:s2] =	ssyncpa.u1 $0x1  }
0x4b: {  	[sflag:s31] =	ssyncpa.u1 $0x1  }
0x4c: {  	p0 =	sne.s32 s1, $0x0;
	_ =	strace $0x90000047  }
0x4d: {  	s0 =	sadd.s32 @!p0 $0x100000, s0;
	[bflag:$0x2] =	sbarrier.arrive $0xFFFF  }
0x4e: {  	[sflag:s0] =	ssyncadd.tile.s32 @!p0 $0x1;
	_ =	shalt  }
.Lfunc_end1:
_tile_overlayer_lowered:
.L_overlay_start_2:
0x4f: {  	(tag) =	ssettag $0x2  }
0x50: {  	s0 =	rddreg [dreg:$0x0];
	s2 =	stileid.u32  }
0x51: {  	s1 =	rddreg [dreg:$0x1];
	p0 =	sne.s32 s2, $0x0  }
0x52: {  	s3 =	rddreg [dreg:$0x2];
	[bflag:$0x3] =	sbarrier.arrive $0xFFFF;
	s2 =	simm.s32 @!p0 $0x1C01  }
0x53: {  	[timem:s3], [sflag:s2] =	dma.local @!p0 [hbm:s0], s1  }
0x54: {  	s0 =	simm.s32 @!p0 $0x1  }
0x55: {  	_ =	swait.ge @!p0 [sflag:s0], s1  }
0x56: {  	s1 =	ssub.s32 @!p0 $0x0, s1;
	[sflag:s0] =	ssyncset.done @!p0 $0x0  }
0x57: {  	[sflag:s0] =	ssyncadd.s32 @!p0 s1  }
0x58: {  	[bflag:$0x3] =	sbarrier.arrive $0xFFFF  }
0x59: {  	_ =	shalt  }

</sc_bundles>
